<compile_context>
chip_gen: v7x
topology: tpu7x:2x2x1
jax: 0.10.2.dev20260603
libtpu: 0.0.44.dev20260713+nightly
codegen_flags: <defaults>
</compile_context>

<pallas_src>
import jax
import jax.numpy as jnp
from jax import lax
from jax.experimental import pallas as pl
from jax.experimental.pallas import tpu as pltpu
from jax.experimental.pallas import tpu_sc as plsc

_D = 64
_SB = 512
_CH = 128


def kernel(token_ids, weight):
    b, s = token_ids.shape
    v, d = weight.shape
    tokT = token_ids.T.astype(jnp.int32)
    wpk = weight.reshape(v // 2, 2 * d)
    mesh = plsc.VectorSubcoreMesh(core_axis_name="c", subcore_axis_name="s")
    nsteps = s * (_SB // _CH)

    @pl.kernel(
        out_type=jax.ShapeDtypeStruct((s, d, b), jnp.float32),
        mesh=mesh,
        scratch_types=[
            pltpu.VMEM((_SB,), jnp.int32),
            pltpu.VMEM((nsteps * _CH,), jnp.int32),
            pltpu.VMEM((nsteps * _CH,), jnp.int32),
            pltpu.VMEM((2, _CH, 2 * _D), jnp.float32),
            pltpu.VMEM((2, _D, _CH), jnp.float32),
            pltpu.SemaphoreType.DMA,
            pltpu.SemaphoreType.DMA,
            pltpu.SemaphoreType.DMA,
            pltpu.SemaphoreType.DMA,
        ],
        compiler_params=pltpu.CompilerParams(needs_layout_passes=False),
    )
    def gather_kernel(t_hbm, w_hbm, o_hbm, idx_v, q_v, base_v, rows_v,
                      plane_v, sg0, sg1, so0, so1):
        wid = lax.axis_index("s") * 2 + lax.axis_index("c")
        s0 = wid * _SB
        lane = lax.iota(jnp.int32, 16)

        def pstage(p, carry):
            pltpu.sync_copy(t_hbm.at[p, pl.ds(s0, _SB)], idx_v)

            def gstage(u, c2):
                vi = idx_v[pl.ds(u * 16, 16)]
                off = p * _SB + u * 16
                q_v[pl.ds(off, 16)] = lax.shift_right_logical(vi, 1)
                base_v[pl.ds(off, 16)] = lax.bitwise_and(vi, 1) * _D
                return c2

            lax.fori_loop(0, _SB // 16, gstage, 0)
            return carry

        lax.fori_loop(0, s, pstage, 0)

        def issue(k, buf, sem):
            pltpu.async_copy(
                w_hbm.at[q_v.at[pl.ds(k * _CH, _CH)]], rows_v.at[buf], sem)

        def wait_gather(buf, sem):
            pltpu.make_async_copy(
                w_hbm.at[q_v.at[pl.ds(0, _CH)]], rows_v.at[buf], sem).wait()

        def wait_out(buf, sem):
            pltpu.make_async_copy(
                plane_v.at[buf], o_hbm.at[0, :, pl.ds(s0, _CH)], sem).wait()

        def compute(k, buf):
            plane2 = plane_v.at[buf]

            def gbody(u, c2):
                r_vec = u * 16 + lane
                bb = base_v[pl.ds(k * _CH + u * 16, 16)]
                for dd in range(_D):
                    vals = plsc.load_gather(rows_v.at[buf], [r_vec, bb + dd])
                    plane2[dd, pl.ds(u * 16, 16)] = vals
                return c2

            lax.fori_loop(0, _CH // 16, gbody, 0)

        def start_out(k, buf, sem):
            p = lax.shift_right_logical(k, 2)
            g = lax.bitwise_and(k, 3)
            pltpu.async_copy(
                plane_v.at[buf], o_hbm.at[p, :, pl.ds(s0 + g * _CH, _CH)],
                sem)

        issue(0, 0, sg0)
        issue(1, 1, sg1)

        def body(i, carry):
            k0 = i * 2
            k1 = k0 + 1

            @pl.when(i > 0)
            def _():
                wait_out(0, so0)

            wait_gather(0, sg0)
            compute(k0, 0)

            @pl.when(i < nsteps // 2 - 1)
            def _():
                issue(k0 + 2, 0, sg0)

            start_out(k0, 0, so0)

            @pl.when(i > 0)
            def _():
                wait_out(1, so1)

            wait_gather(1, sg1)
            compute(k1, 1)

            @pl.when(i < nsteps // 2 - 1)
            def _():
                issue(k1 + 2, 1, sg1)

            start_out(k1, 1, so1)
            return carry

        lax.fori_loop(0, nsteps // 2, body, 0)
        wait_out(0, so0)
        wait_out(1, so1)

    outT = gather_kernel(tokT, wpk)
    return outT.transpose(2, 0, 1)

# --- scband reference (transcript-rebuilt; emitter-appended) ---
"""Pipeline reference for scband-embedding-87247965651213 (READ-ONLY COPY).

The authoritative reference and input builder live on the scoring server;
editing this copy changes nothing except your own understanding.
"""

import jax, jax.numpy as jnp
import numpy as np

NUM_EMBEDDINGS = 1000000
EMBEDDING_DIM = 64

def setup_inputs(seed: int = 0) -> dict:
    key = jax.random.key(seed)
    k_idx, k_w = jax.random.split(key)
    token_ids = jax.random.randint(k_idx, (16384, 50), 0, NUM_EMBEDDINGS, dtype=jnp.int64 if jax.config.jax_enable_x64 else jnp.int32)
    # trunc_normal_(std=1, a=-3, b=3)
    weight = jax.random.truncated_normal(k_w, -3.0, 3.0, (NUM_EMBEDDINGS, EMBEDDING_DIM), dtype=jnp.float32)
    return {"token_ids": token_ids, "weight": weight}

def reference(token_ids, weight):
    # Faithful translation of: return self.weight[token_ids]
    return jnp.take(weight, token_ids, axis=0)

if __name__ == "__main__":
    import jax
    _d = setup_inputs()
    print(jax.jit(kernel)(*tuple(_d.values())))

</pallas_src>

<mosaic_0001>
#map = affine_map<(d0, d1) -> (0, 0)>
#map1 = affine_map<(d0, d1) -> (0, 0, 0)>
module attributes {stable_mosaic.version = 14 : i64} {
  func.func @gather_kernel(%arg0: i32, %arg1: i32, %arg2: memref<50x16384xi32, #tpu.memory_space<hbm>>, %arg3: memref<500000x128xf32, #tpu.memory_space<hbm>>, %arg4: memref<50x64x16384xf32, #tpu.memory_space<hbm>>, %arg5: memref<512xi32, #tpu.memory_space<vmem>>, %arg6: memref<25600xi32, #tpu.memory_space<vmem>>, %arg7: memref<25600xi32, #tpu.memory_space<vmem>>, %arg8: memref<2x128x128xf32, #tpu.memory_space<vmem>>, %arg9: memref<2x64x128xf32, #tpu.memory_space<vmem>>, %arg10: memref<!tpu.dma_semaphore, #tpu.memory_space<semaphore_mem>>, %arg11: memref<!tpu.dma_semaphore, #tpu.memory_space<semaphore_mem>>, %arg12: memref<!tpu.dma_semaphore, #tpu.memory_space<semaphore_mem>>, %arg13: memref<!tpu.dma_semaphore, #tpu.memory_space<semaphore_mem>>) attributes {dimension_semantics = [#tpu.dimension_semantics<core_parallel>, #tpu.dimension_semantics<subcore_parallel>], iteration_bounds = array<i64: 2, 16>, scalar_prefetch = 0 : i64, scratch_operands = 9 : i64, tpu.core_type = #tpu.core_type<sc_vector_subcore>, window_params = [{transform_indices = #map}, {transform_indices = #map}, {transform_indices = #map1}]} {
    %mul3A = arith.constant 2 : i32
    %mul3A_0 = arith.muli %arg1, %mul3A : i32
    %add3A = arith.addi %mul3A_0, %arg0 : i32
    %mul3A_1 = arith.constant 512 : i32
    %mul3A_2 = arith.muli %add3A, %mul3A_1 : i32
    %iota3A = tpu.iota {dimensions = array<i32: 0>} : vector<16xi32>
    %scan3A = arith.constant 0 : i32
    %scan3A_3 = arith.constant 0 : i32
    %scan3A_4 = arith.constant 50 : i32
    %scan3A_5 = arith.addi %scan3A_3, %scan3A_4 : i32
    %scan3A_6 = arith.constant 1 : i32
    scf.for %scan3A_64 = %scan3A_3 to %scan3A_5 step %scan3A_6  : i32 {
      "tpu.region"() ({
        %run_scoped3A = tpu.sem_alloc : memref<!tpu.dma_semaphore, #tpu.memory_space<semaphore_mem>>
        %dma_start3A_71 = tpu.memref_slice %arg2[%scan3A_64, %mul3A_2] : memref<50x16384xi32, #tpu.memory_space<hbm>> -> memref<1x512xi32, #tpu.memory_space<hbm>>
        %dma_start3A_72 = tpu.memref_squeeze %dma_start3A_71 : memref<1x512xi32, #tpu.memory_space<hbm>> -> memref<512xi32, #tpu.memory_space<hbm>>
        %dma_start3A_73 = tpu.memref_slice %arg2[%scan3A_64, %mul3A_2] : memref<50x16384xi32, #tpu.memory_space<hbm>> -> memref<1x512xi32, #tpu.memory_space<hbm>>
        %dma_start3A_74 = tpu.memref_squeeze %dma_start3A_73 : memref<1x512xi32, #tpu.memory_space<hbm>> -> memref<512xi32, #tpu.memory_space<hbm>>
        tpu.enqueue_dma source(%dma_start3A_74 : memref<512xi32, #tpu.memory_space<hbm>>) target(%arg5 : memref<512xi32, #tpu.memory_space<vmem>>) target_semaphore(%run_scoped3A : memref<!tpu.dma_semaphore, #tpu.memory_space<semaphore_mem>>)
        %dma_wait3A_75 = tpu.memref_slice %arg2[%scan3A_64, %mul3A_2] : memref<50x16384xi32, #tpu.memory_space<hbm>> -> memref<1x512xi32, #tpu.memory_space<hbm>>
        %dma_wait3A_76 = tpu.memref_squeeze %dma_wait3A_75 : memref<1x512xi32, #tpu.memory_space<hbm>> -> memref<512xi32, #tpu.memory_space<hbm>>
        %dma_wait3A_77 = tpu.memref_slice %arg2[%scan3A_64, %mul3A_2] : memref<50x16384xi32, #tpu.memory_space<hbm>> -> memref<1x512xi32, #tpu.memory_space<hbm>>
        %dma_wait3A_78 = tpu.memref_squeeze %dma_wait3A_77 : memref<1x512xi32, #tpu.memory_space<hbm>> -> memref<512xi32, #tpu.memory_space<hbm>>
        tpu.wait_dma2 semaphore(%run_scoped3A : memref<!tpu.dma_semaphore, #tpu.memory_space<semaphore_mem>>) src(%dma_wait3A_78 : memref<512xi32, #tpu.memory_space<hbm>>) dst(%arg5 : memref<512xi32, #tpu.memory_space<vmem>>)
        tpu.yield
      }) : () -> ()
      %scan3A_65 = arith.constant 0 : i32
      %scan3A_66 = arith.constant 0 : i32
      %scan3A_67 = arith.constant 32 : i32
      %scan3A_68 = arith.addi %scan3A_66, %scan3A_67 : i32
      %scan3A_69 = arith.constant 1 : i32
      scf.for %scan3A_71 = %scan3A_66 to %scan3A_68 step %scan3A_69  : i32 {
        %mul3A_72 = arith.constant 16 : i32
        %mul3A_73 = arith.muli %scan3A_71, %mul3A_72 : i32
        %get3A = arith.index_cast %mul3A_73 : i32 to index
        %get3A_74 = tpu.vector_load %arg5[%get3A] {strides = array<i32>} : memref<512xi32, #tpu.memory_space<vmem>>, vector<16xi32>,
        %mul3A_75 = arith.constant 512 : i32
        %mul3A_76 = arith.muli %scan3A_64, %mul3A_75 : i32
        %mul3A_77 = arith.constant 16 : i32
        %mul3A_78 = arith.muli %scan3A_71, %mul3A_77 : i32
        %add3A_79 = arith.addi %mul3A_76, %mul3A_78 : i32
        %shift_right_logical3A = arith.constant 1 : i32
        %shift_right_logical3A_80 = vector.broadcast %shift_right_logical3A : i32 to vector<16xi32>
        %shift_right_logical3A_81 = arith.shrui %get3A_74, %shift_right_logical3A_80 : vector<16xi32>
        %swap3A = arith.index_cast %add3A_79 : i32 to index
        %swap3A_82 = tpu.vector_load %arg6[%swap3A] {strides = array<i32>} : memref<25600xi32, #tpu.memory_space<vmem>>, vector<16xi32>,
        tpu.vector_store %arg6[%swap3A], %shift_right_logical3A_81 {strides = array<i32>} : memref<25600xi32, #tpu.memory_space<vmem>>, vector<16xi32>,
        %and3A = arith.constant 1 : i32
        %and3A_83 = vector.broadcast %and3A : i32 to vector<16xi32>
        %and3A_84 = arith.andi %get3A_74, %and3A_83 : vector<16xi32>
        %mul3A_85 = arith.constant 64 : i32
        %mul3A_86 = vector.broadcast %mul3A_85 : i32 to vector<16xi32>
        %mul3A_87 = arith.muli %and3A_84, %mul3A_86 : vector<16xi32>
        %swap3A_88 = arith.index_cast %add3A_79 : i32 to index
        %swap3A_89 = tpu.vector_load %arg7[%swap3A_88] {strides = array<i32>} : memref<25600xi32, #tpu.memory_space<vmem>>, vector<16xi32>,
        tpu.vector_store %arg7[%swap3A_88], %mul3A_87 {strides = array<i32>} : memref<25600xi32, #tpu.memory_space<vmem>>, vector<16xi32>,
      }
      %scan3A_70 = arith.constant 32 : i32
    }
    %scan3A_7 = arith.constant 50 : i32
    %dma_start3A = arith.constant 0 : i32
    %dma_start3A_8 = arith.constant 0 : i32
    %dma_start3A_9 = arith.constant 0 : i32
    %dma_start3A_10 = tpu.memref_slice %arg8[%dma_start3A, %dma_start3A_8, %dma_start3A_9] : memref<2x128x128xf32, #tpu.memory_space<vmem>> -> memref<1x128x128xf32, #tpu.memory_space<vmem>>
    %dma_start3A_11 = tpu.memref_squeeze %dma_start3A_10 : memref<1x128x128xf32, #tpu.memory_space<vmem>> -> memref<128x128xf32, #tpu.memory_space<vmem>>
    %dma_start3A_12 = arith.constant 0 : i32
    %dma_start3A_13 = tpu.memref_slice %arg6[%dma_start3A_12] : memref<25600xi32, #tpu.memory_space<vmem>> -> memref<128xi32, #tpu.memory_space<vmem>>
    %dma_start3A_14 = arith.constant 0 : i32
    %dma_start3A_15 = arith.constant 0 : i32
    %dma_start3A_16 = tpu.memref_slice %arg3[%dma_start3A_14, %dma_start3A_15] : memref<500000x128xf32, #tpu.memory_space<hbm>> -> memref<500000x128xf32, #tpu.memory_space<hbm>>
    tpu.enqueue_indirect_dma source(%dma_start3A_16 : memref<500000x128xf32, #tpu.memory_space<hbm>>) target(%dma_start3A_11 : memref<128x128xf32, #tpu.memory_space<vmem>>) offsets(%dma_start3A_13 : memref<128xi32, #tpu.memory_space<vmem>>) semaphore(%arg10 : memref<!tpu.dma_semaphore, #tpu.memory_space<semaphore_mem>>)
    %dma_start3A_17 = arith.constant 1 : i32
    %dma_start3A_18 = arith.constant 0 : i32
    %dma_start3A_19 = arith.constant 0 : i32
    %dma_start3A_20 = tpu.memref_slice %arg8[%dma_start3A_17, %dma_start3A_18, %dma_start3A_19] : memref<2x128x128xf32, #tpu.memory_space<vmem>> -> memref<1x128x128xf32, #tpu.memory_space<vmem>>
    %dma_start3A_21 = tpu.memref_squeeze %dma_start3A_20 : memref<1x128x128xf32, #tpu.memory_space<vmem>> -> memref<128x128xf32, #tpu.memory_space<vmem>>
    %dma_start3A_22 = arith.constant 128 : i32
    %dma_start3A_23 = tpu.memref_slice %arg6[%dma_start3A_22] : memref<25600xi32, #tpu.memory_space<vmem>> -> memref<128xi32, #tpu.memory_space<vmem>>
    %dma_start3A_24 = arith.constant 0 : i32
    %dma_start3A_25 = arith.constant 0 : i32
    %dma_start3A_26 = tpu.memref_slice %arg3[%dma_start3A_24, %dma_start3A_25] : memref<500000x128xf32, #tpu.memory_space<hbm>> -> memref<500000x128xf32, #tpu.memory_space<hbm>>
    tpu.enqueue_indirect_dma source(%dma_start3A_26 : memref<500000x128xf32, #tpu.memory_space<hbm>>) target(%dma_start3A_21 : memref<128x128xf32, #tpu.memory_space<vmem>>) offsets(%dma_start3A_23 : memref<128xi32, #tpu.memory_space<vmem>>) semaphore(%arg11 : memref<!tpu.dma_semaphore, #tpu.memory_space<semaphore_mem>>)
    %scan3A_27 = arith.constant 0 : i32
    %scan3A_28 = arith.constant 0 : i32
    %scan3A_29 = arith.constant 100 : i32
    %scan3A_30 = arith.addi %scan3A_28, %scan3A_29 : i32
    %scan3A_31 = arith.constant 1 : i32
    scf.for %scan3A_64 = %scan3A_28 to %scan3A_30 step %scan3A_31  : i32 {
      %mul3A_65 = arith.constant 2 : i32
      %mul3A_66 = arith.muli %scan3A_64, %mul3A_65 : i32
      %add3A_67 = arith.constant 1 : i32
      %add3A_68 = arith.addi %mul3A_66, %add3A_67 : i32
      %gt3A = arith.constant 0 : i32
      %gt3A_69 = arith.cmpi sgt, %scan3A_64, %gt3A : i32
      %convert_element_type3A = arith.extui %gt3A_69 : i1 to i32
      %cond3A = arith.constant 0 : i32
      %cond3A_70 = arith.cmpi ne, %convert_element_type3A, %cond3A : i32
      scf.if %cond3A_70 {
        %dma_wait3A_161 = arith.constant 0 : i32
        %dma_wait3A_162 = arith.constant 0 : i32
        %dma_wait3A_163 = arith.constant 0 : i32
        %dma_wait3A_164 = arith.constant 0 : i32
        %dma_wait3A_165 = tpu.memref_slice %arg9[%dma_wait3A_161, %dma_wait3A_163, %dma_wait3A_164] : memref<2x64x128xf32, #tpu.memory_space<vmem>> -> memref<1x64x128xf32, #tpu.memory_space<vmem>>
        %dma_wait3A_166 = tpu.memref_squeeze %dma_wait3A_165 : memref<1x64x128xf32, #tpu.memory_space<vmem>> -> memref<64x128xf32, #tpu.memory_space<vmem>>
        %dma_wait3A_167 = arith.constant 0 : i32
        %dma_wait3A_168 = tpu.memref_slice %arg4[%dma_wait3A_162, %dma_wait3A_167, %mul3A_2] : memref<50x64x16384xf32, #tpu.memory_space<hbm>> -> memref<1x64x128xf32, #tpu.memory_space<hbm>>
        %dma_wait3A_169 = tpu.memref_squeeze %dma_wait3A_168 : memref<1x64x128xf32, #tpu.memory_space<hbm>> -> memref<64x128xf32, #tpu.memory_space<hbm>>
        %dma_wait3A_170 = arith.constant 0 : i32
        %dma_wait3A_171 = tpu.memref_slice %arg4[%dma_wait3A_162, %dma_wait3A_170, %mul3A_2] : memref<50x64x16384xf32, #tpu.memory_space<hbm>> -> memref<1x64x128xf32, #tpu.memory_space<hbm>>
        %dma_wait3A_172 = tpu.memref_squeeze %dma_wait3A_171 : memref<1x64x128xf32, #tpu.memory_space<hbm>> -> memref<64x128xf32, #tpu.memory_space<hbm>>
        %dma_wait3A_173 = arith.constant 0 : i32
        %dma_wait3A_174 = arith.constant 0 : i32
        %dma_wait3A_175 = tpu.memref_slice %arg9[%dma_wait3A_161, %dma_wait3A_173, %dma_wait3A_174] : memref<2x64x128xf32, #tpu.memory_space<vmem>> -> memref<1x64x128xf32, #tpu.memory_space<vmem>>
        %dma_wait3A_176 = tpu.memref_squeeze %dma_wait3A_175 : memref<1x64x128xf32, #tpu.memory_space<vmem>> -> memref<64x128xf32, #tpu.memory_space<vmem>>
        tpu.wait_dma2 semaphore(%arg12 : memref<!tpu.dma_semaphore, #tpu.memory_space<semaphore_mem>>) src(%dma_wait3A_176 : memref<64x128xf32, #tpu.memory_space<vmem>>) dst(%dma_wait3A_172 : memref<64x128xf32, #tpu.memory_space<hbm>>)
      } else {
      }
      %dma_wait3A_71 = arith.constant 0 : i32
      %dma_wait3A_72 = arith.constant 0 : i32
      %dma_wait3A_73 = arith.constant 0 : i32
      %dma_wait3A_74 = tpu.memref_slice %arg8[%dma_wait3A_71, %dma_wait3A_72, %dma_wait3A_73] : memref<2x128x128xf32, #tpu.memory_space<vmem>> -> memref<1x128x128xf32, #tpu.memory_space<vmem>>
      %dma_wait3A_75 = tpu.memref_squeeze %dma_wait3A_74 : memref<1x128x128xf32, #tpu.memory_space<vmem>> -> memref<128x128xf32, #tpu.memory_space<vmem>>
      %dma_wait3A_76 = arith.constant 0 : i32
      %dma_wait3A_77 = tpu.memref_slice %arg6[%dma_wait3A_76] : memref<25600xi32, #tpu.memory_space<vmem>> -> memref<128xi32, #tpu.memory_space<vmem>>
      %dma_wait3A_78 = arith.constant 0 : i32
      %dma_wait3A_79 = arith.constant 0 : i32
      %dma_wait3A_80 = tpu.memref_slice %arg3[%dma_wait3A_78, %dma_wait3A_79] : memref<500000x128xf32, #tpu.memory_space<hbm>> -> memref<500000x128xf32, #tpu.memory_space<hbm>>
      tpu.wait_indirect_dma semaphore(%arg10 : memref<!tpu.dma_semaphore, #tpu.memory_space<semaphore_mem>>) src(%dma_wait3A_80 : memref<500000x128xf32, #tpu.memory_space<hbm>>) dst(%dma_wait3A_75 : memref<128x128xf32, #tpu.memory_space<vmem>>)
      %scan3A_81 = arith.constant 0 : i32
      %scan3A_82 = arith.constant 0 : i32
      %scan3A_83 = arith.constant 0 : i32
      %scan3A_84 = arith.constant 8 : i32
      %scan3A_85 = arith.addi %scan3A_83, %scan3A_84 : i32
      %scan3A_86 = arith.constant 1 : i32
      scf.for %scan3A_161 = %scan3A_83 to %scan3A_85 step %scan3A_86  : i32 {
        %mul3A_162 = arith.constant 16 : i32
        %mul3A_163 = arith.muli %scan3A_161, %mul3A_162 : i32
        %add3A_164 = vector.broadcast %mul3A_163 : i32 to vector<16xi32>
        %add3A_165 = arith.addi %add3A_164, %iota3A : vector<16xi32>
        %mul3A_166 = arith.constant 128 : i32
        %mul3A_167 = arith.muli %mul3A_66, %mul3A_166 : i32
        %mul3A_168 = arith.constant 16 : i32
        %mul3A_169 = arith.muli %scan3A_161, %mul3A_168 : i32
        %add3A_170 = arith.addi %mul3A_167, %mul3A_169 : i32
        %get3A = arith.index_cast %add3A_170 : i32 to index
        %get3A_171 = tpu.vector_load %arg7[%get3A] {strides = array<i32>} : memref<25600xi32, #tpu.memory_space<vmem>>, vector<16xi32>,
        %add3A_172 = arith.constant 0 : i32
        %add3A_173 = vector.broadcast %add3A_172 : i32 to vector<16xi32>
        %add3A_174 = arith.addi %get3A_171, %add3A_173 : vector<16xi32>
        %gather3A = arith.constant 0 : i32
        %gather3A_175 = arith.constant 0 : i32
        %gather3A_176 = arith.constant 0 : i32
        %gather3A_177 = tpu.memref_slice %arg8[%gather3A, %gather3A_175, %gather3A_176] : memref<2x128x128xf32, #tpu.memory_space<vmem>> -> memref<1x128x128xf32, #tpu.memory_space<vmem>>
        %gather3A_178 = tpu.memref_squeeze %gather3A_177 : memref<1x128x128xf32, #tpu.memory_space<vmem>> -> memref<128x128xf32, #tpu.memory_space<vmem>>
        %gather3A_179 = tpu.vector_load_idx %gather3A_178[%add3A_165, %add3A_174] : memref<128x128xf32, #tpu.memory_space<vmem>>[vector<16xi32>, vector<16xi32>], vector<16xf32>,
        %mul3A_180 = arith.constant 16 : i32
        %mul3A_181 = arith.muli %scan3A_161, %mul3A_180 : i32
        %swap3A = arith.constant 0 : i32
        %swap3A_182 = arith.constant 0 : i32
        %swap3A_183 = arith.constant 0 : i32
        %swap3A_184 = tpu.memref_slice %arg9[%scan3A_82, %swap3A_182, %swap3A_183] : memref<2x64x128xf32, #tpu.memory_space<vmem>> -> memref<1x64x128xf32, #tpu.memory_space<vmem>>
        %swap3A_185 = tpu.memref_squeeze %swap3A_184 : memref<1x64x128xf32, #tpu.memory_space<vmem>> -> memref<64x128xf32, #tpu.memory_space<vmem>>
        %swap3A_186 = arith.index_cast %swap3A : i32 to index
        %swap3A_187 = arith.index_cast %mul3A_181 : i32 to index
        %swap3A_188 = tpu.vector_load %swap3A_185[%swap3A_186, %swap3A_187] {strides = array<i32>} : memref<64x128xf32, #tpu.memory_space<vmem>>, vector<16xf32>,
        tpu.vector_store %swap3A_185[%swap3A_186, %swap3A_187], %gather3A_179 {strides = array<i32>} : memref<64x128xf32, #tpu.memory_space<vmem>>, vector<16xf32>,
        %add3A_189 = arith.constant 1 : i32
        %add3A_190 = vector.broadcast %add3A_189 : i32 to vector<16xi32>
        %add3A_191 = arith.addi %get3A_171, %add3A_190 : vector<16xi32>
        %gather3A_192 = arith.constant 0 : i32
        %gather3A_193 = arith.constant 0 : i32
        %gather3A_194 = arith.constant 0 : i32
        %gather3A_195 = tpu.memref_slice %arg8[%gather3A_192, %gather3A_193, %gather3A_194] : memref<2x128x128xf32, #tpu.memory_space<vmem>> -> memref<1x128x128xf32, #tpu.memory_space<vmem>>
        %gather3A_196 = tpu.memref_squeeze %gather3A_195 : memref<1x128x128xf32, #tpu.memory_space<vmem>> -> memref<128x128xf32, #tpu.memory_space<vmem>>
        %gather3A_197 = tpu.vector_load_idx %gather3A_196[%add3A_165, %add3A_191] : memref<128x128xf32, #tpu.memory_space<vmem>>[vector<16xi32>, vector<16xi32>], vector<16xf32>,
        %mul3A_198 = arith.constant 16 : i32
        %mul3A_199 = arith.muli %scan3A_161, %mul3A_198 : i32
        %swap3A_200 = arith.constant 1 : i32
        %swap3A_201 = arith.constant 0 : i32
        %swap3A_202 = arith.constant 0 : i32
        %swap3A_203 = tpu.memref_slice %arg9[%scan3A_82, %swap3A_201, %swap3A_202] : memref<2x64x128xf32, #tpu.memory_space<vmem>> -> memref<1x64x128xf32, #tpu.memory_space<vmem>>
        %swap3A_204 = tpu.memref_squeeze %swap3A_203 : memref<1x64x128xf32, #tpu.memory_space<vmem>> -> memref<64x128xf32, #tpu.memory_space<vmem>>
        %swap3A_205 = arith.index_cast %swap3A_200 : i32 to index
        %swap3A_206 = arith.index_cast %mul3A_199 : i32 to index
        %swap3A_207 = tpu.vector_load %swap3A_204[%swap3A_205, %swap3A_206] {strides = array<i32>} : memref<64x128xf32, #tpu.memory_space<vmem>>, vector<16xf32>,
        tpu.vector_store %swap3A_204[%swap3A_205, %swap3A_206], %gather3A_197 {strides = array<i32>} : memref<64x128xf32, #tpu.memory_space<vmem>>, vector<16xf32>,
        %add3A_208 = arith.constant 2 : i32
        %add3A_209 = vector.broadcast %add3A_208 : i32 to vector<16xi32>
        %add3A_210 = arith.addi %get3A_171, %add3A_209 : vector<16xi32>
        %gather3A_211 = arith.constant 0 : i32
        %gather3A_212 = arith.constant 0 : i32
        %gather3A_213 = arith.constant 0 : i32
        %gather3A_214 = tpu.memref_slice %arg8[%gather3A_211, %gather3A_212, %gather3A_213] : memref<2x128x128xf32, #tpu.memory_space<vmem>> -> memref<1x128x128xf32, #tpu.memory_space<vmem>>
        %gather3A_215 = tpu.memref_squeeze %gather3A_214 : memref<1x128x128xf32, #tpu.memory_space<vmem>> -> memref<128x128xf32, #tpu.memory_space<vmem>>
        %gather3A_216 = tpu.vector_load_idx %gather3A_215[%add3A_165, %add3A_210] : memref<128x128xf32, #tpu.memory_space<vmem>>[vector<16xi32>, vector<16xi32>], vector<16xf32>,
        %mul3A_217 = arith.constant 16 : i32
        %mul3A_218 = arith.muli %scan3A_161, %mul3A_217 : i32
        %swap3A_219 = arith.constant 2 : i32
        %swap3A_220 = arith.constant 0 : i32
        %swap3A_221 = arith.constant 0 : i32
        %swap3A_222 = tpu.memref_slice %arg9[%scan3A_82, %swap3A_220, %swap3A_221] : memref<2x64x128xf32, #tpu.memory_space<vmem>> -> memref<1x64x128xf32, #tpu.memory_space<vmem>>
        %swap3A_223 = tpu.memref_squeeze %swap3A_222 : memref<1x64x128xf32, #tpu.memory_space<vmem>> -> memref<64x128xf32, #tpu.memory_space<vmem>>
        %swap3A_224 = arith.index_cast %swap3A_219 : i32 to index
        %swap3A_225 = arith.index_cast %mul3A_218 : i32 to index
        %swap3A_226 = tpu.vector_load %swap3A_223[%swap3A_224, %swap3A_225] {strides = array<i32>} : memref<64x128xf32, #tpu.memory_space<vmem>>, vector<16xf32>,
        tpu.vector_store %swap3A_223[%swap3A_224, %swap3A_225], %gather3A_216 {strides = array<i32>} : memref<64x128xf32, #tpu.memory_space<vmem>>, vector<16xf32>,
        %add3A_227 = arith.constant 3 : i32
        %add3A_228 = vector.broadcast %add3A_227 : i32 to vector<16xi32>
        %add3A_229 = arith.addi %get3A_171, %add3A_228 : vector<16xi32>
        %gather3A_230 = arith.constant 0 : i32
        %gather3A_231 = arith.constant 0 : i32
        %gather3A_232 = arith.constant 0 : i32
        %gather3A_233 = tpu.memref_slice %arg8[%gather3A_230, %gather3A_231, %gather3A_232] : memref<2x128x128xf32, #tpu.memory_space<vmem>> -> memref<1x128x128xf32, #tpu.memory_space<vmem>>
        %gather3A_234 = tpu.memref_squeeze %gather3A_233 : memref<1x128x128xf32, #tpu.memory_space<vmem>> -> memref<128x128xf32, #tpu.memory_space<vmem>>
        %gather3A_235 = tpu.vector_load_idx %gather3A_234[%add3A_165, %add3A_229] : memref<128x128xf32, #tpu.memory_space<vmem>>[vector<16xi32>, vector<16xi32>], vector<16xf32>,
        %mul3A_236 = arith.constant 16 : i32
        %mul3A_237 = arith.muli %scan3A_161, %mul3A_236 : i32
        %swap3A_238 = arith.constant 3 : i32
        %swap3A_239 = arith.constant 0 : i32
        %swap3A_240 = arith.constant 0 : i32
        %swap3A_241 = tpu.memref_slice %arg9[%scan3A_82, %swap3A_239, %swap3A_240] : memref<2x64x128xf32, #tpu.memory_space<vmem>> -> memref<1x64x128xf32, #tpu.memory_space<vmem>>
        %swap3A_242 = tpu.memref_squeeze %swap3A_241 : memref<1x64x128xf32, #tpu.memory_space<vmem>> -> memref<64x128xf32, #tpu.memory_space<vmem>>
        %swap3A_243 = arith.index_cast %swap3A_238 : i32 to index
        %swap3A_244 = arith.index_cast %mul3A_237 : i32 to index
        %swap3A_245 = tpu.vector_load %swap3A_242[%swap3A_243, %swap3A_244] {strides = array<i32>} : memref<64x128xf32, #tpu.memory_space<vmem>>, vector<16xf32>,
        tpu.vector_store %swap3A_242[%swap3A_243, %swap3A_244], %gather3A_235 {strides = array<i32>} : memref<64x128xf32, #tpu.memory_space<vmem>>, vector<16xf32>,
        %add3A_246 = arith.constant 4 : i32
        %add3A_247 = vector.broadcast %add3A_246 : i32 to vector<16xi32>
        %add3A_248 = arith.addi %get3A_171, %add3A_247 : vector<16xi32>
        %gather3A_249 = arith.constant 0 : i32
        %gather3A_250 = arith.constant 0 : i32
        %gather3A_251 = arith.constant 0 : i32
        %gather3A_252 = tpu.memref_slice %arg8[%gather3A_249, %gather3A_250, %gather3A_251] : memref<2x128x128xf32, #tpu.memory_space<vmem>> -> memref<1x128x128xf32, #tpu.memory_space<vmem>>
        %gather3A_253 = tpu.memref_squeeze %gather3A_252 : memref<1x128x128xf32, #tpu.memory_space<vmem>> -> memref<128x128xf32, #tpu.memory_space<vmem>>
        %gather3A_254 = tpu.vector_load_idx %gather3A_253[%add3A_165, %add3A_248] : memref<128x128xf32, #tpu.memory_space<vmem>>[vector<16xi32>, vector<16xi32>], vector<16xf32>,
        %mul3A_255 = arith.constant 16 : i32
        %mul3A_256 = arith.muli %scan3A_161, %mul3A_255 : i32
        %swap3A_257 = arith.constant 4 : i32
        %swap3A_258 = arith.constant 0 : i32
        %swap3A_259 = arith.constant 0 : i32
        %swap3A_260 = tpu.memref_slice %arg9[%scan3A_82, %swap3A_258, %swap3A_259] : memref<2x64x128xf32, #tpu.memory_space<vmem>> -> memref<1x64x128xf32, #tpu.memory_space<vmem>>
        %swap3A_261 = tpu.memref_squeeze %swap3A_260 : memref<1x64x128xf32, #tpu.memory_space<vmem>> -> memref<64x128xf32, #tpu.memory_space<vmem>>
        %swap3A_262 = arith.index_cast %swap3A_257 : i32 to index
        %swap3A_263 = arith.index_cast %mul3A_256 : i32 to index
        %swap3A_264 = tpu.vector_load %swap3A_261[%swap3A_262, %swap3A_263] {strides = array<i32>} : memref<64x128xf32, #tpu.memory_space<vmem>>, vector<16xf32>,
        tpu.vector_store %swap3A_261[%swap3A_262, %swap3A_263], %gather3A_254 {strides = array<i32>} : memref<64x128xf32, #tpu.memory_space<vmem>>, vector<16xf32>,
        %add3A_265 = arith.constant 5 : i32
        %add3A_266 = vector.broadcast %add3A_265 : i32 to vector<16xi32>
        %add3A_267 = arith.addi %get3A_171, %add3A_266 : vector<16xi32>
        %gather3A_268 = arith.constant 0 : i32
        %gather3A_269 = arith.constant 0 : i32
        %gather3A_270 = arith.constant 0 : i32
        %gather3A_271 = tpu.memref_slice %arg8[%gather3A_268, %gather3A_269, %gather3A_270] : memref<2x128x128xf32, #tpu.memory_space<vmem>> -> memref<1x128x128xf32, #tpu.memory_space<vmem>>
        %gather3A_272 = tpu.memref_squeeze %gather3A_271 : memref<1x128x128xf32, #tpu.memory_space<vmem>> -> memref<128x128xf32, #tpu.memory_space<vmem>>
        %gather3A_273 = tpu.vector_load_idx %gather3A_272[%add3A_165, %add3A_267] : memref<128x128xf32, #tpu.memory_space<vmem>>[vector<16xi32>, vector<16xi32>], vector<16xf32>,
        %mul3A_274 = arith.constant 16 : i32
        %mul3A_275 = arith.muli %scan3A_161, %mul3A_274 : i32
        %swap3A_276 = arith.constant 5 : i32
        %swap3A_277 = arith.constant 0 : i32
        %swap3A_278 = arith.constant 0 : i32
        %swap3A_279 = tpu.memref_slice %arg9[%scan3A_82, %swap3A_277, %swap3A_278] : memref<2x64x128xf32, #tpu.memory_space<vmem>> -> memref<1x64x128xf32, #tpu.memory_space<vmem>>
        %swap3A_280 = tpu.memref_squeeze %swap3A_279 : memref<1x64x128xf32, #tpu.memory_space<vmem>> -> memref<64x128xf32, #tpu.memory_space<vmem>>
        %swap3A_281 = arith.index_cast %swap3A_276 : i32 to index
        %swap3A_282 = arith.index_cast %mul3A_275 : i32 to index
        %swap3A_283 = tpu.vector_load %swap3A_280[%swap3A_281, %swap3A_282] {strides = array<i32>} : memref<64x128xf32, #tpu.memory_space<vmem>>, vector<16xf32>,
        tpu.vector_store %swap3A_280[%swap3A_281, %swap3A_282], %gather3A_273 {strides = array<i32>} : memref<64x128xf32, #tpu.memory_space<vmem>>, vector<16xf32>,
        %add3A_284 = arith.constant 6 : i32
        %add3A_285 = vector.broadcast %add3A_284 : i32 to vector<16xi32>
        %add3A_286 = arith.addi %get3A_171, %add3A_285 : vector<16xi32>
        %gather3A_287 = arith.constant 0 : i32
        %gather3A_288 = arith.constant 0 : i32
        %gather3A_289 = arith.constant 0 : i32
        %gather3A_290 = tpu.memref_slice %arg8[%gather3A_287, %gather3A_288, %gather3A_289] : memref<2x128x128xf32, #tpu.memory_space<vmem>> -> memref<1x128x128xf32, #tpu.memory_space<vmem>>
        %gather3A_291 = tpu.memref_squeeze %gather3A_290 : memref<1x128x128xf32, #tpu.memory_space<vmem>> -> memref<128x128xf32, #tpu.memory_space<vmem>>
        %gather3A_292 = tpu.vector_load_idx %gather3A_291[%add3A_165, %add3A_286] : memref<128x128xf32, #tpu.memory_space<vmem>>[vector<16xi32>, vector<16xi32>], vector<16xf32>,
        %mul3A_293 = arith.constant 16 : i32
        %mul3A_294 = arith.muli %scan3A_161, %mul3A_293 : i32
        %swap3A_295 = arith.constant 6 : i32
        %swap3A_296 = arith.constant 0 : i32
        %swap3A_297 = arith.constant 0 : i32
        %swap3A_298 = tpu.memref_slice %arg9[%scan3A_82, %swap3A_296, %swap3A_297] : memref<2x64x128xf32, #tpu.memory_space<vmem>> -> memref<1x64x128xf32, #tpu.memory_space<vmem>>
        %swap3A_299 = tpu.memref_squeeze %swap3A_298 : memref<1x64x128xf32, #tpu.memory_space<vmem>> -> memref<64x128xf32, #tpu.memory_space<vmem>>
        %swap3A_300 = arith.index_cast %swap3A_295 : i32 to index
        %swap3A_301 = arith.index_cast %mul3A_294 : i32 to index
        %swap3A_302 = tpu.vector_load %swap3A_299[%swap3A_300, %swap3A_301] {strides = array<i32>} : memref<64x128xf32, #tpu.memory_space<vmem>>, vector<16xf32>,
        tpu.vector_store %swap3A_299[%swap3A_300, %swap3A_301], %gather3A_292 {strides = array<i32>} : memref<64x128xf32, #tpu.memory_space<vmem>>, vector<16xf32>,
        %add3A_303 = arith.constant 7 : i32
        %add3A_304 = vector.broadcast %add3A_303 : i32 to vector<16xi32>
        %add3A_305 = arith.addi %get3A_171, %add3A_304 : vector<16xi32>
        %gather3A_306 = arith.constant 0 : i32
        %gather3A_307 = arith.constant 0 : i32
        %gather3A_308 = arith.constant 0 : i32
        %gather3A_309 = tpu.memref_slice %arg8[%gather3A_306, %gather3A_307, %gather3A_308] : memref<2x128x128xf32, #tpu.memory_space<vmem>> -> memref<1x128x128xf32, #tpu.memory_space<vmem>>
        %gather3A_310 = tpu.memref_squeeze %gather3A_309 : memref<1x128x128xf32, #tpu.memory_space<vmem>> -> memref<128x128xf32, #tpu.memory_space<vmem>>
        %gather3A_311 = tpu.vector_load_idx %gather3A_310[%add3A_165, %add3A_305] : memref<128x128xf32, #tpu.memory_space<vmem>>[vector<16xi32>, vector<16xi32>], vector<16xf32>,
        %mul3A_312 = arith.constant 16 : i32
        %mul3A_313 = arith.muli %scan3A_161, %mul3A_312 : i32
        %swap3A_314 = arith.constant 7 : i32
        %swap3A_315 = arith.constant 0 : i32
        %swap3A_316 = arith.constant 0 : i32
        %swap3A_317 = tpu.memref_slice %arg9[%scan3A_82, %swap3A_315, %swap3A_316] : memref<2x64x128xf32, #tpu.memory_space<vmem>> -> memref<1x64x128xf32, #tpu.memory_space<vmem>>
        %swap3A_318 = tpu.memref_squeeze %swap3A_317 : memref<1x64x128xf32, #tpu.memory_space<vmem>> -> memref<64x128xf32, #tpu.memory_space<vmem>>
        %swap3A_319 = arith.index_cast %swap3A_314 : i32 to index
        %swap3A_320 = arith.index_cast %mul3A_313 : i32 to index
        %swap3A_321 = tpu.vector_load %swap3A_318[%swap3A_319, %swap3A_320] {strides = array<i32>} : memref<64x128xf32, #tpu.memory_space<vmem>>, vector<16xf32>,
        tpu.vector_store %swap3A_318[%swap3A_319, %swap3A_320], %gather3A_311 {strides = array<i32>} : memref<64x128xf32, #tpu.memory_space<vmem>>, vector<16xf32>,
        %add3A_322 = arith.constant 8 : i32
        %add3A_323 = vector.broadcast %add3A_322 : i32 to vector<16xi32>
        %add3A_324 = arith.addi %get3A_171, %add3A_323 : vector<16xi32>
        %gather3A_325 = arith.constant 0 : i32
        %gather3A_326 = arith.constant 0 : i32
        %gather3A_327 = arith.constant 0 : i32
        %gather3A_328 = tpu.memref_slice %arg8[%gather3A_325, %gather3A_326, %gather3A_327] : memref<2x128x128xf32, #tpu.memory_space<vmem>> -> memref<1x128x128xf32, #tpu.memory_space<vmem>>
        %gather3A_329 = tpu.memref_squeeze %gather3A_328 : memref<1x128x128xf32, #tpu.memory_space<vmem>> -> memref<128x128xf32, #tpu.memory_space<vmem>>
        %gather3A_330 = tpu.vector_load_idx %gather3A_329[%add3A_165, %add3A_324] : memref<128x128xf32, #tpu.memory_space<vmem>>[vector<16xi32>, vector<16xi32>], vector<16xf32>,
        %mul3A_331 = arith.constant 16 : i32
        %mul3A_332 = arith.muli %scan3A_161, %mul3A_331 : i32
        %swap3A_333 = arith.constant 8 : i32
        %swap3A_334 = arith.constant 0 : i32
        %swap3A_335 = arith.constant 0 : i32
        %swap3A_336 = tpu.memref_slice %arg9[%scan3A_82, %swap3A_334, %swap3A_335] : memref<2x64x128xf32, #tpu.memory_space<vmem>> -> memref<1x64x128xf32, #tpu.memory_space<vmem>>
        %swap3A_337 = tpu.memref_squeeze %swap3A_336 : memref<1x64x128xf32, #tpu.memory_space<vmem>> -> memref<64x128xf32, #tpu.memory_space<vmem>>
        %swap3A_338 = arith.index_cast %swap3A_333 : i32 to index
        %swap3A_339 = arith.index_cast %mul3A_332 : i32 to index
        %swap3A_340 = tpu.vector_load %swap3A_337[%swap3A_338, %swap3A_339] {strides = array<i32>} : memref<64x128xf32, #tpu.memory_space<vmem>>, vector<16xf32>,
        tpu.vector_store %swap3A_337[%swap3A_338, %swap3A_339], %gather3A_330 {strides = array<i32>} : memref<64x128xf32, #tpu.memory_space<vmem>>, vector<16xf32>,
        %add3A_341 = arith.constant 9 : i32
        %add3A_342 = vector.broadcast %add3A_341 : i32 to vector<16xi32>
        %add3A_343 = arith.addi %get3A_171, %add3A_342 : vector<16xi32>
        %gather3A_344 = arith.constant 0 : i32
        %gather3A_345 = arith.constant 0 : i32
        %gather3A_346 = arith.constant 0 : i32
        %gather3A_347 = tpu.memref_slice %arg8[%gather3A_344, %gather3A_345, %gather3A_346] : memref<2x128x128xf32, #tpu.memory_space<vmem>> -> memref<1x128x128xf32, #tpu.memory_space<vmem>>
        %gather3A_348 = tpu.memref_squeeze %gather3A_347 : memref<1x128x128xf32, #tpu.memory_space<vmem>> -> memref<128x128xf32, #tpu.memory_space<vmem>>
        %gather3A_349 = tpu.vector_load_idx %gather3A_348[%add3A_165, %add3A_343] : memref<128x128xf32, #tpu.memory_space<vmem>>[vector<16xi32>, vector<16xi32>], vector<16xf32>,
        %mul3A_350 = arith.constant 16 : i32
        %mul3A_351 = arith.muli %scan3A_161, %mul3A_350 : i32
        %swap3A_352 = arith.constant 9 : i32
        %swap3A_353 = arith.constant 0 : i32
        %swap3A_354 = arith.constant 0 : i32
        %swap3A_355 = tpu.memref_slice %arg9[%scan3A_82, %swap3A_353, %swap3A_354] : memref<2x64x128xf32, #tpu.memory_space<vmem>> -> memref<1x64x128xf32, #tpu.memory_space<vmem>>
        %swap3A_356 = tpu.memref_squeeze %swap3A_355 : memref<1x64x128xf32, #tpu.memory_space<vmem>> -> memref<64x128xf32, #tpu.memory_space<vmem>>
        %swap3A_357 = arith.index_cast %swap3A_352 : i32 to index
        %swap3A_358 = arith.index_cast %mul3A_351 : i32 to index
        %swap3A_359 = tpu.vector_load %swap3A_356[%swap3A_357, %swap3A_358] {strides = array<i32>} : memref<64x128xf32, #tpu.memory_space<vmem>>, vector<16xf32>,
        tpu.vector_store %swap3A_356[%swap3A_357, %swap3A_358], %gather3A_349 {strides = array<i32>} : memref<64x128xf32, #tpu.memory_space<vmem>>, vector<16xf32>,
        %add3A_360 = arith.constant 10 : i32
        %add3A_361 = vector.broadcast %add3A_360 : i32 to vector<16xi32>
        %add3A_362 = arith.addi %get3A_171, %add3A_361 : vector<16xi32>
        %gather3A_363 = arith.constant 0 : i32
        %gather3A_364 = arith.constant 0 : i32
        %gather3A_365 = arith.constant 0 : i32
        %gather3A_366 = tpu.memref_slice %arg8[%gather3A_363, %gather3A_364, %gather3A_365] : memref<2x128x128xf32, #tpu.memory_space<vmem>> -> memref<1x128x128xf32, #tpu.memory_space<vmem>>
        %gather3A_367 = tpu.memref_squeeze %gather3A_366 : memref<1x128x128xf32, #tpu.memory_space<vmem>> -> memref<128x128xf32, #tpu.memory_space<vmem>>
        %gather3A_368 = tpu.vector_load_idx %gather3A_367[%add3A_165, %add3A_362] : memref<128x128xf32, #tpu.memory_space<vmem>>[vector<16xi32>, vector<16xi32>], vector<16xf32>,
        %mul3A_369 = arith.constant 16 : i32
        %mul3A_370 = arith.muli %scan3A_161, %mul3A_369 : i32
        %swap3A_371 = arith.constant 10 : i32
        %swap3A_372 = arith.constant 0 : i32
        %swap3A_373 = arith.constant 0 : i32
        %swap3A_374 = tpu.memref_slice %arg9[%scan3A_82, %swap3A_372, %swap3A_373] : memref<2x64x128xf32, #tpu.memory_space<vmem>> -> memref<1x64x128xf32, #tpu.memory_space<vmem>>
        %swap3A_375 = tpu.memref_squeeze %swap3A_374 : memref<1x64x128xf32, #tpu.memory_space<vmem>> -> memref<64x128xf32, #tpu.memory_space<vmem>>
        %swap3A_376 = arith.index_cast %swap3A_371 : i32 to index
        %swap3A_377 = arith.index_cast %mul3A_370 : i32 to index
        %swap3A_378 = tpu.vector_load %swap3A_375[%swap3A_376, %swap3A_377] {strides = array<i32>} : memref<64x128xf32, #tpu.memory_space<vmem>>, vector<16xf32>,
        tpu.vector_store %swap3A_375[%swap3A_376, %swap3A_377], %gather3A_368 {strides = array<i32>} : memref<64x128xf32, #tpu.memory_space<vmem>>, vector<16xf32>,
        %add3A_379 = arith.constant 11 : i32
        %add3A_380 = vector.broadcast %add3A_379 : i32 to vector<16xi32>
        %add3A_381 = arith.addi %get3A_171, %add3A_380 : vector<16xi32>
        %gather3A_382 = arith.constant 0 : i32
        %gather3A_383 = arith.constant 0 : i32
        %gather3A_384 = arith.constant 0 : i32
        %gather3A_385 = tpu.memref_slice %arg8[%gather3A_382, %gather3A_383, %gather3A_384] : memref<2x128x128xf32, #tpu.memory_space<vmem>> -> memref<1x128x128xf32, #tpu.memory_space<vmem>>
        %gather3A_386 = tpu.memref_squeeze %gather3A_385 : memref<1x128x128xf32, #tpu.memory_space<vmem>> -> memref<128x128xf32, #tpu.memory_space<vmem>>
        %gather3A_387 = tpu.vector_load_idx %gather3A_386[%add3A_165, %add3A_381] : memref<128x128xf32, #tpu.memory_space<vmem>>[vector<16xi32>, vector<16xi32>], vector<16xf32>,
        %mul3A_388 = arith.constant 16 : i32
        %mul3A_389 = arith.muli %scan3A_161, %mul3A_388 : i32
        %swap3A_390 = arith.constant 11 : i32
        %swap3A_391 = arith.constant 0 : i32
        %swap3A_392 = arith.constant 0 : i32
        %swap3A_393 = tpu.memref_slice %arg9[%scan3A_82, %swap3A_391, %swap3A_392] : memref<2x64x128xf32, #tpu.memory_space<vmem>> -> memref<1x64x128xf32, #tpu.memory_space<vmem>>
        %swap3A_394 = tpu.memref_squeeze %swap3A_393 : memref<1x64x128xf32, #tpu.memory_space<vmem>> -> memref<64x128xf32, #tpu.memory_space<vmem>>
        %swap3A_395 = arith.index_cast %swap3A_390 : i32 to index
        %swap3A_396 = arith.index_cast %mul3A_389 : i32 to index
        %swap3A_397 = tpu.vector_load %swap3A_394[%swap3A_395, %swap3A_396] {strides = array<i32>} : memref<64x128xf32, #tpu.memory_space<vmem>>, vector<16xf32>,
        tpu.vector_store %swap3A_394[%swap3A_395, %swap3A_396], %gather3A_387 {strides = array<i32>} : memref<64x128xf32, #tpu.memory_space<vmem>>, vector<16xf32>,
        %add3A_398 = arith.constant 12 : i32
        %add3A_399 = vector.broadcast %add3A_398 : i32 to vector<16xi32>
        %add3A_400 = arith.addi %get3A_171, %add3A_399 : vector<16xi32>
        %gather3A_401 = arith.constant 0 : i32
        %gather3A_402 = arith.constant 0 : i32
        %gather3A_403 = arith.constant 0 : i32
        %gather3A_404 = tpu.memref_slice %arg8[%gather3A_401, %gather3A_402, %gather3A_403] : memref<2x128x128xf32, #tpu.memory_space<vmem>> -> memref<1x128x128xf32, #tpu.memory_space<vmem>>
        %gather3A_405 = tpu.memref_squeeze %gather3A_404 : memref<1x128x128xf32, #tpu.memory_space<vmem>> -> memref<128x128xf32, #tpu.memory_space<vmem>>
        %gather3A_406 = tpu.vector_load_idx %gather3A_405[%add3A_165, %add3A_400] : memref<128x128xf32, #tpu.memory_space<vmem>>[vector<16xi32>, vector<16xi32>], vector<16xf32>,
        %mul3A_407 = arith.constant 16 : i32
        %mul3A_408 = arith.muli %scan3A_161, %mul3A_407 : i32
        %swap3A_409 = arith.constant 12 : i32
        %swap3A_410 = arith.constant 0 : i32
        %swap3A_411 = arith.constant 0 : i32
        %swap3A_412 = tpu.memref_slice %arg9[%scan3A_82, %swap3A_410, %swap3A_411] : memref<2x64x128xf32, #tpu.memory_space<vmem>> -> memref<1x64x128xf32, #tpu.memory_space<vmem>>
        %swap3A_413 = tpu.memref_squeeze %swap3A_412 : memref<1x64x128xf32, #tpu.memory_space<vmem>> -> memref<64x128xf32, #tpu.memory_space<vmem>>
        %swap3A_414 = arith.index_cast %swap3A_409 : i32 to index
        %swap3A_415 = arith.index_cast %mul3A_408 : i32 to index
        %swap3A_416 = tpu.vector_load %swap3A_413[%swap3A_414, %swap3A_415] {strides = array<i32>} : memref<64x128xf32, #tpu.memory_space<vmem>>, vector<16xf32>,
        tpu.vector_store %swap3A_413[%swap3A_414, %swap3A_415], %gather3A_406 {strides = array<i32>} : memref<64x128xf32, #tpu.memory_space<vmem>>, vector<16xf32>,
        %add3A_417 = arith.constant 13 : i32
        %add3A_418 = vector.broadcast %add3A_417 : i32 to vector<16xi32>
        %add3A_419 = arith.addi %get3A_171, %add3A_418 : vector<16xi32>
        %gather3A_420 = arith.constant 0 : i32
        %gather3A_421 = arith.constant 0 : i32
        %gather3A_422 = arith.constant 0 : i32
        %gather3A_423 = tpu.memref_slice %arg8[%gather3A_420, %gather3A_421, %gather3A_422] : memref<2x128x128xf32, #tpu.memory_space<vmem>> -> memref<1x128x128xf32, #tpu.memory_space<vmem>>
        %gather3A_424 = tpu.memref_squeeze %gather3A_423 : memref<1x128x128xf32, #tpu.memory_space<vmem>> -> memref<128x128xf32, #tpu.memory_space<vmem>>
        %gather3A_425 = tpu.vector_load_idx %gather3A_424[%add3A_165, %add3A_419] : memref<128x128xf32, #tpu.memory_space<vmem>>[vector<16xi32>, vector<16xi32>], vector<16xf32>,
        %mul3A_426 = arith.constant 16 : i32
        %mul3A_427 = arith.muli %scan3A_161, %mul3A_426 : i32
        %swap3A_428 = arith.constant 13 : i32
        %swap3A_429 = arith.constant 0 : i32
        %swap3A_430 = arith.constant 0 : i32
        %swap3A_431 = tpu.memref_slice %arg9[%scan3A_82, %swap3A_429, %swap3A_430] : memref<2x64x128xf32, #tpu.memory_space<vmem>> -> memref<1x64x128xf32, #tpu.memory_space<vmem>>
        %swap3A_432 = tpu.memref_squeeze %swap3A_431 : memref<1x64x128xf32, #tpu.memory_space<vmem>> -> memref<64x128xf32, #tpu.memory_space<vmem>>
        %swap3A_433 = arith.index_cast %swap3A_428 : i32 to index
        %swap3A_434 = arith.index_cast %mul3A_427 : i32 to index
        %swap3A_435 = tpu.vector_load %swap3A_432[%swap3A_433, %swap3A_434] {strides = array<i32>} : memref<64x128xf32, #tpu.memory_space<vmem>>, vector<16xf32>,
        tpu.vector_store %swap3A_432[%swap3A_433, %swap3A_434], %gather3A_425 {strides = array<i32>} : memref<64x128xf32, #tpu.memory_space<vmem>>, vector<16xf32>,
        %add3A_436 = arith.constant 14 : i32
        %add3A_437 = vector.broadcast %add3A_436 : i32 to vector<16xi32>
        %add3A_438 = arith.addi %get3A_171, %add3A_437 : vector<16xi32>
        %gather3A_439 = arith.constant 0 : i32
        %gather3A_440 = arith.constant 0 : i32
        %gather3A_441 = arith.constant 0 : i32
        %gather3A_442 = tpu.memref_slice %arg8[%gather3A_439, %gather3A_440, %gather3A_441] : memref<2x128x128xf32, #tpu.memory_space<vmem>> -> memref<1x128x128xf32, #tpu.memory_space<vmem>>
        %gather3A_443 = tpu.memref_squeeze %gather3A_442 : memref<1x128x128xf32, #tpu.memory_space<vmem>> -> memref<128x128xf32, #tpu.memory_space<vmem>>
        %gather3A_444 = tpu.vector_load_idx %gather3A_443[%add3A_165, %add3A_438] : memref<128x128xf32, #tpu.memory_space<vmem>>[vector<16xi32>, vector<16xi32>], vector<16xf32>,
        %mul3A_445 = arith.constant 16 : i32
        %mul3A_446 = arith.muli %scan3A_161, %mul3A_445 : i32
        %swap3A_447 = arith.constant 14 : i32
        %swap3A_448 = arith.constant 0 : i32
        %swap3A_449 = arith.constant 0 : i32
        %swap3A_450 = tpu.memref_slice %arg9[%scan3A_82, %swap3A_448, %swap3A_449] : memref<2x64x128xf32, #tpu.memory_space<vmem>> -> memref<1x64x128xf32, #tpu.memory_space<vmem>>
        %swap3A_451 = tpu.memref_squeeze %swap3A_450 : memref<1x64x128xf32, #tpu.memory_space<vmem>> -> memref<64x128xf32, #tpu.memory_space<vmem>>
        %swap3A_452 = arith.index_cast %swap3A_447 : i32 to index
        %swap3A_453 = arith.index_cast %mul3A_446 : i32 to index
        %swap3A_454 = tpu.vector_load %swap3A_451[%swap3A_452, %swap3A_453] {strides = array<i32>} : memref<64x128xf32, #tpu.memory_space<vmem>>, vector<16xf32>,
        tpu.vector_store %swap3A_451[%swap3A_452, %swap3A_453], %gather3A_444 {strides = array<i32>} : memref<64x128xf32, #tpu.memory_space<vmem>>, vector<16xf32>,
        %add3A_455 = arith.constant 15 : i32
        %add3A_456 = vector.broadcast %add3A_455 : i32 to vector<16xi32>
        %add3A_457 = arith.addi %get3A_171, %add3A_456 : vector<16xi32>
        %gather3A_458 = arith.constant 0 : i32
        %gather3A_459 = arith.constant 0 : i32
        %gather3A_460 = arith.constant 0 : i32
        %gather3A_461 = tpu.memref_slice %arg8[%gather3A_458, %gather3A_459, %gather3A_460] : memref<2x128x128xf32, #tpu.memory_space<vmem>> -> memref<1x128x128xf32, #tpu.memory_space<vmem>>
        %gather3A_462 = tpu.memref_squeeze %gather3A_461 : memref<1x128x128xf32, #tpu.memory_space<vmem>> -> memref<128x128xf32, #tpu.memory_space<vmem>>
        %gather3A_463 = tpu.vector_load_idx %gather3A_462[%add3A_165, %add3A_457] : memref<128x128xf32, #tpu.memory_space<vmem>>[vector<16xi32>, vector<16xi32>], vector<16xf32>,
        %mul3A_464 = arith.constant 16 : i32
        %mul3A_465 = arith.muli %scan3A_161, %mul3A_464 : i32
        %swap3A_466 = arith.constant 15 : i32
        %swap3A_467 = arith.constant 0 : i32
        %swap3A_468 = arith.constant 0 : i32
        %swap3A_469 = tpu.memref_slice %arg9[%scan3A_82, %swap3A_467, %swap3A_468] : memref<2x64x128xf32, #tpu.memory_space<vmem>> -> memref<1x64x128xf32, #tpu.memory_space<vmem>>
        %swap3A_470 = tpu.memref_squeeze %swap3A_469 : memref<1x64x128xf32, #tpu.memory_space<vmem>> -> memref<64x128xf32, #tpu.memory_space<vmem>>
        %swap3A_471 = arith.index_cast %swap3A_466 : i32 to index
        %swap3A_472 = arith.index_cast %mul3A_465 : i32 to index
        %swap3A_473 = tpu.vector_load %swap3A_470[%swap3A_471, %swap3A_472] {strides = array<i32>} : memref<64x128xf32, #tpu.memory_space<vmem>>, vector<16xf32>,
        tpu.vector_store %swap3A_470[%swap3A_471, %swap3A_472], %gather3A_463 {strides = array<i32>} : memref<64x128xf32, #tpu.memory_space<vmem>>, vector<16xf32>,
        %add3A_474 = arith.constant 16 : i32
        %add3A_475 = vector.broadcast %add3A_474 : i32 to vector<16xi32>
        %add3A_476 = arith.addi %get3A_171, %add3A_475 : vector<16xi32>
        %gather3A_477 = arith.constant 0 : i32
        %gather3A_478 = arith.constant 0 : i32
        %gather3A_479 = arith.constant 0 : i32
        %gather3A_480 = tpu.memref_slice %arg8[%gather3A_477, %gather3A_478, %gather3A_479] : memref<2x128x128xf32, #tpu.memory_space<vmem>> -> memref<1x128x128xf32, #tpu.memory_space<vmem>>
        %gather3A_481 = tpu.memref_squeeze %gather3A_480 : memref<1x128x128xf32, #tpu.memory_space<vmem>> -> memref<128x128xf32, #tpu.memory_space<vmem>>
        %gather3A_482 = tpu.vector_load_idx %gather3A_481[%add3A_165, %add3A_476] : memref<128x128xf32, #tpu.memory_space<vmem>>[vector<16xi32>, vector<16xi32>], vector<16xf32>,
        %mul3A_483 = arith.constant 16 : i32
        %mul3A_484 = arith.muli %scan3A_161, %mul3A_483 : i32
        %swap3A_485 = arith.constant 16 : i32
        %swap3A_486 = arith.constant 0 : i32
        %swap3A_487 = arith.constant 0 : i32
        %swap3A_488 = tpu.memref_slice %arg9[%scan3A_82, %swap3A_486, %swap3A_487] : memref<2x64x128xf32, #tpu.memory_space<vmem>> -> memref<1x64x128xf32, #tpu.memory_space<vmem>>
        %swap3A_489 = tpu.memref_squeeze %swap3A_488 : memref<1x64x128xf32, #tpu.memory_space<vmem>> -> memref<64x128xf32, #tpu.memory_space<vmem>>
        %swap3A_490 = arith.index_cast %swap3A_485 : i32 to index
        %swap3A_491 = arith.index_cast %mul3A_484 : i32 to index
        %swap3A_492 = tpu.vector_load %swap3A_489[%swap3A_490, %swap3A_491] {strides = array<i32>} : memref<64x128xf32, #tpu.memory_space<vmem>>, vector<16xf32>,
        tpu.vector_store %swap3A_489[%swap3A_490, %swap3A_491], %gather3A_482 {strides = array<i32>} : memref<64x128xf32, #tpu.memory_space<vmem>>, vector<16xf32>,
        %add3A_493 = arith.constant 17 : i32
        %add3A_494 = vector.broadcast %add3A_493 : i32 to vector<16xi32>
        %add3A_495 = arith.addi %get3A_171, %add3A_494 : vector<16xi32>
        %gather3A_496 = arith.constant 0 : i32
        %gather3A_497 = arith.constant 0 : i32
        %gather3A_498 = arith.constant 0 : i32
        %gather3A_499 = tpu.memref_slice %arg8[%gather3A_496, %gather3A_497, %gather3A_498] : memref<2x128x128xf32, #tpu.memory_space<vmem>> -> memref<1x128x128xf32, #tpu.memory_space<vmem>>
        %gather3A_500 = tpu.memref_squeeze %gather3A_499 : memref<1x128x128xf32, #tpu.memory_space<vmem>> -> memref<128x128xf32, #tpu.memory_space<vmem>>
        %gather3A_501 = tpu.vector_load_idx %gather3A_500[%add3A_165, %add3A_495] : memref<128x128xf32, #tpu.memory_space<vmem>>[vector<16xi32>, vector<16xi32>], vector<16xf32>,
        %mul3A_502 = arith.constant 16 : i32
        %mul3A_503 = arith.muli %scan3A_161, %mul3A_502 : i32
        %swap3A_504 = arith.constant 17 : i32
        %swap3A_505 = arith.constant 0 : i32
        %swap3A_506 = arith.constant 0 : i32
        %swap3A_507 = tpu.memref_slice %arg9[%scan3A_82, %swap3A_505, %swap3A_506] : memref<2x64x128xf32, #tpu.memory_space<vmem>> -> memref<1x64x128xf32, #tpu.memory_space<vmem>>
        %swap3A_508 = tpu.memref_squeeze %swap3A_507 : memref<1x64x128xf32, #tpu.memory_space<vmem>> -> memref<64x128xf32, #tpu.memory_space<vmem>>
        %swap3A_509 = arith.index_cast %swap3A_504 : i32 to index
        %swap3A_510 = arith.index_cast %mul3A_503 : i32 to index
        %swap3A_511 = tpu.vector_load %swap3A_508[%swap3A_509, %swap3A_510] {strides = array<i32>} : memref<64x128xf32, #tpu.memory_space<vmem>>, vector<16xf32>,
        tpu.vector_store %swap3A_508[%swap3A_509, %swap3A_510], %gather3A_501 {strides = array<i32>} : memref<64x128xf32, #tpu.memory_space<vmem>>, vector<16xf32>,
        %add3A_512 = arith.constant 18 : i32
        %add3A_513 = vector.broadcast %add3A_512 : i32 to vector<16xi32>
        %add3A_514 = arith.addi %get3A_171, %add3A_513 : vector<16xi32>
        %gather3A_515 = arith.constant 0 : i32
        %gather3A_516 = arith.constant 0 : i32
        %gather3A_517 = arith.constant 0 : i32
        %gather3A_518 = tpu.memref_slice %arg8[%gather3A_515, %gather3A_516, %gather3A_517] : memref<2x128x128xf32, #tpu.memory_space<vmem>> -> memref<1x128x128xf32, #tpu.memory_space<vmem>>
        %gather3A_519 = tpu.memref_squeeze %gather3A_518 : memref<1x128x128xf32, #tpu.memory_space<vmem>> -> memref<128x128xf32, #tpu.memory_space<vmem>>
        %gather3A_520 = tpu.vector_load_idx %gather3A_519[%add3A_165, %add3A_514] : memref<128x128xf32, #tpu.memory_space<vmem>>[vector<16xi32>, vector<16xi32>], vector<16xf32>,
        %mul3A_521 = arith.constant 16 : i32
        %mul3A_522 = arith.muli %scan3A_161, %mul3A_521 : i32
        %swap3A_523 = arith.constant 18 : i32
        %swap3A_524 = arith.constant 0 : i32
        %swap3A_525 = arith.constant 0 : i32
        %swap3A_526 = tpu.memref_slice %arg9[%scan3A_82, %swap3A_524, %swap3A_525] : memref<2x64x128xf32, #tpu.memory_space<vmem>> -> memref<1x64x128xf32, #tpu.memory_space<vmem>>
        %swap3A_527 = tpu.memref_squeeze %swap3A_526 : memref<1x64x128xf32, #tpu.memory_space<vmem>> -> memref<64x128xf32, #tpu.memory_space<vmem>>
        %swap3A_528 = arith.index_cast %swap3A_523 : i32 to index
        %swap3A_529 = arith.index_cast %mul3A_522 : i32 to index
        %swap3A_530 = tpu.vector_load %swap3A_527[%swap3A_528, %swap3A_529] {strides = array<i32>} : memref<64x128xf32, #tpu.memory_space<vmem>>, vector<16xf32>,
        tpu.vector_store %swap3A_527[%swap3A_528, %swap3A_529], %gather3A_520 {strides = array<i32>} : memref<64x128xf32, #tpu.memory_space<vmem>>, vector<16xf32>,
        %add3A_531 = arith.constant 19 : i32
        %add3A_532 = vector.broadcast %add3A_531 : i32 to vector<16xi32>
        %add3A_533 = arith.addi %get3A_171, %add3A_532 : vector<16xi32>
        %gather3A_534 = arith.constant 0 : i32
        %gather3A_535 = arith.constant 0 : i32
        %gather3A_536 = arith.constant 0 : i32
        %gather3A_537 = tpu.memref_slice %arg8[%gather3A_534, %gather3A_535, %gather3A_536] : memref<2x128x128xf32, #tpu.memory_space<vmem>> -> memref<1x128x128xf32, #tpu.memory_space<vmem>>
        %gather3A_538 = tpu.memref_squeeze %gather3A_537 : memref<1x128x128xf32, #tpu.memory_space<vmem>> -> memref<128x128xf32, #tpu.memory_space<vmem>>
        %gather3A_539 = tpu.vector_load_idx %gather3A_538[%add3A_165, %add3A_533] : memref<128x128xf32, #tpu.memory_space<vmem>>[vector<16xi32>, vector<16xi32>], vector<16xf32>,
        %mul3A_540 = arith.constant 16 : i32
        %mul3A_541 = arith.muli %scan3A_161, %mul3A_540 : i32
        %swap3A_542 = arith.constant 19 : i32
        %swap3A_543 = arith.constant 0 : i32
        %swap3A_544 = arith.constant 0 : i32
        %swap3A_545 = tpu.memref_slice %arg9[%scan3A_82, %swap3A_543, %swap3A_544] : memref<2x64x128xf32, #tpu.memory_space<vmem>> -> memref<1x64x128xf32, #tpu.memory_space<vmem>>
        %swap3A_546 = tpu.memref_squeeze %swap3A_545 : memref<1x64x128xf32, #tpu.memory_space<vmem>> -> memref<64x128xf32, #tpu.memory_space<vmem>>
        %swap3A_547 = arith.index_cast %swap3A_542 : i32 to index
        %swap3A_548 = arith.index_cast %mul3A_541 : i32 to index
        %swap3A_549 = tpu.vector_load %swap3A_546[%swap3A_547, %swap3A_548] {strides = array<i32>} : memref<64x128xf32, #tpu.memory_space<vmem>>, vector<16xf32>,
        tpu.vector_store %swap3A_546[%swap3A_547, %swap3A_548], %gather3A_539 {strides = array<i32>} : memref<64x128xf32, #tpu.memory_space<vmem>>, vector<16xf32>,
        %add3A_550 = arith.constant 20 : i32
        %add3A_551 = vector.broadcast %add3A_550 : i32 to vector<16xi32>
        %add3A_552 = arith.addi %get3A_171, %add3A_551 : vector<16xi32>
        %gather3A_553 = arith.constant 0 : i32
        %gather3A_554 = arith.constant 0 : i32
        %gather3A_555 = arith.constant 0 : i32
        %gather3A_556 = tpu.memref_slice %arg8[%gather3A_553, %gather3A_554, %gather3A_555] : memref<2x128x128xf32, #tpu.memory_space<vmem>> -> memref<1x128x128xf32, #tpu.memory_space<vmem>>
        %gather3A_557 = tpu.memref_squeeze %gather3A_556 : memref<1x128x128xf32, #tpu.memory_space<vmem>> -> memref<128x128xf32, #tpu.memory_space<vmem>>
        %gather3A_558 = tpu.vector_load_idx %gather3A_557[%add3A_165, %add3A_552] : memref<128x128xf32, #tpu.memory_space<vmem>>[vector<16xi32>, vector<16xi32>], vector<16xf32>,
        %mul3A_559 = arith.constant 16 : i32
        %mul3A_560 = arith.muli %scan3A_161, %mul3A_559 : i32
        %swap3A_561 = arith.constant 20 : i32
        %swap3A_562 = arith.constant 0 : i32
        %swap3A_563 = arith.constant 0 : i32
        %swap3A_564 = tpu.memref_slice %arg9[%scan3A_82, %swap3A_562, %swap3A_563] : memref<2x64x128xf32, #tpu.memory_space<vmem>> -> memref<1x64x128xf32, #tpu.memory_space<vmem>>
        %swap3A_565 = tpu.memref_squeeze %swap3A_564 : memref<1x64x128xf32, #tpu.memory_space<vmem>> -> memref<64x128xf32, #tpu.memory_space<vmem>>
        %swap3A_566 = arith.index_cast %swap3A_561 : i32 to index
        %swap3A_567 = arith.index_cast %mul3A_560 : i32 to index
        %swap3A_568 = tpu.vector_load %swap3A_565[%swap3A_566, %swap3A_567] {strides = array<i32>} : memref<64x128xf32, #tpu.memory_space<vmem>>, vector<16xf32>,
        tpu.vector_store %swap3A_565[%swap3A_566, %swap3A_567], %gather3A_558 {strides = array<i32>} : memref<64x128xf32, #tpu.memory_space<vmem>>, vector<16xf32>,
        %add3A_569 = arith.constant 21 : i32
        %add3A_570 = vector.broadcast %add3A_569 : i32 to vector<16xi32>
        %add3A_571 = arith.addi %get3A_171, %add3A_570 : vector<16xi32>
        %gather3A_572 = arith.constant 0 : i32
        %gather3A_573 = arith.constant 0 : i32
        %gather3A_574 = arith.constant 0 : i32
        %gather3A_575 = tpu.memref_slice %arg8[%gather3A_572, %gather3A_573, %gather3A_574] : memref<2x128x128xf32, #tpu.memory_space<vmem>> -> memref<1x128x128xf32, #tpu.memory_space<vmem>>
        %gather3A_576 = tpu.memref_squeeze %gather3A_575 : memref<1x128x128xf32, #tpu.memory_space<vmem>> -> memref<128x128xf32, #tpu.memory_space<vmem>>
        %gather3A_577 = tpu.vector_load_idx %gather3A_576[%add3A_165, %add3A_571] : memref<128x128xf32, #tpu.memory_space<vmem>>[vector<16xi32>, vector<16xi32>], vector<16xf32>,
        %mul3A_578 = arith.constant 16 : i32
        %mul3A_579 = arith.muli %scan3A_161, %mul3A_578 : i32
        %swap3A_580 = arith.constant 21 : i32
        %swap3A_581 = arith.constant 0 : i32
        %swap3A_582 = arith.constant 0 : i32
        %swap3A_583 = tpu.memref_slice %arg9[%scan3A_82, %swap3A_581, %swap3A_582] : memref<2x64x128xf32, #tpu.memory_space<vmem>> -> memref<1x64x128xf32, #tpu.memory_space<vmem>>
        %swap3A_584 = tpu.memref_squeeze %swap3A_583 : memref<1x64x128xf32, #tpu.memory_space<vmem>> -> memref<64x128xf32, #tpu.memory_space<vmem>>
        %swap3A_585 = arith.index_cast %swap3A_580 : i32 to index
        %swap3A_586 = arith.index_cast %mul3A_579 : i32 to index
        %swap3A_587 = tpu.vector_load %swap3A_584[%swap3A_585, %swap3A_586] {strides = array<i32>} : memref<64x128xf32, #tpu.memory_space<vmem>>, vector<16xf32>,
        tpu.vector_store %swap3A_584[%swap3A_585, %swap3A_586], %gather3A_577 {strides = array<i32>} : memref<64x128xf32, #tpu.memory_space<vmem>>, vector<16xf32>,
        %add3A_588 = arith.constant 22 : i32
        %add3A_589 = vector.broadcast %add3A_588 : i32 to vector<16xi32>
        %add3A_590 = arith.addi %get3A_171, %add3A_589 : vector<16xi32>
        %gather3A_591 = arith.constant 0 : i32
        %gather3A_592 = arith.constant 0 : i32
        %gather3A_593 = arith.constant 0 : i32
        %gather3A_594 = tpu.memref_slice %arg8[%gather3A_591, %gather3A_592, %gather3A_593] : memref<2x128x128xf32, #tpu.memory_space<vmem>> -> memref<1x128x128xf32, #tpu.memory_space<vmem>>
        %gather3A_595 = tpu.memref_squeeze %gather3A_594 : memref<1x128x128xf32, #tpu.memory_space<vmem>> -> memref<128x128xf32, #tpu.memory_space<vmem>>
        %gather3A_596 = tpu.vector_load_idx %gather3A_595[%add3A_165, %add3A_590] : memref<128x128xf32, #tpu.memory_space<vmem>>[vector<16xi32>, vector<16xi32>], vector<16xf32>,
        %mul3A_597 = arith.constant 16 : i32
        %mul3A_598 = arith.muli %scan3A_161, %mul3A_597 : i32
        %swap3A_599 = arith.constant 22 : i32
        %swap3A_600 = arith.constant 0 : i32
        %swap3A_601 = arith.constant 0 : i32
        %swap3A_602 = tpu.memref_slice %arg9[%scan3A_82, %swap3A_600, %swap3A_601] : memref<2x64x128xf32, #tpu.memory_space<vmem>> -> memref<1x64x128xf32, #tpu.memory_space<vmem>>
        %swap3A_603 = tpu.memref_squeeze %swap3A_602 : memref<1x64x128xf32, #tpu.memory_space<vmem>> -> memref<64x128xf32, #tpu.memory_space<vmem>>
        %swap3A_604 = arith.index_cast %swap3A_599 : i32 to index
        %swap3A_605 = arith.index_cast %mul3A_598 : i32 to index
        %swap3A_606 = tpu.vector_load %swap3A_603[%swap3A_604, %swap3A_605] {strides = array<i32>} : memref<64x128xf32, #tpu.memory_space<vmem>>, vector<16xf32>,
        tpu.vector_store %swap3A_603[%swap3A_604, %swap3A_605], %gather3A_596 {strides = array<i32>} : memref<64x128xf32, #tpu.memory_space<vmem>>, vector<16xf32>,
        %add3A_607 = arith.constant 23 : i32
        %add3A_608 = vector.broadcast %add3A_607 : i32 to vector<16xi32>
        %add3A_609 = arith.addi %get3A_171, %add3A_608 : vector<16xi32>
        %gather3A_610 = arith.constant 0 : i32
        %gather3A_611 = arith.constant 0 : i32
        %gather3A_612 = arith.constant 0 : i32
        %gather3A_613 = tpu.memref_slice %arg8[%gather3A_610, %gather3A_611, %gather3A_612] : memref<2x128x128xf32, #tpu.memory_space<vmem>> -> memref<1x128x128xf32, #tpu.memory_space<vmem>>
        %gather3A_614 = tpu.memref_squeeze %gather3A_613 : memref<1x128x128xf32, #tpu.memory_space<vmem>> -> memref<128x128xf32, #tpu.memory_space<vmem>>
        %gather3A_615 = tpu.vector_load_idx %gather3A_614[%add3A_165, %add3A_609] : memref<128x128xf32, #tpu.memory_space<vmem>>[vector<16xi32>, vector<16xi32>], vector<16xf32>,
        %mul3A_616 = arith.constant 16 : i32
        %mul3A_617 = arith.muli %scan3A_161, %mul3A_616 : i32
        %swap3A_618 = arith.constant 23 : i32
        %swap3A_619 = arith.constant 0 : i32
        %swap3A_620 = arith.constant 0 : i32
        %swap3A_621 = tpu.memref_slice %arg9[%scan3A_82, %swap3A_619, %swap3A_620] : memref<2x64x128xf32, #tpu.memory_space<vmem>> -> memref<1x64x128xf32, #tpu.memory_space<vmem>>
        %swap3A_622 = tpu.memref_squeeze %swap3A_621 : memref<1x64x128xf32, #tpu.memory_space<vmem>> -> memref<64x128xf32, #tpu.memory_space<vmem>>
        %swap3A_623 = arith.index_cast %swap3A_618 : i32 to index
        %swap3A_624 = arith.index_cast %mul3A_617 : i32 to index
        %swap3A_625 = tpu.vector_load %swap3A_622[%swap3A_623, %swap3A_624] {strides = array<i32>} : memref<64x128xf32, #tpu.memory_space<vmem>>, vector<16xf32>,
        tpu.vector_store %swap3A_622[%swap3A_623, %swap3A_624], %gather3A_615 {strides = array<i32>} : memref<64x128xf32, #tpu.memory_space<vmem>>, vector<16xf32>,
        %add3A_626 = arith.constant 24 : i32
        %add3A_627 = vector.broadcast %add3A_626 : i32 to vector<16xi32>
        %add3A_628 = arith.addi %get3A_171, %add3A_627 : vector<16xi32>
        %gather3A_629 = arith.constant 0 : i32
        %gather3A_630 = arith.constant 0 : i32
        %gather3A_631 = arith.constant 0 : i32
        %gather3A_632 = tpu.memref_slice %arg8[%gather3A_629, %gather3A_630, %gather3A_631] : memref<2x128x128xf32, #tpu.memory_space<vmem>> -> memref<1x128x128xf32, #tpu.memory_space<vmem>>
        %gather3A_633 = tpu.memref_squeeze %gather3A_632 : memref<1x128x128xf32, #tpu.memory_space<vmem>> -> memref<128x128xf32, #tpu.memory_space<vmem>>
        %gather3A_634 = tpu.vector_load_idx %gather3A_633[%add3A_165, %add3A_628] : memref<128x128xf32, #tpu.memory_space<vmem>>[vector<16xi32>, vector<16xi32>], vector<16xf32>,
        %mul3A_635 = arith.constant 16 : i32
        %mul3A_636 = arith.muli %scan3A_161, %mul3A_635 : i32
        %swap3A_637 = arith.constant 24 : i32
        %swap3A_638 = arith.constant 0 : i32
        %swap3A_639 = arith.constant 0 : i32
        %swap3A_640 = tpu.memref_slice %arg9[%scan3A_82, %swap3A_638, %swap3A_639] : memref<2x64x128xf32, #tpu.memory_space<vmem>> -> memref<1x64x128xf32, #tpu.memory_space<vmem>>
        %swap3A_641 = tpu.memref_squeeze %swap3A_640 : memref<1x64x128xf32, #tpu.memory_space<vmem>> -> memref<64x128xf32, #tpu.memory_space<vmem>>
        %swap3A_642 = arith.index_cast %swap3A_637 : i32 to index
        %swap3A_643 = arith.index_cast %mul3A_636 : i32 to index
        %swap3A_644 = tpu.vector_load %swap3A_641[%swap3A_642, %swap3A_643] {strides = array<i32>} : memref<64x128xf32, #tpu.memory_space<vmem>>, vector<16xf32>,
        tpu.vector_store %swap3A_641[%swap3A_642, %swap3A_643], %gather3A_634 {strides = array<i32>} : memref<64x128xf32, #tpu.memory_space<vmem>>, vector<16xf32>,
        %add3A_645 = arith.constant 25 : i32
        %add3A_646 = vector.broadcast %add3A_645 : i32 to vector<16xi32>
        %add3A_647 = arith.addi %get3A_171, %add3A_646 : vector<16xi32>
        %gather3A_648 = arith.constant 0 : i32
        %gather3A_649 = arith.constant 0 : i32
        %gather3A_650 = arith.constant 0 : i32
        %gather3A_651 = tpu.memref_slice %arg8[%gather3A_648, %gather3A_649, %gather3A_650] : memref<2x128x128xf32, #tpu.memory_space<vmem>> -> memref<1x128x128xf32, #tpu.memory_space<vmem>>
        %gather3A_652 = tpu.memref_squeeze %gather3A_651 : memref<1x128x128xf32, #tpu.memory_space<vmem>> -> memref<128x128xf32, #tpu.memory_space<vmem>>
        %gather3A_653 = tpu.vector_load_idx %gather3A_652[%add3A_165, %add3A_647] : memref<128x128xf32, #tpu.memory_space<vmem>>[vector<16xi32>, vector<16xi32>], vector<16xf32>,
        %mul3A_654 = arith.constant 16 : i32
        %mul3A_655 = arith.muli %scan3A_161, %mul3A_654 : i32
        %swap3A_656 = arith.constant 25 : i32
        %swap3A_657 = arith.constant 0 : i32
        %swap3A_658 = arith.constant 0 : i32
        %swap3A_659 = tpu.memref_slice %arg9[%scan3A_82, %swap3A_657, %swap3A_658] : memref<2x64x128xf32, #tpu.memory_space<vmem>> -> memref<1x64x128xf32, #tpu.memory_space<vmem>>
        %swap3A_660 = tpu.memref_squeeze %swap3A_659 : memref<1x64x128xf32, #tpu.memory_space<vmem>> -> memref<64x128xf32, #tpu.memory_space<vmem>>
        %swap3A_661 = arith.index_cast %swap3A_656 : i32 to index
        %swap3A_662 = arith.index_cast %mul3A_655 : i32 to index
        %swap3A_663 = tpu.vector_load %swap3A_660[%swap3A_661, %swap3A_662] {strides = array<i32>} : memref<64x128xf32, #tpu.memory_space<vmem>>, vector<16xf32>,
        tpu.vector_store %swap3A_660[%swap3A_661, %swap3A_662], %gather3A_653 {strides = array<i32>} : memref<64x128xf32, #tpu.memory_space<vmem>>, vector<16xf32>,
        %add3A_664 = arith.constant 26 : i32
        %add3A_665 = vector.broadcast %add3A_664 : i32 to vector<16xi32>
        %add3A_666 = arith.addi %get3A_171, %add3A_665 : vector<16xi32>
        %gather3A_667 = arith.constant 0 : i32
        %gather3A_668 = arith.constant 0 : i32
        %gather3A_669 = arith.constant 0 : i32
        %gather3A_670 = tpu.memref_slice %arg8[%gather3A_667, %gather3A_668, %gather3A_669] : memref<2x128x128xf32, #tpu.memory_space<vmem>> -> memref<1x128x128xf32, #tpu.memory_space<vmem>>
        %gather3A_671 = tpu.memref_squeeze %gather3A_670 : memref<1x128x128xf32, #tpu.memory_space<vmem>> -> memref<128x128xf32, #tpu.memory_space<vmem>>
        %gather3A_672 = tpu.vector_load_idx %gather3A_671[%add3A_165, %add3A_666] : memref<128x128xf32, #tpu.memory_space<vmem>>[vector<16xi32>, vector<16xi32>], vector<16xf32>,
        %mul3A_673 = arith.constant 16 : i32
        %mul3A_674 = arith.muli %scan3A_161, %mul3A_673 : i32
        %swap3A_675 = arith.constant 26 : i32
        %swap3A_676 = arith.constant 0 : i32
        %swap3A_677 = arith.constant 0 : i32
        %swap3A_678 = tpu.memref_slice %arg9[%scan3A_82, %swap3A_676, %swap3A_677] : memref<2x64x128xf32, #tpu.memory_space<vmem>> -> memref<1x64x128xf32, #tpu.memory_space<vmem>>
        %swap3A_679 = tpu.memref_squeeze %swap3A_678 : memref<1x64x128xf32, #tpu.memory_space<vmem>> -> memref<64x128xf32, #tpu.memory_space<vmem>>
        %swap3A_680 = arith.index_cast %swap3A_675 : i32 to index
        %swap3A_681 = arith.index_cast %mul3A_674 : i32 to index
        %swap3A_682 = tpu.vector_load %swap3A_679[%swap3A_680, %swap3A_681] {strides = array<i32>} : memref<64x128xf32, #tpu.memory_space<vmem>>, vector<16xf32>,
        tpu.vector_store %swap3A_679[%swap3A_680, %swap3A_681], %gather3A_672 {strides = array<i32>} : memref<64x128xf32, #tpu.memory_space<vmem>>, vector<16xf32>,
        %add3A_683 = arith.constant 27 : i32
        %add3A_684 = vector.broadcast %add3A_683 : i32 to vector<16xi32>
        %add3A_685 = arith.addi %get3A_171, %add3A_684 : vector<16xi32>
        %gather3A_686 = arith.constant 0 : i32
        %gather3A_687 = arith.constant 0 : i32
        %gather3A_688 = arith.constant 0 : i32
        %gather3A_689 = tpu.memref_slice %arg8[%gather3A_686, %gather3A_687, %gather3A_688] : memref<2x128x128xf32, #tpu.memory_space<vmem>> -> memref<1x128x128xf32, #tpu.memory_space<vmem>>
        %gather3A_690 = tpu.memref_squeeze %gather3A_689 : memref<1x128x128xf32, #tpu.memory_space<vmem>> -> memref<128x128xf32, #tpu.memory_space<vmem>>
        %gather3A_691 = tpu.vector_load_idx %gather3A_690[%add3A_165, %add3A_685] : memref<128x128xf32, #tpu.memory_space<vmem>>[vector<16xi32>, vector<16xi32>], vector<16xf32>,
        %mul3A_692 = arith.constant 16 : i32
        %mul3A_693 = arith.muli %scan3A_161, %mul3A_692 : i32
        %swap3A_694 = arith.constant 27 : i32
        %swap3A_695 = arith.constant 0 : i32
        %swap3A_696 = arith.constant 0 : i32
        %swap3A_697 = tpu.memref_slice %arg9[%scan3A_82, %swap3A_695, %swap3A_696] : memref<2x64x128xf32, #tpu.memory_space<vmem>> -> memref<1x64x128xf32, #tpu.memory_space<vmem>>
        %swap3A_698 = tpu.memref_squeeze %swap3A_697 : memref<1x64x128xf32, #tpu.memory_space<vmem>> -> memref<64x128xf32, #tpu.memory_space<vmem>>
        %swap3A_699 = arith.index_cast %swap3A_694 : i32 to index
        %swap3A_700 = arith.index_cast %mul3A_693 : i32 to index
        %swap3A_701 = tpu.vector_load %swap3A_698[%swap3A_699, %swap3A_700] {strides = array<i32>} : memref<64x128xf32, #tpu.memory_space<vmem>>, vector<16xf32>,
        tpu.vector_store %swap3A_698[%swap3A_699, %swap3A_700], %gather3A_691 {strides = array<i32>} : memref<64x128xf32, #tpu.memory_space<vmem>>, vector<16xf32>,
        %add3A_702 = arith.constant 28 : i32
        %add3A_703 = vector.broadcast %add3A_702 : i32 to vector<16xi32>
        %add3A_704 = arith.addi %get3A_171, %add3A_703 : vector<16xi32>
        %gather3A_705 = arith.constant 0 : i32
        %gather3A_706 = arith.constant 0 : i32
        %gather3A_707 = arith.constant 0 : i32
        %gather3A_708 = tpu.memref_slice %arg8[%gather3A_705, %gather3A_706, %gather3A_707] : memref<2x128x128xf32, #tpu.memory_space<vmem>> -> memref<1x128x128xf32, #tpu.memory_space<vmem>>
        %gather3A_709 = tpu.memref_squeeze %gather3A_708 : memref<1x128x128xf32, #tpu.memory_space<vmem>> -> memref<128x128xf32, #tpu.memory_space<vmem>>
        %gather3A_710 = tpu.vector_load_idx %gather3A_709[%add3A_165, %add3A_704] : memref<128x128xf32, #tpu.memory_space<vmem>>[vector<16xi32>, vector<16xi32>], vector<16xf32>,
        %mul3A_711 = arith.constant 16 : i32
        %mul3A_712 = arith.muli %scan3A_161, %mul3A_711 : i32
        %swap3A_713 = arith.constant 28 : i32
        %swap3A_714 = arith.constant 0 : i32
        %swap3A_715 = arith.constant 0 : i32
        %swap3A_716 = tpu.memref_slice %arg9[%scan3A_82, %swap3A_714, %swap3A_715] : memref<2x64x128xf32, #tpu.memory_space<vmem>> -> memref<1x64x128xf32, #tpu.memory_space<vmem>>
        %swap3A_717 = tpu.memref_squeeze %swap3A_716 : memref<1x64x128xf32, #tpu.memory_space<vmem>> -> memref<64x128xf32, #tpu.memory_space<vmem>>
        %swap3A_718 = arith.index_cast %swap3A_713 : i32 to index
        %swap3A_719 = arith.index_cast %mul3A_712 : i32 to index
        %swap3A_720 = tpu.vector_load %swap3A_717[%swap3A_718, %swap3A_719] {strides = array<i32>} : memref<64x128xf32, #tpu.memory_space<vmem>>, vector<16xf32>,
        tpu.vector_store %swap3A_717[%swap3A_718, %swap3A_719], %gather3A_710 {strides = array<i32>} : memref<64x128xf32, #tpu.memory_space<vmem>>, vector<16xf32>,
        %add3A_721 = arith.constant 29 : i32
        %add3A_722 = vector.broadcast %add3A_721 : i32 to vector<16xi32>
        %add3A_723 = arith.addi %get3A_171, %add3A_722 : vector<16xi32>
        %gather3A_724 = arith.constant 0 : i32
        %gather3A_725 = arith.constant 0 : i32
        %gather3A_726 = arith.constant 0 : i32
        %gather3A_727 = tpu.memref_slice %arg8[%gather3A_724, %gather3A_725, %gather3A_726] : memref<2x128x128xf32, #tpu.memory_space<vmem>> -> memref<1x128x128xf32, #tpu.memory_space<vmem>>
        %gather3A_728 = tpu.memref_squeeze %gather3A_727 : memref<1x128x128xf32, #tpu.memory_space<vmem>> -> memref<128x128xf32, #tpu.memory_space<vmem>>
        %gather3A_729 = tpu.vector_load_idx %gather3A_728[%add3A_165, %add3A_723] : memref<128x128xf32, #tpu.memory_space<vmem>>[vector<16xi32>, vector<16xi32>], vector<16xf32>,
        %mul3A_730 = arith.constant 16 : i32
        %mul3A_731 = arith.muli %scan3A_161, %mul3A_730 : i32
        %swap3A_732 = arith.constant 29 : i32
        %swap3A_733 = arith.constant 0 : i32
        %swap3A_734 = arith.constant 0 : i32
        %swap3A_735 = tpu.memref_slice %arg9[%scan3A_82, %swap3A_733, %swap3A_734] : memref<2x64x128xf32, #tpu.memory_space<vmem>> -> memref<1x64x128xf32, #tpu.memory_space<vmem>>
        %swap3A_736 = tpu.memref_squeeze %swap3A_735 : memref<1x64x128xf32, #tpu.memory_space<vmem>> -> memref<64x128xf32, #tpu.memory_space<vmem>>
        %swap3A_737 = arith.index_cast %swap3A_732 : i32 to index
        %swap3A_738 = arith.index_cast %mul3A_731 : i32 to index
        %swap3A_739 = tpu.vector_load %swap3A_736[%swap3A_737, %swap3A_738] {strides = array<i32>} : memref<64x128xf32, #tpu.memory_space<vmem>>, vector<16xf32>,
        tpu.vector_store %swap3A_736[%swap3A_737, %swap3A_738], %gather3A_729 {strides = array<i32>} : memref<64x128xf32, #tpu.memory_space<vmem>>, vector<16xf32>,
        %add3A_740 = arith.constant 30 : i32
        %add3A_741 = vector.broadcast %add3A_740 : i32 to vector<16xi32>
        %add3A_742 = arith.addi %get3A_171, %add3A_741 : vector<16xi32>
        %gather3A_743 = arith.constant 0 : i32
        %gather3A_744 = arith.constant 0 : i32
        %gather3A_745 = arith.constant 0 : i32
        %gather3A_746 = tpu.memref_slice %arg8[%gather3A_743, %gather3A_744, %gather3A_745] : memref<2x128x128xf32, #tpu.memory_space<vmem>> -> memref<1x128x128xf32, #tpu.memory_space<vmem>>
        %gather3A_747 = tpu.memref_squeeze %gather3A_746 : memref<1x128x128xf32, #tpu.memory_space<vmem>> -> memref<128x128xf32, #tpu.memory_space<vmem>>
        %gather3A_748 = tpu.vector_load_idx %gather3A_747[%add3A_165, %add3A_742] : memref<128x128xf32, #tpu.memory_space<vmem>>[vector<16xi32>, vector<16xi32>], vector<16xf32>,
        %mul3A_749 = arith.constant 16 : i32
        %mul3A_750 = arith.muli %scan3A_161, %mul3A_749 : i32
        %swap3A_751 = arith.constant 30 : i32
        %swap3A_752 = arith.constant 0 : i32
        %swap3A_753 = arith.constant 0 : i32
        %swap3A_754 = tpu.memref_slice %arg9[%scan3A_82, %swap3A_752, %swap3A_753] : memref<2x64x128xf32, #tpu.memory_space<vmem>> -> memref<1x64x128xf32, #tpu.memory_space<vmem>>
        %swap3A_755 = tpu.memref_squeeze %swap3A_754 : memref<1x64x128xf32, #tpu.memory_space<vmem>> -> memref<64x128xf32, #tpu.memory_space<vmem>>
        %swap3A_756 = arith.index_cast %swap3A_751 : i32 to index
        %swap3A_757 = arith.index_cast %mul3A_750 : i32 to index
        %swap3A_758 = tpu.vector_load %swap3A_755[%swap3A_756, %swap3A_757] {strides = array<i32>} : memref<64x128xf32, #tpu.memory_space<vmem>>, vector<16xf32>,
        tpu.vector_store %swap3A_755[%swap3A_756, %swap3A_757], %gather3A_748 {strides = array<i32>} : memref<64x128xf32, #tpu.memory_space<vmem>>, vector<16xf32>,
        %add3A_759 = arith.constant 31 : i32
        %add3A_760 = vector.broadcast %add3A_759 : i32 to vector<16xi32>
        %add3A_761 = arith.addi %get3A_171, %add3A_760 : vector<16xi32>
        %gather3A_762 = arith.constant 0 : i32
        %gather3A_763 = arith.constant 0 : i32
        %gather3A_764 = arith.constant 0 : i32
        %gather3A_765 = tpu.memref_slice %arg8[%gather3A_762, %gather3A_763, %gather3A_764] : memref<2x128x128xf32, #tpu.memory_space<vmem>> -> memref<1x128x128xf32, #tpu.memory_space<vmem>>
        %gather3A_766 = tpu.memref_squeeze %gather3A_765 : memref<1x128x128xf32, #tpu.memory_space<vmem>> -> memref<128x128xf32, #tpu.memory_space<vmem>>
        %gather3A_767 = tpu.vector_load_idx %gather3A_766[%add3A_165, %add3A_761] : memref<128x128xf32, #tpu.memory_space<vmem>>[vector<16xi32>, vector<16xi32>], vector<16xf32>,
        %mul3A_768 = arith.constant 16 : i32
        %mul3A_769 = arith.muli %scan3A_161, %mul3A_768 : i32
        %swap3A_770 = arith.constant 31 : i32
        %swap3A_771 = arith.constant 0 : i32
        %swap3A_772 = arith.constant 0 : i32
        %swap3A_773 = tpu.memref_slice %arg9[%scan3A_82, %swap3A_771, %swap3A_772] : memref<2x64x128xf32, #tpu.memory_space<vmem>> -> memref<1x64x128xf32, #tpu.memory_space<vmem>>
        %swap3A_774 = tpu.memref_squeeze %swap3A_773 : memref<1x64x128xf32, #tpu.memory_space<vmem>> -> memref<64x128xf32, #tpu.memory_space<vmem>>
        %swap3A_775 = arith.index_cast %swap3A_770 : i32 to index
        %swap3A_776 = arith.index_cast %mul3A_769 : i32 to index
        %swap3A_777 = tpu.vector_load %swap3A_774[%swap3A_775, %swap3A_776] {strides = array<i32>} : memref<64x128xf32, #tpu.memory_space<vmem>>, vector<16xf32>,
        tpu.vector_store %swap3A_774[%swap3A_775, %swap3A_776], %gather3A_767 {strides = array<i32>} : memref<64x128xf32, #tpu.memory_space<vmem>>, vector<16xf32>,
        %add3A_778 = arith.constant 32 : i32
        %add3A_779 = vector.broadcast %add3A_778 : i32 to vector<16xi32>
        %add3A_780 = arith.addi %get3A_171, %add3A_779 : vector<16xi32>
        %gather3A_781 = arith.constant 0 : i32
        %gather3A_782 = arith.constant 0 : i32
        %gather3A_783 = arith.constant 0 : i32
        %gather3A_784 = tpu.memref_slice %arg8[%gather3A_781, %gather3A_782, %gather3A_783] : memref<2x128x128xf32, #tpu.memory_space<vmem>> -> memref<1x128x128xf32, #tpu.memory_space<vmem>>
        %gather3A_785 = tpu.memref_squeeze %gather3A_784 : memref<1x128x128xf32, #tpu.memory_space<vmem>> -> memref<128x128xf32, #tpu.memory_space<vmem>>
        %gather3A_786 = tpu.vector_load_idx %gather3A_785[%add3A_165, %add3A_780] : memref<128x128xf32, #tpu.memory_space<vmem>>[vector<16xi32>, vector<16xi32>], vector<16xf32>,
        %mul3A_787 = arith.constant 16 : i32
        %mul3A_788 = arith.muli %scan3A_161, %mul3A_787 : i32
        %swap3A_789 = arith.constant 32 : i32
        %swap3A_790 = arith.constant 0 : i32
        %swap3A_791 = arith.constant 0 : i32
        %swap3A_792 = tpu.memref_slice %arg9[%scan3A_82, %swap3A_790, %swap3A_791] : memref<2x64x128xf32, #tpu.memory_space<vmem>> -> memref<1x64x128xf32, #tpu.memory_space<vmem>>
        %swap3A_793 = tpu.memref_squeeze %swap3A_792 : memref<1x64x128xf32, #tpu.memory_space<vmem>> -> memref<64x128xf32, #tpu.memory_space<vmem>>
        %swap3A_794 = arith.index_cast %swap3A_789 : i32 to index
        %swap3A_795 = arith.index_cast %mul3A_788 : i32 to index
        %swap3A_796 = tpu.vector_load %swap3A_793[%swap3A_794, %swap3A_795] {strides = array<i32>} : memref<64x128xf32, #tpu.memory_space<vmem>>, vector<16xf32>,
        tpu.vector_store %swap3A_793[%swap3A_794, %swap3A_795], %gather3A_786 {strides = array<i32>} : memref<64x128xf32, #tpu.memory_space<vmem>>, vector<16xf32>,
        %add3A_797 = arith.constant 33 : i32
        %add3A_798 = vector.broadcast %add3A_797 : i32 to vector<16xi32>
        %add3A_799 = arith.addi %get3A_171, %add3A_798 : vector<16xi32>
        %gather3A_800 = arith.constant 0 : i32
        %gather3A_801 = arith.constant 0 : i32
        %gather3A_802 = arith.constant 0 : i32
        %gather3A_803 = tpu.memref_slice %arg8[%gather3A_800, %gather3A_801, %gather3A_802] : memref<2x128x128xf32, #tpu.memory_space<vmem>> -> memref<1x128x128xf32, #tpu.memory_space<vmem>>
        %gather3A_804 = tpu.memref_squeeze %gather3A_803 : memref<1x128x128xf32, #tpu.memory_space<vmem>> -> memref<128x128xf32, #tpu.memory_space<vmem>>
        %gather3A_805 = tpu.vector_load_idx %gather3A_804[%add3A_165, %add3A_799] : memref<128x128xf32, #tpu.memory_space<vmem>>[vector<16xi32>, vector<16xi32>], vector<16xf32>,
        %mul3A_806 = arith.constant 16 : i32
        %mul3A_807 = arith.muli %scan3A_161, %mul3A_806 : i32
        %swap3A_808 = arith.constant 33 : i32
        %swap3A_809 = arith.constant 0 : i32
        %swap3A_810 = arith.constant 0 : i32
        %swap3A_811 = tpu.memref_slice %arg9[%scan3A_82, %swap3A_809, %swap3A_810] : memref<2x64x128xf32, #tpu.memory_space<vmem>> -> memref<1x64x128xf32, #tpu.memory_space<vmem>>
        %swap3A_812 = tpu.memref_squeeze %swap3A_811 : memref<1x64x128xf32, #tpu.memory_space<vmem>> -> memref<64x128xf32, #tpu.memory_space<vmem>>
        %swap3A_813 = arith.index_cast %swap3A_808 : i32 to index
        %swap3A_814 = arith.index_cast %mul3A_807 : i32 to index
        %swap3A_815 = tpu.vector_load %swap3A_812[%swap3A_813, %swap3A_814] {strides = array<i32>} : memref<64x128xf32, #tpu.memory_space<vmem>>, vector<16xf32>,
        tpu.vector_store %swap3A_812[%swap3A_813, %swap3A_814], %gather3A_805 {strides = array<i32>} : memref<64x128xf32, #tpu.memory_space<vmem>>, vector<16xf32>,
        %add3A_816 = arith.constant 34 : i32
        %add3A_817 = vector.broadcast %add3A_816 : i32 to vector<16xi32>
        %add3A_818 = arith.addi %get3A_171, %add3A_817 : vector<16xi32>
        %gather3A_819 = arith.constant 0 : i32
        %gather3A_820 = arith.constant 0 : i32
        %gather3A_821 = arith.constant 0 : i32
        %gather3A_822 = tpu.memref_slice %arg8[%gather3A_819, %gather3A_820, %gather3A_821] : memref<2x128x128xf32, #tpu.memory_space<vmem>> -> memref<1x128x128xf32, #tpu.memory_space<vmem>>
        %gather3A_823 = tpu.memref_squeeze %gather3A_822 : memref<1x128x128xf32, #tpu.memory_space<vmem>> -> memref<128x128xf32, #tpu.memory_space<vmem>>
        %gather3A_824 = tpu.vector_load_idx %gather3A_823[%add3A_165, %add3A_818] : memref<128x128xf32, #tpu.memory_space<vmem>>[vector<16xi32>, vector<16xi32>], vector<16xf32>,
        %mul3A_825 = arith.constant 16 : i32
        %mul3A_826 = arith.muli %scan3A_161, %mul3A_825 : i32
        %swap3A_827 = arith.constant 34 : i32
        %swap3A_828 = arith.constant 0 : i32
        %swap3A_829 = arith.constant 0 : i32
        %swap3A_830 = tpu.memref_slice %arg9[%scan3A_82, %swap3A_828, %swap3A_829] : memref<2x64x128xf32, #tpu.memory_space<vmem>> -> memref<1x64x128xf32, #tpu.memory_space<vmem>>
        %swap3A_831 = tpu.memref_squeeze %swap3A_830 : memref<1x64x128xf32, #tpu.memory_space<vmem>> -> memref<64x128xf32, #tpu.memory_space<vmem>>
        %swap3A_832 = arith.index_cast %swap3A_827 : i32 to index
        %swap3A_833 = arith.index_cast %mul3A_826 : i32 to index
        %swap3A_834 = tpu.vector_load %swap3A_831[%swap3A_832, %swap3A_833] {strides = array<i32>} : memref<64x128xf32, #tpu.memory_space<vmem>>, vector<16xf32>,
        tpu.vector_store %swap3A_831[%swap3A_832, %swap3A_833], %gather3A_824 {strides = array<i32>} : memref<64x128xf32, #tpu.memory_space<vmem>>, vector<16xf32>,
        %add3A_835 = arith.constant 35 : i32
        %add3A_836 = vector.broadcast %add3A_835 : i32 to vector<16xi32>
        %add3A_837 = arith.addi %get3A_171, %add3A_836 : vector<16xi32>
        %gather3A_838 = arith.constant 0 : i32
        %gather3A_839 = arith.constant 0 : i32
        %gather3A_840 = arith.constant 0 : i32
        %gather3A_841 = tpu.memref_slice %arg8[%gather3A_838, %gather3A_839, %gather3A_840] : memref<2x128x128xf32, #tpu.memory_space<vmem>> -> memref<1x128x128xf32, #tpu.memory_space<vmem>>
        %gather3A_842 = tpu.memref_squeeze %gather3A_841 : memref<1x128x128xf32, #tpu.memory_space<vmem>> -> memref<128x128xf32, #tpu.memory_space<vmem>>
        %gather3A_843 = tpu.vector_load_idx %gather3A_842[%add3A_165, %add3A_837] : memref<128x128xf32, #tpu.memory_space<vmem>>[vector<16xi32>, vector<16xi32>], vector<16xf32>,
        %mul3A_844 = arith.constant 16 : i32
        %mul3A_845 = arith.muli %scan3A_161, %mul3A_844 : i32
        %swap3A_846 = arith.constant 35 : i32
        %swap3A_847 = arith.constant 0 : i32
        %swap3A_848 = arith.constant 0 : i32
        %swap3A_849 = tpu.memref_slice %arg9[%scan3A_82, %swap3A_847, %swap3A_848] : memref<2x64x128xf32, #tpu.memory_space<vmem>> -> memref<1x64x128xf32, #tpu.memory_space<vmem>>
        %swap3A_850 = tpu.memref_squeeze %swap3A_849 : memref<1x64x128xf32, #tpu.memory_space<vmem>> -> memref<64x128xf32, #tpu.memory_space<vmem>>
        %swap3A_851 = arith.index_cast %swap3A_846 : i32 to index
        %swap3A_852 = arith.index_cast %mul3A_845 : i32 to index
        %swap3A_853 = tpu.vector_load %swap3A_850[%swap3A_851, %swap3A_852] {strides = array<i32>} : memref<64x128xf32, #tpu.memory_space<vmem>>, vector<16xf32>,
        tpu.vector_store %swap3A_850[%swap3A_851, %swap3A_852], %gather3A_843 {strides = array<i32>} : memref<64x128xf32, #tpu.memory_space<vmem>>, vector<16xf32>,
        %add3A_854 = arith.constant 36 : i32
        %add3A_855 = vector.broadcast %add3A_854 : i32 to vector<16xi32>
        %add3A_856 = arith.addi %get3A_171, %add3A_855 : vector<16xi32>
        %gather3A_857 = arith.constant 0 : i32
        %gather3A_858 = arith.constant 0 : i32
        %gather3A_859 = arith.constant 0 : i32
        %gather3A_860 = tpu.memref_slice %arg8[%gather3A_857, %gather3A_858, %gather3A_859] : memref<2x128x128xf32, #tpu.memory_space<vmem>> -> memref<1x128x128xf32, #tpu.memory_space<vmem>>
        %gather3A_861 = tpu.memref_squeeze %gather3A_860 : memref<1x128x128xf32, #tpu.memory_space<vmem>> -> memref<128x128xf32, #tpu.memory_space<vmem>>
        %gather3A_862 = tpu.vector_load_idx %gather3A_861[%add3A_165, %add3A_856] : memref<128x128xf32, #tpu.memory_space<vmem>>[vector<16xi32>, vector<16xi32>], vector<16xf32>,
        %mul3A_863 = arith.constant 16 : i32
        %mul3A_864 = arith.muli %scan3A_161, %mul3A_863 : i32
        %swap3A_865 = arith.constant 36 : i32
        %swap3A_866 = arith.constant 0 : i32
        %swap3A_867 = arith.constant 0 : i32
        %swap3A_868 = tpu.memref_slice %arg9[%scan3A_82, %swap3A_866, %swap3A_867] : memref<2x64x128xf32, #tpu.memory_space<vmem>> -> memref<1x64x128xf32, #tpu.memory_space<vmem>>
        %swap3A_869 = tpu.memref_squeeze %swap3A_868 : memref<1x64x128xf32, #tpu.memory_space<vmem>> -> memref<64x128xf32, #tpu.memory_space<vmem>>
        %swap3A_870 = arith.index_cast %swap3A_865 : i32 to index
        %swap3A_871 = arith.index_cast %mul3A_864 : i32 to index
        %swap3A_872 = tpu.vector_load %swap3A_869[%swap3A_870, %swap3A_871] {strides = array<i32>} : memref<64x128xf32, #tpu.memory_space<vmem>>, vector<16xf32>,
        tpu.vector_store %swap3A_869[%swap3A_870, %swap3A_871], %gather3A_862 {strides = array<i32>} : memref<64x128xf32, #tpu.memory_space<vmem>>, vector<16xf32>,
        %add3A_873 = arith.constant 37 : i32
        %add3A_874 = vector.broadcast %add3A_873 : i32 to vector<16xi32>
        %add3A_875 = arith.addi %get3A_171, %add3A_874 : vector<16xi32>
        %gather3A_876 = arith.constant 0 : i32
        %gather3A_877 = arith.constant 0 : i32
        %gather3A_878 = arith.constant 0 : i32
        %gather3A_879 = tpu.memref_slice %arg8[%gather3A_876, %gather3A_877, %gather3A_878] : memref<2x128x128xf32, #tpu.memory_space<vmem>> -> memref<1x128x128xf32, #tpu.memory_space<vmem>>
        %gather3A_880 = tpu.memref_squeeze %gather3A_879 : memref<1x128x128xf32, #tpu.memory_space<vmem>> -> memref<128x128xf32, #tpu.memory_space<vmem>>
        %gather3A_881 = tpu.vector_load_idx %gather3A_880[%add3A_165, %add3A_875] : memref<128x128xf32, #tpu.memory_space<vmem>>[vector<16xi32>, vector<16xi32>], vector<16xf32>,
        %mul3A_882 = arith.constant 16 : i32
        %mul3A_883 = arith.muli %scan3A_161, %mul3A_882 : i32
        %swap3A_884 = arith.constant 37 : i32
        %swap3A_885 = arith.constant 0 : i32
        %swap3A_886 = arith.constant 0 : i32
        %swap3A_887 = tpu.memref_slice %arg9[%scan3A_82, %swap3A_885, %swap3A_886] : memref<2x64x128xf32, #tpu.memory_space<vmem>> -> memref<1x64x128xf32, #tpu.memory_space<vmem>>
        %swap3A_888 = tpu.memref_squeeze %swap3A_887 : memref<1x64x128xf32, #tpu.memory_space<vmem>> -> memref<64x128xf32, #tpu.memory_space<vmem>>
        %swap3A_889 = arith.index_cast %swap3A_884 : i32 to index
        %swap3A_890 = arith.index_cast %mul3A_883 : i32 to index
        %swap3A_891 = tpu.vector_load %swap3A_888[%swap3A_889, %swap3A_890] {strides = array<i32>} : memref<64x128xf32, #tpu.memory_space<vmem>>, vector<16xf32>,
        tpu.vector_store %swap3A_888[%swap3A_889, %swap3A_890], %gather3A_881 {strides = array<i32>} : memref<64x128xf32, #tpu.memory_space<vmem>>, vector<16xf32>,
        %add3A_892 = arith.constant 38 : i32
        %add3A_893 = vector.broadcast %add3A_892 : i32 to vector<16xi32>
        %add3A_894 = arith.addi %get3A_171, %add3A_893 : vector<16xi32>
        %gather3A_895 = arith.constant 0 : i32
        %gather3A_896 = arith.constant 0 : i32
        %gather3A_897 = arith.constant 0 : i32
        %gather3A_898 = tpu.memref_slice %arg8[%gather3A_895, %gather3A_896, %gather3A_897] : memref<2x128x128xf32, #tpu.memory_space<vmem>> -> memref<1x128x128xf32, #tpu.memory_space<vmem>>
        %gather3A_899 = tpu.memref_squeeze %gather3A_898 : memref<1x128x128xf32, #tpu.memory_space<vmem>> -> memref<128x128xf32, #tpu.memory_space<vmem>>
        %gather3A_900 = tpu.vector_load_idx %gather3A_899[%add3A_165, %add3A_894] : memref<128x128xf32, #tpu.memory_space<vmem>>[vector<16xi32>, vector<16xi32>], vector<16xf32>,
        %mul3A_901 = arith.constant 16 : i32
        %mul3A_902 = arith.muli %scan3A_161, %mul3A_901 : i32
        %swap3A_903 = arith.constant 38 : i32
        %swap3A_904 = arith.constant 0 : i32
        %swap3A_905 = arith.constant 0 : i32
        %swap3A_906 = tpu.memref_slice %arg9[%scan3A_82, %swap3A_904, %swap3A_905] : memref<2x64x128xf32, #tpu.memory_space<vmem>> -> memref<1x64x128xf32, #tpu.memory_space<vmem>>
        %swap3A_907 = tpu.memref_squeeze %swap3A_906 : memref<1x64x128xf32, #tpu.memory_space<vmem>> -> memref<64x128xf32, #tpu.memory_space<vmem>>
        %swap3A_908 = arith.index_cast %swap3A_903 : i32 to index
        %swap3A_909 = arith.index_cast %mul3A_902 : i32 to index
        %swap3A_910 = tpu.vector_load %swap3A_907[%swap3A_908, %swap3A_909] {strides = array<i32>} : memref<64x128xf32, #tpu.memory_space<vmem>>, vector<16xf32>,
        tpu.vector_store %swap3A_907[%swap3A_908, %swap3A_909], %gather3A_900 {strides = array<i32>} : memref<64x128xf32, #tpu.memory_space<vmem>>, vector<16xf32>,
        %add3A_911 = arith.constant 39 : i32
        %add3A_912 = vector.broadcast %add3A_911 : i32 to vector<16xi32>
        %add3A_913 = arith.addi %get3A_171, %add3A_912 : vector<16xi32>
        %gather3A_914 = arith.constant 0 : i32
        %gather3A_915 = arith.constant 0 : i32
        %gather3A_916 = arith.constant 0 : i32
        %gather3A_917 = tpu.memref_slice %arg8[%gather3A_914, %gather3A_915, %gather3A_916] : memref<2x128x128xf32, #tpu.memory_space<vmem>> -> memref<1x128x128xf32, #tpu.memory_space<vmem>>
        %gather3A_918 = tpu.memref_squeeze %gather3A_917 : memref<1x128x128xf32, #tpu.memory_space<vmem>> -> memref<128x128xf32, #tpu.memory_space<vmem>>
        %gather3A_919 = tpu.vector_load_idx %gather3A_918[%add3A_165, %add3A_913] : memref<128x128xf32, #tpu.memory_space<vmem>>[vector<16xi32>, vector<16xi32>], vector<16xf32>,
        %mul3A_920 = arith.constant 16 : i32
        %mul3A_921 = arith.muli %scan3A_161, %mul3A_920 : i32
        %swap3A_922 = arith.constant 39 : i32
        %swap3A_923 = arith.constant 0 : i32
        %swap3A_924 = arith.constant 0 : i32
        %swap3A_925 = tpu.memref_slice %arg9[%scan3A_82, %swap3A_923, %swap3A_924] : memref<2x64x128xf32, #tpu.memory_space<vmem>> -> memref<1x64x128xf32, #tpu.memory_space<vmem>>
        %swap3A_926 = tpu.memref_squeeze %swap3A_925 : memref<1x64x128xf32, #tpu.memory_space<vmem>> -> memref<64x128xf32, #tpu.memory_space<vmem>>
        %swap3A_927 = arith.index_cast %swap3A_922 : i32 to index
        %swap3A_928 = arith.index_cast %mul3A_921 : i32 to index
        %swap3A_929 = tpu.vector_load %swap3A_926[%swap3A_927, %swap3A_928] {strides = array<i32>} : memref<64x128xf32, #tpu.memory_space<vmem>>, vector<16xf32>,
        tpu.vector_store %swap3A_926[%swap3A_927, %swap3A_928], %gather3A_919 {strides = array<i32>} : memref<64x128xf32, #tpu.memory_space<vmem>>, vector<16xf32>,
        %add3A_930 = arith.constant 40 : i32
        %add3A_931 = vector.broadcast %add3A_930 : i32 to vector<16xi32>
        %add3A_932 = arith.addi %get3A_171, %add3A_931 : vector<16xi32>
        %gather3A_933 = arith.constant 0 : i32
        %gather3A_934 = arith.constant 0 : i32
        %gather3A_935 = arith.constant 0 : i32
        %gather3A_936 = tpu.memref_slice %arg8[%gather3A_933, %gather3A_934, %gather3A_935] : memref<2x128x128xf32, #tpu.memory_space<vmem>> -> memref<1x128x128xf32, #tpu.memory_space<vmem>>
        %gather3A_937 = tpu.memref_squeeze %gather3A_936 : memref<1x128x128xf32, #tpu.memory_space<vmem>> -> memref<128x128xf32, #tpu.memory_space<vmem>>
        %gather3A_938 = tpu.vector_load_idx %gather3A_937[%add3A_165, %add3A_932] : memref<128x128xf32, #tpu.memory_space<vmem>>[vector<16xi32>, vector<16xi32>], vector<16xf32>,
        %mul3A_939 = arith.constant 16 : i32
        %mul3A_940 = arith.muli %scan3A_161, %mul3A_939 : i32
        %swap3A_941 = arith.constant 40 : i32
        %swap3A_942 = arith.constant 0 : i32
        %swap3A_943 = arith.constant 0 : i32
        %swap3A_944 = tpu.memref_slice %arg9[%scan3A_82, %swap3A_942, %swap3A_943] : memref<2x64x128xf32, #tpu.memory_space<vmem>> -> memref<1x64x128xf32, #tpu.memory_space<vmem>>
        %swap3A_945 = tpu.memref_squeeze %swap3A_944 : memref<1x64x128xf32, #tpu.memory_space<vmem>> -> memref<64x128xf32, #tpu.memory_space<vmem>>
        %swap3A_946 = arith.index_cast %swap3A_941 : i32 to index
        %swap3A_947 = arith.index_cast %mul3A_940 : i32 to index
        %swap3A_948 = tpu.vector_load %swap3A_945[%swap3A_946, %swap3A_947] {strides = array<i32>} : memref<64x128xf32, #tpu.memory_space<vmem>>, vector<16xf32>,
        tpu.vector_store %swap3A_945[%swap3A_946, %swap3A_947], %gather3A_938 {strides = array<i32>} : memref<64x128xf32, #tpu.memory_space<vmem>>, vector<16xf32>,
        %add3A_949 = arith.constant 41 : i32
        %add3A_950 = vector.broadcast %add3A_949 : i32 to vector<16xi32>
        %add3A_951 = arith.addi %get3A_171, %add3A_950 : vector<16xi32>
        %gather3A_952 = arith.constant 0 : i32
        %gather3A_953 = arith.constant 0 : i32
        %gather3A_954 = arith.constant 0 : i32
        %gather3A_955 = tpu.memref_slice %arg8[%gather3A_952, %gather3A_953, %gather3A_954] : memref<2x128x128xf32, #tpu.memory_space<vmem>> -> memref<1x128x128xf32, #tpu.memory_space<vmem>>
        %gather3A_956 = tpu.memref_squeeze %gather3A_955 : memref<1x128x128xf32, #tpu.memory_space<vmem>> -> memref<128x128xf32, #tpu.memory_space<vmem>>
        %gather3A_957 = tpu.vector_load_idx %gather3A_956[%add3A_165, %add3A_951] : memref<128x128xf32, #tpu.memory_space<vmem>>[vector<16xi32>, vector<16xi32>], vector<16xf32>,
        %mul3A_958 = arith.constant 16 : i32
        %mul3A_959 = arith.muli %scan3A_161, %mul3A_958 : i32
        %swap3A_960 = arith.constant 41 : i32
        %swap3A_961 = arith.constant 0 : i32
        %swap3A_962 = arith.constant 0 : i32
        %swap3A_963 = tpu.memref_slice %arg9[%scan3A_82, %swap3A_961, %swap3A_962] : memref<2x64x128xf32, #tpu.memory_space<vmem>> -> memref<1x64x128xf32, #tpu.memory_space<vmem>>
        %swap3A_964 = tpu.memref_squeeze %swap3A_963 : memref<1x64x128xf32, #tpu.memory_space<vmem>> -> memref<64x128xf32, #tpu.memory_space<vmem>>
        %swap3A_965 = arith.index_cast %swap3A_960 : i32 to index
        %swap3A_966 = arith.index_cast %mul3A_959 : i32 to index
        %swap3A_967 = tpu.vector_load %swap3A_964[%swap3A_965, %swap3A_966] {strides = array<i32>} : memref<64x128xf32, #tpu.memory_space<vmem>>, vector<16xf32>,
        tpu.vector_store %swap3A_964[%swap3A_965, %swap3A_966], %gather3A_957 {strides = array<i32>} : memref<64x128xf32, #tpu.memory_space<vmem>>, vector<16xf32>,
        %add3A_968 = arith.constant 42 : i32
        %add3A_969 = vector.broadcast %add3A_968 : i32 to vector<16xi32>
        %add3A_970 = arith.addi %get3A_171, %add3A_969 : vector<16xi32>
        %gather3A_971 = arith.constant 0 : i32
        %gather3A_972 = arith.constant 0 : i32
        %gather3A_973 = arith.constant 0 : i32
        %gather3A_974 = tpu.memref_slice %arg8[%gather3A_971, %gather3A_972, %gather3A_973] : memref<2x128x128xf32, #tpu.memory_space<vmem>> -> memref<1x128x128xf32, #tpu.memory_space<vmem>>
        %gather3A_975 = tpu.memref_squeeze %gather3A_974 : memref<1x128x128xf32, #tpu.memory_space<vmem>> -> memref<128x128xf32, #tpu.memory_space<vmem>>
        %gather3A_976 = tpu.vector_load_idx %gather3A_975[%add3A_165, %add3A_970] : memref<128x128xf32, #tpu.memory_space<vmem>>[vector<16xi32>, vector<16xi32>], vector<16xf32>,
        %mul3A_977 = arith.constant 16 : i32
        %mul3A_978 = arith.muli %scan3A_161, %mul3A_977 : i32
        %swap3A_979 = arith.constant 42 : i32
        %swap3A_980 = arith.constant 0 : i32
        %swap3A_981 = arith.constant 0 : i32
        %swap3A_982 = tpu.memref_slice %arg9[%scan3A_82, %swap3A_980, %swap3A_981] : memref<2x64x128xf32, #tpu.memory_space<vmem>> -> memref<1x64x128xf32, #tpu.memory_space<vmem>>
        %swap3A_983 = tpu.memref_squeeze %swap3A_982 : memref<1x64x128xf32, #tpu.memory_space<vmem>> -> memref<64x128xf32, #tpu.memory_space<vmem>>
        %swap3A_984 = arith.index_cast %swap3A_979 : i32 to index
        %swap3A_985 = arith.index_cast %mul3A_978 : i32 to index
        %swap3A_986 = tpu.vector_load %swap3A_983[%swap3A_984, %swap3A_985] {strides = array<i32>} : memref<64x128xf32, #tpu.memory_space<vmem>>, vector<16xf32>,
        tpu.vector_store %swap3A_983[%swap3A_984, %swap3A_985], %gather3A_976 {strides = array<i32>} : memref<64x128xf32, #tpu.memory_space<vmem>>, vector<16xf32>,
        %add3A_987 = arith.constant 43 : i32
        %add3A_988 = vector.broadcast %add3A_987 : i32 to vector<16xi32>
        %add3A_989 = arith.addi %get3A_171, %add3A_988 : vector<16xi32>
        %gather3A_990 = arith.constant 0 : i32
        %gather3A_991 = arith.constant 0 : i32
        %gather3A_992 = arith.constant 0 : i32
        %gather3A_993 = tpu.memref_slice %arg8[%gather3A_990, %gather3A_991, %gather3A_992] : memref<2x128x128xf32, #tpu.memory_space<vmem>> -> memref<1x128x128xf32, #tpu.memory_space<vmem>>
        %gather3A_994 = tpu.memref_squeeze %gather3A_993 : memref<1x128x128xf32, #tpu.memory_space<vmem>> -> memref<128x128xf32, #tpu.memory_space<vmem>>
        %gather3A_995 = tpu.vector_load_idx %gather3A_994[%add3A_165, %add3A_989] : memref<128x128xf32, #tpu.memory_space<vmem>>[vector<16xi32>, vector<16xi32>], vector<16xf32>,
        %mul3A_996 = arith.constant 16 : i32
        %mul3A_997 = arith.muli %scan3A_161, %mul3A_996 : i32
        %swap3A_998 = arith.constant 43 : i32
        %swap3A_999 = arith.constant 0 : i32
        %swap3A_1000 = arith.constant 0 : i32
        %swap3A_1001 = tpu.memref_slice %arg9[%scan3A_82, %swap3A_999, %swap3A_1000] : memref<2x64x128xf32, #tpu.memory_space<vmem>> -> memref<1x64x128xf32, #tpu.memory_space<vmem>>
        %swap3A_1002 = tpu.memref_squeeze %swap3A_1001 : memref<1x64x128xf32, #tpu.memory_space<vmem>> -> memref<64x128xf32, #tpu.memory_space<vmem>>
        %swap3A_1003 = arith.index_cast %swap3A_998 : i32 to index
        %swap3A_1004 = arith.index_cast %mul3A_997 : i32 to index
        %swap3A_1005 = tpu.vector_load %swap3A_1002[%swap3A_1003, %swap3A_1004] {strides = array<i32>} : memref<64x128xf32, #tpu.memory_space<vmem>>, vector<16xf32>,
        tpu.vector_store %swap3A_1002[%swap3A_1003, %swap3A_1004], %gather3A_995 {strides = array<i32>} : memref<64x128xf32, #tpu.memory_space<vmem>>, vector<16xf32>,
        %add3A_1006 = arith.constant 44 : i32
        %add3A_1007 = vector.broadcast %add3A_1006 : i32 to vector<16xi32>
        %add3A_1008 = arith.addi %get3A_171, %add3A_1007 : vector<16xi32>
        %gather3A_1009 = arith.constant 0 : i32
        %gather3A_1010 = arith.constant 0 : i32
        %gather3A_1011 = arith.constant 0 : i32
        %gather3A_1012 = tpu.memref_slice %arg8[%gather3A_1009, %gather3A_1010, %gather3A_1011] : memref<2x128x128xf32, #tpu.memory_space<vmem>> -> memref<1x128x128xf32, #tpu.memory_space<vmem>>
        %gather3A_1013 = tpu.memref_squeeze %gather3A_1012 : memref<1x128x128xf32, #tpu.memory_space<vmem>> -> memref<128x128xf32, #tpu.memory_space<vmem>>
        %gather3A_1014 = tpu.vector_load_idx %gather3A_1013[%add3A_165, %add3A_1008] : memref<128x128xf32, #tpu.memory_space<vmem>>[vector<16xi32>, vector<16xi32>], vector<16xf32>,
        %mul3A_1015 = arith.constant 16 : i32
        %mul3A_1016 = arith.muli %scan3A_161, %mul3A_1015 : i32
        %swap3A_1017 = arith.constant 44 : i32
        %swap3A_1018 = arith.constant 0 : i32
        %swap3A_1019 = arith.constant 0 : i32
        %swap3A_1020 = tpu.memref_slice %arg9[%scan3A_82, %swap3A_1018, %swap3A_1019] : memref<2x64x128xf32, #tpu.memory_space<vmem>> -> memref<1x64x128xf32, #tpu.memory_space<vmem>>
        %swap3A_1021 = tpu.memref_squeeze %swap3A_1020 : memref<1x64x128xf32, #tpu.memory_space<vmem>> -> memref<64x128xf32, #tpu.memory_space<vmem>>
        %swap3A_1022 = arith.index_cast %swap3A_1017 : i32 to index
        %swap3A_1023 = arith.index_cast %mul3A_1016 : i32 to index
        %swap3A_1024 = tpu.vector_load %swap3A_1021[%swap3A_1022, %swap3A_1023] {strides = array<i32>} : memref<64x128xf32, #tpu.memory_space<vmem>>, vector<16xf32>,
        tpu.vector_store %swap3A_1021[%swap3A_1022, %swap3A_1023], %gather3A_1014 {strides = array<i32>} : memref<64x128xf32, #tpu.memory_space<vmem>>, vector<16xf32>,
        %add3A_1025 = arith.constant 45 : i32
        %add3A_1026 = vector.broadcast %add3A_1025 : i32 to vector<16xi32>
        %add3A_1027 = arith.addi %get3A_171, %add3A_1026 : vector<16xi32>
        %gather3A_1028 = arith.constant 0 : i32
        %gather3A_1029 = arith.constant 0 : i32
        %gather3A_1030 = arith.constant 0 : i32
        %gather3A_1031 = tpu.memref_slice %arg8[%gather3A_1028, %gather3A_1029, %gather3A_1030] : memref<2x128x128xf32, #tpu.memory_space<vmem>> -> memref<1x128x128xf32, #tpu.memory_space<vmem>>
        %gather3A_1032 = tpu.memref_squeeze %gather3A_1031 : memref<1x128x128xf32, #tpu.memory_space<vmem>> -> memref<128x128xf32, #tpu.memory_space<vmem>>
        %gather3A_1033 = tpu.vector_load_idx %gather3A_1032[%add3A_165, %add3A_1027] : memref<128x128xf32, #tpu.memory_space<vmem>>[vector<16xi32>, vector<16xi32>], vector<16xf32>,
        %mul3A_1034 = arith.constant 16 : i32
        %mul3A_1035 = arith.muli %scan3A_161, %mul3A_1034 : i32
        %swap3A_1036 = arith.constant 45 : i32
        %swap3A_1037 = arith.constant 0 : i32
        %swap3A_1038 = arith.constant 0 : i32
        %swap3A_1039 = tpu.memref_slice %arg9[%scan3A_82, %swap3A_1037, %swap3A_1038] : memref<2x64x128xf32, #tpu.memory_space<vmem>> -> memref<1x64x128xf32, #tpu.memory_space<vmem>>
        %swap3A_1040 = tpu.memref_squeeze %swap3A_1039 : memref<1x64x128xf32, #tpu.memory_space<vmem>> -> memref<64x128xf32, #tpu.memory_space<vmem>>
        %swap3A_1041 = arith.index_cast %swap3A_1036 : i32 to index
        %swap3A_1042 = arith.index_cast %mul3A_1035 : i32 to index
        %swap3A_1043 = tpu.vector_load %swap3A_1040[%swap3A_1041, %swap3A_1042] {strides = array<i32>} : memref<64x128xf32, #tpu.memory_space<vmem>>, vector<16xf32>,
        tpu.vector_store %swap3A_1040[%swap3A_1041, %swap3A_1042], %gather3A_1033 {strides = array<i32>} : memref<64x128xf32, #tpu.memory_space<vmem>>, vector<16xf32>,
        %add3A_1044 = arith.constant 46 : i32
        %add3A_1045 = vector.broadcast %add3A_1044 : i32 to vector<16xi32>
        %add3A_1046 = arith.addi %get3A_171, %add3A_1045 : vector<16xi32>
        %gather3A_1047 = arith.constant 0 : i32
        %gather3A_1048 = arith.constant 0 : i32
        %gather3A_1049 = arith.constant 0 : i32
        %gather3A_1050 = tpu.memref_slice %arg8[%gather3A_1047, %gather3A_1048, %gather3A_1049] : memref<2x128x128xf32, #tpu.memory_space<vmem>> -> memref<1x128x128xf32, #tpu.memory_space<vmem>>
        %gather3A_1051 = tpu.memref_squeeze %gather3A_1050 : memref<1x128x128xf32, #tpu.memory_space<vmem>> -> memref<128x128xf32, #tpu.memory_space<vmem>>
        %gather3A_1052 = tpu.vector_load_idx %gather3A_1051[%add3A_165, %add3A_1046] : memref<128x128xf32, #tpu.memory_space<vmem>>[vector<16xi32>, vector<16xi32>], vector<16xf32>,
        %mul3A_1053 = arith.constant 16 : i32
        %mul3A_1054 = arith.muli %scan3A_161, %mul3A_1053 : i32
        %swap3A_1055 = arith.constant 46 : i32
        %swap3A_1056 = arith.constant 0 : i32
        %swap3A_1057 = arith.constant 0 : i32
        %swap3A_1058 = tpu.memref_slice %arg9[%scan3A_82, %swap3A_1056, %swap3A_1057] : memref<2x64x128xf32, #tpu.memory_space<vmem>> -> memref<1x64x128xf32, #tpu.memory_space<vmem>>
        %swap3A_1059 = tpu.memref_squeeze %swap3A_1058 : memref<1x64x128xf32, #tpu.memory_space<vmem>> -> memref<64x128xf32, #tpu.memory_space<vmem>>
        %swap3A_1060 = arith.index_cast %swap3A_1055 : i32 to index
        %swap3A_1061 = arith.index_cast %mul3A_1054 : i32 to index
        %swap3A_1062 = tpu.vector_load %swap3A_1059[%swap3A_1060, %swap3A_1061] {strides = array<i32>} : memref<64x128xf32, #tpu.memory_space<vmem>>, vector<16xf32>,
        tpu.vector_store %swap3A_1059[%swap3A_1060, %swap3A_1061], %gather3A_1052 {strides = array<i32>} : memref<64x128xf32, #tpu.memory_space<vmem>>, vector<16xf32>,
        %add3A_1063 = arith.constant 47 : i32
        %add3A_1064 = vector.broadcast %add3A_1063 : i32 to vector<16xi32>
        %add3A_1065 = arith.addi %get3A_171, %add3A_1064 : vector<16xi32>
        %gather3A_1066 = arith.constant 0 : i32
        %gather3A_1067 = arith.constant 0 : i32
        %gather3A_1068 = arith.constant 0 : i32
        %gather3A_1069 = tpu.memref_slice %arg8[%gather3A_1066, %gather3A_1067, %gather3A_1068] : memref<2x128x128xf32, #tpu.memory_space<vmem>> -> memref<1x128x128xf32, #tpu.memory_space<vmem>>
        %gather3A_1070 = tpu.memref_squeeze %gather3A_1069 : memref<1x128x128xf32, #tpu.memory_space<vmem>> -> memref<128x128xf32, #tpu.memory_space<vmem>>
        %gather3A_1071 = tpu.vector_load_idx %gather3A_1070[%add3A_165, %add3A_1065] : memref<128x128xf32, #tpu.memory_space<vmem>>[vector<16xi32>, vector<16xi32>], vector<16xf32>,
        %mul3A_1072 = arith.constant 16 : i32
        %mul3A_1073 = arith.muli %scan3A_161, %mul3A_1072 : i32
        %swap3A_1074 = arith.constant 47 : i32
        %swap3A_1075 = arith.constant 0 : i32
        %swap3A_1076 = arith.constant 0 : i32
        %swap3A_1077 = tpu.memref_slice %arg9[%scan3A_82, %swap3A_1075, %swap3A_1076] : memref<2x64x128xf32, #tpu.memory_space<vmem>> -> memref<1x64x128xf32, #tpu.memory_space<vmem>>
        %swap3A_1078 = tpu.memref_squeeze %swap3A_1077 : memref<1x64x128xf32, #tpu.memory_space<vmem>> -> memref<64x128xf32, #tpu.memory_space<vmem>>
        %swap3A_1079 = arith.index_cast %swap3A_1074 : i32 to index
        %swap3A_1080 = arith.index_cast %mul3A_1073 : i32 to index
        %swap3A_1081 = tpu.vector_load %swap3A_1078[%swap3A_1079, %swap3A_1080] {strides = array<i32>} : memref<64x128xf32, #tpu.memory_space<vmem>>, vector<16xf32>,
        tpu.vector_store %swap3A_1078[%swap3A_1079, %swap3A_1080], %gather3A_1071 {strides = array<i32>} : memref<64x128xf32, #tpu.memory_space<vmem>>, vector<16xf32>,
        %add3A_1082 = arith.constant 48 : i32
        %add3A_1083 = vector.broadcast %add3A_1082 : i32 to vector<16xi32>
        %add3A_1084 = arith.addi %get3A_171, %add3A_1083 : vector<16xi32>
        %gather3A_1085 = arith.constant 0 : i32
        %gather3A_1086 = arith.constant 0 : i32
        %gather3A_1087 = arith.constant 0 : i32
        %gather3A_1088 = tpu.memref_slice %arg8[%gather3A_1085, %gather3A_1086, %gather3A_1087] : memref<2x128x128xf32, #tpu.memory_space<vmem>> -> memref<1x128x128xf32, #tpu.memory_space<vmem>>
        %gather3A_1089 = tpu.memref_squeeze %gather3A_1088 : memref<1x128x128xf32, #tpu.memory_space<vmem>> -> memref<128x128xf32, #tpu.memory_space<vmem>>
        %gather3A_1090 = tpu.vector_load_idx %gather3A_1089[%add3A_165, %add3A_1084] : memref<128x128xf32, #tpu.memory_space<vmem>>[vector<16xi32>, vector<16xi32>], vector<16xf32>,
        %mul3A_1091 = arith.constant 16 : i32
        %mul3A_1092 = arith.muli %scan3A_161, %mul3A_1091 : i32
        %swap3A_1093 = arith.constant 48 : i32
        %swap3A_1094 = arith.constant 0 : i32
        %swap3A_1095 = arith.constant 0 : i32
        %swap3A_1096 = tpu.memref_slice %arg9[%scan3A_82, %swap3A_1094, %swap3A_1095] : memref<2x64x128xf32, #tpu.memory_space<vmem>> -> memref<1x64x128xf32, #tpu.memory_space<vmem>>
        %swap3A_1097 = tpu.memref_squeeze %swap3A_1096 : memref<1x64x128xf32, #tpu.memory_space<vmem>> -> memref<64x128xf32, #tpu.memory_space<vmem>>
        %swap3A_1098 = arith.index_cast %swap3A_1093 : i32 to index
        %swap3A_1099 = arith.index_cast %mul3A_1092 : i32 to index
        %swap3A_1100 = tpu.vector_load %swap3A_1097[%swap3A_1098, %swap3A_1099] {strides = array<i32>} : memref<64x128xf32, #tpu.memory_space<vmem>>, vector<16xf32>,
        tpu.vector_store %swap3A_1097[%swap3A_1098, %swap3A_1099], %gather3A_1090 {strides = array<i32>} : memref<64x128xf32, #tpu.memory_space<vmem>>, vector<16xf32>,
        %add3A_1101 = arith.constant 49 : i32
        %add3A_1102 = vector.broadcast %add3A_1101 : i32 to vector<16xi32>
        %add3A_1103 = arith.addi %get3A_171, %add3A_1102 : vector<16xi32>
        %gather3A_1104 = arith.constant 0 : i32
        %gather3A_1105 = arith.constant 0 : i32
        %gather3A_1106 = arith.constant 0 : i32
        %gather3A_1107 = tpu.memref_slice %arg8[%gather3A_1104, %gather3A_1105, %gather3A_1106] : memref<2x128x128xf32, #tpu.memory_space<vmem>> -> memref<1x128x128xf32, #tpu.memory_space<vmem>>
        %gather3A_1108 = tpu.memref_squeeze %gather3A_1107 : memref<1x128x128xf32, #tpu.memory_space<vmem>> -> memref<128x128xf32, #tpu.memory_space<vmem>>
        %gather3A_1109 = tpu.vector_load_idx %gather3A_1108[%add3A_165, %add3A_1103] : memref<128x128xf32, #tpu.memory_space<vmem>>[vector<16xi32>, vector<16xi32>], vector<16xf32>,
        %mul3A_1110 = arith.constant 16 : i32
        %mul3A_1111 = arith.muli %scan3A_161, %mul3A_1110 : i32
        %swap3A_1112 = arith.constant 49 : i32
        %swap3A_1113 = arith.constant 0 : i32
        %swap3A_1114 = arith.constant 0 : i32
        %swap3A_1115 = tpu.memref_slice %arg9[%scan3A_82, %swap3A_1113, %swap3A_1114] : memref<2x64x128xf32, #tpu.memory_space<vmem>> -> memref<1x64x128xf32, #tpu.memory_space<vmem>>
        %swap3A_1116 = tpu.memref_squeeze %swap3A_1115 : memref<1x64x128xf32, #tpu.memory_space<vmem>> -> memref<64x128xf32, #tpu.memory_space<vmem>>
        %swap3A_1117 = arith.index_cast %swap3A_1112 : i32 to index
        %swap3A_1118 = arith.index_cast %mul3A_1111 : i32 to index
        %swap3A_1119 = tpu.vector_load %swap3A_1116[%swap3A_1117, %swap3A_1118] {strides = array<i32>} : memref<64x128xf32, #tpu.memory_space<vmem>>, vector<16xf32>,
        tpu.vector_store %swap3A_1116[%swap3A_1117, %swap3A_1118], %gather3A_1109 {strides = array<i32>} : memref<64x128xf32, #tpu.memory_space<vmem>>, vector<16xf32>,
        %add3A_1120 = arith.constant 50 : i32
        %add3A_1121 = vector.broadcast %add3A_1120 : i32 to vector<16xi32>
        %add3A_1122 = arith.addi %get3A_171, %add3A_1121 : vector<16xi32>
        %gather3A_1123 = arith.constant 0 : i32
        %gather3A_1124 = arith.constant 0 : i32
        %gather3A_1125 = arith.constant 0 : i32
        %gather3A_1126 = tpu.memref_slice %arg8[%gather3A_1123, %gather3A_1124, %gather3A_1125] : memref<2x128x128xf32, #tpu.memory_space<vmem>> -> memref<1x128x128xf32, #tpu.memory_space<vmem>>
        %gather3A_1127 = tpu.memref_squeeze %gather3A_1126 : memref<1x128x128xf32, #tpu.memory_space<vmem>> -> memref<128x128xf32, #tpu.memory_space<vmem>>
        %gather3A_1128 = tpu.vector_load_idx %gather3A_1127[%add3A_165, %add3A_1122] : memref<128x128xf32, #tpu.memory_space<vmem>>[vector<16xi32>, vector<16xi32>], vector<16xf32>,
        %mul3A_1129 = arith.constant 16 : i32
        %mul3A_1130 = arith.muli %scan3A_161, %mul3A_1129 : i32
        %swap3A_1131 = arith.constant 50 : i32
        %swap3A_1132 = arith.constant 0 : i32
        %swap3A_1133 = arith.constant 0 : i32
        %swap3A_1134 = tpu.memref_slice %arg9[%scan3A_82, %swap3A_1132, %swap3A_1133] : memref<2x64x128xf32, #tpu.memory_space<vmem>> -> memref<1x64x128xf32, #tpu.memory_space<vmem>>
        %swap3A_1135 = tpu.memref_squeeze %swap3A_1134 : memref<1x64x128xf32, #tpu.memory_space<vmem>> -> memref<64x128xf32, #tpu.memory_space<vmem>>
        %swap3A_1136 = arith.index_cast %swap3A_1131 : i32 to index
        %swap3A_1137 = arith.index_cast %mul3A_1130 : i32 to index
        %swap3A_1138 = tpu.vector_load %swap3A_1135[%swap3A_1136, %swap3A_1137] {strides = array<i32>} : memref<64x128xf32, #tpu.memory_space<vmem>>, vector<16xf32>,
        tpu.vector_store %swap3A_1135[%swap3A_1136, %swap3A_1137], %gather3A_1128 {strides = array<i32>} : memref<64x128xf32, #tpu.memory_space<vmem>>, vector<16xf32>,
        %add3A_1139 = arith.constant 51 : i32
        %add3A_1140 = vector.broadcast %add3A_1139 : i32 to vector<16xi32>
        %add3A_1141 = arith.addi %get3A_171, %add3A_1140 : vector<16xi32>
        %gather3A_1142 = arith.constant 0 : i32
        %gather3A_1143 = arith.constant 0 : i32
        %gather3A_1144 = arith.constant 0 : i32
        %gather3A_1145 = tpu.memref_slice %arg8[%gather3A_1142, %gather3A_1143, %gather3A_1144] : memref<2x128x128xf32, #tpu.memory_space<vmem>> -> memref<1x128x128xf32, #tpu.memory_space<vmem>>
        %gather3A_1146 = tpu.memref_squeeze %gather3A_1145 : memref<1x128x128xf32, #tpu.memory_space<vmem>> -> memref<128x128xf32, #tpu.memory_space<vmem>>
        %gather3A_1147 = tpu.vector_load_idx %gather3A_1146[%add3A_165, %add3A_1141] : memref<128x128xf32, #tpu.memory_space<vmem>>[vector<16xi32>, vector<16xi32>], vector<16xf32>,
        %mul3A_1148 = arith.constant 16 : i32
        %mul3A_1149 = arith.muli %scan3A_161, %mul3A_1148 : i32
        %swap3A_1150 = arith.constant 51 : i32
        %swap3A_1151 = arith.constant 0 : i32
        %swap3A_1152 = arith.constant 0 : i32
        %swap3A_1153 = tpu.memref_slice %arg9[%scan3A_82, %swap3A_1151, %swap3A_1152] : memref<2x64x128xf32, #tpu.memory_space<vmem>> -> memref<1x64x128xf32, #tpu.memory_space<vmem>>
        %swap3A_1154 = tpu.memref_squeeze %swap3A_1153 : memref<1x64x128xf32, #tpu.memory_space<vmem>> -> memref<64x128xf32, #tpu.memory_space<vmem>>
        %swap3A_1155 = arith.index_cast %swap3A_1150 : i32 to index
        %swap3A_1156 = arith.index_cast %mul3A_1149 : i32 to index
        %swap3A_1157 = tpu.vector_load %swap3A_1154[%swap3A_1155, %swap3A_1156] {strides = array<i32>} : memref<64x128xf32, #tpu.memory_space<vmem>>, vector<16xf32>,
        tpu.vector_store %swap3A_1154[%swap3A_1155, %swap3A_1156], %gather3A_1147 {strides = array<i32>} : memref<64x128xf32, #tpu.memory_space<vmem>>, vector<16xf32>,
        %add3A_1158 = arith.constant 52 : i32
        %add3A_1159 = vector.broadcast %add3A_1158 : i32 to vector<16xi32>
        %add3A_1160 = arith.addi %get3A_171, %add3A_1159 : vector<16xi32>
        %gather3A_1161 = arith.constant 0 : i32
        %gather3A_1162 = arith.constant 0 : i32
        %gather3A_1163 = arith.constant 0 : i32
        %gather3A_1164 = tpu.memref_slice %arg8[%gather3A_1161, %gather3A_1162, %gather3A_1163] : memref<2x128x128xf32, #tpu.memory_space<vmem>> -> memref<1x128x128xf32, #tpu.memory_space<vmem>>
        %gather3A_1165 = tpu.memref_squeeze %gather3A_1164 : memref<1x128x128xf32, #tpu.memory_space<vmem>> -> memref<128x128xf32, #tpu.memory_space<vmem>>
        %gather3A_1166 = tpu.vector_load_idx %gather3A_1165[%add3A_165, %add3A_1160] : memref<128x128xf32, #tpu.memory_space<vmem>>[vector<16xi32>, vector<16xi32>], vector<16xf32>,
        %mul3A_1167 = arith.constant 16 : i32
        %mul3A_1168 = arith.muli %scan3A_161, %mul3A_1167 : i32
        %swap3A_1169 = arith.constant 52 : i32
        %swap3A_1170 = arith.constant 0 : i32
        %swap3A_1171 = arith.constant 0 : i32
        %swap3A_1172 = tpu.memref_slice %arg9[%scan3A_82, %swap3A_1170, %swap3A_1171] : memref<2x64x128xf32, #tpu.memory_space<vmem>> -> memref<1x64x128xf32, #tpu.memory_space<vmem>>
        %swap3A_1173 = tpu.memref_squeeze %swap3A_1172 : memref<1x64x128xf32, #tpu.memory_space<vmem>> -> memref<64x128xf32, #tpu.memory_space<vmem>>
        %swap3A_1174 = arith.index_cast %swap3A_1169 : i32 to index
        %swap3A_1175 = arith.index_cast %mul3A_1168 : i32 to index
        %swap3A_1176 = tpu.vector_load %swap3A_1173[%swap3A_1174, %swap3A_1175] {strides = array<i32>} : memref<64x128xf32, #tpu.memory_space<vmem>>, vector<16xf32>,
        tpu.vector_store %swap3A_1173[%swap3A_1174, %swap3A_1175], %gather3A_1166 {strides = array<i32>} : memref<64x128xf32, #tpu.memory_space<vmem>>, vector<16xf32>,
        %add3A_1177 = arith.constant 53 : i32
        %add3A_1178 = vector.broadcast %add3A_1177 : i32 to vector<16xi32>
        %add3A_1179 = arith.addi %get3A_171, %add3A_1178 : vector<16xi32>
        %gather3A_1180 = arith.constant 0 : i32
        %gather3A_1181 = arith.constant 0 : i32
        %gather3A_1182 = arith.constant 0 : i32
        %gather3A_1183 = tpu.memref_slice %arg8[%gather3A_1180, %gather3A_1181, %gather3A_1182] : memref<2x128x128xf32, #tpu.memory_space<vmem>> -> memref<1x128x128xf32, #tpu.memory_space<vmem>>
        %gather3A_1184 = tpu.memref_squeeze %gather3A_1183 : memref<1x128x128xf32, #tpu.memory_space<vmem>> -> memref<128x128xf32, #tpu.memory_space<vmem>>
        %gather3A_1185 = tpu.vector_load_idx %gather3A_1184[%add3A_165, %add3A_1179] : memref<128x128xf32, #tpu.memory_space<vmem>>[vector<16xi32>, vector<16xi32>], vector<16xf32>,
        %mul3A_1186 = arith.constant 16 : i32
        %mul3A_1187 = arith.muli %scan3A_161, %mul3A_1186 : i32
        %swap3A_1188 = arith.constant 53 : i32
        %swap3A_1189 = arith.constant 0 : i32
        %swap3A_1190 = arith.constant 0 : i32
        %swap3A_1191 = tpu.memref_slice %arg9[%scan3A_82, %swap3A_1189, %swap3A_1190] : memref<2x64x128xf32, #tpu.memory_space<vmem>> -> memref<1x64x128xf32, #tpu.memory_space<vmem>>
        %swap3A_1192 = tpu.memref_squeeze %swap3A_1191 : memref<1x64x128xf32, #tpu.memory_space<vmem>> -> memref<64x128xf32, #tpu.memory_space<vmem>>
        %swap3A_1193 = arith.index_cast %swap3A_1188 : i32 to index
        %swap3A_1194 = arith.index_cast %mul3A_1187 : i32 to index
        %swap3A_1195 = tpu.vector_load %swap3A_1192[%swap3A_1193, %swap3A_1194] {strides = array<i32>} : memref<64x128xf32, #tpu.memory_space<vmem>>, vector<16xf32>,
        tpu.vector_store %swap3A_1192[%swap3A_1193, %swap3A_1194], %gather3A_1185 {strides = array<i32>} : memref<64x128xf32, #tpu.memory_space<vmem>>, vector<16xf32>,
        %add3A_1196 = arith.constant 54 : i32
        %add3A_1197 = vector.broadcast %add3A_1196 : i32 to vector<16xi32>
        %add3A_1198 = arith.addi %get3A_171, %add3A_1197 : vector<16xi32>
        %gather3A_1199 = arith.constant 0 : i32
        %gather3A_1200 = arith.constant 0 : i32
        %gather3A_1201 = arith.constant 0 : i32
        %gather3A_1202 = tpu.memref_slice %arg8[%gather3A_1199, %gather3A_1200, %gather3A_1201] : memref<2x128x128xf32, #tpu.memory_space<vmem>> -> memref<1x128x128xf32, #tpu.memory_space<vmem>>
        %gather3A_1203 = tpu.memref_squeeze %gather3A_1202 : memref<1x128x128xf32, #tpu.memory_space<vmem>> -> memref<128x128xf32, #tpu.memory_space<vmem>>
        %gather3A_1204 = tpu.vector_load_idx %gather3A_1203[%add3A_165, %add3A_1198] : memref<128x128xf32, #tpu.memory_space<vmem>>[vector<16xi32>, vector<16xi32>], vector<16xf32>,
        %mul3A_1205 = arith.constant 16 : i32
        %mul3A_1206 = arith.muli %scan3A_161, %mul3A_1205 : i32
        %swap3A_1207 = arith.constant 54 : i32
        %swap3A_1208 = arith.constant 0 : i32
        %swap3A_1209 = arith.constant 0 : i32
        %swap3A_1210 = tpu.memref_slice %arg9[%scan3A_82, %swap3A_1208, %swap3A_1209] : memref<2x64x128xf32, #tpu.memory_space<vmem>> -> memref<1x64x128xf32, #tpu.memory_space<vmem>>
        %swap3A_1211 = tpu.memref_squeeze %swap3A_1210 : memref<1x64x128xf32, #tpu.memory_space<vmem>> -> memref<64x128xf32, #tpu.memory_space<vmem>>
        %swap3A_1212 = arith.index_cast %swap3A_1207 : i32 to index
        %swap3A_1213 = arith.index_cast %mul3A_1206 : i32 to index
        %swap3A_1214 = tpu.vector_load %swap3A_1211[%swap3A_1212, %swap3A_1213] {strides = array<i32>} : memref<64x128xf32, #tpu.memory_space<vmem>>, vector<16xf32>,
        tpu.vector_store %swap3A_1211[%swap3A_1212, %swap3A_1213], %gather3A_1204 {strides = array<i32>} : memref<64x128xf32, #tpu.memory_space<vmem>>, vector<16xf32>,
        %add3A_1215 = arith.constant 55 : i32
        %add3A_1216 = vector.broadcast %add3A_1215 : i32 to vector<16xi32>
        %add3A_1217 = arith.addi %get3A_171, %add3A_1216 : vector<16xi32>
        %gather3A_1218 = arith.constant 0 : i32
        %gather3A_1219 = arith.constant 0 : i32
        %gather3A_1220 = arith.constant 0 : i32
        %gather3A_1221 = tpu.memref_slice %arg8[%gather3A_1218, %gather3A_1219, %gather3A_1220] : memref<2x128x128xf32, #tpu.memory_space<vmem>> -> memref<1x128x128xf32, #tpu.memory_space<vmem>>
        %gather3A_1222 = tpu.memref_squeeze %gather3A_1221 : memref<1x128x128xf32, #tpu.memory_space<vmem>> -> memref<128x128xf32, #tpu.memory_space<vmem>>
        %gather3A_1223 = tpu.vector_load_idx %gather3A_1222[%add3A_165, %add3A_1217] : memref<128x128xf32, #tpu.memory_space<vmem>>[vector<16xi32>, vector<16xi32>], vector<16xf32>,
        %mul3A_1224 = arith.constant 16 : i32
        %mul3A_1225 = arith.muli %scan3A_161, %mul3A_1224 : i32
        %swap3A_1226 = arith.constant 55 : i32
        %swap3A_1227 = arith.constant 0 : i32
        %swap3A_1228 = arith.constant 0 : i32
        %swap3A_1229 = tpu.memref_slice %arg9[%scan3A_82, %swap3A_1227, %swap3A_1228] : memref<2x64x128xf32, #tpu.memory_space<vmem>> -> memref<1x64x128xf32, #tpu.memory_space<vmem>>
        %swap3A_1230 = tpu.memref_squeeze %swap3A_1229 : memref<1x64x128xf32, #tpu.memory_space<vmem>> -> memref<64x128xf32, #tpu.memory_space<vmem>>
        %swap3A_1231 = arith.index_cast %swap3A_1226 : i32 to index
        %swap3A_1232 = arith.index_cast %mul3A_1225 : i32 to index
        %swap3A_1233 = tpu.vector_load %swap3A_1230[%swap3A_1231, %swap3A_1232] {strides = array<i32>} : memref<64x128xf32, #tpu.memory_space<vmem>>, vector<16xf32>,
        tpu.vector_store %swap3A_1230[%swap3A_1231, %swap3A_1232], %gather3A_1223 {strides = array<i32>} : memref<64x128xf32, #tpu.memory_space<vmem>>, vector<16xf32>,
        %add3A_1234 = arith.constant 56 : i32
        %add3A_1235 = vector.broadcast %add3A_1234 : i32 to vector<16xi32>
        %add3A_1236 = arith.addi %get3A_171, %add3A_1235 : vector<16xi32>
        %gather3A_1237 = arith.constant 0 : i32
        %gather3A_1238 = arith.constant 0 : i32
        %gather3A_1239 = arith.constant 0 : i32
        %gather3A_1240 = tpu.memref_slice %arg8[%gather3A_1237, %gather3A_1238, %gather3A_1239] : memref<2x128x128xf32, #tpu.memory_space<vmem>> -> memref<1x128x128xf32, #tpu.memory_space<vmem>>
        %gather3A_1241 = tpu.memref_squeeze %gather3A_1240 : memref<1x128x128xf32, #tpu.memory_space<vmem>> -> memref<128x128xf32, #tpu.memory_space<vmem>>
        %gather3A_1242 = tpu.vector_load_idx %gather3A_1241[%add3A_165, %add3A_1236] : memref<128x128xf32, #tpu.memory_space<vmem>>[vector<16xi32>, vector<16xi32>], vector<16xf32>,
        %mul3A_1243 = arith.constant 16 : i32
        %mul3A_1244 = arith.muli %scan3A_161, %mul3A_1243 : i32
        %swap3A_1245 = arith.constant 56 : i32
        %swap3A_1246 = arith.constant 0 : i32
        %swap3A_1247 = arith.constant 0 : i32
        %swap3A_1248 = tpu.memref_slice %arg9[%scan3A_82, %swap3A_1246, %swap3A_1247] : memref<2x64x128xf32, #tpu.memory_space<vmem>> -> memref<1x64x128xf32, #tpu.memory_space<vmem>>
        %swap3A_1249 = tpu.memref_squeeze %swap3A_1248 : memref<1x64x128xf32, #tpu.memory_space<vmem>> -> memref<64x128xf32, #tpu.memory_space<vmem>>
        %swap3A_1250 = arith.index_cast %swap3A_1245 : i32 to index
        %swap3A_1251 = arith.index_cast %mul3A_1244 : i32 to index
        %swap3A_1252 = tpu.vector_load %swap3A_1249[%swap3A_1250, %swap3A_1251] {strides = array<i32>} : memref<64x128xf32, #tpu.memory_space<vmem>>, vector<16xf32>,
        tpu.vector_store %swap3A_1249[%swap3A_1250, %swap3A_1251], %gather3A_1242 {strides = array<i32>} : memref<64x128xf32, #tpu.memory_space<vmem>>, vector<16xf32>,
        %add3A_1253 = arith.constant 57 : i32
        %add3A_1254 = vector.broadcast %add3A_1253 : i32 to vector<16xi32>
        %add3A_1255 = arith.addi %get3A_171, %add3A_1254 : vector<16xi32>
        %gather3A_1256 = arith.constant 0 : i32
        %gather3A_1257 = arith.constant 0 : i32
        %gather3A_1258 = arith.constant 0 : i32
        %gather3A_1259 = tpu.memref_slice %arg8[%gather3A_1256, %gather3A_1257, %gather3A_1258] : memref<2x128x128xf32, #tpu.memory_space<vmem>> -> memref<1x128x128xf32, #tpu.memory_space<vmem>>
        %gather3A_1260 = tpu.memref_squeeze %gather3A_1259 : memref<1x128x128xf32, #tpu.memory_space<vmem>> -> memref<128x128xf32, #tpu.memory_space<vmem>>
        %gather3A_1261 = tpu.vector_load_idx %gather3A_1260[%add3A_165, %add3A_1255] : memref<128x128xf32, #tpu.memory_space<vmem>>[vector<16xi32>, vector<16xi32>], vector<16xf32>,
        %mul3A_1262 = arith.constant 16 : i32
        %mul3A_1263 = arith.muli %scan3A_161, %mul3A_1262 : i32
        %swap3A_1264 = arith.constant 57 : i32
        %swap3A_1265 = arith.constant 0 : i32
        %swap3A_1266 = arith.constant 0 : i32
        %swap3A_1267 = tpu.memref_slice %arg9[%scan3A_82, %swap3A_1265, %swap3A_1266] : memref<2x64x128xf32, #tpu.memory_space<vmem>> -> memref<1x64x128xf32, #tpu.memory_space<vmem>>
        %swap3A_1268 = tpu.memref_squeeze %swap3A_1267 : memref<1x64x128xf32, #tpu.memory_space<vmem>> -> memref<64x128xf32, #tpu.memory_space<vmem>>
        %swap3A_1269 = arith.index_cast %swap3A_1264 : i32 to index
        %swap3A_1270 = arith.index_cast %mul3A_1263 : i32 to index
        %swap3A_1271 = tpu.vector_load %swap3A_1268[%swap3A_1269, %swap3A_1270] {strides = array<i32>} : memref<64x128xf32, #tpu.memory_space<vmem>>, vector<16xf32>,
        tpu.vector_store %swap3A_1268[%swap3A_1269, %swap3A_1270], %gather3A_1261 {strides = array<i32>} : memref<64x128xf32, #tpu.memory_space<vmem>>, vector<16xf32>,
        %add3A_1272 = arith.constant 58 : i32
        %add3A_1273 = vector.broadcast %add3A_1272 : i32 to vector<16xi32>
        %add3A_1274 = arith.addi %get3A_171, %add3A_1273 : vector<16xi32>
        %gather3A_1275 = arith.constant 0 : i32
        %gather3A_1276 = arith.constant 0 : i32
        %gather3A_1277 = arith.constant 0 : i32
        %gather3A_1278 = tpu.memref_slice %arg8[%gather3A_1275, %gather3A_1276, %gather3A_1277] : memref<2x128x128xf32, #tpu.memory_space<vmem>> -> memref<1x128x128xf32, #tpu.memory_space<vmem>>
        %gather3A_1279 = tpu.memref_squeeze %gather3A_1278 : memref<1x128x128xf32, #tpu.memory_space<vmem>> -> memref<128x128xf32, #tpu.memory_space<vmem>>
        %gather3A_1280 = tpu.vector_load_idx %gather3A_1279[%add3A_165, %add3A_1274] : memref<128x128xf32, #tpu.memory_space<vmem>>[vector<16xi32>, vector<16xi32>], vector<16xf32>,
        %mul3A_1281 = arith.constant 16 : i32
        %mul3A_1282 = arith.muli %scan3A_161, %mul3A_1281 : i32
        %swap3A_1283 = arith.constant 58 : i32
        %swap3A_1284 = arith.constant 0 : i32
        %swap3A_1285 = arith.constant 0 : i32
        %swap3A_1286 = tpu.memref_slice %arg9[%scan3A_82, %swap3A_1284, %swap3A_1285] : memref<2x64x128xf32, #tpu.memory_space<vmem>> -> memref<1x64x128xf32, #tpu.memory_space<vmem>>
        %swap3A_1287 = tpu.memref_squeeze %swap3A_1286 : memref<1x64x128xf32, #tpu.memory_space<vmem>> -> memref<64x128xf32, #tpu.memory_space<vmem>>
        %swap3A_1288 = arith.index_cast %swap3A_1283 : i32 to index
        %swap3A_1289 = arith.index_cast %mul3A_1282 : i32 to index
        %swap3A_1290 = tpu.vector_load %swap3A_1287[%swap3A_1288, %swap3A_1289] {strides = array<i32>} : memref<64x128xf32, #tpu.memory_space<vmem>>, vector<16xf32>,
        tpu.vector_store %swap3A_1287[%swap3A_1288, %swap3A_1289], %gather3A_1280 {strides = array<i32>} : memref<64x128xf32, #tpu.memory_space<vmem>>, vector<16xf32>,
        %add3A_1291 = arith.constant 59 : i32
        %add3A_1292 = vector.broadcast %add3A_1291 : i32 to vector<16xi32>
        %add3A_1293 = arith.addi %get3A_171, %add3A_1292 : vector<16xi32>
        %gather3A_1294 = arith.constant 0 : i32
        %gather3A_1295 = arith.constant 0 : i32
        %gather3A_1296 = arith.constant 0 : i32
        %gather3A_1297 = tpu.memref_slice %arg8[%gather3A_1294, %gather3A_1295, %gather3A_1296] : memref<2x128x128xf32, #tpu.memory_space<vmem>> -> memref<1x128x128xf32, #tpu.memory_space<vmem>>
        %gather3A_1298 = tpu.memref_squeeze %gather3A_1297 : memref<1x128x128xf32, #tpu.memory_space<vmem>> -> memref<128x128xf32, #tpu.memory_space<vmem>>
        %gather3A_1299 = tpu.vector_load_idx %gather3A_1298[%add3A_165, %add3A_1293] : memref<128x128xf32, #tpu.memory_space<vmem>>[vector<16xi32>, vector<16xi32>], vector<16xf32>,
        %mul3A_1300 = arith.constant 16 : i32
        %mul3A_1301 = arith.muli %scan3A_161, %mul3A_1300 : i32
        %swap3A_1302 = arith.constant 59 : i32
        %swap3A_1303 = arith.constant 0 : i32
        %swap3A_1304 = arith.constant 0 : i32
        %swap3A_1305 = tpu.memref_slice %arg9[%scan3A_82, %swap3A_1303, %swap3A_1304] : memref<2x64x128xf32, #tpu.memory_space<vmem>> -> memref<1x64x128xf32, #tpu.memory_space<vmem>>
        %swap3A_1306 = tpu.memref_squeeze %swap3A_1305 : memref<1x64x128xf32, #tpu.memory_space<vmem>> -> memref<64x128xf32, #tpu.memory_space<vmem>>
        %swap3A_1307 = arith.index_cast %swap3A_1302 : i32 to index
        %swap3A_1308 = arith.index_cast %mul3A_1301 : i32 to index
        %swap3A_1309 = tpu.vector_load %swap3A_1306[%swap3A_1307, %swap3A_1308] {strides = array<i32>} : memref<64x128xf32, #tpu.memory_space<vmem>>, vector<16xf32>,
        tpu.vector_store %swap3A_1306[%swap3A_1307, %swap3A_1308], %gather3A_1299 {strides = array<i32>} : memref<64x128xf32, #tpu.memory_space<vmem>>, vector<16xf32>,
        %add3A_1310 = arith.constant 60 : i32
        %add3A_1311 = vector.broadcast %add3A_1310 : i32 to vector<16xi32>
        %add3A_1312 = arith.addi %get3A_171, %add3A_1311 : vector<16xi32>
        %gather3A_1313 = arith.constant 0 : i32
        %gather3A_1314 = arith.constant 0 : i32
        %gather3A_1315 = arith.constant 0 : i32
        %gather3A_1316 = tpu.memref_slice %arg8[%gather3A_1313, %gather3A_1314, %gather3A_1315] : memref<2x128x128xf32, #tpu.memory_space<vmem>> -> memref<1x128x128xf32, #tpu.memory_space<vmem>>
        %gather3A_1317 = tpu.memref_squeeze %gather3A_1316 : memref<1x128x128xf32, #tpu.memory_space<vmem>> -> memref<128x128xf32, #tpu.memory_space<vmem>>
        %gather3A_1318 = tpu.vector_load_idx %gather3A_1317[%add3A_165, %add3A_1312] : memref<128x128xf32, #tpu.memory_space<vmem>>[vector<16xi32>, vector<16xi32>], vector<16xf32>,
        %mul3A_1319 = arith.constant 16 : i32
        %mul3A_1320 = arith.muli %scan3A_161, %mul3A_1319 : i32
        %swap3A_1321 = arith.constant 60 : i32
        %swap3A_1322 = arith.constant 0 : i32
        %swap3A_1323 = arith.constant 0 : i32
        %swap3A_1324 = tpu.memref_slice %arg9[%scan3A_82, %swap3A_1322, %swap3A_1323] : memref<2x64x128xf32, #tpu.memory_space<vmem>> -> memref<1x64x128xf32, #tpu.memory_space<vmem>>
        %swap3A_1325 = tpu.memref_squeeze %swap3A_1324 : memref<1x64x128xf32, #tpu.memory_space<vmem>> -> memref<64x128xf32, #tpu.memory_space<vmem>>
        %swap3A_1326 = arith.index_cast %swap3A_1321 : i32 to index
        %swap3A_1327 = arith.index_cast %mul3A_1320 : i32 to index
        %swap3A_1328 = tpu.vector_load %swap3A_1325[%swap3A_1326, %swap3A_1327] {strides = array<i32>} : memref<64x128xf32, #tpu.memory_space<vmem>>, vector<16xf32>,
        tpu.vector_store %swap3A_1325[%swap3A_1326, %swap3A_1327], %gather3A_1318 {strides = array<i32>} : memref<64x128xf32, #tpu.memory_space<vmem>>, vector<16xf32>,
        %add3A_1329 = arith.constant 61 : i32
        %add3A_1330 = vector.broadcast %add3A_1329 : i32 to vector<16xi32>
        %add3A_1331 = arith.addi %get3A_171, %add3A_1330 : vector<16xi32>
        %gather3A_1332 = arith.constant 0 : i32
        %gather3A_1333 = arith.constant 0 : i32
        %gather3A_1334 = arith.constant 0 : i32
        %gather3A_1335 = tpu.memref_slice %arg8[%gather3A_1332, %gather3A_1333, %gather3A_1334] : memref<2x128x128xf32, #tpu.memory_space<vmem>> -> memref<1x128x128xf32, #tpu.memory_space<vmem>>
        %gather3A_1336 = tpu.memref_squeeze %gather3A_1335 : memref<1x128x128xf32, #tpu.memory_space<vmem>> -> memref<128x128xf32, #tpu.memory_space<vmem>>
        %gather3A_1337 = tpu.vector_load_idx %gather3A_1336[%add3A_165, %add3A_1331] : memref<128x128xf32, #tpu.memory_space<vmem>>[vector<16xi32>, vector<16xi32>], vector<16xf32>,
        %mul3A_1338 = arith.constant 16 : i32
        %mul3A_1339 = arith.muli %scan3A_161, %mul3A_1338 : i32
        %swap3A_1340 = arith.constant 61 : i32
        %swap3A_1341 = arith.constant 0 : i32
        %swap3A_1342 = arith.constant 0 : i32
        %swap3A_1343 = tpu.memref_slice %arg9[%scan3A_82, %swap3A_1341, %swap3A_1342] : memref<2x64x128xf32, #tpu.memory_space<vmem>> -> memref<1x64x128xf32, #tpu.memory_space<vmem>>
        %swap3A_1344 = tpu.memref_squeeze %swap3A_1343 : memref<1x64x128xf32, #tpu.memory_space<vmem>> -> memref<64x128xf32, #tpu.memory_space<vmem>>
        %swap3A_1345 = arith.index_cast %swap3A_1340 : i32 to index
        %swap3A_1346 = arith.index_cast %mul3A_1339 : i32 to index
        %swap3A_1347 = tpu.vector_load %swap3A_1344[%swap3A_1345, %swap3A_1346] {strides = array<i32>} : memref<64x128xf32, #tpu.memory_space<vmem>>, vector<16xf32>,
        tpu.vector_store %swap3A_1344[%swap3A_1345, %swap3A_1346], %gather3A_1337 {strides = array<i32>} : memref<64x128xf32, #tpu.memory_space<vmem>>, vector<16xf32>,
        %add3A_1348 = arith.constant 62 : i32
        %add3A_1349 = vector.broadcast %add3A_1348 : i32 to vector<16xi32>
        %add3A_1350 = arith.addi %get3A_171, %add3A_1349 : vector<16xi32>
        %gather3A_1351 = arith.constant 0 : i32
        %gather3A_1352 = arith.constant 0 : i32
        %gather3A_1353 = arith.constant 0 : i32
        %gather3A_1354 = tpu.memref_slice %arg8[%gather3A_1351, %gather3A_1352, %gather3A_1353] : memref<2x128x128xf32, #tpu.memory_space<vmem>> -> memref<1x128x128xf32, #tpu.memory_space<vmem>>
        %gather3A_1355 = tpu.memref_squeeze %gather3A_1354 : memref<1x128x128xf32, #tpu.memory_space<vmem>> -> memref<128x128xf32, #tpu.memory_space<vmem>>
        %gather3A_1356 = tpu.vector_load_idx %gather3A_1355[%add3A_165, %add3A_1350] : memref<128x128xf32, #tpu.memory_space<vmem>>[vector<16xi32>, vector<16xi32>], vector<16xf32>,
        %mul3A_1357 = arith.constant 16 : i32
        %mul3A_1358 = arith.muli %scan3A_161, %mul3A_1357 : i32
        %swap3A_1359 = arith.constant 62 : i32
        %swap3A_1360 = arith.constant 0 : i32
        %swap3A_1361 = arith.constant 0 : i32
        %swap3A_1362 = tpu.memref_slice %arg9[%scan3A_82, %swap3A_1360, %swap3A_1361] : memref<2x64x128xf32, #tpu.memory_space<vmem>> -> memref<1x64x128xf32, #tpu.memory_space<vmem>>
        %swap3A_1363 = tpu.memref_squeeze %swap3A_1362 : memref<1x64x128xf32, #tpu.memory_space<vmem>> -> memref<64x128xf32, #tpu.memory_space<vmem>>
        %swap3A_1364 = arith.index_cast %swap3A_1359 : i32 to index
        %swap3A_1365 = arith.index_cast %mul3A_1358 : i32 to index
        %swap3A_1366 = tpu.vector_load %swap3A_1363[%swap3A_1364, %swap3A_1365] {strides = array<i32>} : memref<64x128xf32, #tpu.memory_space<vmem>>, vector<16xf32>,
        tpu.vector_store %swap3A_1363[%swap3A_1364, %swap3A_1365], %gather3A_1356 {strides = array<i32>} : memref<64x128xf32, #tpu.memory_space<vmem>>, vector<16xf32>,
        %add3A_1367 = arith.constant 63 : i32
        %add3A_1368 = vector.broadcast %add3A_1367 : i32 to vector<16xi32>
        %add3A_1369 = arith.addi %get3A_171, %add3A_1368 : vector<16xi32>
        %gather3A_1370 = arith.constant 0 : i32
        %gather3A_1371 = arith.constant 0 : i32
        %gather3A_1372 = arith.constant 0 : i32
        %gather3A_1373 = tpu.memref_slice %arg8[%gather3A_1370, %gather3A_1371, %gather3A_1372] : memref<2x128x128xf32, #tpu.memory_space<vmem>> -> memref<1x128x128xf32, #tpu.memory_space<vmem>>
        %gather3A_1374 = tpu.memref_squeeze %gather3A_1373 : memref<1x128x128xf32, #tpu.memory_space<vmem>> -> memref<128x128xf32, #tpu.memory_space<vmem>>
        %gather3A_1375 = tpu.vector_load_idx %gather3A_1374[%add3A_165, %add3A_1369] : memref<128x128xf32, #tpu.memory_space<vmem>>[vector<16xi32>, vector<16xi32>], vector<16xf32>,
        %mul3A_1376 = arith.constant 16 : i32
        %mul3A_1377 = arith.muli %scan3A_161, %mul3A_1376 : i32
        %swap3A_1378 = arith.constant 63 : i32
        %swap3A_1379 = arith.constant 0 : i32
        %swap3A_1380 = arith.constant 0 : i32
        %swap3A_1381 = tpu.memref_slice %arg9[%scan3A_82, %swap3A_1379, %swap3A_1380] : memref<2x64x128xf32, #tpu.memory_space<vmem>> -> memref<1x64x128xf32, #tpu.memory_space<vmem>>
        %swap3A_1382 = tpu.memref_squeeze %swap3A_1381 : memref<1x64x128xf32, #tpu.memory_space<vmem>> -> memref<64x128xf32, #tpu.memory_space<vmem>>
        %swap3A_1383 = arith.index_cast %swap3A_1378 : i32 to index
        %swap3A_1384 = arith.index_cast %mul3A_1377 : i32 to index
        %swap3A_1385 = tpu.vector_load %swap3A_1382[%swap3A_1383, %swap3A_1384] {strides = array<i32>} : memref<64x128xf32, #tpu.memory_space<vmem>>, vector<16xf32>,
        tpu.vector_store %swap3A_1382[%swap3A_1383, %swap3A_1384], %gather3A_1375 {strides = array<i32>} : memref<64x128xf32, #tpu.memory_space<vmem>>, vector<16xf32>,
      }
      %scan3A_87 = arith.constant 8 : i32
      %lt3A = arith.constant 99 : i32
      %lt3A_88 = arith.cmpi slt, %scan3A_64, %lt3A : i32
      %convert_element_type3A_89 = arith.extui %lt3A_88 : i1 to i32
      %cond3A_90 = arith.constant 0 : i32
      %cond3A_91 = arith.cmpi ne, %convert_element_type3A_89, %cond3A_90 : i32
      scf.if %cond3A_91 {
        %add3A_161 = arith.constant 2 : i32
        %add3A_162 = arith.addi %mul3A_66, %add3A_161 : i32
        %mul3A_163 = arith.constant 128 : i32
        %mul3A_164 = arith.muli %add3A_162, %mul3A_163 : i32
        %dma_start3A_165 = arith.constant 0 : i32
        %dma_start3A_166 = arith.constant 0 : i32
        %dma_start3A_167 = arith.constant 0 : i32
        %dma_start3A_168 = tpu.memref_slice %arg8[%dma_start3A_165, %dma_start3A_166, %dma_start3A_167] : memref<2x128x128xf32, #tpu.memory_space<vmem>> -> memref<1x128x128xf32, #tpu.memory_space<vmem>>
        %dma_start3A_169 = tpu.memref_squeeze %dma_start3A_168 : memref<1x128x128xf32, #tpu.memory_space<vmem>> -> memref<128x128xf32, #tpu.memory_space<vmem>>
        %dma_start3A_170 = tpu.memref_slice %arg6[%mul3A_164] : memref<25600xi32, #tpu.memory_space<vmem>> -> memref<128xi32, #tpu.memory_space<vmem>>
        %dma_start3A_171 = arith.constant 0 : i32
        %dma_start3A_172 = arith.constant 0 : i32
        %dma_start3A_173 = tpu.memref_slice %arg3[%dma_start3A_171, %dma_start3A_172] : memref<500000x128xf32, #tpu.memory_space<hbm>> -> memref<500000x128xf32, #tpu.memory_space<hbm>>
        tpu.enqueue_indirect_dma source(%dma_start3A_173 : memref<500000x128xf32, #tpu.memory_space<hbm>>) target(%dma_start3A_169 : memref<128x128xf32, #tpu.memory_space<vmem>>) offsets(%dma_start3A_170 : memref<128xi32, #tpu.memory_space<vmem>>) semaphore(%arg10 : memref<!tpu.dma_semaphore, #tpu.memory_space<semaphore_mem>>)
      } else {
      }
      %shift_right_logical3A = arith.constant 2 : i32
      %shift_right_logical3A_92 = arith.shrui %mul3A_66, %shift_right_logical3A : i32
      %and3A = arith.constant 3 : i32
      %and3A_93 = arith.andi %mul3A_66, %and3A : i32
      %mul3A_94 = arith.constant 128 : i32
      %mul3A_95 = arith.muli %and3A_93, %mul3A_94 : i32
      %add3A_96 = arith.addi %mul3A_2, %mul3A_95 : i32
      %dma_start3A_97 = arith.constant 0 : i32
      %dma_start3A_98 = arith.constant 0 : i32
      %dma_start3A_99 = arith.constant 0 : i32
      %dma_start3A_100 = tpu.memref_slice %arg9[%dma_start3A_97, %dma_start3A_98, %dma_start3A_99] : memref<2x64x128xf32, #tpu.memory_space<vmem>> -> memref<1x64x128xf32, #tpu.memory_space<vmem>>
      %dma_start3A_101 = tpu.memref_squeeze %dma_start3A_100 : memref<1x64x128xf32, #tpu.memory_space<vmem>> -> memref<64x128xf32, #tpu.memory_space<vmem>>
      %dma_start3A_102 = arith.constant 0 : i32
      %dma_start3A_103 = tpu.memref_slice %arg4[%shift_right_logical3A_92, %dma_start3A_102, %add3A_96] : memref<50x64x16384xf32, #tpu.memory_space<hbm>> -> memref<1x64x128xf32, #tpu.memory_space<hbm>>
      %dma_start3A_104 = tpu.memref_squeeze %dma_start3A_103 : memref<1x64x128xf32, #tpu.memory_space<hbm>> -> memref<64x128xf32, #tpu.memory_space<hbm>>
      %dma_start3A_105 = arith.constant 0 : i32
      %dma_start3A_106 = tpu.memref_slice %arg4[%shift_right_logical3A_92, %dma_start3A_105, %add3A_96] : memref<50x64x16384xf32, #tpu.memory_space<hbm>> -> memref<1x64x128xf32, #tpu.memory_space<hbm>>
      %dma_start3A_107 = tpu.memref_squeeze %dma_start3A_106 : memref<1x64x128xf32, #tpu.memory_space<hbm>> -> memref<64x128xf32, #tpu.memory_space<hbm>>
      %dma_start3A_108 = arith.constant 0 : i32
      %dma_start3A_109 = arith.constant 0 : i32
      %dma_start3A_110 = tpu.memref_slice %arg9[%dma_start3A_97, %dma_start3A_108, %dma_start3A_109] : memref<2x64x128xf32, #tpu.memory_space<vmem>> -> memref<1x64x128xf32, #tpu.memory_space<vmem>>
      %dma_start3A_111 = tpu.memref_squeeze %dma_start3A_110 : memref<1x64x128xf32, #tpu.memory_space<vmem>> -> memref<64x128xf32, #tpu.memory_space<vmem>>
      tpu.enqueue_dma source(%dma_start3A_111 : memref<64x128xf32, #tpu.memory_space<vmem>>) target(%dma_start3A_107 : memref<64x128xf32, #tpu.memory_space<hbm>>) target_semaphore(%arg12 : memref<!tpu.dma_semaphore, #tpu.memory_space<semaphore_mem>>)
      %gt3A_112 = arith.constant 0 : i32
      %gt3A_113 = arith.cmpi sgt, %scan3A_64, %gt3A_112 : i32
      %convert_element_type3A_114 = arith.extui %gt3A_113 : i1 to i32
      %cond3A_115 = arith.constant 0 : i32
      %cond3A_116 = arith.cmpi ne, %convert_element_type3A_114, %cond3A_115 : i32
      scf.if %cond3A_116 {
        %dma_wait3A_161 = arith.constant 1 : i32
        %dma_wait3A_162 = arith.constant 0 : i32
        %dma_wait3A_163 = arith.constant 0 : i32
        %dma_wait3A_164 = arith.constant 0 : i32
        %dma_wait3A_165 = tpu.memref_slice %arg9[%dma_wait3A_161, %dma_wait3A_163, %dma_wait3A_164] : memref<2x64x128xf32, #tpu.memory_space<vmem>> -> memref<1x64x128xf32, #tpu.memory_space<vmem>>
        %dma_wait3A_166 = tpu.memref_squeeze %dma_wait3A_165 : memref<1x64x128xf32, #tpu.memory_space<vmem>> -> memref<64x128xf32, #tpu.memory_space<vmem>>
        %dma_wait3A_167 = arith.constant 0 : i32
        %dma_wait3A_168 = tpu.memref_slice %arg4[%dma_wait3A_162, %dma_wait3A_167, %mul3A_2] : memref<50x64x16384xf32, #tpu.memory_space<hbm>> -> memref<1x64x128xf32, #tpu.memory_space<hbm>>
        %dma_wait3A_169 = tpu.memref_squeeze %dma_wait3A_168 : memref<1x64x128xf32, #tpu.memory_space<hbm>> -> memref<64x128xf32, #tpu.memory_space<hbm>>
        %dma_wait3A_170 = arith.constant 0 : i32
        %dma_wait3A_171 = tpu.memref_slice %arg4[%dma_wait3A_162, %dma_wait3A_170, %mul3A_2] : memref<50x64x16384xf32, #tpu.memory_space<hbm>> -> memref<1x64x128xf32, #tpu.memory_space<hbm>>
        %dma_wait3A_172 = tpu.memref_squeeze %dma_wait3A_171 : memref<1x64x128xf32, #tpu.memory_space<hbm>> -> memref<64x128xf32, #tpu.memory_space<hbm>>
        %dma_wait3A_173 = arith.constant 0 : i32
        %dma_wait3A_174 = arith.constant 0 : i32
        %dma_wait3A_175 = tpu.memref_slice %arg9[%dma_wait3A_161, %dma_wait3A_173, %dma_wait3A_174] : memref<2x64x128xf32, #tpu.memory_space<vmem>> -> memref<1x64x128xf32, #tpu.memory_space<vmem>>
        %dma_wait3A_176 = tpu.memref_squeeze %dma_wait3A_175 : memref<1x64x128xf32, #tpu.memory_space<vmem>> -> memref<64x128xf32, #tpu.memory_space<vmem>>
        tpu.wait_dma2 semaphore(%arg13 : memref<!tpu.dma_semaphore, #tpu.memory_space<semaphore_mem>>) src(%dma_wait3A_176 : memref<64x128xf32, #tpu.memory_space<vmem>>) dst(%dma_wait3A_172 : memref<64x128xf32, #tpu.memory_space<hbm>>)
      } else {
      }
      %dma_wait3A_117 = arith.constant 1 : i32
      %dma_wait3A_118 = arith.constant 0 : i32
      %dma_wait3A_119 = arith.constant 0 : i32
      %dma_wait3A_120 = tpu.memref_slice %arg8[%dma_wait3A_117, %dma_wait3A_118, %dma_wait3A_119] : memref<2x128x128xf32, #tpu.memory_space<vmem>> -> memref<1x128x128xf32, #tpu.memory_space<vmem>>
      %dma_wait3A_121 = tpu.memref_squeeze %dma_wait3A_120 : memref<1x128x128xf32, #tpu.memory_space<vmem>> -> memref<128x128xf32, #tpu.memory_space<vmem>>
      %dma_wait3A_122 = arith.constant 0 : i32
      %dma_wait3A_123 = tpu.memref_slice %arg6[%dma_wait3A_122] : memref<25600xi32, #tpu.memory_space<vmem>> -> memref<128xi32, #tpu.memory_space<vmem>>
      %dma_wait3A_124 = arith.constant 0 : i32
      %dma_wait3A_125 = arith.constant 0 : i32
      %dma_wait3A_126 = tpu.memref_slice %arg3[%dma_wait3A_124, %dma_wait3A_125] : memref<500000x128xf32, #tpu.memory_space<hbm>> -> memref<500000x128xf32, #tpu.memory_space<hbm>>
      tpu.wait_indirect_dma semaphore(%arg11 : memref<!tpu.dma_semaphore, #tpu.memory_space<semaphore_mem>>) src(%dma_wait3A_126 : memref<500000x128xf32, #tpu.memory_space<hbm>>) dst(%dma_wait3A_121 : memref<128x128xf32, #tpu.memory_space<vmem>>)
      %scan3A_127 = arith.constant 0 : i32
      %scan3A_128 = arith.constant 1 : i32
      %scan3A_129 = arith.constant 0 : i32
      %scan3A_130 = arith.constant 8 : i32
      %scan3A_131 = arith.addi %scan3A_129, %scan3A_130 : i32
      %scan3A_132 = arith.constant 1 : i32
      scf.for %scan3A_161 = %scan3A_129 to %scan3A_131 step %scan3A_132  : i32 {
        %mul3A_162 = arith.constant 16 : i32
        %mul3A_163 = arith.muli %scan3A_161, %mul3A_162 : i32
        %add3A_164 = vector.broadcast %mul3A_163 : i32 to vector<16xi32>
        %add3A_165 = arith.addi %add3A_164, %iota3A : vector<16xi32>
        %mul3A_166 = arith.constant 128 : i32
        %mul3A_167 = arith.muli %add3A_68, %mul3A_166 : i32
        %mul3A_168 = arith.constant 16 : i32
        %mul3A_169 = arith.muli %scan3A_161, %mul3A_168 : i32
        %add3A_170 = arith.addi %mul3A_167, %mul3A_169 : i32
        %get3A = arith.index_cast %add3A_170 : i32 to index
        %get3A_171 = tpu.vector_load %arg7[%get3A] {strides = array<i32>} : memref<25600xi32, #tpu.memory_space<vmem>>, vector<16xi32>,
        %add3A_172 = arith.constant 0 : i32
        %add3A_173 = vector.broadcast %add3A_172 : i32 to vector<16xi32>
        %add3A_174 = arith.addi %get3A_171, %add3A_173 : vector<16xi32>
        %gather3A = arith.constant 1 : i32
        %gather3A_175 = arith.constant 0 : i32
        %gather3A_176 = arith.constant 0 : i32
        %gather3A_177 = tpu.memref_slice %arg8[%gather3A, %gather3A_175, %gather3A_176] : memref<2x128x128xf32, #tpu.memory_space<vmem>> -> memref<1x128x128xf32, #tpu.memory_space<vmem>>
        %gather3A_178 = tpu.memref_squeeze %gather3A_177 : memref<1x128x128xf32, #tpu.memory_space<vmem>> -> memref<128x128xf32, #tpu.memory_space<vmem>>
        %gather3A_179 = tpu.vector_load_idx %gather3A_178[%add3A_165, %add3A_174] : memref<128x128xf32, #tpu.memory_space<vmem>>[vector<16xi32>, vector<16xi32>], vector<16xf32>,
        %mul3A_180 = arith.constant 16 : i32
        %mul3A_181 = arith.muli %scan3A_161, %mul3A_180 : i32
        %swap3A = arith.constant 0 : i32
        %swap3A_182 = arith.constant 0 : i32
        %swap3A_183 = arith.constant 0 : i32
        %swap3A_184 = tpu.memref_slice %arg9[%scan3A_128, %swap3A_182, %swap3A_183] : memref<2x64x128xf32, #tpu.memory_space<vmem>> -> memref<1x64x128xf32, #tpu.memory_space<vmem>>
        %swap3A_185 = tpu.memref_squeeze %swap3A_184 : memref<1x64x128xf32, #tpu.memory_space<vmem>> -> memref<64x128xf32, #tpu.memory_space<vmem>>
        %swap3A_186 = arith.index_cast %swap3A : i32 to index
        %swap3A_187 = arith.index_cast %mul3A_181 : i32 to index
        %swap3A_188 = tpu.vector_load %swap3A_185[%swap3A_186, %swap3A_187] {strides = array<i32>} : memref<64x128xf32, #tpu.memory_space<vmem>>, vector<16xf32>,
        tpu.vector_store %swap3A_185[%swap3A_186, %swap3A_187], %gather3A_179 {strides = array<i32>} : memref<64x128xf32, #tpu.memory_space<vmem>>, vector<16xf32>,
        %add3A_189 = arith.constant 1 : i32
        %add3A_190 = vector.broadcast %add3A_189 : i32 to vector<16xi32>
        %add3A_191 = arith.addi %get3A_171, %add3A_190 : vector<16xi32>
        %gather3A_192 = arith.constant 1 : i32
        %gather3A_193 = arith.constant 0 : i32
        %gather3A_194 = arith.constant 0 : i32
        %gather3A_195 = tpu.memref_slice %arg8[%gather3A_192, %gather3A_193, %gather3A_194] : memref<2x128x128xf32, #tpu.memory_space<vmem>> -> memref<1x128x128xf32, #tpu.memory_space<vmem>>
        %gather3A_196 = tpu.memref_squeeze %gather3A_195 : memref<1x128x128xf32, #tpu.memory_space<vmem>> -> memref<128x128xf32, #tpu.memory_space<vmem>>
        %gather3A_197 = tpu.vector_load_idx %gather3A_196[%add3A_165, %add3A_191] : memref<128x128xf32, #tpu.memory_space<vmem>>[vector<16xi32>, vector<16xi32>], vector<16xf32>,
        %mul3A_198 = arith.constant 16 : i32
        %mul3A_199 = arith.muli %scan3A_161, %mul3A_198 : i32
        %swap3A_200 = arith.constant 1 : i32
        %swap3A_201 = arith.constant 0 : i32
        %swap3A_202 = arith.constant 0 : i32
        %swap3A_203 = tpu.memref_slice %arg9[%scan3A_128, %swap3A_201, %swap3A_202] : memref<2x64x128xf32, #tpu.memory_space<vmem>> -> memref<1x64x128xf32, #tpu.memory_space<vmem>>
        %swap3A_204 = tpu.memref_squeeze %swap3A_203 : memref<1x64x128xf32, #tpu.memory_space<vmem>> -> memref<64x128xf32, #tpu.memory_space<vmem>>
        %swap3A_205 = arith.index_cast %swap3A_200 : i32 to index
        %swap3A_206 = arith.index_cast %mul3A_199 : i32 to index
        %swap3A_207 = tpu.vector_load %swap3A_204[%swap3A_205, %swap3A_206] {strides = array<i32>} : memref<64x128xf32, #tpu.memory_space<vmem>>, vector<16xf32>,
        tpu.vector_store %swap3A_204[%swap3A_205, %swap3A_206], %gather3A_197 {strides = array<i32>} : memref<64x128xf32, #tpu.memory_space<vmem>>, vector<16xf32>,
        %add3A_208 = arith.constant 2 : i32
        %add3A_209 = vector.broadcast %add3A_208 : i32 to vector<16xi32>
        %add3A_210 = arith.addi %get3A_171, %add3A_209 : vector<16xi32>
        %gather3A_211 = arith.constant 1 : i32
        %gather3A_212 = arith.constant 0 : i32
        %gather3A_213 = arith.constant 0 : i32
        %gather3A_214 = tpu.memref_slice %arg8[%gather3A_211, %gather3A_212, %gather3A_213] : memref<2x128x128xf32, #tpu.memory_space<vmem>> -> memref<1x128x128xf32, #tpu.memory_space<vmem>>
        %gather3A_215 = tpu.memref_squeeze %gather3A_214 : memref<1x128x128xf32, #tpu.memory_space<vmem>> -> memref<128x128xf32, #tpu.memory_space<vmem>>
        %gather3A_216 = tpu.vector_load_idx %gather3A_215[%add3A_165, %add3A_210] : memref<128x128xf32, #tpu.memory_space<vmem>>[vector<16xi32>, vector<16xi32>], vector<16xf32>,
        %mul3A_217 = arith.constant 16 : i32
        %mul3A_218 = arith.muli %scan3A_161, %mul3A_217 : i32
        %swap3A_219 = arith.constant 2 : i32
        %swap3A_220 = arith.constant 0 : i32
        %swap3A_221 = arith.constant 0 : i32
        %swap3A_222 = tpu.memref_slice %arg9[%scan3A_128, %swap3A_220, %swap3A_221] : memref<2x64x128xf32, #tpu.memory_space<vmem>> -> memref<1x64x128xf32, #tpu.memory_space<vmem>>
        %swap3A_223 = tpu.memref_squeeze %swap3A_222 : memref<1x64x128xf32, #tpu.memory_space<vmem>> -> memref<64x128xf32, #tpu.memory_space<vmem>>
        %swap3A_224 = arith.index_cast %swap3A_219 : i32 to index
        %swap3A_225 = arith.index_cast %mul3A_218 : i32 to index
        %swap3A_226 = tpu.vector_load %swap3A_223[%swap3A_224, %swap3A_225] {strides = array<i32>} : memref<64x128xf32, #tpu.memory_space<vmem>>, vector<16xf32>,
        tpu.vector_store %swap3A_223[%swap3A_224, %swap3A_225], %gather3A_216 {strides = array<i32>} : memref<64x128xf32, #tpu.memory_space<vmem>>, vector<16xf32>,
        %add3A_227 = arith.constant 3 : i32
        %add3A_228 = vector.broadcast %add3A_227 : i32 to vector<16xi32>
        %add3A_229 = arith.addi %get3A_171, %add3A_228 : vector<16xi32>
        %gather3A_230 = arith.constant 1 : i32
        %gather3A_231 = arith.constant 0 : i32
        %gather3A_232 = arith.constant 0 : i32
        %gather3A_233 = tpu.memref_slice %arg8[%gather3A_230, %gather3A_231, %gather3A_232] : memref<2x128x128xf32, #tpu.memory_space<vmem>> -> memref<1x128x128xf32, #tpu.memory_space<vmem>>
        %gather3A_234 = tpu.memref_squeeze %gather3A_233 : memref<1x128x128xf32, #tpu.memory_space<vmem>> -> memref<128x128xf32, #tpu.memory_space<vmem>>
        %gather3A_235 = tpu.vector_load_idx %gather3A_234[%add3A_165, %add3A_229] : memref<128x128xf32, #tpu.memory_space<vmem>>[vector<16xi32>, vector<16xi32>], vector<16xf32>,
        %mul3A_236 = arith.constant 16 : i32
        %mul3A_237 = arith.muli %scan3A_161, %mul3A_236 : i32
        %swap3A_238 = arith.constant 3 : i32
        %swap3A_239 = arith.constant 0 : i32
        %swap3A_240 = arith.constant 0 : i32
        %swap3A_241 = tpu.memref_slice %arg9[%scan3A_128, %swap3A_239, %swap3A_240] : memref<2x64x128xf32, #tpu.memory_space<vmem>> -> memref<1x64x128xf32, #tpu.memory_space<vmem>>
        %swap3A_242 = tpu.memref_squeeze %swap3A_241 : memref<1x64x128xf32, #tpu.memory_space<vmem>> -> memref<64x128xf32, #tpu.memory_space<vmem>>
        %swap3A_243 = arith.index_cast %swap3A_238 : i32 to index
        %swap3A_244 = arith.index_cast %mul3A_237 : i32 to index
        %swap3A_245 = tpu.vector_load %swap3A_242[%swap3A_243, %swap3A_244] {strides = array<i32>} : memref<64x128xf32, #tpu.memory_space<vmem>>, vector<16xf32>,
        tpu.vector_store %swap3A_242[%swap3A_243, %swap3A_244], %gather3A_235 {strides = array<i32>} : memref<64x128xf32, #tpu.memory_space<vmem>>, vector<16xf32>,
        %add3A_246 = arith.constant 4 : i32
        %add3A_247 = vector.broadcast %add3A_246 : i32 to vector<16xi32>
        %add3A_248 = arith.addi %get3A_171, %add3A_247 : vector<16xi32>
        %gather3A_249 = arith.constant 1 : i32
        %gather3A_250 = arith.constant 0 : i32
        %gather3A_251 = arith.constant 0 : i32
        %gather3A_252 = tpu.memref_slice %arg8[%gather3A_249, %gather3A_250, %gather3A_251] : memref<2x128x128xf32, #tpu.memory_space<vmem>> -> memref<1x128x128xf32, #tpu.memory_space<vmem>>
        %gather3A_253 = tpu.memref_squeeze %gather3A_252 : memref<1x128x128xf32, #tpu.memory_space<vmem>> -> memref<128x128xf32, #tpu.memory_space<vmem>>
        %gather3A_254 = tpu.vector_load_idx %gather3A_253[%add3A_165, %add3A_248] : memref<128x128xf32, #tpu.memory_space<vmem>>[vector<16xi32>, vector<16xi32>], vector<16xf32>,
        %mul3A_255 = arith.constant 16 : i32
        %mul3A_256 = arith.muli %scan3A_161, %mul3A_255 : i32
        %swap3A_257 = arith.constant 4 : i32
        %swap3A_258 = arith.constant 0 : i32
        %swap3A_259 = arith.constant 0 : i32
        %swap3A_260 = tpu.memref_slice %arg9[%scan3A_128, %swap3A_258, %swap3A_259] : memref<2x64x128xf32, #tpu.memory_space<vmem>> -> memref<1x64x128xf32, #tpu.memory_space<vmem>>
        %swap3A_261 = tpu.memref_squeeze %swap3A_260 : memref<1x64x128xf32, #tpu.memory_space<vmem>> -> memref<64x128xf32, #tpu.memory_space<vmem>>
        %swap3A_262 = arith.index_cast %swap3A_257 : i32 to index
        %swap3A_263 = arith.index_cast %mul3A_256 : i32 to index
        %swap3A_264 = tpu.vector_load %swap3A_261[%swap3A_262, %swap3A_263] {strides = array<i32>} : memref<64x128xf32, #tpu.memory_space<vmem>>, vector<16xf32>,
        tpu.vector_store %swap3A_261[%swap3A_262, %swap3A_263], %gather3A_254 {strides = array<i32>} : memref<64x128xf32, #tpu.memory_space<vmem>>, vector<16xf32>,
        %add3A_265 = arith.constant 5 : i32
        %add3A_266 = vector.broadcast %add3A_265 : i32 to vector<16xi32>
        %add3A_267 = arith.addi %get3A_171, %add3A_266 : vector<16xi32>
        %gather3A_268 = arith.constant 1 : i32
        %gather3A_269 = arith.constant 0 : i32
        %gather3A_270 = arith.constant 0 : i32
        %gather3A_271 = tpu.memref_slice %arg8[%gather3A_268, %gather3A_269, %gather3A_270] : memref<2x128x128xf32, #tpu.memory_space<vmem>> -> memref<1x128x128xf32, #tpu.memory_space<vmem>>
        %gather3A_272 = tpu.memref_squeeze %gather3A_271 : memref<1x128x128xf32, #tpu.memory_space<vmem>> -> memref<128x128xf32, #tpu.memory_space<vmem>>
        %gather3A_273 = tpu.vector_load_idx %gather3A_272[%add3A_165, %add3A_267] : memref<128x128xf32, #tpu.memory_space<vmem>>[vector<16xi32>, vector<16xi32>], vector<16xf32>,
        %mul3A_274 = arith.constant 16 : i32
        %mul3A_275 = arith.muli %scan3A_161, %mul3A_274 : i32
        %swap3A_276 = arith.constant 5 : i32
        %swap3A_277 = arith.constant 0 : i32
        %swap3A_278 = arith.constant 0 : i32
        %swap3A_279 = tpu.memref_slice %arg9[%scan3A_128, %swap3A_277, %swap3A_278] : memref<2x64x128xf32, #tpu.memory_space<vmem>> -> memref<1x64x128xf32, #tpu.memory_space<vmem>>
        %swap3A_280 = tpu.memref_squeeze %swap3A_279 : memref<1x64x128xf32, #tpu.memory_space<vmem>> -> memref<64x128xf32, #tpu.memory_space<vmem>>
        %swap3A_281 = arith.index_cast %swap3A_276 : i32 to index
        %swap3A_282 = arith.index_cast %mul3A_275 : i32 to index
        %swap3A_283 = tpu.vector_load %swap3A_280[%swap3A_281, %swap3A_282] {strides = array<i32>} : memref<64x128xf32, #tpu.memory_space<vmem>>, vector<16xf32>,
        tpu.vector_store %swap3A_280[%swap3A_281, %swap3A_282], %gather3A_273 {strides = array<i32>} : memref<64x128xf32, #tpu.memory_space<vmem>>, vector<16xf32>,
        %add3A_284 = arith.constant 6 : i32
        %add3A_285 = vector.broadcast %add3A_284 : i32 to vector<16xi32>
        %add3A_286 = arith.addi %get3A_171, %add3A_285 : vector<16xi32>
        %gather3A_287 = arith.constant 1 : i32
        %gather3A_288 = arith.constant 0 : i32
        %gather3A_289 = arith.constant 0 : i32
        %gather3A_290 = tpu.memref_slice %arg8[%gather3A_287, %gather3A_288, %gather3A_289] : memref<2x128x128xf32, #tpu.memory_space<vmem>> -> memref<1x128x128xf32, #tpu.memory_space<vmem>>
        %gather3A_291 = tpu.memref_squeeze %gather3A_290 : memref<1x128x128xf32, #tpu.memory_space<vmem>> -> memref<128x128xf32, #tpu.memory_space<vmem>>
        %gather3A_292 = tpu.vector_load_idx %gather3A_291[%add3A_165, %add3A_286] : memref<128x128xf32, #tpu.memory_space<vmem>>[vector<16xi32>, vector<16xi32>], vector<16xf32>,
        %mul3A_293 = arith.constant 16 : i32
        %mul3A_294 = arith.muli %scan3A_161, %mul3A_293 : i32
        %swap3A_295 = arith.constant 6 : i32
        %swap3A_296 = arith.constant 0 : i32
        %swap3A_297 = arith.constant 0 : i32
        %swap3A_298 = tpu.memref_slice %arg9[%scan3A_128, %swap3A_296, %swap3A_297] : memref<2x64x128xf32, #tpu.memory_space<vmem>> -> memref<1x64x128xf32, #tpu.memory_space<vmem>>
        %swap3A_299 = tpu.memref_squeeze %swap3A_298 : memref<1x64x128xf32, #tpu.memory_space<vmem>> -> memref<64x128xf32, #tpu.memory_space<vmem>>
        %swap3A_300 = arith.index_cast %swap3A_295 : i32 to index
        %swap3A_301 = arith.index_cast %mul3A_294 : i32 to index
        %swap3A_302 = tpu.vector_load %swap3A_299[%swap3A_300, %swap3A_301] {strides = array<i32>} : memref<64x128xf32, #tpu.memory_space<vmem>>, vector<16xf32>,
        tpu.vector_store %swap3A_299[%swap3A_300, %swap3A_301], %gather3A_292 {strides = array<i32>} : memref<64x128xf32, #tpu.memory_space<vmem>>, vector<16xf32>,
        %add3A_303 = arith.constant 7 : i32
        %add3A_304 = vector.broadcast %add3A_303 : i32 to vector<16xi32>
        %add3A_305 = arith.addi %get3A_171, %add3A_304 : vector<16xi32>
        %gather3A_306 = arith.constant 1 : i32
        %gather3A_307 = arith.constant 0 : i32
        %gather3A_308 = arith.constant 0 : i32
        %gather3A_309 = tpu.memref_slice %arg8[%gather3A_306, %gather3A_307, %gather3A_308] : memref<2x128x128xf32, #tpu.memory_space<vmem>> -> memref<1x128x128xf32, #tpu.memory_space<vmem>>
        %gather3A_310 = tpu.memref_squeeze %gather3A_309 : memref<1x128x128xf32, #tpu.memory_space<vmem>> -> memref<128x128xf32, #tpu.memory_space<vmem>>
        %gather3A_311 = tpu.vector_load_idx %gather3A_310[%add3A_165, %add3A_305] : memref<128x128xf32, #tpu.memory_space<vmem>>[vector<16xi32>, vector<16xi32>], vector<16xf32>,
        %mul3A_312 = arith.constant 16 : i32
        %mul3A_313 = arith.muli %scan3A_161, %mul3A_312 : i32
        %swap3A_314 = arith.constant 7 : i32
        %swap3A_315 = arith.constant 0 : i32
        %swap3A_316 = arith.constant 0 : i32
        %swap3A_317 = tpu.memref_slice %arg9[%scan3A_128, %swap3A_315, %swap3A_316] : memref<2x64x128xf32, #tpu.memory_space<vmem>> -> memref<1x64x128xf32, #tpu.memory_space<vmem>>
        %swap3A_318 = tpu.memref_squeeze %swap3A_317 : memref<1x64x128xf32, #tpu.memory_space<vmem>> -> memref<64x128xf32, #tpu.memory_space<vmem>>
        %swap3A_319 = arith.index_cast %swap3A_314 : i32 to index
        %swap3A_320 = arith.index_cast %mul3A_313 : i32 to index
        %swap3A_321 = tpu.vector_load %swap3A_318[%swap3A_319, %swap3A_320] {strides = array<i32>} : memref<64x128xf32, #tpu.memory_space<vmem>>, vector<16xf32>,
        tpu.vector_store %swap3A_318[%swap3A_319, %swap3A_320], %gather3A_311 {strides = array<i32>} : memref<64x128xf32, #tpu.memory_space<vmem>>, vector<16xf32>,
        %add3A_322 = arith.constant 8 : i32
        %add3A_323 = vector.broadcast %add3A_322 : i32 to vector<16xi32>
        %add3A_324 = arith.addi %get3A_171, %add3A_323 : vector<16xi32>
        %gather3A_325 = arith.constant 1 : i32
        %gather3A_326 = arith.constant 0 : i32
        %gather3A_327 = arith.constant 0 : i32
        %gather3A_328 = tpu.memref_slice %arg8[%gather3A_325, %gather3A_326, %gather3A_327] : memref<2x128x128xf32, #tpu.memory_space<vmem>> -> memref<1x128x128xf32, #tpu.memory_space<vmem>>
        %gather3A_329 = tpu.memref_squeeze %gather3A_328 : memref<1x128x128xf32, #tpu.memory_space<vmem>> -> memref<128x128xf32, #tpu.memory_space<vmem>>
        %gather3A_330 = tpu.vector_load_idx %gather3A_329[%add3A_165, %add3A_324] : memref<128x128xf32, #tpu.memory_space<vmem>>[vector<16xi32>, vector<16xi32>], vector<16xf32>,
        %mul3A_331 = arith.constant 16 : i32
        %mul3A_332 = arith.muli %scan3A_161, %mul3A_331 : i32
        %swap3A_333 = arith.constant 8 : i32
        %swap3A_334 = arith.constant 0 : i32
        %swap3A_335 = arith.constant 0 : i32
        %swap3A_336 = tpu.memref_slice %arg9[%scan3A_128, %swap3A_334, %swap3A_335] : memref<2x64x128xf32, #tpu.memory_space<vmem>> -> memref<1x64x128xf32, #tpu.memory_space<vmem>>
        %swap3A_337 = tpu.memref_squeeze %swap3A_336 : memref<1x64x128xf32, #tpu.memory_space<vmem>> -> memref<64x128xf32, #tpu.memory_space<vmem>>
        %swap3A_338 = arith.index_cast %swap3A_333 : i32 to index
        %swap3A_339 = arith.index_cast %mul3A_332 : i32 to index
        %swap3A_340 = tpu.vector_load %swap3A_337[%swap3A_338, %swap3A_339] {strides = array<i32>} : memref<64x128xf32, #tpu.memory_space<vmem>>, vector<16xf32>,
        tpu.vector_store %swap3A_337[%swap3A_338, %swap3A_339], %gather3A_330 {strides = array<i32>} : memref<64x128xf32, #tpu.memory_space<vmem>>, vector<16xf32>,
        %add3A_341 = arith.constant 9 : i32
        %add3A_342 = vector.broadcast %add3A_341 : i32 to vector<16xi32>
        %add3A_343 = arith.addi %get3A_171, %add3A_342 : vector<16xi32>
        %gather3A_344 = arith.constant 1 : i32
        %gather3A_345 = arith.constant 0 : i32
        %gather3A_346 = arith.constant 0 : i32
        %gather3A_347 = tpu.memref_slice %arg8[%gather3A_344, %gather3A_345, %gather3A_346] : memref<2x128x128xf32, #tpu.memory_space<vmem>> -> memref<1x128x128xf32, #tpu.memory_space<vmem>>
        %gather3A_348 = tpu.memref_squeeze %gather3A_347 : memref<1x128x128xf32, #tpu.memory_space<vmem>> -> memref<128x128xf32, #tpu.memory_space<vmem>>
        %gather3A_349 = tpu.vector_load_idx %gather3A_348[%add3A_165, %add3A_343] : memref<128x128xf32, #tpu.memory_space<vmem>>[vector<16xi32>, vector<16xi32>], vector<16xf32>,
        %mul3A_350 = arith.constant 16 : i32
        %mul3A_351 = arith.muli %scan3A_161, %mul3A_350 : i32
        %swap3A_352 = arith.constant 9 : i32
        %swap3A_353 = arith.constant 0 : i32
        %swap3A_354 = arith.constant 0 : i32
        %swap3A_355 = tpu.memref_slice %arg9[%scan3A_128, %swap3A_353, %swap3A_354] : memref<2x64x128xf32, #tpu.memory_space<vmem>> -> memref<1x64x128xf32, #tpu.memory_space<vmem>>
        %swap3A_356 = tpu.memref_squeeze %swap3A_355 : memref<1x64x128xf32, #tpu.memory_space<vmem>> -> memref<64x128xf32, #tpu.memory_space<vmem>>
        %swap3A_357 = arith.index_cast %swap3A_352 : i32 to index
        %swap3A_358 = arith.index_cast %mul3A_351 : i32 to index
        %swap3A_359 = tpu.vector_load %swap3A_356[%swap3A_357, %swap3A_358] {strides = array<i32>} : memref<64x128xf32, #tpu.memory_space<vmem>>, vector<16xf32>,
        tpu.vector_store %swap3A_356[%swap3A_357, %swap3A_358], %gather3A_349 {strides = array<i32>} : memref<64x128xf32, #tpu.memory_space<vmem>>, vector<16xf32>,
        %add3A_360 = arith.constant 10 : i32
        %add3A_361 = vector.broadcast %add3A_360 : i32 to vector<16xi32>
        %add3A_362 = arith.addi %get3A_171, %add3A_361 : vector<16xi32>
        %gather3A_363 = arith.constant 1 : i32
        %gather3A_364 = arith.constant 0 : i32
        %gather3A_365 = arith.constant 0 : i32
        %gather3A_366 = tpu.memref_slice %arg8[%gather3A_363, %gather3A_364, %gather3A_365] : memref<2x128x128xf32, #tpu.memory_space<vmem>> -> memref<1x128x128xf32, #tpu.memory_space<vmem>>
        %gather3A_367 = tpu.memref_squeeze %gather3A_366 : memref<1x128x128xf32, #tpu.memory_space<vmem>> -> memref<128x128xf32, #tpu.memory_space<vmem>>
        %gather3A_368 = tpu.vector_load_idx %gather3A_367[%add3A_165, %add3A_362] : memref<128x128xf32, #tpu.memory_space<vmem>>[vector<16xi32>, vector<16xi32>], vector<16xf32>,
        %mul3A_369 = arith.constant 16 : i32
        %mul3A_370 = arith.muli %scan3A_161, %mul3A_369 : i32
        %swap3A_371 = arith.constant 10 : i32
        %swap3A_372 = arith.constant 0 : i32
        %swap3A_373 = arith.constant 0 : i32
        %swap3A_374 = tpu.memref_slice %arg9[%scan3A_128, %swap3A_372, %swap3A_373] : memref<2x64x128xf32, #tpu.memory_space<vmem>> -> memref<1x64x128xf32, #tpu.memory_space<vmem>>
        %swap3A_375 = tpu.memref_squeeze %swap3A_374 : memref<1x64x128xf32, #tpu.memory_space<vmem>> -> memref<64x128xf32, #tpu.memory_space<vmem>>
        %swap3A_376 = arith.index_cast %swap3A_371 : i32 to index
        %swap3A_377 = arith.index_cast %mul3A_370 : i32 to index
        %swap3A_378 = tpu.vector_load %swap3A_375[%swap3A_376, %swap3A_377] {strides = array<i32>} : memref<64x128xf32, #tpu.memory_space<vmem>>, vector<16xf32>,
        tpu.vector_store %swap3A_375[%swap3A_376, %swap3A_377], %gather3A_368 {strides = array<i32>} : memref<64x128xf32, #tpu.memory_space<vmem>>, vector<16xf32>,
        %add3A_379 = arith.constant 11 : i32
        %add3A_380 = vector.broadcast %add3A_379 : i32 to vector<16xi32>
        %add3A_381 = arith.addi %get3A_171, %add3A_380 : vector<16xi32>
        %gather3A_382 = arith.constant 1 : i32
        %gather3A_383 = arith.constant 0 : i32
        %gather3A_384 = arith.constant 0 : i32
        %gather3A_385 = tpu.memref_slice %arg8[%gather3A_382, %gather3A_383, %gather3A_384] : memref<2x128x128xf32, #tpu.memory_space<vmem>> -> memref<1x128x128xf32, #tpu.memory_space<vmem>>
        %gather3A_386 = tpu.memref_squeeze %gather3A_385 : memref<1x128x128xf32, #tpu.memory_space<vmem>> -> memref<128x128xf32, #tpu.memory_space<vmem>>
        %gather3A_387 = tpu.vector_load_idx %gather3A_386[%add3A_165, %add3A_381] : memref<128x128xf32, #tpu.memory_space<vmem>>[vector<16xi32>, vector<16xi32>], vector<16xf32>,
        %mul3A_388 = arith.constant 16 : i32
        %mul3A_389 = arith.muli %scan3A_161, %mul3A_388 : i32
        %swap3A_390 = arith.constant 11 : i32
        %swap3A_391 = arith.constant 0 : i32
        %swap3A_392 = arith.constant 0 : i32
        %swap3A_393 = tpu.memref_slice %arg9[%scan3A_128, %swap3A_391, %swap3A_392] : memref<2x64x128xf32, #tpu.memory_space<vmem>> -> memref<1x64x128xf32, #tpu.memory_space<vmem>>
        %swap3A_394 = tpu.memref_squeeze %swap3A_393 : memref<1x64x128xf32, #tpu.memory_space<vmem>> -> memref<64x128xf32, #tpu.memory_space<vmem>>
        %swap3A_395 = arith.index_cast %swap3A_390 : i32 to index
        %swap3A_396 = arith.index_cast %mul3A_389 : i32 to index
        %swap3A_397 = tpu.vector_load %swap3A_394[%swap3A_395, %swap3A_396] {strides = array<i32>} : memref<64x128xf32, #tpu.memory_space<vmem>>, vector<16xf32>,
        tpu.vector_store %swap3A_394[%swap3A_395, %swap3A_396], %gather3A_387 {strides = array<i32>} : memref<64x128xf32, #tpu.memory_space<vmem>>, vector<16xf32>,
        %add3A_398 = arith.constant 12 : i32
        %add3A_399 = vector.broadcast %add3A_398 : i32 to vector<16xi32>
        %add3A_400 = arith.addi %get3A_171, %add3A_399 : vector<16xi32>
        %gather3A_401 = arith.constant 1 : i32
        %gather3A_402 = arith.constant 0 : i32
        %gather3A_403 = arith.constant 0 : i32
        %gather3A_404 = tpu.memref_slice %arg8[%gather3A_401, %gather3A_402, %gather3A_403] : memref<2x128x128xf32, #tpu.memory_space<vmem>> -> memref<1x128x128xf32, #tpu.memory_space<vmem>>
        %gather3A_405 = tpu.memref_squeeze %gather3A_404 : memref<1x128x128xf32, #tpu.memory_space<vmem>> -> memref<128x128xf32, #tpu.memory_space<vmem>>
        %gather3A_406 = tpu.vector_load_idx %gather3A_405[%add3A_165, %add3A_400] : memref<128x128xf32, #tpu.memory_space<vmem>>[vector<16xi32>, vector<16xi32>], vector<16xf32>,
        %mul3A_407 = arith.constant 16 : i32
        %mul3A_408 = arith.muli %scan3A_161, %mul3A_407 : i32
        %swap3A_409 = arith.constant 12 : i32
        %swap3A_410 = arith.constant 0 : i32
        %swap3A_411 = arith.constant 0 : i32
        %swap3A_412 = tpu.memref_slice %arg9[%scan3A_128, %swap3A_410, %swap3A_411] : memref<2x64x128xf32, #tpu.memory_space<vmem>> -> memref<1x64x128xf32, #tpu.memory_space<vmem>>
        %swap3A_413 = tpu.memref_squeeze %swap3A_412 : memref<1x64x128xf32, #tpu.memory_space<vmem>> -> memref<64x128xf32, #tpu.memory_space<vmem>>
        %swap3A_414 = arith.index_cast %swap3A_409 : i32 to index
        %swap3A_415 = arith.index_cast %mul3A_408 : i32 to index
        %swap3A_416 = tpu.vector_load %swap3A_413[%swap3A_414, %swap3A_415] {strides = array<i32>} : memref<64x128xf32, #tpu.memory_space<vmem>>, vector<16xf32>,
        tpu.vector_store %swap3A_413[%swap3A_414, %swap3A_415], %gather3A_406 {strides = array<i32>} : memref<64x128xf32, #tpu.memory_space<vmem>>, vector<16xf32>,
        %add3A_417 = arith.constant 13 : i32
        %add3A_418 = vector.broadcast %add3A_417 : i32 to vector<16xi32>
        %add3A_419 = arith.addi %get3A_171, %add3A_418 : vector<16xi32>
        %gather3A_420 = arith.constant 1 : i32
        %gather3A_421 = arith.constant 0 : i32
        %gather3A_422 = arith.constant 0 : i32
        %gather3A_423 = tpu.memref_slice %arg8[%gather3A_420, %gather3A_421, %gather3A_422] : memref<2x128x128xf32, #tpu.memory_space<vmem>> -> memref<1x128x128xf32, #tpu.memory_space<vmem>>
        %gather3A_424 = tpu.memref_squeeze %gather3A_423 : memref<1x128x128xf32, #tpu.memory_space<vmem>> -> memref<128x128xf32, #tpu.memory_space<vmem>>
        %gather3A_425 = tpu.vector_load_idx %gather3A_424[%add3A_165, %add3A_419] : memref<128x128xf32, #tpu.memory_space<vmem>>[vector<16xi32>, vector<16xi32>], vector<16xf32>,
        %mul3A_426 = arith.constant 16 : i32
        %mul3A_427 = arith.muli %scan3A_161, %mul3A_426 : i32
        %swap3A_428 = arith.constant 13 : i32
        %swap3A_429 = arith.constant 0 : i32
        %swap3A_430 = arith.constant 0 : i32
        %swap3A_431 = tpu.memref_slice %arg9[%scan3A_128, %swap3A_429, %swap3A_430] : memref<2x64x128xf32, #tpu.memory_space<vmem>> -> memref<1x64x128xf32, #tpu.memory_space<vmem>>
        %swap3A_432 = tpu.memref_squeeze %swap3A_431 : memref<1x64x128xf32, #tpu.memory_space<vmem>> -> memref<64x128xf32, #tpu.memory_space<vmem>>
        %swap3A_433 = arith.index_cast %swap3A_428 : i32 to index
        %swap3A_434 = arith.index_cast %mul3A_427 : i32 to index
        %swap3A_435 = tpu.vector_load %swap3A_432[%swap3A_433, %swap3A_434] {strides = array<i32>} : memref<64x128xf32, #tpu.memory_space<vmem>>, vector<16xf32>,
        tpu.vector_store %swap3A_432[%swap3A_433, %swap3A_434], %gather3A_425 {strides = array<i32>} : memref<64x128xf32, #tpu.memory_space<vmem>>, vector<16xf32>,
        %add3A_436 = arith.constant 14 : i32
        %add3A_437 = vector.broadcast %add3A_436 : i32 to vector<16xi32>
        %add3A_438 = arith.addi %get3A_171, %add3A_437 : vector<16xi32>
        %gather3A_439 = arith.constant 1 : i32
        %gather3A_440 = arith.constant 0 : i32
        %gather3A_441 = arith.constant 0 : i32
        %gather3A_442 = tpu.memref_slice %arg8[%gather3A_439, %gather3A_440, %gather3A_441] : memref<2x128x128xf32, #tpu.memory_space<vmem>> -> memref<1x128x128xf32, #tpu.memory_space<vmem>>
        %gather3A_443 = tpu.memref_squeeze %gather3A_442 : memref<1x128x128xf32, #tpu.memory_space<vmem>> -> memref<128x128xf32, #tpu.memory_space<vmem>>
        %gather3A_444 = tpu.vector_load_idx %gather3A_443[%add3A_165, %add3A_438] : memref<128x128xf32, #tpu.memory_space<vmem>>[vector<16xi32>, vector<16xi32>], vector<16xf32>,
        %mul3A_445 = arith.constant 16 : i32
        %mul3A_446 = arith.muli %scan3A_161, %mul3A_445 : i32
        %swap3A_447 = arith.constant 14 : i32
        %swap3A_448 = arith.constant 0 : i32
        %swap3A_449 = arith.constant 0 : i32
        %swap3A_450 = tpu.memref_slice %arg9[%scan3A_128, %swap3A_448, %swap3A_449] : memref<2x64x128xf32, #tpu.memory_space<vmem>> -> memref<1x64x128xf32, #tpu.memory_space<vmem>>
        %swap3A_451 = tpu.memref_squeeze %swap3A_450 : memref<1x64x128xf32, #tpu.memory_space<vmem>> -> memref<64x128xf32, #tpu.memory_space<vmem>>
        %swap3A_452 = arith.index_cast %swap3A_447 : i32 to index
        %swap3A_453 = arith.index_cast %mul3A_446 : i32 to index
        %swap3A_454 = tpu.vector_load %swap3A_451[%swap3A_452, %swap3A_453] {strides = array<i32>} : memref<64x128xf32, #tpu.memory_space<vmem>>, vector<16xf32>,
        tpu.vector_store %swap3A_451[%swap3A_452, %swap3A_453], %gather3A_444 {strides = array<i32>} : memref<64x128xf32, #tpu.memory_space<vmem>>, vector<16xf32>,
        %add3A_455 = arith.constant 15 : i32
        %add3A_456 = vector.broadcast %add3A_455 : i32 to vector<16xi32>
        %add3A_457 = arith.addi %get3A_171, %add3A_456 : vector<16xi32>
        %gather3A_458 = arith.constant 1 : i32
        %gather3A_459 = arith.constant 0 : i32
        %gather3A_460 = arith.constant 0 : i32
        %gather3A_461 = tpu.memref_slice %arg8[%gather3A_458, %gather3A_459, %gather3A_460] : memref<2x128x128xf32, #tpu.memory_space<vmem>> -> memref<1x128x128xf32, #tpu.memory_space<vmem>>
        %gather3A_462 = tpu.memref_squeeze %gather3A_461 : memref<1x128x128xf32, #tpu.memory_space<vmem>> -> memref<128x128xf32, #tpu.memory_space<vmem>>
        %gather3A_463 = tpu.vector_load_idx %gather3A_462[%add3A_165, %add3A_457] : memref<128x128xf32, #tpu.memory_space<vmem>>[vector<16xi32>, vector<16xi32>], vector<16xf32>,
        %mul3A_464 = arith.constant 16 : i32
        %mul3A_465 = arith.muli %scan3A_161, %mul3A_464 : i32
        %swap3A_466 = arith.constant 15 : i32
        %swap3A_467 = arith.constant 0 : i32
        %swap3A_468 = arith.constant 0 : i32
        %swap3A_469 = tpu.memref_slice %arg9[%scan3A_128, %swap3A_467, %swap3A_468] : memref<2x64x128xf32, #tpu.memory_space<vmem>> -> memref<1x64x128xf32, #tpu.memory_space<vmem>>
        %swap3A_470 = tpu.memref_squeeze %swap3A_469 : memref<1x64x128xf32, #tpu.memory_space<vmem>> -> memref<64x128xf32, #tpu.memory_space<vmem>>
        %swap3A_471 = arith.index_cast %swap3A_466 : i32 to index
        %swap3A_472 = arith.index_cast %mul3A_465 : i32 to index
        %swap3A_473 = tpu.vector_load %swap3A_470[%swap3A_471, %swap3A_472] {strides = array<i32>} : memref<64x128xf32, #tpu.memory_space<vmem>>, vector<16xf32>,
        tpu.vector_store %swap3A_470[%swap3A_471, %swap3A_472], %gather3A_463 {strides = array<i32>} : memref<64x128xf32, #tpu.memory_space<vmem>>, vector<16xf32>,
        %add3A_474 = arith.constant 16 : i32
        %add3A_475 = vector.broadcast %add3A_474 : i32 to vector<16xi32>
        %add3A_476 = arith.addi %get3A_171, %add3A_475 : vector<16xi32>
        %gather3A_477 = arith.constant 1 : i32
        %gather3A_478 = arith.constant 0 : i32
        %gather3A_479 = arith.constant 0 : i32
        %gather3A_480 = tpu.memref_slice %arg8[%gather3A_477, %gather3A_478, %gather3A_479] : memref<2x128x128xf32, #tpu.memory_space<vmem>> -> memref<1x128x128xf32, #tpu.memory_space<vmem>>
        %gather3A_481 = tpu.memref_squeeze %gather3A_480 : memref<1x128x128xf32, #tpu.memory_space<vmem>> -> memref<128x128xf32, #tpu.memory_space<vmem>>
        %gather3A_482 = tpu.vector_load_idx %gather3A_481[%add3A_165, %add3A_476] : memref<128x128xf32, #tpu.memory_space<vmem>>[vector<16xi32>, vector<16xi32>], vector<16xf32>,
        %mul3A_483 = arith.constant 16 : i32
        %mul3A_484 = arith.muli %scan3A_161, %mul3A_483 : i32
        %swap3A_485 = arith.constant 16 : i32
        %swap3A_486 = arith.constant 0 : i32
        %swap3A_487 = arith.constant 0 : i32
        %swap3A_488 = tpu.memref_slice %arg9[%scan3A_128, %swap3A_486, %swap3A_487] : memref<2x64x128xf32, #tpu.memory_space<vmem>> -> memref<1x64x128xf32, #tpu.memory_space<vmem>>
        %swap3A_489 = tpu.memref_squeeze %swap3A_488 : memref<1x64x128xf32, #tpu.memory_space<vmem>> -> memref<64x128xf32, #tpu.memory_space<vmem>>
        %swap3A_490 = arith.index_cast %swap3A_485 : i32 to index
        %swap3A_491 = arith.index_cast %mul3A_484 : i32 to index
        %swap3A_492 = tpu.vector_load %swap3A_489[%swap3A_490, %swap3A_491] {strides = array<i32>} : memref<64x128xf32, #tpu.memory_space<vmem>>, vector<16xf32>,
        tpu.vector_store %swap3A_489[%swap3A_490, %swap3A_491], %gather3A_482 {strides = array<i32>} : memref<64x128xf32, #tpu.memory_space<vmem>>, vector<16xf32>,
        %add3A_493 = arith.constant 17 : i32
        %add3A_494 = vector.broadcast %add3A_493 : i32 to vector<16xi32>
        %add3A_495 = arith.addi %get3A_171, %add3A_494 : vector<16xi32>
        %gather3A_496 = arith.constant 1 : i32
        %gather3A_497 = arith.constant 0 : i32
        %gather3A_498 = arith.constant 0 : i32
        %gather3A_499 = tpu.memref_slice %arg8[%gather3A_496, %gather3A_497, %gather3A_498] : memref<2x128x128xf32, #tpu.memory_space<vmem>> -> memref<1x128x128xf32, #tpu.memory_space<vmem>>
        %gather3A_500 = tpu.memref_squeeze %gather3A_499 : memref<1x128x128xf32, #tpu.memory_space<vmem>> -> memref<128x128xf32, #tpu.memory_space<vmem>>
        %gather3A_501 = tpu.vector_load_idx %gather3A_500[%add3A_165, %add3A_495] : memref<128x128xf32, #tpu.memory_space<vmem>>[vector<16xi32>, vector<16xi32>], vector<16xf32>,
        %mul3A_502 = arith.constant 16 : i32
        %mul3A_503 = arith.muli %scan3A_161, %mul3A_502 : i32
        %swap3A_504 = arith.constant 17 : i32
        %swap3A_505 = arith.constant 0 : i32
        %swap3A_506 = arith.constant 0 : i32
        %swap3A_507 = tpu.memref_slice %arg9[%scan3A_128, %swap3A_505, %swap3A_506] : memref<2x64x128xf32, #tpu.memory_space<vmem>> -> memref<1x64x128xf32, #tpu.memory_space<vmem>>
        %swap3A_508 = tpu.memref_squeeze %swap3A_507 : memref<1x64x128xf32, #tpu.memory_space<vmem>> -> memref<64x128xf32, #tpu.memory_space<vmem>>
        %swap3A_509 = arith.index_cast %swap3A_504 : i32 to index
        %swap3A_510 = arith.index_cast %mul3A_503 : i32 to index
        %swap3A_511 = tpu.vector_load %swap3A_508[%swap3A_509, %swap3A_510] {strides = array<i32>} : memref<64x128xf32, #tpu.memory_space<vmem>>, vector<16xf32>,
        tpu.vector_store %swap3A_508[%swap3A_509, %swap3A_510], %gather3A_501 {strides = array<i32>} : memref<64x128xf32, #tpu.memory_space<vmem>>, vector<16xf32>,
        %add3A_512 = arith.constant 18 : i32
        %add3A_513 = vector.broadcast %add3A_512 : i32 to vector<16xi32>
        %add3A_514 = arith.addi %get3A_171, %add3A_513 : vector<16xi32>
        %gather3A_515 = arith.constant 1 : i32
        %gather3A_516 = arith.constant 0 : i32
        %gather3A_517 = arith.constant 0 : i32
        %gather3A_518 = tpu.memref_slice %arg8[%gather3A_515, %gather3A_516, %gather3A_517] : memref<2x128x128xf32, #tpu.memory_space<vmem>> -> memref<1x128x128xf32, #tpu.memory_space<vmem>>
        %gather3A_519 = tpu.memref_squeeze %gather3A_518 : memref<1x128x128xf32, #tpu.memory_space<vmem>> -> memref<128x128xf32, #tpu.memory_space<vmem>>
        %gather3A_520 = tpu.vector_load_idx %gather3A_519[%add3A_165, %add3A_514] : memref<128x128xf32, #tpu.memory_space<vmem>>[vector<16xi32>, vector<16xi32>], vector<16xf32>,
        %mul3A_521 = arith.constant 16 : i32
        %mul3A_522 = arith.muli %scan3A_161, %mul3A_521 : i32
        %swap3A_523 = arith.constant 18 : i32
        %swap3A_524 = arith.constant 0 : i32
        %swap3A_525 = arith.constant 0 : i32
        %swap3A_526 = tpu.memref_slice %arg9[%scan3A_128, %swap3A_524, %swap3A_525] : memref<2x64x128xf32, #tpu.memory_space<vmem>> -> memref<1x64x128xf32, #tpu.memory_space<vmem>>
        %swap3A_527 = tpu.memref_squeeze %swap3A_526 : memref<1x64x128xf32, #tpu.memory_space<vmem>> -> memref<64x128xf32, #tpu.memory_space<vmem>>
        %swap3A_528 = arith.index_cast %swap3A_523 : i32 to index
        %swap3A_529 = arith.index_cast %mul3A_522 : i32 to index
        %swap3A_530 = tpu.vector_load %swap3A_527[%swap3A_528, %swap3A_529] {strides = array<i32>} : memref<64x128xf32, #tpu.memory_space<vmem>>, vector<16xf32>,
        tpu.vector_store %swap3A_527[%swap3A_528, %swap3A_529], %gather3A_520 {strides = array<i32>} : memref<64x128xf32, #tpu.memory_space<vmem>>, vector<16xf32>,
        %add3A_531 = arith.constant 19 : i32
        %add3A_532 = vector.broadcast %add3A_531 : i32 to vector<16xi32>
        %add3A_533 = arith.addi %get3A_171, %add3A_532 : vector<16xi32>
        %gather3A_534 = arith.constant 1 : i32
        %gather3A_535 = arith.constant 0 : i32
        %gather3A_536 = arith.constant 0 : i32
        %gather3A_537 = tpu.memref_slice %arg8[%gather3A_534, %gather3A_535, %gather3A_536] : memref<2x128x128xf32, #tpu.memory_space<vmem>> -> memref<1x128x128xf32, #tpu.memory_space<vmem>>
        %gather3A_538 = tpu.memref_squeeze %gather3A_537 : memref<1x128x128xf32, #tpu.memory_space<vmem>> -> memref<128x128xf32, #tpu.memory_space<vmem>>
        %gather3A_539 = tpu.vector_load_idx %gather3A_538[%add3A_165, %add3A_533] : memref<128x128xf32, #tpu.memory_space<vmem>>[vector<16xi32>, vector<16xi32>], vector<16xf32>,
        %mul3A_540 = arith.constant 16 : i32
        %mul3A_541 = arith.muli %scan3A_161, %mul3A_540 : i32
        %swap3A_542 = arith.constant 19 : i32
        %swap3A_543 = arith.constant 0 : i32
        %swap3A_544 = arith.constant 0 : i32
        %swap3A_545 = tpu.memref_slice %arg9[%scan3A_128, %swap3A_543, %swap3A_544] : memref<2x64x128xf32, #tpu.memory_space<vmem>> -> memref<1x64x128xf32, #tpu.memory_space<vmem>>
        %swap3A_546 = tpu.memref_squeeze %swap3A_545 : memref<1x64x128xf32, #tpu.memory_space<vmem>> -> memref<64x128xf32, #tpu.memory_space<vmem>>
        %swap3A_547 = arith.index_cast %swap3A_542 : i32 to index
        %swap3A_548 = arith.index_cast %mul3A_541 : i32 to index
        %swap3A_549 = tpu.vector_load %swap3A_546[%swap3A_547, %swap3A_548] {strides = array<i32>} : memref<64x128xf32, #tpu.memory_space<vmem>>, vector<16xf32>,
        tpu.vector_store %swap3A_546[%swap3A_547, %swap3A_548], %gather3A_539 {strides = array<i32>} : memref<64x128xf32, #tpu.memory_space<vmem>>, vector<16xf32>,
        %add3A_550 = arith.constant 20 : i32
        %add3A_551 = vector.broadcast %add3A_550 : i32 to vector<16xi32>
        %add3A_552 = arith.addi %get3A_171, %add3A_551 : vector<16xi32>
        %gather3A_553 = arith.constant 1 : i32
        %gather3A_554 = arith.constant 0 : i32
        %gather3A_555 = arith.constant 0 : i32
        %gather3A_556 = tpu.memref_slice %arg8[%gather3A_553, %gather3A_554, %gather3A_555] : memref<2x128x128xf32, #tpu.memory_space<vmem>> -> memref<1x128x128xf32, #tpu.memory_space<vmem>>
        %gather3A_557 = tpu.memref_squeeze %gather3A_556 : memref<1x128x128xf32, #tpu.memory_space<vmem>> -> memref<128x128xf32, #tpu.memory_space<vmem>>
        %gather3A_558 = tpu.vector_load_idx %gather3A_557[%add3A_165, %add3A_552] : memref<128x128xf32, #tpu.memory_space<vmem>>[vector<16xi32>, vector<16xi32>], vector<16xf32>,
        %mul3A_559 = arith.constant 16 : i32
        %mul3A_560 = arith.muli %scan3A_161, %mul3A_559 : i32
        %swap3A_561 = arith.constant 20 : i32
        %swap3A_562 = arith.constant 0 : i32
        %swap3A_563 = arith.constant 0 : i32
        %swap3A_564 = tpu.memref_slice %arg9[%scan3A_128, %swap3A_562, %swap3A_563] : memref<2x64x128xf32, #tpu.memory_space<vmem>> -> memref<1x64x128xf32, #tpu.memory_space<vmem>>
        %swap3A_565 = tpu.memref_squeeze %swap3A_564 : memref<1x64x128xf32, #tpu.memory_space<vmem>> -> memref<64x128xf32, #tpu.memory_space<vmem>>
        %swap3A_566 = arith.index_cast %swap3A_561 : i32 to index
        %swap3A_567 = arith.index_cast %mul3A_560 : i32 to index
        %swap3A_568 = tpu.vector_load %swap3A_565[%swap3A_566, %swap3A_567] {strides = array<i32>} : memref<64x128xf32, #tpu.memory_space<vmem>>, vector<16xf32>,
        tpu.vector_store %swap3A_565[%swap3A_566, %swap3A_567], %gather3A_558 {strides = array<i32>} : memref<64x128xf32, #tpu.memory_space<vmem>>, vector<16xf32>,
        %add3A_569 = arith.constant 21 : i32
        %add3A_570 = vector.broadcast %add3A_569 : i32 to vector<16xi32>
        %add3A_571 = arith.addi %get3A_171, %add3A_570 : vector<16xi32>
        %gather3A_572 = arith.constant 1 : i32
        %gather3A_573 = arith.constant 0 : i32
        %gather3A_574 = arith.constant 0 : i32
        %gather3A_575 = tpu.memref_slice %arg8[%gather3A_572, %gather3A_573, %gather3A_574] : memref<2x128x128xf32, #tpu.memory_space<vmem>> -> memref<1x128x128xf32, #tpu.memory_space<vmem>>
        %gather3A_576 = tpu.memref_squeeze %gather3A_575 : memref<1x128x128xf32, #tpu.memory_space<vmem>> -> memref<128x128xf32, #tpu.memory_space<vmem>>
        %gather3A_577 = tpu.vector_load_idx %gather3A_576[%add3A_165, %add3A_571] : memref<128x128xf32, #tpu.memory_space<vmem>>[vector<16xi32>, vector<16xi32>], vector<16xf32>,
        %mul3A_578 = arith.constant 16 : i32
        %mul3A_579 = arith.muli %scan3A_161, %mul3A_578 : i32
        %swap3A_580 = arith.constant 21 : i32
        %swap3A_581 = arith.constant 0 : i32
        %swap3A_582 = arith.constant 0 : i32
        %swap3A_583 = tpu.memref_slice %arg9[%scan3A_128, %swap3A_581, %swap3A_582] : memref<2x64x128xf32, #tpu.memory_space<vmem>> -> memref<1x64x128xf32, #tpu.memory_space<vmem>>
        %swap3A_584 = tpu.memref_squeeze %swap3A_583 : memref<1x64x128xf32, #tpu.memory_space<vmem>> -> memref<64x128xf32, #tpu.memory_space<vmem>>
        %swap3A_585 = arith.index_cast %swap3A_580 : i32 to index
        %swap3A_586 = arith.index_cast %mul3A_579 : i32 to index
        %swap3A_587 = tpu.vector_load %swap3A_584[%swap3A_585, %swap3A_586] {strides = array<i32>} : memref<64x128xf32, #tpu.memory_space<vmem>>, vector<16xf32>,
        tpu.vector_store %swap3A_584[%swap3A_585, %swap3A_586], %gather3A_577 {strides = array<i32>} : memref<64x128xf32, #tpu.memory_space<vmem>>, vector<16xf32>,
        %add3A_588 = arith.constant 22 : i32
        %add3A_589 = vector.broadcast %add3A_588 : i32 to vector<16xi32>
        %add3A_590 = arith.addi %get3A_171, %add3A_589 : vector<16xi32>
        %gather3A_591 = arith.constant 1 : i32
        %gather3A_592 = arith.constant 0 : i32
        %gather3A_593 = arith.constant 0 : i32
        %gather3A_594 = tpu.memref_slice %arg8[%gather3A_591, %gather3A_592, %gather3A_593] : memref<2x128x128xf32, #tpu.memory_space<vmem>> -> memref<1x128x128xf32, #tpu.memory_space<vmem>>
        %gather3A_595 = tpu.memref_squeeze %gather3A_594 : memref<1x128x128xf32, #tpu.memory_space<vmem>> -> memref<128x128xf32, #tpu.memory_space<vmem>>
        %gather3A_596 = tpu.vector_load_idx %gather3A_595[%add3A_165, %add3A_590] : memref<128x128xf32, #tpu.memory_space<vmem>>[vector<16xi32>, vector<16xi32>], vector<16xf32>,
        %mul3A_597 = arith.constant 16 : i32
        %mul3A_598 = arith.muli %scan3A_161, %mul3A_597 : i32
        %swap3A_599 = arith.constant 22 : i32
        %swap3A_600 = arith.constant 0 : i32
        %swap3A_601 = arith.constant 0 : i32
        %swap3A_602 = tpu.memref_slice %arg9[%scan3A_128, %swap3A_600, %swap3A_601] : memref<2x64x128xf32, #tpu.memory_space<vmem>> -> memref<1x64x128xf32, #tpu.memory_space<vmem>>
        %swap3A_603 = tpu.memref_squeeze %swap3A_602 : memref<1x64x128xf32, #tpu.memory_space<vmem>> -> memref<64x128xf32, #tpu.memory_space<vmem>>
        %swap3A_604 = arith.index_cast %swap3A_599 : i32 to index
        %swap3A_605 = arith.index_cast %mul3A_598 : i32 to index
        %swap3A_606 = tpu.vector_load %swap3A_603[%swap3A_604, %swap3A_605] {strides = array<i32>} : memref<64x128xf32, #tpu.memory_space<vmem>>, vector<16xf32>,
        tpu.vector_store %swap3A_603[%swap3A_604, %swap3A_605], %gather3A_596 {strides = array<i32>} : memref<64x128xf32, #tpu.memory_space<vmem>>, vector<16xf32>,
        %add3A_607 = arith.constant 23 : i32
        %add3A_608 = vector.broadcast %add3A_607 : i32 to vector<16xi32>
        %add3A_609 = arith.addi %get3A_171, %add3A_608 : vector<16xi32>
        %gather3A_610 = arith.constant 1 : i32
        %gather3A_611 = arith.constant 0 : i32
        %gather3A_612 = arith.constant 0 : i32
        %gather3A_613 = tpu.memref_slice %arg8[%gather3A_610, %gather3A_611, %gather3A_612] : memref<2x128x128xf32, #tpu.memory_space<vmem>> -> memref<1x128x128xf32, #tpu.memory_space<vmem>>
        %gather3A_614 = tpu.memref_squeeze %gather3A_613 : memref<1x128x128xf32, #tpu.memory_space<vmem>> -> memref<128x128xf32, #tpu.memory_space<vmem>>
        %gather3A_615 = tpu.vector_load_idx %gather3A_614[%add3A_165, %add3A_609] : memref<128x128xf32, #tpu.memory_space<vmem>>[vector<16xi32>, vector<16xi32>], vector<16xf32>,
        %mul3A_616 = arith.constant 16 : i32
        %mul3A_617 = arith.muli %scan3A_161, %mul3A_616 : i32
        %swap3A_618 = arith.constant 23 : i32
        %swap3A_619 = arith.constant 0 : i32
        %swap3A_620 = arith.constant 0 : i32
        %swap3A_621 = tpu.memref_slice %arg9[%scan3A_128, %swap3A_619, %swap3A_620] : memref<2x64x128xf32, #tpu.memory_space<vmem>> -> memref<1x64x128xf32, #tpu.memory_space<vmem>>
        %swap3A_622 = tpu.memref_squeeze %swap3A_621 : memref<1x64x128xf32, #tpu.memory_space<vmem>> -> memref<64x128xf32, #tpu.memory_space<vmem>>
        %swap3A_623 = arith.index_cast %swap3A_618 : i32 to index
        %swap3A_624 = arith.index_cast %mul3A_617 : i32 to index
        %swap3A_625 = tpu.vector_load %swap3A_622[%swap3A_623, %swap3A_624] {strides = array<i32>} : memref<64x128xf32, #tpu.memory_space<vmem>>, vector<16xf32>,
        tpu.vector_store %swap3A_622[%swap3A_623, %swap3A_624], %gather3A_615 {strides = array<i32>} : memref<64x128xf32, #tpu.memory_space<vmem>>, vector<16xf32>,
        %add3A_626 = arith.constant 24 : i32
        %add3A_627 = vector.broadcast %add3A_626 : i32 to vector<16xi32>
        %add3A_628 = arith.addi %get3A_171, %add3A_627 : vector<16xi32>
        %gather3A_629 = arith.constant 1 : i32
        %gather3A_630 = arith.constant 0 : i32
        %gather3A_631 = arith.constant 0 : i32
        %gather3A_632 = tpu.memref_slice %arg8[%gather3A_629, %gather3A_630, %gather3A_631] : memref<2x128x128xf32, #tpu.memory_space<vmem>> -> memref<1x128x128xf32, #tpu.memory_space<vmem>>
        %gather3A_633 = tpu.memref_squeeze %gather3A_632 : memref<1x128x128xf32, #tpu.memory_space<vmem>> -> memref<128x128xf32, #tpu.memory_space<vmem>>
        %gather3A_634 = tpu.vector_load_idx %gather3A_633[%add3A_165, %add3A_628] : memref<128x128xf32, #tpu.memory_space<vmem>>[vector<16xi32>, vector<16xi32>], vector<16xf32>,
        %mul3A_635 = arith.constant 16 : i32
        %mul3A_636 = arith.muli %scan3A_161, %mul3A_635 : i32
        %swap3A_637 = arith.constant 24 : i32
        %swap3A_638 = arith.constant 0 : i32
        %swap3A_639 = arith.constant 0 : i32
        %swap3A_640 = tpu.memref_slice %arg9[%scan3A_128, %swap3A_638, %swap3A_639] : memref<2x64x128xf32, #tpu.memory_space<vmem>> -> memref<1x64x128xf32, #tpu.memory_space<vmem>>
        %swap3A_641 = tpu.memref_squeeze %swap3A_640 : memref<1x64x128xf32, #tpu.memory_space<vmem>> -> memref<64x128xf32, #tpu.memory_space<vmem>>
        %swap3A_642 = arith.index_cast %swap3A_637 : i32 to index
        %swap3A_643 = arith.index_cast %mul3A_636 : i32 to index
        %swap3A_644 = tpu.vector_load %swap3A_641[%swap3A_642, %swap3A_643] {strides = array<i32>} : memref<64x128xf32, #tpu.memory_space<vmem>>, vector<16xf32>,
        tpu.vector_store %swap3A_641[%swap3A_642, %swap3A_643], %gather3A_634 {strides = array<i32>} : memref<64x128xf32, #tpu.memory_space<vmem>>, vector<16xf32>,
        %add3A_645 = arith.constant 25 : i32
        %add3A_646 = vector.broadcast %add3A_645 : i32 to vector<16xi32>
        %add3A_647 = arith.addi %get3A_171, %add3A_646 : vector<16xi32>
        %gather3A_648 = arith.constant 1 : i32
        %gather3A_649 = arith.constant 0 : i32
        %gather3A_650 = arith.constant 0 : i32
        %gather3A_651 = tpu.memref_slice %arg8[%gather3A_648, %gather3A_649, %gather3A_650] : memref<2x128x128xf32, #tpu.memory_space<vmem>> -> memref<1x128x128xf32, #tpu.memory_space<vmem>>
        %gather3A_652 = tpu.memref_squeeze %gather3A_651 : memref<1x128x128xf32, #tpu.memory_space<vmem>> -> memref<128x128xf32, #tpu.memory_space<vmem>>
        %gather3A_653 = tpu.vector_load_idx %gather3A_652[%add3A_165, %add3A_647] : memref<128x128xf32, #tpu.memory_space<vmem>>[vector<16xi32>, vector<16xi32>], vector<16xf32>,
        %mul3A_654 = arith.constant 16 : i32
        %mul3A_655 = arith.muli %scan3A_161, %mul3A_654 : i32
        %swap3A_656 = arith.constant 25 : i32
        %swap3A_657 = arith.constant 0 : i32
        %swap3A_658 = arith.constant 0 : i32
        %swap3A_659 = tpu.memref_slice %arg9[%scan3A_128, %swap3A_657, %swap3A_658] : memref<2x64x128xf32, #tpu.memory_space<vmem>> -> memref<1x64x128xf32, #tpu.memory_space<vmem>>
        %swap3A_660 = tpu.memref_squeeze %swap3A_659 : memref<1x64x128xf32, #tpu.memory_space<vmem>> -> memref<64x128xf32, #tpu.memory_space<vmem>>
        %swap3A_661 = arith.index_cast %swap3A_656 : i32 to index
        %swap3A_662 = arith.index_cast %mul3A_655 : i32 to index
        %swap3A_663 = tpu.vector_load %swap3A_660[%swap3A_661, %swap3A_662] {strides = array<i32>} : memref<64x128xf32, #tpu.memory_space<vmem>>, vector<16xf32>,
        tpu.vector_store %swap3A_660[%swap3A_661, %swap3A_662], %gather3A_653 {strides = array<i32>} : memref<64x128xf32, #tpu.memory_space<vmem>>, vector<16xf32>,
        %add3A_664 = arith.constant 26 : i32
        %add3A_665 = vector.broadcast %add3A_664 : i32 to vector<16xi32>
        %add3A_666 = arith.addi %get3A_171, %add3A_665 : vector<16xi32>
        %gather3A_667 = arith.constant 1 : i32
        %gather3A_668 = arith.constant 0 : i32
        %gather3A_669 = arith.constant 0 : i32
        %gather3A_670 = tpu.memref_slice %arg8[%gather3A_667, %gather3A_668, %gather3A_669] : memref<2x128x128xf32, #tpu.memory_space<vmem>> -> memref<1x128x128xf32, #tpu.memory_space<vmem>>
        %gather3A_671 = tpu.memref_squeeze %gather3A_670 : memref<1x128x128xf32, #tpu.memory_space<vmem>> -> memref<128x128xf32, #tpu.memory_space<vmem>>
        %gather3A_672 = tpu.vector_load_idx %gather3A_671[%add3A_165, %add3A_666] : memref<128x128xf32, #tpu.memory_space<vmem>>[vector<16xi32>, vector<16xi32>], vector<16xf32>,
        %mul3A_673 = arith.constant 16 : i32
        %mul3A_674 = arith.muli %scan3A_161, %mul3A_673 : i32
        %swap3A_675 = arith.constant 26 : i32
        %swap3A_676 = arith.constant 0 : i32
        %swap3A_677 = arith.constant 0 : i32
        %swap3A_678 = tpu.memref_slice %arg9[%scan3A_128, %swap3A_676, %swap3A_677] : memref<2x64x128xf32, #tpu.memory_space<vmem>> -> memref<1x64x128xf32, #tpu.memory_space<vmem>>
        %swap3A_679 = tpu.memref_squeeze %swap3A_678 : memref<1x64x128xf32, #tpu.memory_space<vmem>> -> memref<64x128xf32, #tpu.memory_space<vmem>>
        %swap3A_680 = arith.index_cast %swap3A_675 : i32 to index
        %swap3A_681 = arith.index_cast %mul3A_674 : i32 to index
        %swap3A_682 = tpu.vector_load %swap3A_679[%swap3A_680, %swap3A_681] {strides = array<i32>} : memref<64x128xf32, #tpu.memory_space<vmem>>, vector<16xf32>,
        tpu.vector_store %swap3A_679[%swap3A_680, %swap3A_681], %gather3A_672 {strides = array<i32>} : memref<64x128xf32, #tpu.memory_space<vmem>>, vector<16xf32>,
        %add3A_683 = arith.constant 27 : i32
        %add3A_684 = vector.broadcast %add3A_683 : i32 to vector<16xi32>
        %add3A_685 = arith.addi %get3A_171, %add3A_684 : vector<16xi32>
        %gather3A_686 = arith.constant 1 : i32
        %gather3A_687 = arith.constant 0 : i32
        %gather3A_688 = arith.constant 0 : i32
        %gather3A_689 = tpu.memref_slice %arg8[%gather3A_686, %gather3A_687, %gather3A_688] : memref<2x128x128xf32, #tpu.memory_space<vmem>> -> memref<1x128x128xf32, #tpu.memory_space<vmem>>
        %gather3A_690 = tpu.memref_squeeze %gather3A_689 : memref<1x128x128xf32, #tpu.memory_space<vmem>> -> memref<128x128xf32, #tpu.memory_space<vmem>>
        %gather3A_691 = tpu.vector_load_idx %gather3A_690[%add3A_165, %add3A_685] : memref<128x128xf32, #tpu.memory_space<vmem>>[vector<16xi32>, vector<16xi32>], vector<16xf32>,
        %mul3A_692 = arith.constant 16 : i32
        %mul3A_693 = arith.muli %scan3A_161, %mul3A_692 : i32
        %swap3A_694 = arith.constant 27 : i32
        %swap3A_695 = arith.constant 0 : i32
        %swap3A_696 = arith.constant 0 : i32
        %swap3A_697 = tpu.memref_slice %arg9[%scan3A_128, %swap3A_695, %swap3A_696] : memref<2x64x128xf32, #tpu.memory_space<vmem>> -> memref<1x64x128xf32, #tpu.memory_space<vmem>>
        %swap3A_698 = tpu.memref_squeeze %swap3A_697 : memref<1x64x128xf32, #tpu.memory_space<vmem>> -> memref<64x128xf32, #tpu.memory_space<vmem>>
        %swap3A_699 = arith.index_cast %swap3A_694 : i32 to index
        %swap3A_700 = arith.index_cast %mul3A_693 : i32 to index
        %swap3A_701 = tpu.vector_load %swap3A_698[%swap3A_699, %swap3A_700] {strides = array<i32>} : memref<64x128xf32, #tpu.memory_space<vmem>>, vector<16xf32>,
        tpu.vector_store %swap3A_698[%swap3A_699, %swap3A_700], %gather3A_691 {strides = array<i32>} : memref<64x128xf32, #tpu.memory_space<vmem>>, vector<16xf32>,
        %add3A_702 = arith.constant 28 : i32
        %add3A_703 = vector.broadcast %add3A_702 : i32 to vector<16xi32>
        %add3A_704 = arith.addi %get3A_171, %add3A_703 : vector<16xi32>
        %gather3A_705 = arith.constant 1 : i32
        %gather3A_706 = arith.constant 0 : i32
        %gather3A_707 = arith.constant 0 : i32
        %gather3A_708 = tpu.memref_slice %arg8[%gather3A_705, %gather3A_706, %gather3A_707] : memref<2x128x128xf32, #tpu.memory_space<vmem>> -> memref<1x128x128xf32, #tpu.memory_space<vmem>>
        %gather3A_709 = tpu.memref_squeeze %gather3A_708 : memref<1x128x128xf32, #tpu.memory_space<vmem>> -> memref<128x128xf32, #tpu.memory_space<vmem>>
        %gather3A_710 = tpu.vector_load_idx %gather3A_709[%add3A_165, %add3A_704] : memref<128x128xf32, #tpu.memory_space<vmem>>[vector<16xi32>, vector<16xi32>], vector<16xf32>,
        %mul3A_711 = arith.constant 16 : i32
        %mul3A_712 = arith.muli %scan3A_161, %mul3A_711 : i32
        %swap3A_713 = arith.constant 28 : i32
        %swap3A_714 = arith.constant 0 : i32
        %swap3A_715 = arith.constant 0 : i32
        %swap3A_716 = tpu.memref_slice %arg9[%scan3A_128, %swap3A_714, %swap3A_715] : memref<2x64x128xf32, #tpu.memory_space<vmem>> -> memref<1x64x128xf32, #tpu.memory_space<vmem>>
        %swap3A_717 = tpu.memref_squeeze %swap3A_716 : memref<1x64x128xf32, #tpu.memory_space<vmem>> -> memref<64x128xf32, #tpu.memory_space<vmem>>
        %swap3A_718 = arith.index_cast %swap3A_713 : i32 to index
        %swap3A_719 = arith.index_cast %mul3A_712 : i32 to index
        %swap3A_720 = tpu.vector_load %swap3A_717[%swap3A_718, %swap3A_719] {strides = array<i32>} : memref<64x128xf32, #tpu.memory_space<vmem>>, vector<16xf32>,
        tpu.vector_store %swap3A_717[%swap3A_718, %swap3A_719], %gather3A_710 {strides = array<i32>} : memref<64x128xf32, #tpu.memory_space<vmem>>, vector<16xf32>,
        %add3A_721 = arith.constant 29 : i32
        %add3A_722 = vector.broadcast %add3A_721 : i32 to vector<16xi32>
        %add3A_723 = arith.addi %get3A_171, %add3A_722 : vector<16xi32>
        %gather3A_724 = arith.constant 1 : i32
        %gather3A_725 = arith.constant 0 : i32
        %gather3A_726 = arith.constant 0 : i32
        %gather3A_727 = tpu.memref_slice %arg8[%gather3A_724, %gather3A_725, %gather3A_726] : memref<2x128x128xf32, #tpu.memory_space<vmem>> -> memref<1x128x128xf32, #tpu.memory_space<vmem>>
        %gather3A_728 = tpu.memref_squeeze %gather3A_727 : memref<1x128x128xf32, #tpu.memory_space<vmem>> -> memref<128x128xf32, #tpu.memory_space<vmem>>
        %gather3A_729 = tpu.vector_load_idx %gather3A_728[%add3A_165, %add3A_723] : memref<128x128xf32, #tpu.memory_space<vmem>>[vector<16xi32>, vector<16xi32>], vector<16xf32>,
        %mul3A_730 = arith.constant 16 : i32
        %mul3A_731 = arith.muli %scan3A_161, %mul3A_730 : i32
        %swap3A_732 = arith.constant 29 : i32
        %swap3A_733 = arith.constant 0 : i32
        %swap3A_734 = arith.constant 0 : i32
        %swap3A_735 = tpu.memref_slice %arg9[%scan3A_128, %swap3A_733, %swap3A_734] : memref<2x64x128xf32, #tpu.memory_space<vmem>> -> memref<1x64x128xf32, #tpu.memory_space<vmem>>
        %swap3A_736 = tpu.memref_squeeze %swap3A_735 : memref<1x64x128xf32, #tpu.memory_space<vmem>> -> memref<64x128xf32, #tpu.memory_space<vmem>>
        %swap3A_737 = arith.index_cast %swap3A_732 : i32 to index
        %swap3A_738 = arith.index_cast %mul3A_731 : i32 to index
        %swap3A_739 = tpu.vector_load %swap3A_736[%swap3A_737, %swap3A_738] {strides = array<i32>} : memref<64x128xf32, #tpu.memory_space<vmem>>, vector<16xf32>,
        tpu.vector_store %swap3A_736[%swap3A_737, %swap3A_738], %gather3A_729 {strides = array<i32>} : memref<64x128xf32, #tpu.memory_space<vmem>>, vector<16xf32>,
        %add3A_740 = arith.constant 30 : i32
        %add3A_741 = vector.broadcast %add3A_740 : i32 to vector<16xi32>
        %add3A_742 = arith.addi %get3A_171, %add3A_741 : vector<16xi32>
        %gather3A_743 = arith.constant 1 : i32
        %gather3A_744 = arith.constant 0 : i32
        %gather3A_745 = arith.constant 0 : i32
        %gather3A_746 = tpu.memref_slice %arg8[%gather3A_743, %gather3A_744, %gather3A_745] : memref<2x128x128xf32, #tpu.memory_space<vmem>> -> memref<1x128x128xf32, #tpu.memory_space<vmem>>
        %gather3A_747 = tpu.memref_squeeze %gather3A_746 : memref<1x128x128xf32, #tpu.memory_space<vmem>> -> memref<128x128xf32, #tpu.memory_space<vmem>>
        %gather3A_748 = tpu.vector_load_idx %gather3A_747[%add3A_165, %add3A_742] : memref<128x128xf32, #tpu.memory_space<vmem>>[vector<16xi32>, vector<16xi32>], vector<16xf32>,
        %mul3A_749 = arith.constant 16 : i32
        %mul3A_750 = arith.muli %scan3A_161, %mul3A_749 : i32
        %swap3A_751 = arith.constant 30 : i32
        %swap3A_752 = arith.constant 0 : i32
        %swap3A_753 = arith.constant 0 : i32
        %swap3A_754 = tpu.memref_slice %arg9[%scan3A_128, %swap3A_752, %swap3A_753] : memref<2x64x128xf32, #tpu.memory_space<vmem>> -> memref<1x64x128xf32, #tpu.memory_space<vmem>>
        %swap3A_755 = tpu.memref_squeeze %swap3A_754 : memref<1x64x128xf32, #tpu.memory_space<vmem>> -> memref<64x128xf32, #tpu.memory_space<vmem>>
        %swap3A_756 = arith.index_cast %swap3A_751 : i32 to index
        %swap3A_757 = arith.index_cast %mul3A_750 : i32 to index
        %swap3A_758 = tpu.vector_load %swap3A_755[%swap3A_756, %swap3A_757] {strides = array<i32>} : memref<64x128xf32, #tpu.memory_space<vmem>>, vector<16xf32>,
        tpu.vector_store %swap3A_755[%swap3A_756, %swap3A_757], %gather3A_748 {strides = array<i32>} : memref<64x128xf32, #tpu.memory_space<vmem>>, vector<16xf32>,
        %add3A_759 = arith.constant 31 : i32
        %add3A_760 = vector.broadcast %add3A_759 : i32 to vector<16xi32>
        %add3A_761 = arith.addi %get3A_171, %add3A_760 : vector<16xi32>
        %gather3A_762 = arith.constant 1 : i32
        %gather3A_763 = arith.constant 0 : i32
        %gather3A_764 = arith.constant 0 : i32
        %gather3A_765 = tpu.memref_slice %arg8[%gather3A_762, %gather3A_763, %gather3A_764] : memref<2x128x128xf32, #tpu.memory_space<vmem>> -> memref<1x128x128xf32, #tpu.memory_space<vmem>>
        %gather3A_766 = tpu.memref_squeeze %gather3A_765 : memref<1x128x128xf32, #tpu.memory_space<vmem>> -> memref<128x128xf32, #tpu.memory_space<vmem>>
        %gather3A_767 = tpu.vector_load_idx %gather3A_766[%add3A_165, %add3A_761] : memref<128x128xf32, #tpu.memory_space<vmem>>[vector<16xi32>, vector<16xi32>], vector<16xf32>,
        %mul3A_768 = arith.constant 16 : i32
        %mul3A_769 = arith.muli %scan3A_161, %mul3A_768 : i32
        %swap3A_770 = arith.constant 31 : i32
        %swap3A_771 = arith.constant 0 : i32
        %swap3A_772 = arith.constant 0 : i32
        %swap3A_773 = tpu.memref_slice %arg9[%scan3A_128, %swap3A_771, %swap3A_772] : memref<2x64x128xf32, #tpu.memory_space<vmem>> -> memref<1x64x128xf32, #tpu.memory_space<vmem>>
        %swap3A_774 = tpu.memref_squeeze %swap3A_773 : memref<1x64x128xf32, #tpu.memory_space<vmem>> -> memref<64x128xf32, #tpu.memory_space<vmem>>
        %swap3A_775 = arith.index_cast %swap3A_770 : i32 to index
        %swap3A_776 = arith.index_cast %mul3A_769 : i32 to index
        %swap3A_777 = tpu.vector_load %swap3A_774[%swap3A_775, %swap3A_776] {strides = array<i32>} : memref<64x128xf32, #tpu.memory_space<vmem>>, vector<16xf32>,
        tpu.vector_store %swap3A_774[%swap3A_775, %swap3A_776], %gather3A_767 {strides = array<i32>} : memref<64x128xf32, #tpu.memory_space<vmem>>, vector<16xf32>,
        %add3A_778 = arith.constant 32 : i32
        %add3A_779 = vector.broadcast %add3A_778 : i32 to vector<16xi32>
        %add3A_780 = arith.addi %get3A_171, %add3A_779 : vector<16xi32>
        %gather3A_781 = arith.constant 1 : i32
        %gather3A_782 = arith.constant 0 : i32
        %gather3A_783 = arith.constant 0 : i32
        %gather3A_784 = tpu.memref_slice %arg8[%gather3A_781, %gather3A_782, %gather3A_783] : memref<2x128x128xf32, #tpu.memory_space<vmem>> -> memref<1x128x128xf32, #tpu.memory_space<vmem>>
        %gather3A_785 = tpu.memref_squeeze %gather3A_784 : memref<1x128x128xf32, #tpu.memory_space<vmem>> -> memref<128x128xf32, #tpu.memory_space<vmem>>
        %gather3A_786 = tpu.vector_load_idx %gather3A_785[%add3A_165, %add3A_780] : memref<128x128xf32, #tpu.memory_space<vmem>>[vector<16xi32>, vector<16xi32>], vector<16xf32>,
        %mul3A_787 = arith.constant 16 : i32
        %mul3A_788 = arith.muli %scan3A_161, %mul3A_787 : i32
        %swap3A_789 = arith.constant 32 : i32
        %swap3A_790 = arith.constant 0 : i32
        %swap3A_791 = arith.constant 0 : i32
        %swap3A_792 = tpu.memref_slice %arg9[%scan3A_128, %swap3A_790, %swap3A_791] : memref<2x64x128xf32, #tpu.memory_space<vmem>> -> memref<1x64x128xf32, #tpu.memory_space<vmem>>
        %swap3A_793 = tpu.memref_squeeze %swap3A_792 : memref<1x64x128xf32, #tpu.memory_space<vmem>> -> memref<64x128xf32, #tpu.memory_space<vmem>>
        %swap3A_794 = arith.index_cast %swap3A_789 : i32 to index
        %swap3A_795 = arith.index_cast %mul3A_788 : i32 to index
        %swap3A_796 = tpu.vector_load %swap3A_793[%swap3A_794, %swap3A_795] {strides = array<i32>} : memref<64x128xf32, #tpu.memory_space<vmem>>, vector<16xf32>,
        tpu.vector_store %swap3A_793[%swap3A_794, %swap3A_795], %gather3A_786 {strides = array<i32>} : memref<64x128xf32, #tpu.memory_space<vmem>>, vector<16xf32>,
        %add3A_797 = arith.constant 33 : i32
        %add3A_798 = vector.broadcast %add3A_797 : i32 to vector<16xi32>
        %add3A_799 = arith.addi %get3A_171, %add3A_798 : vector<16xi32>
        %gather3A_800 = arith.constant 1 : i32
        %gather3A_801 = arith.constant 0 : i32
        %gather3A_802 = arith.constant 0 : i32
        %gather3A_803 = tpu.memref_slice %arg8[%gather3A_800, %gather3A_801, %gather3A_802] : memref<2x128x128xf32, #tpu.memory_space<vmem>> -> memref<1x128x128xf32, #tpu.memory_space<vmem>>
        %gather3A_804 = tpu.memref_squeeze %gather3A_803 : memref<1x128x128xf32, #tpu.memory_space<vmem>> -> memref<128x128xf32, #tpu.memory_space<vmem>>
        %gather3A_805 = tpu.vector_load_idx %gather3A_804[%add3A_165, %add3A_799] : memref<128x128xf32, #tpu.memory_space<vmem>>[vector<16xi32>, vector<16xi32>], vector<16xf32>,
        %mul3A_806 = arith.constant 16 : i32
        %mul3A_807 = arith.muli %scan3A_161, %mul3A_806 : i32
        %swap3A_808 = arith.constant 33 : i32
        %swap3A_809 = arith.constant 0 : i32
        %swap3A_810 = arith.constant 0 : i32
        %swap3A_811 = tpu.memref_slice %arg9[%scan3A_128, %swap3A_809, %swap3A_810] : memref<2x64x128xf32, #tpu.memory_space<vmem>> -> memref<1x64x128xf32, #tpu.memory_space<vmem>>
        %swap3A_812 = tpu.memref_squeeze %swap3A_811 : memref<1x64x128xf32, #tpu.memory_space<vmem>> -> memref<64x128xf32, #tpu.memory_space<vmem>>
        %swap3A_813 = arith.index_cast %swap3A_808 : i32 to index
        %swap3A_814 = arith.index_cast %mul3A_807 : i32 to index
        %swap3A_815 = tpu.vector_load %swap3A_812[%swap3A_813, %swap3A_814] {strides = array<i32>} : memref<64x128xf32, #tpu.memory_space<vmem>>, vector<16xf32>,
        tpu.vector_store %swap3A_812[%swap3A_813, %swap3A_814], %gather3A_805 {strides = array<i32>} : memref<64x128xf32, #tpu.memory_space<vmem>>, vector<16xf32>,
        %add3A_816 = arith.constant 34 : i32
        %add3A_817 = vector.broadcast %add3A_816 : i32 to vector<16xi32>
        %add3A_818 = arith.addi %get3A_171, %add3A_817 : vector<16xi32>
        %gather3A_819 = arith.constant 1 : i32
        %gather3A_820 = arith.constant 0 : i32
        %gather3A_821 = arith.constant 0 : i32
        %gather3A_822 = tpu.memref_slice %arg8[%gather3A_819, %gather3A_820, %gather3A_821] : memref<2x128x128xf32, #tpu.memory_space<vmem>> -> memref<1x128x128xf32, #tpu.memory_space<vmem>>
        %gather3A_823 = tpu.memref_squeeze %gather3A_822 : memref<1x128x128xf32, #tpu.memory_space<vmem>> -> memref<128x128xf32, #tpu.memory_space<vmem>>
        %gather3A_824 = tpu.vector_load_idx %gather3A_823[%add3A_165, %add3A_818] : memref<128x128xf32, #tpu.memory_space<vmem>>[vector<16xi32>, vector<16xi32>], vector<16xf32>,
        %mul3A_825 = arith.constant 16 : i32
        %mul3A_826 = arith.muli %scan3A_161, %mul3A_825 : i32
        %swap3A_827 = arith.constant 34 : i32
        %swap3A_828 = arith.constant 0 : i32
        %swap3A_829 = arith.constant 0 : i32
        %swap3A_830 = tpu.memref_slice %arg9[%scan3A_128, %swap3A_828, %swap3A_829] : memref<2x64x128xf32, #tpu.memory_space<vmem>> -> memref<1x64x128xf32, #tpu.memory_space<vmem>>
        %swap3A_831 = tpu.memref_squeeze %swap3A_830 : memref<1x64x128xf32, #tpu.memory_space<vmem>> -> memref<64x128xf32, #tpu.memory_space<vmem>>
        %swap3A_832 = arith.index_cast %swap3A_827 : i32 to index
        %swap3A_833 = arith.index_cast %mul3A_826 : i32 to index
        %swap3A_834 = tpu.vector_load %swap3A_831[%swap3A_832, %swap3A_833] {strides = array<i32>} : memref<64x128xf32, #tpu.memory_space<vmem>>, vector<16xf32>,
        tpu.vector_store %swap3A_831[%swap3A_832, %swap3A_833], %gather3A_824 {strides = array<i32>} : memref<64x128xf32, #tpu.memory_space<vmem>>, vector<16xf32>,
        %add3A_835 = arith.constant 35 : i32
        %add3A_836 = vector.broadcast %add3A_835 : i32 to vector<16xi32>
        %add3A_837 = arith.addi %get3A_171, %add3A_836 : vector<16xi32>
        %gather3A_838 = arith.constant 1 : i32
        %gather3A_839 = arith.constant 0 : i32
        %gather3A_840 = arith.constant 0 : i32
        %gather3A_841 = tpu.memref_slice %arg8[%gather3A_838, %gather3A_839, %gather3A_840] : memref<2x128x128xf32, #tpu.memory_space<vmem>> -> memref<1x128x128xf32, #tpu.memory_space<vmem>>
        %gather3A_842 = tpu.memref_squeeze %gather3A_841 : memref<1x128x128xf32, #tpu.memory_space<vmem>> -> memref<128x128xf32, #tpu.memory_space<vmem>>
        %gather3A_843 = tpu.vector_load_idx %gather3A_842[%add3A_165, %add3A_837] : memref<128x128xf32, #tpu.memory_space<vmem>>[vector<16xi32>, vector<16xi32>], vector<16xf32>,
        %mul3A_844 = arith.constant 16 : i32
        %mul3A_845 = arith.muli %scan3A_161, %mul3A_844 : i32
        %swap3A_846 = arith.constant 35 : i32
        %swap3A_847 = arith.constant 0 : i32
        %swap3A_848 = arith.constant 0 : i32
        %swap3A_849 = tpu.memref_slice %arg9[%scan3A_128, %swap3A_847, %swap3A_848] : memref<2x64x128xf32, #tpu.memory_space<vmem>> -> memref<1x64x128xf32, #tpu.memory_space<vmem>>
        %swap3A_850 = tpu.memref_squeeze %swap3A_849 : memref<1x64x128xf32, #tpu.memory_space<vmem>> -> memref<64x128xf32, #tpu.memory_space<vmem>>
        %swap3A_851 = arith.index_cast %swap3A_846 : i32 to index
        %swap3A_852 = arith.index_cast %mul3A_845 : i32 to index
        %swap3A_853 = tpu.vector_load %swap3A_850[%swap3A_851, %swap3A_852] {strides = array<i32>} : memref<64x128xf32, #tpu.memory_space<vmem>>, vector<16xf32>,
        tpu.vector_store %swap3A_850[%swap3A_851, %swap3A_852], %gather3A_843 {strides = array<i32>} : memref<64x128xf32, #tpu.memory_space<vmem>>, vector<16xf32>,
        %add3A_854 = arith.constant 36 : i32
        %add3A_855 = vector.broadcast %add3A_854 : i32 to vector<16xi32>
        %add3A_856 = arith.addi %get3A_171, %add3A_855 : vector<16xi32>
        %gather3A_857 = arith.constant 1 : i32
        %gather3A_858 = arith.constant 0 : i32
        %gather3A_859 = arith.constant 0 : i32
        %gather3A_860 = tpu.memref_slice %arg8[%gather3A_857, %gather3A_858, %gather3A_859] : memref<2x128x128xf32, #tpu.memory_space<vmem>> -> memref<1x128x128xf32, #tpu.memory_space<vmem>>
        %gather3A_861 = tpu.memref_squeeze %gather3A_860 : memref<1x128x128xf32, #tpu.memory_space<vmem>> -> memref<128x128xf32, #tpu.memory_space<vmem>>
        %gather3A_862 = tpu.vector_load_idx %gather3A_861[%add3A_165, %add3A_856] : memref<128x128xf32, #tpu.memory_space<vmem>>[vector<16xi32>, vector<16xi32>], vector<16xf32>,
        %mul3A_863 = arith.constant 16 : i32
        %mul3A_864 = arith.muli %scan3A_161, %mul3A_863 : i32
        %swap3A_865 = arith.constant 36 : i32
        %swap3A_866 = arith.constant 0 : i32
        %swap3A_867 = arith.constant 0 : i32
        %swap3A_868 = tpu.memref_slice %arg9[%scan3A_128, %swap3A_866, %swap3A_867] : memref<2x64x128xf32, #tpu.memory_space<vmem>> -> memref<1x64x128xf32, #tpu.memory_space<vmem>>
        %swap3A_869 = tpu.memref_squeeze %swap3A_868 : memref<1x64x128xf32, #tpu.memory_space<vmem>> -> memref<64x128xf32, #tpu.memory_space<vmem>>
        %swap3A_870 = arith.index_cast %swap3A_865 : i32 to index
        %swap3A_871 = arith.index_cast %mul3A_864 : i32 to index
        %swap3A_872 = tpu.vector_load %swap3A_869[%swap3A_870, %swap3A_871] {strides = array<i32>} : memref<64x128xf32, #tpu.memory_space<vmem>>, vector<16xf32>,
        tpu.vector_store %swap3A_869[%swap3A_870, %swap3A_871], %gather3A_862 {strides = array<i32>} : memref<64x128xf32, #tpu.memory_space<vmem>>, vector<16xf32>,
        %add3A_873 = arith.constant 37 : i32
        %add3A_874 = vector.broadcast %add3A_873 : i32 to vector<16xi32>
        %add3A_875 = arith.addi %get3A_171, %add3A_874 : vector<16xi32>
        %gather3A_876 = arith.constant 1 : i32
        %gather3A_877 = arith.constant 0 : i32
        %gather3A_878 = arith.constant 0 : i32
        %gather3A_879 = tpu.memref_slice %arg8[%gather3A_876, %gather3A_877, %gather3A_878] : memref<2x128x128xf32, #tpu.memory_space<vmem>> -> memref<1x128x128xf32, #tpu.memory_space<vmem>>
        %gather3A_880 = tpu.memref_squeeze %gather3A_879 : memref<1x128x128xf32, #tpu.memory_space<vmem>> -> memref<128x128xf32, #tpu.memory_space<vmem>>
        %gather3A_881 = tpu.vector_load_idx %gather3A_880[%add3A_165, %add3A_875] : memref<128x128xf32, #tpu.memory_space<vmem>>[vector<16xi32>, vector<16xi32>], vector<16xf32>,
        %mul3A_882 = arith.constant 16 : i32
        %mul3A_883 = arith.muli %scan3A_161, %mul3A_882 : i32
        %swap3A_884 = arith.constant 37 : i32
        %swap3A_885 = arith.constant 0 : i32
        %swap3A_886 = arith.constant 0 : i32
        %swap3A_887 = tpu.memref_slice %arg9[%scan3A_128, %swap3A_885, %swap3A_886] : memref<2x64x128xf32, #tpu.memory_space<vmem>> -> memref<1x64x128xf32, #tpu.memory_space<vmem>>
        %swap3A_888 = tpu.memref_squeeze %swap3A_887 : memref<1x64x128xf32, #tpu.memory_space<vmem>> -> memref<64x128xf32, #tpu.memory_space<vmem>>
        %swap3A_889 = arith.index_cast %swap3A_884 : i32 to index
        %swap3A_890 = arith.index_cast %mul3A_883 : i32 to index
        %swap3A_891 = tpu.vector_load %swap3A_888[%swap3A_889, %swap3A_890] {strides = array<i32>} : memref<64x128xf32, #tpu.memory_space<vmem>>, vector<16xf32>,
        tpu.vector_store %swap3A_888[%swap3A_889, %swap3A_890], %gather3A_881 {strides = array<i32>} : memref<64x128xf32, #tpu.memory_space<vmem>>, vector<16xf32>,
        %add3A_892 = arith.constant 38 : i32
        %add3A_893 = vector.broadcast %add3A_892 : i32 to vector<16xi32>
        %add3A_894 = arith.addi %get3A_171, %add3A_893 : vector<16xi32>
        %gather3A_895 = arith.constant 1 : i32
        %gather3A_896 = arith.constant 0 : i32
        %gather3A_897 = arith.constant 0 : i32
        %gather3A_898 = tpu.memref_slice %arg8[%gather3A_895, %gather3A_896, %gather3A_897] : memref<2x128x128xf32, #tpu.memory_space<vmem>> -> memref<1x128x128xf32, #tpu.memory_space<vmem>>
        %gather3A_899 = tpu.memref_squeeze %gather3A_898 : memref<1x128x128xf32, #tpu.memory_space<vmem>> -> memref<128x128xf32, #tpu.memory_space<vmem>>
        %gather3A_900 = tpu.vector_load_idx %gather3A_899[%add3A_165, %add3A_894] : memref<128x128xf32, #tpu.memory_space<vmem>>[vector<16xi32>, vector<16xi32>], vector<16xf32>,
        %mul3A_901 = arith.constant 16 : i32
        %mul3A_902 = arith.muli %scan3A_161, %mul3A_901 : i32
        %swap3A_903 = arith.constant 38 : i32
        %swap3A_904 = arith.constant 0 : i32
        %swap3A_905 = arith.constant 0 : i32
        %swap3A_906 = tpu.memref_slice %arg9[%scan3A_128, %swap3A_904, %swap3A_905] : memref<2x64x128xf32, #tpu.memory_space<vmem>> -> memref<1x64x128xf32, #tpu.memory_space<vmem>>
        %swap3A_907 = tpu.memref_squeeze %swap3A_906 : memref<1x64x128xf32, #tpu.memory_space<vmem>> -> memref<64x128xf32, #tpu.memory_space<vmem>>
        %swap3A_908 = arith.index_cast %swap3A_903 : i32 to index
        %swap3A_909 = arith.index_cast %mul3A_902 : i32 to index
        %swap3A_910 = tpu.vector_load %swap3A_907[%swap3A_908, %swap3A_909] {strides = array<i32>} : memref<64x128xf32, #tpu.memory_space<vmem>>, vector<16xf32>,
        tpu.vector_store %swap3A_907[%swap3A_908, %swap3A_909], %gather3A_900 {strides = array<i32>} : memref<64x128xf32, #tpu.memory_space<vmem>>, vector<16xf32>,
        %add3A_911 = arith.constant 39 : i32
        %add3A_912 = vector.broadcast %add3A_911 : i32 to vector<16xi32>
        %add3A_913 = arith.addi %get3A_171, %add3A_912 : vector<16xi32>
        %gather3A_914 = arith.constant 1 : i32
        %gather3A_915 = arith.constant 0 : i32
        %gather3A_916 = arith.constant 0 : i32
        %gather3A_917 = tpu.memref_slice %arg8[%gather3A_914, %gather3A_915, %gather3A_916] : memref<2x128x128xf32, #tpu.memory_space<vmem>> -> memref<1x128x128xf32, #tpu.memory_space<vmem>>
        %gather3A_918 = tpu.memref_squeeze %gather3A_917 : memref<1x128x128xf32, #tpu.memory_space<vmem>> -> memref<128x128xf32, #tpu.memory_space<vmem>>
        %gather3A_919 = tpu.vector_load_idx %gather3A_918[%add3A_165, %add3A_913] : memref<128x128xf32, #tpu.memory_space<vmem>>[vector<16xi32>, vector<16xi32>], vector<16xf32>,
        %mul3A_920 = arith.constant 16 : i32
        %mul3A_921 = arith.muli %scan3A_161, %mul3A_920 : i32
        %swap3A_922 = arith.constant 39 : i32
        %swap3A_923 = arith.constant 0 : i32
        %swap3A_924 = arith.constant 0 : i32
        %swap3A_925 = tpu.memref_slice %arg9[%scan3A_128, %swap3A_923, %swap3A_924] : memref<2x64x128xf32, #tpu.memory_space<vmem>> -> memref<1x64x128xf32, #tpu.memory_space<vmem>>
        %swap3A_926 = tpu.memref_squeeze %swap3A_925 : memref<1x64x128xf32, #tpu.memory_space<vmem>> -> memref<64x128xf32, #tpu.memory_space<vmem>>
        %swap3A_927 = arith.index_cast %swap3A_922 : i32 to index
        %swap3A_928 = arith.index_cast %mul3A_921 : i32 to index
        %swap3A_929 = tpu.vector_load %swap3A_926[%swap3A_927, %swap3A_928] {strides = array<i32>} : memref<64x128xf32, #tpu.memory_space<vmem>>, vector<16xf32>,
        tpu.vector_store %swap3A_926[%swap3A_927, %swap3A_928], %gather3A_919 {strides = array<i32>} : memref<64x128xf32, #tpu.memory_space<vmem>>, vector<16xf32>,
        %add3A_930 = arith.constant 40 : i32
        %add3A_931 = vector.broadcast %add3A_930 : i32 to vector<16xi32>
        %add3A_932 = arith.addi %get3A_171, %add3A_931 : vector<16xi32>
        %gather3A_933 = arith.constant 1 : i32
        %gather3A_934 = arith.constant 0 : i32
        %gather3A_935 = arith.constant 0 : i32
        %gather3A_936 = tpu.memref_slice %arg8[%gather3A_933, %gather3A_934, %gather3A_935] : memref<2x128x128xf32, #tpu.memory_space<vmem>> -> memref<1x128x128xf32, #tpu.memory_space<vmem>>
        %gather3A_937 = tpu.memref_squeeze %gather3A_936 : memref<1x128x128xf32, #tpu.memory_space<vmem>> -> memref<128x128xf32, #tpu.memory_space<vmem>>
        %gather3A_938 = tpu.vector_load_idx %gather3A_937[%add3A_165, %add3A_932] : memref<128x128xf32, #tpu.memory_space<vmem>>[vector<16xi32>, vector<16xi32>], vector<16xf32>,
        %mul3A_939 = arith.constant 16 : i32
        %mul3A_940 = arith.muli %scan3A_161, %mul3A_939 : i32
        %swap3A_941 = arith.constant 40 : i32
        %swap3A_942 = arith.constant 0 : i32
        %swap3A_943 = arith.constant 0 : i32
        %swap3A_944 = tpu.memref_slice %arg9[%scan3A_128, %swap3A_942, %swap3A_943] : memref<2x64x128xf32, #tpu.memory_space<vmem>> -> memref<1x64x128xf32, #tpu.memory_space<vmem>>
        %swap3A_945 = tpu.memref_squeeze %swap3A_944 : memref<1x64x128xf32, #tpu.memory_space<vmem>> -> memref<64x128xf32, #tpu.memory_space<vmem>>
        %swap3A_946 = arith.index_cast %swap3A_941 : i32 to index
        %swap3A_947 = arith.index_cast %mul3A_940 : i32 to index
        %swap3A_948 = tpu.vector_load %swap3A_945[%swap3A_946, %swap3A_947] {strides = array<i32>} : memref<64x128xf32, #tpu.memory_space<vmem>>, vector<16xf32>,
        tpu.vector_store %swap3A_945[%swap3A_946, %swap3A_947], %gather3A_938 {strides = array<i32>} : memref<64x128xf32, #tpu.memory_space<vmem>>, vector<16xf32>,
        %add3A_949 = arith.constant 41 : i32
        %add3A_950 = vector.broadcast %add3A_949 : i32 to vector<16xi32>
        %add3A_951 = arith.addi %get3A_171, %add3A_950 : vector<16xi32>
        %gather3A_952 = arith.constant 1 : i32
        %gather3A_953 = arith.constant 0 : i32
        %gather3A_954 = arith.constant 0 : i32
        %gather3A_955 = tpu.memref_slice %arg8[%gather3A_952, %gather3A_953, %gather3A_954] : memref<2x128x128xf32, #tpu.memory_space<vmem>> -> memref<1x128x128xf32, #tpu.memory_space<vmem>>
        %gather3A_956 = tpu.memref_squeeze %gather3A_955 : memref<1x128x128xf32, #tpu.memory_space<vmem>> -> memref<128x128xf32, #tpu.memory_space<vmem>>
        %gather3A_957 = tpu.vector_load_idx %gather3A_956[%add3A_165, %add3A_951] : memref<128x128xf32, #tpu.memory_space<vmem>>[vector<16xi32>, vector<16xi32>], vector<16xf32>,
        %mul3A_958 = arith.constant 16 : i32
        %mul3A_959 = arith.muli %scan3A_161, %mul3A_958 : i32
        %swap3A_960 = arith.constant 41 : i32
        %swap3A_961 = arith.constant 0 : i32
        %swap3A_962 = arith.constant 0 : i32
        %swap3A_963 = tpu.memref_slice %arg9[%scan3A_128, %swap3A_961, %swap3A_962] : memref<2x64x128xf32, #tpu.memory_space<vmem>> -> memref<1x64x128xf32, #tpu.memory_space<vmem>>
        %swap3A_964 = tpu.memref_squeeze %swap3A_963 : memref<1x64x128xf32, #tpu.memory_space<vmem>> -> memref<64x128xf32, #tpu.memory_space<vmem>>
        %swap3A_965 = arith.index_cast %swap3A_960 : i32 to index
        %swap3A_966 = arith.index_cast %mul3A_959 : i32 to index
        %swap3A_967 = tpu.vector_load %swap3A_964[%swap3A_965, %swap3A_966] {strides = array<i32>} : memref<64x128xf32, #tpu.memory_space<vmem>>, vector<16xf32>,
        tpu.vector_store %swap3A_964[%swap3A_965, %swap3A_966], %gather3A_957 {strides = array<i32>} : memref<64x128xf32, #tpu.memory_space<vmem>>, vector<16xf32>,
        %add3A_968 = arith.constant 42 : i32
        %add3A_969 = vector.broadcast %add3A_968 : i32 to vector<16xi32>
        %add3A_970 = arith.addi %get3A_171, %add3A_969 : vector<16xi32>
        %gather3A_971 = arith.constant 1 : i32
        %gather3A_972 = arith.constant 0 : i32
        %gather3A_973 = arith.constant 0 : i32
        %gather3A_974 = tpu.memref_slice %arg8[%gather3A_971, %gather3A_972, %gather3A_973] : memref<2x128x128xf32, #tpu.memory_space<vmem>> -> memref<1x128x128xf32, #tpu.memory_space<vmem>>
        %gather3A_975 = tpu.memref_squeeze %gather3A_974 : memref<1x128x128xf32, #tpu.memory_space<vmem>> -> memref<128x128xf32, #tpu.memory_space<vmem>>
        %gather3A_976 = tpu.vector_load_idx %gather3A_975[%add3A_165, %add3A_970] : memref<128x128xf32, #tpu.memory_space<vmem>>[vector<16xi32>, vector<16xi32>], vector<16xf32>,
        %mul3A_977 = arith.constant 16 : i32
        %mul3A_978 = arith.muli %scan3A_161, %mul3A_977 : i32
        %swap3A_979 = arith.constant 42 : i32
        %swap3A_980 = arith.constant 0 : i32
        %swap3A_981 = arith.constant 0 : i32
        %swap3A_982 = tpu.memref_slice %arg9[%scan3A_128, %swap3A_980, %swap3A_981] : memref<2x64x128xf32, #tpu.memory_space<vmem>> -> memref<1x64x128xf32, #tpu.memory_space<vmem>>
        %swap3A_983 = tpu.memref_squeeze %swap3A_982 : memref<1x64x128xf32, #tpu.memory_space<vmem>> -> memref<64x128xf32, #tpu.memory_space<vmem>>
        %swap3A_984 = arith.index_cast %swap3A_979 : i32 to index
        %swap3A_985 = arith.index_cast %mul3A_978 : i32 to index
        %swap3A_986 = tpu.vector_load %swap3A_983[%swap3A_984, %swap3A_985] {strides = array<i32>} : memref<64x128xf32, #tpu.memory_space<vmem>>, vector<16xf32>,
        tpu.vector_store %swap3A_983[%swap3A_984, %swap3A_985], %gather3A_976 {strides = array<i32>} : memref<64x128xf32, #tpu.memory_space<vmem>>, vector<16xf32>,
        %add3A_987 = arith.constant 43 : i32
        %add3A_988 = vector.broadcast %add3A_987 : i32 to vector<16xi32>
        %add3A_989 = arith.addi %get3A_171, %add3A_988 : vector<16xi32>
        %gather3A_990 = arith.constant 1 : i32
        %gather3A_991 = arith.constant 0 : i32
        %gather3A_992 = arith.constant 0 : i32
        %gather3A_993 = tpu.memref_slice %arg8[%gather3A_990, %gather3A_991, %gather3A_992] : memref<2x128x128xf32, #tpu.memory_space<vmem>> -> memref<1x128x128xf32, #tpu.memory_space<vmem>>
        %gather3A_994 = tpu.memref_squeeze %gather3A_993 : memref<1x128x128xf32, #tpu.memory_space<vmem>> -> memref<128x128xf32, #tpu.memory_space<vmem>>
        %gather3A_995 = tpu.vector_load_idx %gather3A_994[%add3A_165, %add3A_989] : memref<128x128xf32, #tpu.memory_space<vmem>>[vector<16xi32>, vector<16xi32>], vector<16xf32>,
        %mul3A_996 = arith.constant 16 : i32
        %mul3A_997 = arith.muli %scan3A_161, %mul3A_996 : i32
        %swap3A_998 = arith.constant 43 : i32
        %swap3A_999 = arith.constant 0 : i32
        %swap3A_1000 = arith.constant 0 : i32
        %swap3A_1001 = tpu.memref_slice %arg9[%scan3A_128, %swap3A_999, %swap3A_1000] : memref<2x64x128xf32, #tpu.memory_space<vmem>> -> memref<1x64x128xf32, #tpu.memory_space<vmem>>
        %swap3A_1002 = tpu.memref_squeeze %swap3A_1001 : memref<1x64x128xf32, #tpu.memory_space<vmem>> -> memref<64x128xf32, #tpu.memory_space<vmem>>
        %swap3A_1003 = arith.index_cast %swap3A_998 : i32 to index
        %swap3A_1004 = arith.index_cast %mul3A_997 : i32 to index
        %swap3A_1005 = tpu.vector_load %swap3A_1002[%swap3A_1003, %swap3A_1004] {strides = array<i32>} : memref<64x128xf32, #tpu.memory_space<vmem>>, vector<16xf32>,
        tpu.vector_store %swap3A_1002[%swap3A_1003, %swap3A_1004], %gather3A_995 {strides = array<i32>} : memref<64x128xf32, #tpu.memory_space<vmem>>, vector<16xf32>,
        %add3A_1006 = arith.constant 44 : i32
        %add3A_1007 = vector.broadcast %add3A_1006 : i32 to vector<16xi32>
        %add3A_1008 = arith.addi %get3A_171, %add3A_1007 : vector<16xi32>
        %gather3A_1009 = arith.constant 1 : i32
        %gather3A_1010 = arith.constant 0 : i32
        %gather3A_1011 = arith.constant 0 : i32
        %gather3A_1012 = tpu.memref_slice %arg8[%gather3A_1009, %gather3A_1010, %gather3A_1011] : memref<2x128x128xf32, #tpu.memory_space<vmem>> -> memref<1x128x128xf32, #tpu.memory_space<vmem>>
        %gather3A_1013 = tpu.memref_squeeze %gather3A_1012 : memref<1x128x128xf32, #tpu.memory_space<vmem>> -> memref<128x128xf32, #tpu.memory_space<vmem>>
        %gather3A_1014 = tpu.vector_load_idx %gather3A_1013[%add3A_165, %add3A_1008] : memref<128x128xf32, #tpu.memory_space<vmem>>[vector<16xi32>, vector<16xi32>], vector<16xf32>,
        %mul3A_1015 = arith.constant 16 : i32
        %mul3A_1016 = arith.muli %scan3A_161, %mul3A_1015 : i32
        %swap3A_1017 = arith.constant 44 : i32
        %swap3A_1018 = arith.constant 0 : i32
        %swap3A_1019 = arith.constant 0 : i32
        %swap3A_1020 = tpu.memref_slice %arg9[%scan3A_128, %swap3A_1018, %swap3A_1019] : memref<2x64x128xf32, #tpu.memory_space<vmem>> -> memref<1x64x128xf32, #tpu.memory_space<vmem>>
        %swap3A_1021 = tpu.memref_squeeze %swap3A_1020 : memref<1x64x128xf32, #tpu.memory_space<vmem>> -> memref<64x128xf32, #tpu.memory_space<vmem>>
        %swap3A_1022 = arith.index_cast %swap3A_1017 : i32 to index
        %swap3A_1023 = arith.index_cast %mul3A_1016 : i32 to index
        %swap3A_1024 = tpu.vector_load %swap3A_1021[%swap3A_1022, %swap3A_1023] {strides = array<i32>} : memref<64x128xf32, #tpu.memory_space<vmem>>, vector<16xf32>,
        tpu.vector_store %swap3A_1021[%swap3A_1022, %swap3A_1023], %gather3A_1014 {strides = array<i32>} : memref<64x128xf32, #tpu.memory_space<vmem>>, vector<16xf32>,
        %add3A_1025 = arith.constant 45 : i32
        %add3A_1026 = vector.broadcast %add3A_1025 : i32 to vector<16xi32>
        %add3A_1027 = arith.addi %get3A_171, %add3A_1026 : vector<16xi32>
        %gather3A_1028 = arith.constant 1 : i32
        %gather3A_1029 = arith.constant 0 : i32
        %gather3A_1030 = arith.constant 0 : i32
        %gather3A_1031 = tpu.memref_slice %arg8[%gather3A_1028, %gather3A_1029, %gather3A_1030] : memref<2x128x128xf32, #tpu.memory_space<vmem>> -> memref<1x128x128xf32, #tpu.memory_space<vmem>>
        %gather3A_1032 = tpu.memref_squeeze %gather3A_1031 : memref<1x128x128xf32, #tpu.memory_space<vmem>> -> memref<128x128xf32, #tpu.memory_space<vmem>>
        %gather3A_1033 = tpu.vector_load_idx %gather3A_1032[%add3A_165, %add3A_1027] : memref<128x128xf32, #tpu.memory_space<vmem>>[vector<16xi32>, vector<16xi32>], vector<16xf32>,
        %mul3A_1034 = arith.constant 16 : i32
        %mul3A_1035 = arith.muli %scan3A_161, %mul3A_1034 : i32
        %swap3A_1036 = arith.constant 45 : i32
        %swap3A_1037 = arith.constant 0 : i32
        %swap3A_1038 = arith.constant 0 : i32
        %swap3A_1039 = tpu.memref_slice %arg9[%scan3A_128, %swap3A_1037, %swap3A_1038] : memref<2x64x128xf32, #tpu.memory_space<vmem>> -> memref<1x64x128xf32, #tpu.memory_space<vmem>>
        %swap3A_1040 = tpu.memref_squeeze %swap3A_1039 : memref<1x64x128xf32, #tpu.memory_space<vmem>> -> memref<64x128xf32, #tpu.memory_space<vmem>>
        %swap3A_1041 = arith.index_cast %swap3A_1036 : i32 to index
        %swap3A_1042 = arith.index_cast %mul3A_1035 : i32 to index
        %swap3A_1043 = tpu.vector_load %swap3A_1040[%swap3A_1041, %swap3A_1042] {strides = array<i32>} : memref<64x128xf32, #tpu.memory_space<vmem>>, vector<16xf32>,
        tpu.vector_store %swap3A_1040[%swap3A_1041, %swap3A_1042], %gather3A_1033 {strides = array<i32>} : memref<64x128xf32, #tpu.memory_space<vmem>>, vector<16xf32>,
        %add3A_1044 = arith.constant 46 : i32
        %add3A_1045 = vector.broadcast %add3A_1044 : i32 to vector<16xi32>
        %add3A_1046 = arith.addi %get3A_171, %add3A_1045 : vector<16xi32>
        %gather3A_1047 = arith.constant 1 : i32
        %gather3A_1048 = arith.constant 0 : i32
        %gather3A_1049 = arith.constant 0 : i32
        %gather3A_1050 = tpu.memref_slice %arg8[%gather3A_1047, %gather3A_1048, %gather3A_1049] : memref<2x128x128xf32, #tpu.memory_space<vmem>> -> memref<1x128x128xf32, #tpu.memory_space<vmem>>
        %gather3A_1051 = tpu.memref_squeeze %gather3A_1050 : memref<1x128x128xf32, #tpu.memory_space<vmem>> -> memref<128x128xf32, #tpu.memory_space<vmem>>
        %gather3A_1052 = tpu.vector_load_idx %gather3A_1051[%add3A_165, %add3A_1046] : memref<128x128xf32, #tpu.memory_space<vmem>>[vector<16xi32>, vector<16xi32>], vector<16xf32>,
        %mul3A_1053 = arith.constant 16 : i32
        %mul3A_1054 = arith.muli %scan3A_161, %mul3A_1053 : i32
        %swap3A_1055 = arith.constant 46 : i32
        %swap3A_1056 = arith.constant 0 : i32
        %swap3A_1057 = arith.constant 0 : i32
        %swap3A_1058 = tpu.memref_slice %arg9[%scan3A_128, %swap3A_1056, %swap3A_1057] : memref<2x64x128xf32, #tpu.memory_space<vmem>> -> memref<1x64x128xf32, #tpu.memory_space<vmem>>
        %swap3A_1059 = tpu.memref_squeeze %swap3A_1058 : memref<1x64x128xf32, #tpu.memory_space<vmem>> -> memref<64x128xf32, #tpu.memory_space<vmem>>
        %swap3A_1060 = arith.index_cast %swap3A_1055 : i32 to index
        %swap3A_1061 = arith.index_cast %mul3A_1054 : i32 to index
        %swap3A_1062 = tpu.vector_load %swap3A_1059[%swap3A_1060, %swap3A_1061] {strides = array<i32>} : memref<64x128xf32, #tpu.memory_space<vmem>>, vector<16xf32>,
        tpu.vector_store %swap3A_1059[%swap3A_1060, %swap3A_1061], %gather3A_1052 {strides = array<i32>} : memref<64x128xf32, #tpu.memory_space<vmem>>, vector<16xf32>,
        %add3A_1063 = arith.constant 47 : i32
        %add3A_1064 = vector.broadcast %add3A_1063 : i32 to vector<16xi32>
        %add3A_1065 = arith.addi %get3A_171, %add3A_1064 : vector<16xi32>
        %gather3A_1066 = arith.constant 1 : i32
        %gather3A_1067 = arith.constant 0 : i32
        %gather3A_1068 = arith.constant 0 : i32
        %gather3A_1069 = tpu.memref_slice %arg8[%gather3A_1066, %gather3A_1067, %gather3A_1068] : memref<2x128x128xf32, #tpu.memory_space<vmem>> -> memref<1x128x128xf32, #tpu.memory_space<vmem>>
        %gather3A_1070 = tpu.memref_squeeze %gather3A_1069 : memref<1x128x128xf32, #tpu.memory_space<vmem>> -> memref<128x128xf32, #tpu.memory_space<vmem>>
        %gather3A_1071 = tpu.vector_load_idx %gather3A_1070[%add3A_165, %add3A_1065] : memref<128x128xf32, #tpu.memory_space<vmem>>[vector<16xi32>, vector<16xi32>], vector<16xf32>,
        %mul3A_1072 = arith.constant 16 : i32
        %mul3A_1073 = arith.muli %scan3A_161, %mul3A_1072 : i32
        %swap3A_1074 = arith.constant 47 : i32
        %swap3A_1075 = arith.constant 0 : i32
        %swap3A_1076 = arith.constant 0 : i32
        %swap3A_1077 = tpu.memref_slice %arg9[%scan3A_128, %swap3A_1075, %swap3A_1076] : memref<2x64x128xf32, #tpu.memory_space<vmem>> -> memref<1x64x128xf32, #tpu.memory_space<vmem>>
        %swap3A_1078 = tpu.memref_squeeze %swap3A_1077 : memref<1x64x128xf32, #tpu.memory_space<vmem>> -> memref<64x128xf32, #tpu.memory_space<vmem>>
        %swap3A_1079 = arith.index_cast %swap3A_1074 : i32 to index
        %swap3A_1080 = arith.index_cast %mul3A_1073 : i32 to index
        %swap3A_1081 = tpu.vector_load %swap3A_1078[%swap3A_1079, %swap3A_1080] {strides = array<i32>} : memref<64x128xf32, #tpu.memory_space<vmem>>, vector<16xf32>,
        tpu.vector_store %swap3A_1078[%swap3A_1079, %swap3A_1080], %gather3A_1071 {strides = array<i32>} : memref<64x128xf32, #tpu.memory_space<vmem>>, vector<16xf32>,
        %add3A_1082 = arith.constant 48 : i32
        %add3A_1083 = vector.broadcast %add3A_1082 : i32 to vector<16xi32>
        %add3A_1084 = arith.addi %get3A_171, %add3A_1083 : vector<16xi32>
        %gather3A_1085 = arith.constant 1 : i32
        %gather3A_1086 = arith.constant 0 : i32
        %gather3A_1087 = arith.constant 0 : i32
        %gather3A_1088 = tpu.memref_slice %arg8[%gather3A_1085, %gather3A_1086, %gather3A_1087] : memref<2x128x128xf32, #tpu.memory_space<vmem>> -> memref<1x128x128xf32, #tpu.memory_space<vmem>>
        %gather3A_1089 = tpu.memref_squeeze %gather3A_1088 : memref<1x128x128xf32, #tpu.memory_space<vmem>> -> memref<128x128xf32, #tpu.memory_space<vmem>>
        %gather3A_1090 = tpu.vector_load_idx %gather3A_1089[%add3A_165, %add3A_1084] : memref<128x128xf32, #tpu.memory_space<vmem>>[vector<16xi32>, vector<16xi32>], vector<16xf32>,
        %mul3A_1091 = arith.constant 16 : i32
        %mul3A_1092 = arith.muli %scan3A_161, %mul3A_1091 : i32
        %swap3A_1093 = arith.constant 48 : i32
        %swap3A_1094 = arith.constant 0 : i32
        %swap3A_1095 = arith.constant 0 : i32
        %swap3A_1096 = tpu.memref_slice %arg9[%scan3A_128, %swap3A_1094, %swap3A_1095] : memref<2x64x128xf32, #tpu.memory_space<vmem>> -> memref<1x64x128xf32, #tpu.memory_space<vmem>>
        %swap3A_1097 = tpu.memref_squeeze %swap3A_1096 : memref<1x64x128xf32, #tpu.memory_space<vmem>> -> memref<64x128xf32, #tpu.memory_space<vmem>>
        %swap3A_1098 = arith.index_cast %swap3A_1093 : i32 to index
        %swap3A_1099 = arith.index_cast %mul3A_1092 : i32 to index
        %swap3A_1100 = tpu.vector_load %swap3A_1097[%swap3A_1098, %swap3A_1099] {strides = array<i32>} : memref<64x128xf32, #tpu.memory_space<vmem>>, vector<16xf32>,
        tpu.vector_store %swap3A_1097[%swap3A_1098, %swap3A_1099], %gather3A_1090 {strides = array<i32>} : memref<64x128xf32, #tpu.memory_space<vmem>>, vector<16xf32>,
        %add3A_1101 = arith.constant 49 : i32
        %add3A_1102 = vector.broadcast %add3A_1101 : i32 to vector<16xi32>
        %add3A_1103 = arith.addi %get3A_171, %add3A_1102 : vector<16xi32>
        %gather3A_1104 = arith.constant 1 : i32
        %gather3A_1105 = arith.constant 0 : i32
        %gather3A_1106 = arith.constant 0 : i32
        %gather3A_1107 = tpu.memref_slice %arg8[%gather3A_1104, %gather3A_1105, %gather3A_1106] : memref<2x128x128xf32, #tpu.memory_space<vmem>> -> memref<1x128x128xf32, #tpu.memory_space<vmem>>
        %gather3A_1108 = tpu.memref_squeeze %gather3A_1107 : memref<1x128x128xf32, #tpu.memory_space<vmem>> -> memref<128x128xf32, #tpu.memory_space<vmem>>
        %gather3A_1109 = tpu.vector_load_idx %gather3A_1108[%add3A_165, %add3A_1103] : memref<128x128xf32, #tpu.memory_space<vmem>>[vector<16xi32>, vector<16xi32>], vector<16xf32>,
        %mul3A_1110 = arith.constant 16 : i32
        %mul3A_1111 = arith.muli %scan3A_161, %mul3A_1110 : i32
        %swap3A_1112 = arith.constant 49 : i32
        %swap3A_1113 = arith.constant 0 : i32
        %swap3A_1114 = arith.constant 0 : i32
        %swap3A_1115 = tpu.memref_slice %arg9[%scan3A_128, %swap3A_1113, %swap3A_1114] : memref<2x64x128xf32, #tpu.memory_space<vmem>> -> memref<1x64x128xf32, #tpu.memory_space<vmem>>
        %swap3A_1116 = tpu.memref_squeeze %swap3A_1115 : memref<1x64x128xf32, #tpu.memory_space<vmem>> -> memref<64x128xf32, #tpu.memory_space<vmem>>
        %swap3A_1117 = arith.index_cast %swap3A_1112 : i32 to index
        %swap3A_1118 = arith.index_cast %mul3A_1111 : i32 to index
        %swap3A_1119 = tpu.vector_load %swap3A_1116[%swap3A_1117, %swap3A_1118] {strides = array<i32>} : memref<64x128xf32, #tpu.memory_space<vmem>>, vector<16xf32>,
        tpu.vector_store %swap3A_1116[%swap3A_1117, %swap3A_1118], %gather3A_1109 {strides = array<i32>} : memref<64x128xf32, #tpu.memory_space<vmem>>, vector<16xf32>,
        %add3A_1120 = arith.constant 50 : i32
        %add3A_1121 = vector.broadcast %add3A_1120 : i32 to vector<16xi32>
        %add3A_1122 = arith.addi %get3A_171, %add3A_1121 : vector<16xi32>
        %gather3A_1123 = arith.constant 1 : i32
        %gather3A_1124 = arith.constant 0 : i32
        %gather3A_1125 = arith.constant 0 : i32
        %gather3A_1126 = tpu.memref_slice %arg8[%gather3A_1123, %gather3A_1124, %gather3A_1125] : memref<2x128x128xf32, #tpu.memory_space<vmem>> -> memref<1x128x128xf32, #tpu.memory_space<vmem>>
        %gather3A_1127 = tpu.memref_squeeze %gather3A_1126 : memref<1x128x128xf32, #tpu.memory_space<vmem>> -> memref<128x128xf32, #tpu.memory_space<vmem>>
        %gather3A_1128 = tpu.vector_load_idx %gather3A_1127[%add3A_165, %add3A_1122] : memref<128x128xf32, #tpu.memory_space<vmem>>[vector<16xi32>, vector<16xi32>], vector<16xf32>,
        %mul3A_1129 = arith.constant 16 : i32
        %mul3A_1130 = arith.muli %scan3A_161, %mul3A_1129 : i32
        %swap3A_1131 = arith.constant 50 : i32
        %swap3A_1132 = arith.constant 0 : i32
        %swap3A_1133 = arith.constant 0 : i32
        %swap3A_1134 = tpu.memref_slice %arg9[%scan3A_128, %swap3A_1132, %swap3A_1133] : memref<2x64x128xf32, #tpu.memory_space<vmem>> -> memref<1x64x128xf32, #tpu.memory_space<vmem>>
        %swap3A_1135 = tpu.memref_squeeze %swap3A_1134 : memref<1x64x128xf32, #tpu.memory_space<vmem>> -> memref<64x128xf32, #tpu.memory_space<vmem>>
        %swap3A_1136 = arith.index_cast %swap3A_1131 : i32 to index
        %swap3A_1137 = arith.index_cast %mul3A_1130 : i32 to index
        %swap3A_1138 = tpu.vector_load %swap3A_1135[%swap3A_1136, %swap3A_1137] {strides = array<i32>} : memref<64x128xf32, #tpu.memory_space<vmem>>, vector<16xf32>,
        tpu.vector_store %swap3A_1135[%swap3A_1136, %swap3A_1137], %gather3A_1128 {strides = array<i32>} : memref<64x128xf32, #tpu.memory_space<vmem>>, vector<16xf32>,
        %add3A_1139 = arith.constant 51 : i32
        %add3A_1140 = vector.broadcast %add3A_1139 : i32 to vector<16xi32>
        %add3A_1141 = arith.addi %get3A_171, %add3A_1140 : vector<16xi32>
        %gather3A_1142 = arith.constant 1 : i32
        %gather3A_1143 = arith.constant 0 : i32
        %gather3A_1144 = arith.constant 0 : i32
        %gather3A_1145 = tpu.memref_slice %arg8[%gather3A_1142, %gather3A_1143, %gather3A_1144] : memref<2x128x128xf32, #tpu.memory_space<vmem>> -> memref<1x128x128xf32, #tpu.memory_space<vmem>>
        %gather3A_1146 = tpu.memref_squeeze %gather3A_1145 : memref<1x128x128xf32, #tpu.memory_space<vmem>> -> memref<128x128xf32, #tpu.memory_space<vmem>>
        %gather3A_1147 = tpu.vector_load_idx %gather3A_1146[%add3A_165, %add3A_1141] : memref<128x128xf32, #tpu.memory_space<vmem>>[vector<16xi32>, vector<16xi32>], vector<16xf32>,
        %mul3A_1148 = arith.constant 16 : i32
        %mul3A_1149 = arith.muli %scan3A_161, %mul3A_1148 : i32
        %swap3A_1150 = arith.constant 51 : i32
        %swap3A_1151 = arith.constant 0 : i32
        %swap3A_1152 = arith.constant 0 : i32
        %swap3A_1153 = tpu.memref_slice %arg9[%scan3A_128, %swap3A_1151, %swap3A_1152] : memref<2x64x128xf32, #tpu.memory_space<vmem>> -> memref<1x64x128xf32, #tpu.memory_space<vmem>>
        %swap3A_1154 = tpu.memref_squeeze %swap3A_1153 : memref<1x64x128xf32, #tpu.memory_space<vmem>> -> memref<64x128xf32, #tpu.memory_space<vmem>>
        %swap3A_1155 = arith.index_cast %swap3A_1150 : i32 to index
        %swap3A_1156 = arith.index_cast %mul3A_1149 : i32 to index
        %swap3A_1157 = tpu.vector_load %swap3A_1154[%swap3A_1155, %swap3A_1156] {strides = array<i32>} : memref<64x128xf32, #tpu.memory_space<vmem>>, vector<16xf32>,
        tpu.vector_store %swap3A_1154[%swap3A_1155, %swap3A_1156], %gather3A_1147 {strides = array<i32>} : memref<64x128xf32, #tpu.memory_space<vmem>>, vector<16xf32>,
        %add3A_1158 = arith.constant 52 : i32
        %add3A_1159 = vector.broadcast %add3A_1158 : i32 to vector<16xi32>
        %add3A_1160 = arith.addi %get3A_171, %add3A_1159 : vector<16xi32>
        %gather3A_1161 = arith.constant 1 : i32
        %gather3A_1162 = arith.constant 0 : i32
        %gather3A_1163 = arith.constant 0 : i32
        %gather3A_1164 = tpu.memref_slice %arg8[%gather3A_1161, %gather3A_1162, %gather3A_1163] : memref<2x128x128xf32, #tpu.memory_space<vmem>> -> memref<1x128x128xf32, #tpu.memory_space<vmem>>
        %gather3A_1165 = tpu.memref_squeeze %gather3A_1164 : memref<1x128x128xf32, #tpu.memory_space<vmem>> -> memref<128x128xf32, #tpu.memory_space<vmem>>
        %gather3A_1166 = tpu.vector_load_idx %gather3A_1165[%add3A_165, %add3A_1160] : memref<128x128xf32, #tpu.memory_space<vmem>>[vector<16xi32>, vector<16xi32>], vector<16xf32>,
        %mul3A_1167 = arith.constant 16 : i32
        %mul3A_1168 = arith.muli %scan3A_161, %mul3A_1167 : i32
        %swap3A_1169 = arith.constant 52 : i32
        %swap3A_1170 = arith.constant 0 : i32
        %swap3A_1171 = arith.constant 0 : i32
        %swap3A_1172 = tpu.memref_slice %arg9[%scan3A_128, %swap3A_1170, %swap3A_1171] : memref<2x64x128xf32, #tpu.memory_space<vmem>> -> memref<1x64x128xf32, #tpu.memory_space<vmem>>
        %swap3A_1173 = tpu.memref_squeeze %swap3A_1172 : memref<1x64x128xf32, #tpu.memory_space<vmem>> -> memref<64x128xf32, #tpu.memory_space<vmem>>
        %swap3A_1174 = arith.index_cast %swap3A_1169 : i32 to index
        %swap3A_1175 = arith.index_cast %mul3A_1168 : i32 to index
        %swap3A_1176 = tpu.vector_load %swap3A_1173[%swap3A_1174, %swap3A_1175] {strides = array<i32>} : memref<64x128xf32, #tpu.memory_space<vmem>>, vector<16xf32>,
        tpu.vector_store %swap3A_1173[%swap3A_1174, %swap3A_1175], %gather3A_1166 {strides = array<i32>} : memref<64x128xf32, #tpu.memory_space<vmem>>, vector<16xf32>,
        %add3A_1177 = arith.constant 53 : i32
        %add3A_1178 = vector.broadcast %add3A_1177 : i32 to vector<16xi32>
        %add3A_1179 = arith.addi %get3A_171, %add3A_1178 : vector<16xi32>
        %gather3A_1180 = arith.constant 1 : i32
        %gather3A_1181 = arith.constant 0 : i32
        %gather3A_1182 = arith.constant 0 : i32
        %gather3A_1183 = tpu.memref_slice %arg8[%gather3A_1180, %gather3A_1181, %gather3A_1182] : memref<2x128x128xf32, #tpu.memory_space<vmem>> -> memref<1x128x128xf32, #tpu.memory_space<vmem>>
        %gather3A_1184 = tpu.memref_squeeze %gather3A_1183 : memref<1x128x128xf32, #tpu.memory_space<vmem>> -> memref<128x128xf32, #tpu.memory_space<vmem>>
        %gather3A_1185 = tpu.vector_load_idx %gather3A_1184[%add3A_165, %add3A_1179] : memref<128x128xf32, #tpu.memory_space<vmem>>[vector<16xi32>, vector<16xi32>], vector<16xf32>,
        %mul3A_1186 = arith.constant 16 : i32
        %mul3A_1187 = arith.muli %scan3A_161, %mul3A_1186 : i32
        %swap3A_1188 = arith.constant 53 : i32
        %swap3A_1189 = arith.constant 0 : i32
        %swap3A_1190 = arith.constant 0 : i32
        %swap3A_1191 = tpu.memref_slice %arg9[%scan3A_128, %swap3A_1189, %swap3A_1190] : memref<2x64x128xf32, #tpu.memory_space<vmem>> -> memref<1x64x128xf32, #tpu.memory_space<vmem>>
        %swap3A_1192 = tpu.memref_squeeze %swap3A_1191 : memref<1x64x128xf32, #tpu.memory_space<vmem>> -> memref<64x128xf32, #tpu.memory_space<vmem>>
        %swap3A_1193 = arith.index_cast %swap3A_1188 : i32 to index
        %swap3A_1194 = arith.index_cast %mul3A_1187 : i32 to index
        %swap3A_1195 = tpu.vector_load %swap3A_1192[%swap3A_1193, %swap3A_1194] {strides = array<i32>} : memref<64x128xf32, #tpu.memory_space<vmem>>, vector<16xf32>,
        tpu.vector_store %swap3A_1192[%swap3A_1193, %swap3A_1194], %gather3A_1185 {strides = array<i32>} : memref<64x128xf32, #tpu.memory_space<vmem>>, vector<16xf32>,
        %add3A_1196 = arith.constant 54 : i32
        %add3A_1197 = vector.broadcast %add3A_1196 : i32 to vector<16xi32>
        %add3A_1198 = arith.addi %get3A_171, %add3A_1197 : vector<16xi32>
        %gather3A_1199 = arith.constant 1 : i32
        %gather3A_1200 = arith.constant 0 : i32
        %gather3A_1201 = arith.constant 0 : i32
        %gather3A_1202 = tpu.memref_slice %arg8[%gather3A_1199, %gather3A_1200, %gather3A_1201] : memref<2x128x128xf32, #tpu.memory_space<vmem>> -> memref<1x128x128xf32, #tpu.memory_space<vmem>>
        %gather3A_1203 = tpu.memref_squeeze %gather3A_1202 : memref<1x128x128xf32, #tpu.memory_space<vmem>> -> memref<128x128xf32, #tpu.memory_space<vmem>>
        %gather3A_1204 = tpu.vector_load_idx %gather3A_1203[%add3A_165, %add3A_1198] : memref<128x128xf32, #tpu.memory_space<vmem>>[vector<16xi32>, vector<16xi32>], vector<16xf32>,
        %mul3A_1205 = arith.constant 16 : i32
        %mul3A_1206 = arith.muli %scan3A_161, %mul3A_1205 : i32
        %swap3A_1207 = arith.constant 54 : i32
        %swap3A_1208 = arith.constant 0 : i32
        %swap3A_1209 = arith.constant 0 : i32
        %swap3A_1210 = tpu.memref_slice %arg9[%scan3A_128, %swap3A_1208, %swap3A_1209] : memref<2x64x128xf32, #tpu.memory_space<vmem>> -> memref<1x64x128xf32, #tpu.memory_space<vmem>>
        %swap3A_1211 = tpu.memref_squeeze %swap3A_1210 : memref<1x64x128xf32, #tpu.memory_space<vmem>> -> memref<64x128xf32, #tpu.memory_space<vmem>>
        %swap3A_1212 = arith.index_cast %swap3A_1207 : i32 to index
        %swap3A_1213 = arith.index_cast %mul3A_1206 : i32 to index
        %swap3A_1214 = tpu.vector_load %swap3A_1211[%swap3A_1212, %swap3A_1213] {strides = array<i32>} : memref<64x128xf32, #tpu.memory_space<vmem>>, vector<16xf32>,
        tpu.vector_store %swap3A_1211[%swap3A_1212, %swap3A_1213], %gather3A_1204 {strides = array<i32>} : memref<64x128xf32, #tpu.memory_space<vmem>>, vector<16xf32>,
        %add3A_1215 = arith.constant 55 : i32
        %add3A_1216 = vector.broadcast %add3A_1215 : i32 to vector<16xi32>
        %add3A_1217 = arith.addi %get3A_171, %add3A_1216 : vector<16xi32>
        %gather3A_1218 = arith.constant 1 : i32
        %gather3A_1219 = arith.constant 0 : i32
        %gather3A_1220 = arith.constant 0 : i32
        %gather3A_1221 = tpu.memref_slice %arg8[%gather3A_1218, %gather3A_1219, %gather3A_1220] : memref<2x128x128xf32, #tpu.memory_space<vmem>> -> memref<1x128x128xf32, #tpu.memory_space<vmem>>
        %gather3A_1222 = tpu.memref_squeeze %gather3A_1221 : memref<1x128x128xf32, #tpu.memory_space<vmem>> -> memref<128x128xf32, #tpu.memory_space<vmem>>
        %gather3A_1223 = tpu.vector_load_idx %gather3A_1222[%add3A_165, %add3A_1217] : memref<128x128xf32, #tpu.memory_space<vmem>>[vector<16xi32>, vector<16xi32>], vector<16xf32>,
        %mul3A_1224 = arith.constant 16 : i32
        %mul3A_1225 = arith.muli %scan3A_161, %mul3A_1224 : i32
        %swap3A_1226 = arith.constant 55 : i32
        %swap3A_1227 = arith.constant 0 : i32
        %swap3A_1228 = arith.constant 0 : i32
        %swap3A_1229 = tpu.memref_slice %arg9[%scan3A_128, %swap3A_1227, %swap3A_1228] : memref<2x64x128xf32, #tpu.memory_space<vmem>> -> memref<1x64x128xf32, #tpu.memory_space<vmem>>
        %swap3A_1230 = tpu.memref_squeeze %swap3A_1229 : memref<1x64x128xf32, #tpu.memory_space<vmem>> -> memref<64x128xf32, #tpu.memory_space<vmem>>
        %swap3A_1231 = arith.index_cast %swap3A_1226 : i32 to index
        %swap3A_1232 = arith.index_cast %mul3A_1225 : i32 to index
        %swap3A_1233 = tpu.vector_load %swap3A_1230[%swap3A_1231, %swap3A_1232] {strides = array<i32>} : memref<64x128xf32, #tpu.memory_space<vmem>>, vector<16xf32>,
        tpu.vector_store %swap3A_1230[%swap3A_1231, %swap3A_1232], %gather3A_1223 {strides = array<i32>} : memref<64x128xf32, #tpu.memory_space<vmem>>, vector<16xf32>,
        %add3A_1234 = arith.constant 56 : i32
        %add3A_1235 = vector.broadcast %add3A_1234 : i32 to vector<16xi32>
        %add3A_1236 = arith.addi %get3A_171, %add3A_1235 : vector<16xi32>
        %gather3A_1237 = arith.constant 1 : i32
        %gather3A_1238 = arith.constant 0 : i32
        %gather3A_1239 = arith.constant 0 : i32
        %gather3A_1240 = tpu.memref_slice %arg8[%gather3A_1237, %gather3A_1238, %gather3A_1239] : memref<2x128x128xf32, #tpu.memory_space<vmem>> -> memref<1x128x128xf32, #tpu.memory_space<vmem>>
        %gather3A_1241 = tpu.memref_squeeze %gather3A_1240 : memref<1x128x128xf32, #tpu.memory_space<vmem>> -> memref<128x128xf32, #tpu.memory_space<vmem>>
        %gather3A_1242 = tpu.vector_load_idx %gather3A_1241[%add3A_165, %add3A_1236] : memref<128x128xf32, #tpu.memory_space<vmem>>[vector<16xi32>, vector<16xi32>], vector<16xf32>,
        %mul3A_1243 = arith.constant 16 : i32
        %mul3A_1244 = arith.muli %scan3A_161, %mul3A_1243 : i32
        %swap3A_1245 = arith.constant 56 : i32
        %swap3A_1246 = arith.constant 0 : i32
        %swap3A_1247 = arith.constant 0 : i32
        %swap3A_1248 = tpu.memref_slice %arg9[%scan3A_128, %swap3A_1246, %swap3A_1247] : memref<2x64x128xf32, #tpu.memory_space<vmem>> -> memref<1x64x128xf32, #tpu.memory_space<vmem>>
        %swap3A_1249 = tpu.memref_squeeze %swap3A_1248 : memref<1x64x128xf32, #tpu.memory_space<vmem>> -> memref<64x128xf32, #tpu.memory_space<vmem>>
        %swap3A_1250 = arith.index_cast %swap3A_1245 : i32 to index
        %swap3A_1251 = arith.index_cast %mul3A_1244 : i32 to index
        %swap3A_1252 = tpu.vector_load %swap3A_1249[%swap3A_1250, %swap3A_1251] {strides = array<i32>} : memref<64x128xf32, #tpu.memory_space<vmem>>, vector<16xf32>,
        tpu.vector_store %swap3A_1249[%swap3A_1250, %swap3A_1251], %gather3A_1242 {strides = array<i32>} : memref<64x128xf32, #tpu.memory_space<vmem>>, vector<16xf32>,
        %add3A_1253 = arith.constant 57 : i32
        %add3A_1254 = vector.broadcast %add3A_1253 : i32 to vector<16xi32>
        %add3A_1255 = arith.addi %get3A_171, %add3A_1254 : vector<16xi32>
        %gather3A_1256 = arith.constant 1 : i32
        %gather3A_1257 = arith.constant 0 : i32
        %gather3A_1258 = arith.constant 0 : i32
        %gather3A_1259 = tpu.memref_slice %arg8[%gather3A_1256, %gather3A_1257, %gather3A_1258] : memref<2x128x128xf32, #tpu.memory_space<vmem>> -> memref<1x128x128xf32, #tpu.memory_space<vmem>>
        %gather3A_1260 = tpu.memref_squeeze %gather3A_1259 : memref<1x128x128xf32, #tpu.memory_space<vmem>> -> memref<128x128xf32, #tpu.memory_space<vmem>>
        %gather3A_1261 = tpu.vector_load_idx %gather3A_1260[%add3A_165, %add3A_1255] : memref<128x128xf32, #tpu.memory_space<vmem>>[vector<16xi32>, vector<16xi32>], vector<16xf32>,
        %mul3A_1262 = arith.constant 16 : i32
        %mul3A_1263 = arith.muli %scan3A_161, %mul3A_1262 : i32
        %swap3A_1264 = arith.constant 57 : i32
        %swap3A_1265 = arith.constant 0 : i32
        %swap3A_1266 = arith.constant 0 : i32
        %swap3A_1267 = tpu.memref_slice %arg9[%scan3A_128, %swap3A_1265, %swap3A_1266] : memref<2x64x128xf32, #tpu.memory_space<vmem>> -> memref<1x64x128xf32, #tpu.memory_space<vmem>>
        %swap3A_1268 = tpu.memref_squeeze %swap3A_1267 : memref<1x64x128xf32, #tpu.memory_space<vmem>> -> memref<64x128xf32, #tpu.memory_space<vmem>>
        %swap3A_1269 = arith.index_cast %swap3A_1264 : i32 to index
        %swap3A_1270 = arith.index_cast %mul3A_1263 : i32 to index
        %swap3A_1271 = tpu.vector_load %swap3A_1268[%swap3A_1269, %swap3A_1270] {strides = array<i32>} : memref<64x128xf32, #tpu.memory_space<vmem>>, vector<16xf32>,
        tpu.vector_store %swap3A_1268[%swap3A_1269, %swap3A_1270], %gather3A_1261 {strides = array<i32>} : memref<64x128xf32, #tpu.memory_space<vmem>>, vector<16xf32>,
        %add3A_1272 = arith.constant 58 : i32
        %add3A_1273 = vector.broadcast %add3A_1272 : i32 to vector<16xi32>
        %add3A_1274 = arith.addi %get3A_171, %add3A_1273 : vector<16xi32>
        %gather3A_1275 = arith.constant 1 : i32
        %gather3A_1276 = arith.constant 0 : i32
        %gather3A_1277 = arith.constant 0 : i32
        %gather3A_1278 = tpu.memref_slice %arg8[%gather3A_1275, %gather3A_1276, %gather3A_1277] : memref<2x128x128xf32, #tpu.memory_space<vmem>> -> memref<1x128x128xf32, #tpu.memory_space<vmem>>
        %gather3A_1279 = tpu.memref_squeeze %gather3A_1278 : memref<1x128x128xf32, #tpu.memory_space<vmem>> -> memref<128x128xf32, #tpu.memory_space<vmem>>
        %gather3A_1280 = tpu.vector_load_idx %gather3A_1279[%add3A_165, %add3A_1274] : memref<128x128xf32, #tpu.memory_space<vmem>>[vector<16xi32>, vector<16xi32>], vector<16xf32>,
        %mul3A_1281 = arith.constant 16 : i32
        %mul3A_1282 = arith.muli %scan3A_161, %mul3A_1281 : i32
        %swap3A_1283 = arith.constant 58 : i32
        %swap3A_1284 = arith.constant 0 : i32
        %swap3A_1285 = arith.constant 0 : i32
        %swap3A_1286 = tpu.memref_slice %arg9[%scan3A_128, %swap3A_1284, %swap3A_1285] : memref<2x64x128xf32, #tpu.memory_space<vmem>> -> memref<1x64x128xf32, #tpu.memory_space<vmem>>
        %swap3A_1287 = tpu.memref_squeeze %swap3A_1286 : memref<1x64x128xf32, #tpu.memory_space<vmem>> -> memref<64x128xf32, #tpu.memory_space<vmem>>
        %swap3A_1288 = arith.index_cast %swap3A_1283 : i32 to index
        %swap3A_1289 = arith.index_cast %mul3A_1282 : i32 to index
        %swap3A_1290 = tpu.vector_load %swap3A_1287[%swap3A_1288, %swap3A_1289] {strides = array<i32>} : memref<64x128xf32, #tpu.memory_space<vmem>>, vector<16xf32>,
        tpu.vector_store %swap3A_1287[%swap3A_1288, %swap3A_1289], %gather3A_1280 {strides = array<i32>} : memref<64x128xf32, #tpu.memory_space<vmem>>, vector<16xf32>,
        %add3A_1291 = arith.constant 59 : i32
        %add3A_1292 = vector.broadcast %add3A_1291 : i32 to vector<16xi32>
        %add3A_1293 = arith.addi %get3A_171, %add3A_1292 : vector<16xi32>
        %gather3A_1294 = arith.constant 1 : i32
        %gather3A_1295 = arith.constant 0 : i32
        %gather3A_1296 = arith.constant 0 : i32
        %gather3A_1297 = tpu.memref_slice %arg8[%gather3A_1294, %gather3A_1295, %gather3A_1296] : memref<2x128x128xf32, #tpu.memory_space<vmem>> -> memref<1x128x128xf32, #tpu.memory_space<vmem>>
        %gather3A_1298 = tpu.memref_squeeze %gather3A_1297 : memref<1x128x128xf32, #tpu.memory_space<vmem>> -> memref<128x128xf32, #tpu.memory_space<vmem>>
        %gather3A_1299 = tpu.vector_load_idx %gather3A_1298[%add3A_165, %add3A_1293] : memref<128x128xf32, #tpu.memory_space<vmem>>[vector<16xi32>, vector<16xi32>], vector<16xf32>,
        %mul3A_1300 = arith.constant 16 : i32
        %mul3A_1301 = arith.muli %scan3A_161, %mul3A_1300 : i32
        %swap3A_1302 = arith.constant 59 : i32
        %swap3A_1303 = arith.constant 0 : i32
        %swap3A_1304 = arith.constant 0 : i32
        %swap3A_1305 = tpu.memref_slice %arg9[%scan3A_128, %swap3A_1303, %swap3A_1304] : memref<2x64x128xf32, #tpu.memory_space<vmem>> -> memref<1x64x128xf32, #tpu.memory_space<vmem>>
        %swap3A_1306 = tpu.memref_squeeze %swap3A_1305 : memref<1x64x128xf32, #tpu.memory_space<vmem>> -> memref<64x128xf32, #tpu.memory_space<vmem>>
        %swap3A_1307 = arith.index_cast %swap3A_1302 : i32 to index
        %swap3A_1308 = arith.index_cast %mul3A_1301 : i32 to index
        %swap3A_1309 = tpu.vector_load %swap3A_1306[%swap3A_1307, %swap3A_1308] {strides = array<i32>} : memref<64x128xf32, #tpu.memory_space<vmem>>, vector<16xf32>,
        tpu.vector_store %swap3A_1306[%swap3A_1307, %swap3A_1308], %gather3A_1299 {strides = array<i32>} : memref<64x128xf32, #tpu.memory_space<vmem>>, vector<16xf32>,
        %add3A_1310 = arith.constant 60 : i32
        %add3A_1311 = vector.broadcast %add3A_1310 : i32 to vector<16xi32>
        %add3A_1312 = arith.addi %get3A_171, %add3A_1311 : vector<16xi32>
        %gather3A_1313 = arith.constant 1 : i32
        %gather3A_1314 = arith.constant 0 : i32
        %gather3A_1315 = arith.constant 0 : i32
        %gather3A_1316 = tpu.memref_slice %arg8[%gather3A_1313, %gather3A_1314, %gather3A_1315] : memref<2x128x128xf32, #tpu.memory_space<vmem>> -> memref<1x128x128xf32, #tpu.memory_space<vmem>>
        %gather3A_1317 = tpu.memref_squeeze %gather3A_1316 : memref<1x128x128xf32, #tpu.memory_space<vmem>> -> memref<128x128xf32, #tpu.memory_space<vmem>>
        %gather3A_1318 = tpu.vector_load_idx %gather3A_1317[%add3A_165, %add3A_1312] : memref<128x128xf32, #tpu.memory_space<vmem>>[vector<16xi32>, vector<16xi32>], vector<16xf32>,
        %mul3A_1319 = arith.constant 16 : i32
        %mul3A_1320 = arith.muli %scan3A_161, %mul3A_1319 : i32
        %swap3A_1321 = arith.constant 60 : i32
        %swap3A_1322 = arith.constant 0 : i32
        %swap3A_1323 = arith.constant 0 : i32
        %swap3A_1324 = tpu.memref_slice %arg9[%scan3A_128, %swap3A_1322, %swap3A_1323] : memref<2x64x128xf32, #tpu.memory_space<vmem>> -> memref<1x64x128xf32, #tpu.memory_space<vmem>>
        %swap3A_1325 = tpu.memref_squeeze %swap3A_1324 : memref<1x64x128xf32, #tpu.memory_space<vmem>> -> memref<64x128xf32, #tpu.memory_space<vmem>>
        %swap3A_1326 = arith.index_cast %swap3A_1321 : i32 to index
        %swap3A_1327 = arith.index_cast %mul3A_1320 : i32 to index
        %swap3A_1328 = tpu.vector_load %swap3A_1325[%swap3A_1326, %swap3A_1327] {strides = array<i32>} : memref<64x128xf32, #tpu.memory_space<vmem>>, vector<16xf32>,
        tpu.vector_store %swap3A_1325[%swap3A_1326, %swap3A_1327], %gather3A_1318 {strides = array<i32>} : memref<64x128xf32, #tpu.memory_space<vmem>>, vector<16xf32>,
        %add3A_1329 = arith.constant 61 : i32
        %add3A_1330 = vector.broadcast %add3A_1329 : i32 to vector<16xi32>
        %add3A_1331 = arith.addi %get3A_171, %add3A_1330 : vector<16xi32>
        %gather3A_1332 = arith.constant 1 : i32
        %gather3A_1333 = arith.constant 0 : i32
        %gather3A_1334 = arith.constant 0 : i32
        %gather3A_1335 = tpu.memref_slice %arg8[%gather3A_1332, %gather3A_1333, %gather3A_1334] : memref<2x128x128xf32, #tpu.memory_space<vmem>> -> memref<1x128x128xf32, #tpu.memory_space<vmem>>
        %gather3A_1336 = tpu.memref_squeeze %gather3A_1335 : memref<1x128x128xf32, #tpu.memory_space<vmem>> -> memref<128x128xf32, #tpu.memory_space<vmem>>
        %gather3A_1337 = tpu.vector_load_idx %gather3A_1336[%add3A_165, %add3A_1331] : memref<128x128xf32, #tpu.memory_space<vmem>>[vector<16xi32>, vector<16xi32>], vector<16xf32>,
        %mul3A_1338 = arith.constant 16 : i32
        %mul3A_1339 = arith.muli %scan3A_161, %mul3A_1338 : i32
        %swap3A_1340 = arith.constant 61 : i32
        %swap3A_1341 = arith.constant 0 : i32
        %swap3A_1342 = arith.constant 0 : i32
        %swap3A_1343 = tpu.memref_slice %arg9[%scan3A_128, %swap3A_1341, %swap3A_1342] : memref<2x64x128xf32, #tpu.memory_space<vmem>> -> memref<1x64x128xf32, #tpu.memory_space<vmem>>
        %swap3A_1344 = tpu.memref_squeeze %swap3A_1343 : memref<1x64x128xf32, #tpu.memory_space<vmem>> -> memref<64x128xf32, #tpu.memory_space<vmem>>
        %swap3A_1345 = arith.index_cast %swap3A_1340 : i32 to index
        %swap3A_1346 = arith.index_cast %mul3A_1339 : i32 to index
        %swap3A_1347 = tpu.vector_load %swap3A_1344[%swap3A_1345, %swap3A_1346] {strides = array<i32>} : memref<64x128xf32, #tpu.memory_space<vmem>>, vector<16xf32>,
        tpu.vector_store %swap3A_1344[%swap3A_1345, %swap3A_1346], %gather3A_1337 {strides = array<i32>} : memref<64x128xf32, #tpu.memory_space<vmem>>, vector<16xf32>,
        %add3A_1348 = arith.constant 62 : i32
        %add3A_1349 = vector.broadcast %add3A_1348 : i32 to vector<16xi32>
        %add3A_1350 = arith.addi %get3A_171, %add3A_1349 : vector<16xi32>
        %gather3A_1351 = arith.constant 1 : i32
        %gather3A_1352 = arith.constant 0 : i32
        %gather3A_1353 = arith.constant 0 : i32
        %gather3A_1354 = tpu.memref_slice %arg8[%gather3A_1351, %gather3A_1352, %gather3A_1353] : memref<2x128x128xf32, #tpu.memory_space<vmem>> -> memref<1x128x128xf32, #tpu.memory_space<vmem>>
        %gather3A_1355 = tpu.memref_squeeze %gather3A_1354 : memref<1x128x128xf32, #tpu.memory_space<vmem>> -> memref<128x128xf32, #tpu.memory_space<vmem>>
        %gather3A_1356 = tpu.vector_load_idx %gather3A_1355[%add3A_165, %add3A_1350] : memref<128x128xf32, #tpu.memory_space<vmem>>[vector<16xi32>, vector<16xi32>], vector<16xf32>,
        %mul3A_1357 = arith.constant 16 : i32
        %mul3A_1358 = arith.muli %scan3A_161, %mul3A_1357 : i32
        %swap3A_1359 = arith.constant 62 : i32
        %swap3A_1360 = arith.constant 0 : i32
        %swap3A_1361 = arith.constant 0 : i32
        %swap3A_1362 = tpu.memref_slice %arg9[%scan3A_128, %swap3A_1360, %swap3A_1361] : memref<2x64x128xf32, #tpu.memory_space<vmem>> -> memref<1x64x128xf32, #tpu.memory_space<vmem>>
        %swap3A_1363 = tpu.memref_squeeze %swap3A_1362 : memref<1x64x128xf32, #tpu.memory_space<vmem>> -> memref<64x128xf32, #tpu.memory_space<vmem>>
        %swap3A_1364 = arith.index_cast %swap3A_1359 : i32 to index
        %swap3A_1365 = arith.index_cast %mul3A_1358 : i32 to index
        %swap3A_1366 = tpu.vector_load %swap3A_1363[%swap3A_1364, %swap3A_1365] {strides = array<i32>} : memref<64x128xf32, #tpu.memory_space<vmem>>, vector<16xf32>,
        tpu.vector_store %swap3A_1363[%swap3A_1364, %swap3A_1365], %gather3A_1356 {strides = array<i32>} : memref<64x128xf32, #tpu.memory_space<vmem>>, vector<16xf32>,
        %add3A_1367 = arith.constant 63 : i32
        %add3A_1368 = vector.broadcast %add3A_1367 : i32 to vector<16xi32>
        %add3A_1369 = arith.addi %get3A_171, %add3A_1368 : vector<16xi32>
        %gather3A_1370 = arith.constant 1 : i32
        %gather3A_1371 = arith.constant 0 : i32
        %gather3A_1372 = arith.constant 0 : i32
        %gather3A_1373 = tpu.memref_slice %arg8[%gather3A_1370, %gather3A_1371, %gather3A_1372] : memref<2x128x128xf32, #tpu.memory_space<vmem>> -> memref<1x128x128xf32, #tpu.memory_space<vmem>>
        %gather3A_1374 = tpu.memref_squeeze %gather3A_1373 : memref<1x128x128xf32, #tpu.memory_space<vmem>> -> memref<128x128xf32, #tpu.memory_space<vmem>>
        %gather3A_1375 = tpu.vector_load_idx %gather3A_1374[%add3A_165, %add3A_1369] : memref<128x128xf32, #tpu.memory_space<vmem>>[vector<16xi32>, vector<16xi32>], vector<16xf32>,
        %mul3A_1376 = arith.constant 16 : i32
        %mul3A_1377 = arith.muli %scan3A_161, %mul3A_1376 : i32
        %swap3A_1378 = arith.constant 63 : i32
        %swap3A_1379 = arith.constant 0 : i32
        %swap3A_1380 = arith.constant 0 : i32
        %swap3A_1381 = tpu.memref_slice %arg9[%scan3A_128, %swap3A_1379, %swap3A_1380] : memref<2x64x128xf32, #tpu.memory_space<vmem>> -> memref<1x64x128xf32, #tpu.memory_space<vmem>>
        %swap3A_1382 = tpu.memref_squeeze %swap3A_1381 : memref<1x64x128xf32, #tpu.memory_space<vmem>> -> memref<64x128xf32, #tpu.memory_space<vmem>>
        %swap3A_1383 = arith.index_cast %swap3A_1378 : i32 to index
        %swap3A_1384 = arith.index_cast %mul3A_1377 : i32 to index
        %swap3A_1385 = tpu.vector_load %swap3A_1382[%swap3A_1383, %swap3A_1384] {strides = array<i32>} : memref<64x128xf32, #tpu.memory_space<vmem>>, vector<16xf32>,
        tpu.vector_store %swap3A_1382[%swap3A_1383, %swap3A_1384], %gather3A_1375 {strides = array<i32>} : memref<64x128xf32, #tpu.memory_space<vmem>>, vector<16xf32>,
      }
      %scan3A_133 = arith.constant 8 : i32
      %lt3A_134 = arith.constant 99 : i32
      %lt3A_135 = arith.cmpi slt, %scan3A_64, %lt3A_134 : i32
      %convert_element_type3A_136 = arith.extui %lt3A_135 : i1 to i32
      %cond3A_137 = arith.constant 0 : i32
      %cond3A_138 = arith.cmpi ne, %convert_element_type3A_136, %cond3A_137 : i32
      scf.if %cond3A_138 {
        %add3A_161 = arith.constant 2 : i32
        %add3A_162 = arith.addi %add3A_68, %add3A_161 : i32
        %mul3A_163 = arith.constant 128 : i32
        %mul3A_164 = arith.muli %add3A_162, %mul3A_163 : i32
        %dma_start3A_165 = arith.constant 1 : i32
        %dma_start3A_166 = arith.constant 0 : i32
        %dma_start3A_167 = arith.constant 0 : i32
        %dma_start3A_168 = tpu.memref_slice %arg8[%dma_start3A_165, %dma_start3A_166, %dma_start3A_167] : memref<2x128x128xf32, #tpu.memory_space<vmem>> -> memref<1x128x128xf32, #tpu.memory_space<vmem>>
        %dma_start3A_169 = tpu.memref_squeeze %dma_start3A_168 : memref<1x128x128xf32, #tpu.memory_space<vmem>> -> memref<128x128xf32, #tpu.memory_space<vmem>>
        %dma_start3A_170 = tpu.memref_slice %arg6[%mul3A_164] : memref<25600xi32, #tpu.memory_space<vmem>> -> memref<128xi32, #tpu.memory_space<vmem>>
        %dma_start3A_171 = arith.constant 0 : i32
        %dma_start3A_172 = arith.constant 0 : i32
        %dma_start3A_173 = tpu.memref_slice %arg3[%dma_start3A_171, %dma_start3A_172] : memref<500000x128xf32, #tpu.memory_space<hbm>> -> memref<500000x128xf32, #tpu.memory_space<hbm>>
        tpu.enqueue_indirect_dma source(%dma_start3A_173 : memref<500000x128xf32, #tpu.memory_space<hbm>>) target(%dma_start3A_169 : memref<128x128xf32, #tpu.memory_space<vmem>>) offsets(%dma_start3A_170 : memref<128xi32, #tpu.memory_space<vmem>>) semaphore(%arg11 : memref<!tpu.dma_semaphore, #tpu.memory_space<semaphore_mem>>)
      } else {
      }
      %shift_right_logical3A_139 = arith.constant 2 : i32
      %shift_right_logical3A_140 = arith.shrui %add3A_68, %shift_right_logical3A_139 : i32
      %and3A_141 = arith.constant 3 : i32
      %and3A_142 = arith.andi %add3A_68, %and3A_141 : i32
      %mul3A_143 = arith.constant 128 : i32
      %mul3A_144 = arith.muli %and3A_142, %mul3A_143 : i32
      %add3A_145 = arith.addi %mul3A_2, %mul3A_144 : i32
      %dma_start3A_146 = arith.constant 1 : i32
      %dma_start3A_147 = arith.constant 0 : i32
      %dma_start3A_148 = arith.constant 0 : i32
      %dma_start3A_149 = tpu.memref_slice %arg9[%dma_start3A_146, %dma_start3A_147, %dma_start3A_148] : memref<2x64x128xf32, #tpu.memory_space<vmem>> -> memref<1x64x128xf32, #tpu.memory_space<vmem>>
      %dma_start3A_150 = tpu.memref_squeeze %dma_start3A_149 : memref<1x64x128xf32, #tpu.memory_space<vmem>> -> memref<64x128xf32, #tpu.memory_space<vmem>>
      %dma_start3A_151 = arith.constant 0 : i32
      %dma_start3A_152 = tpu.memref_slice %arg4[%shift_right_logical3A_140, %dma_start3A_151, %add3A_145] : memref<50x64x16384xf32, #tpu.memory_space<hbm>> -> memref<1x64x128xf32, #tpu.memory_space<hbm>>
      %dma_start3A_153 = tpu.memref_squeeze %dma_start3A_152 : memref<1x64x128xf32, #tpu.memory_space<hbm>> -> memref<64x128xf32, #tpu.memory_space<hbm>>
      %dma_start3A_154 = arith.constant 0 : i32
      %dma_start3A_155 = tpu.memref_slice %arg4[%shift_right_logical3A_140, %dma_start3A_154, %add3A_145] : memref<50x64x16384xf32, #tpu.memory_space<hbm>> -> memref<1x64x128xf32, #tpu.memory_space<hbm>>
      %dma_start3A_156 = tpu.memref_squeeze %dma_start3A_155 : memref<1x64x128xf32, #tpu.memory_space<hbm>> -> memref<64x128xf32, #tpu.memory_space<hbm>>
      %dma_start3A_157 = arith.constant 0 : i32
      %dma_start3A_158 = arith.constant 0 : i32
      %dma_start3A_159 = tpu.memref_slice %arg9[%dma_start3A_146, %dma_start3A_157, %dma_start3A_158] : memref<2x64x128xf32, #tpu.memory_space<vmem>> -> memref<1x64x128xf32, #tpu.memory_space<vmem>>
      %dma_start3A_160 = tpu.memref_squeeze %dma_start3A_159 : memref<1x64x128xf32, #tpu.memory_space<vmem>> -> memref<64x128xf32, #tpu.memory_space<vmem>>
      tpu.enqueue_dma source(%dma_start3A_160 : memref<64x128xf32, #tpu.memory_space<vmem>>) target(%dma_start3A_156 : memref<64x128xf32, #tpu.memory_space<hbm>>) target_semaphore(%arg13 : memref<!tpu.dma_semaphore, #tpu.memory_space<semaphore_mem>>)
    }
    %scan3A_32 = arith.constant 100 : i32
    %dma_wait3A = arith.constant 0 : i32
    %dma_wait3A_33 = arith.constant 0 : i32
    %dma_wait3A_34 = arith.constant 0 : i32
    %dma_wait3A_35 = arith.constant 0 : i32
    %dma_wait3A_36 = tpu.memref_slice %arg9[%dma_wait3A, %dma_wait3A_34, %dma_wait3A_35] : memref<2x64x128xf32, #tpu.memory_space<vmem>> -> memref<1x64x128xf32, #tpu.memory_space<vmem>>
    %dma_wait3A_37 = tpu.memref_squeeze %dma_wait3A_36 : memref<1x64x128xf32, #tpu.memory_space<vmem>> -> memref<64x128xf32, #tpu.memory_space<vmem>>
    %dma_wait3A_38 = arith.constant 0 : i32
    %dma_wait3A_39 = tpu.memref_slice %arg4[%dma_wait3A_33, %dma_wait3A_38, %mul3A_2] : memref<50x64x16384xf32, #tpu.memory_space<hbm>> -> memref<1x64x128xf32, #tpu.memory_space<hbm>>
    %dma_wait3A_40 = tpu.memref_squeeze %dma_wait3A_39 : memref<1x64x128xf32, #tpu.memory_space<hbm>> -> memref<64x128xf32, #tpu.memory_space<hbm>>
    %dma_wait3A_41 = arith.constant 0 : i32
    %dma_wait3A_42 = tpu.memref_slice %arg4[%dma_wait3A_33, %dma_wait3A_41, %mul3A_2] : memref<50x64x16384xf32, #tpu.memory_space<hbm>> -> memref<1x64x128xf32, #tpu.memory_space<hbm>>
    %dma_wait3A_43 = tpu.memref_squeeze %dma_wait3A_42 : memref<1x64x128xf32, #tpu.memory_space<hbm>> -> memref<64x128xf32, #tpu.memory_space<hbm>>
    %dma_wait3A_44 = arith.constant 0 : i32
    %dma_wait3A_45 = arith.constant 0 : i32
    %dma_wait3A_46 = tpu.memref_slice %arg9[%dma_wait3A, %dma_wait3A_44, %dma_wait3A_45] : memref<2x64x128xf32, #tpu.memory_space<vmem>> -> memref<1x64x128xf32, #tpu.memory_space<vmem>>
    %dma_wait3A_47 = tpu.memref_squeeze %dma_wait3A_46 : memref<1x64x128xf32, #tpu.memory_space<vmem>> -> memref<64x128xf32, #tpu.memory_space<vmem>>
    tpu.wait_dma2 semaphore(%arg12 : memref<!tpu.dma_semaphore, #tpu.memory_space<semaphore_mem>>) src(%dma_wait3A_47 : memref<64x128xf32, #tpu.memory_space<vmem>>) dst(%dma_wait3A_43 : memref<64x128xf32, #tpu.memory_space<hbm>>)
    %dma_wait3A_48 = arith.constant 1 : i32
    %dma_wait3A_49 = arith.constant 0 : i32
    %dma_wait3A_50 = arith.constant 0 : i32
    %dma_wait3A_51 = arith.constant 0 : i32
    %dma_wait3A_52 = tpu.memref_slice %arg9[%dma_wait3A_48, %dma_wait3A_50, %dma_wait3A_51] : memref<2x64x128xf32, #tpu.memory_space<vmem>> -> memref<1x64x128xf32, #tpu.memory_space<vmem>>
    %dma_wait3A_53 = tpu.memref_squeeze %dma_wait3A_52 : memref<1x64x128xf32, #tpu.memory_space<vmem>> -> memref<64x128xf32, #tpu.memory_space<vmem>>
    %dma_wait3A_54 = arith.constant 0 : i32
    %dma_wait3A_55 = tpu.memref_slice %arg4[%dma_wait3A_49, %dma_wait3A_54, %mul3A_2] : memref<50x64x16384xf32, #tpu.memory_space<hbm>> -> memref<1x64x128xf32, #tpu.memory_space<hbm>>
    %dma_wait3A_56 = tpu.memref_squeeze %dma_wait3A_55 : memref<1x64x128xf32, #tpu.memory_space<hbm>> -> memref<64x128xf32, #tpu.memory_space<hbm>>
    %dma_wait3A_57 = arith.constant 0 : i32
    %dma_wait3A_58 = tpu.memref_slice %arg4[%dma_wait3A_49, %dma_wait3A_57, %mul3A_2] : memref<50x64x16384xf32, #tpu.memory_space<hbm>> -> memref<1x64x128xf32, #tpu.memory_space<hbm>>
    %dma_wait3A_59 = tpu.memref_squeeze %dma_wait3A_58 : memref<1x64x128xf32, #tpu.memory_space<hbm>> -> memref<64x128xf32, #tpu.memory_space<hbm>>
    %dma_wait3A_60 = arith.constant 0 : i32
    %dma_wait3A_61 = arith.constant 0 : i32
    %dma_wait3A_62 = tpu.memref_slice %arg9[%dma_wait3A_48, %dma_wait3A_60, %dma_wait3A_61] : memref<2x64x128xf32, #tpu.memory_space<vmem>> -> memref<1x64x128xf32, #tpu.memory_space<vmem>>
    %dma_wait3A_63 = tpu.memref_squeeze %dma_wait3A_62 : memref<1x64x128xf32, #tpu.memory_space<vmem>> -> memref<64x128xf32, #tpu.memory_space<vmem>>
    tpu.wait_dma2 semaphore(%arg13 : memref<!tpu.dma_semaphore, #tpu.memory_space<semaphore_mem>>) src(%dma_wait3A_63 : memref<64x128xf32, #tpu.memory_space<vmem>>) dst(%dma_wait3A_59 : memref<64x128xf32, #tpu.memory_space<hbm>>)
    return
  }
}

</mosaic_0001>

<sc_bundles>
// kernel: kernel.3.cloned.1.call-start
scs
__scs_entry_jumppad:
0x0: {  	(pc) =	sbr.rel $0x88, $3  }
0x1: {  	(tag) =	ssettag $0x0;
	lr =	simm.s32 $0x1  }
0x2: {  	[smem:$0x3F9F] =	sst lr;
	_ =	strace $0xD0000000  }
0x3: {  	_ = 	snop  }
0x4: {  	_ = 	snop  }
0x5: {  	_ = 	snop  }
0x6: {  	_ = 	snop  }
0x7: {  	_ = 	snop  }
__scs_overlays_trampoline_lowered:
0x8: {  	[smem:$0x3FAE] =	sst s0  }
0x9: {  	[smem:$0x3FAF] =	sst s1  }
0xa: {  	[smem:$0x3FB0] =	sst s2  }
0xb: {  	[smem:$0x3FB1] =	sst s3  }
0xc: {  	[smem:$0x3FB2] =	sst s4  }
0xd: {  	[smem:$0x3FB3] =	sst s5  }
0xe: {  	[smem:$0x3FB4] =	sst s6  }
0xf: {  	[smem:$0x3FB5] =	sst s7  }
0x10: {  	[smem:$0x3FB6] =	sst s8  }
0x11: {  	[smem:$0x3FB7] =	sst s9;
	s0 =	simm.s32 @!p0 $0x0  }
0x12: {  	s1 =	sld [smem:$0x3F9D];
	s0 =	simm.s32 @p0 $0x1  }
0x13: {  	[smem:$0x3FB8] =	sst s0;
	s0 =	simm.s32 @!p1 $0x0  }
0x14: {  	s2 =	sld [smem:$0x3F9C];
	s0 =	simm.s32 @p1 $0x1  }
0x15: {  	[smem:$0x3FB9] =	sst s0;
	s0 =	simm.s32 @!p2 $0x0  }
0x16: {  	s3 =	sld [smem:$0x3FDB];
	s0 =	simm.s32 @p2 $0x1  }
0x17: {  	s4 =	simm.s32 $0x1BF5;
	[smem:$0x3FBB] =	sst s0  }
0x18: {  	s0 =	sld [smem:$0x3F9E];
	_ =	swait.ge [sflag:s4], $0x0  }
0x19: {  	s7 =	sld [smem:$0x3F9F]  }
0x1a: {  	s8 =	sadd.s32 $0xFFFFE003, lr  }
0x1b: {  	s9 =	sadd.s32 $0xFFFFFEF7, lr;
	s5 =	simm.s32 $0xFFFFFFFF;
	p2 =	slt.u32 s8, $0xFFFFF086  }
0x1c: {  	p1 =	slt.u32 s9, $0xF7A;
	s5 =	simm.s32 @!p2 $0x0  }
0x1d: {  	s5 =	simm.s32 @p1 $0x1;
	p0 =	seq.s32 s7, s2  }
0x1e: {  	s7 =	smul.u32 @!p0 $0xF7A, s2;
	p2 =	seq.s32 @!p0 s5, $0x0  }
0x1f: {  	s9 =	smul.u32 $0xF7A, s1;
	s8 =	simm.s32 @!p0 $0x1BF5;
	p2 =	por !p2, p0  }
0x20: {  	[sflag:s8] =	ssyncset.s32 @!p0 $0xFFFFF086;
	s6 =	sadd.s32 @!p0 s3, s7;
	s7 =	simm.s32 @!p0 $0x108  }
0x21: {  	s3 =	sadd.s32 s3, s9;
	s6 =	sadd.s32 @!p0 $0x88, s6;
	s7 =	simm.s32 @p2 $0x1082  }
0x22: {  	[simem:s7], [sflag:s8] =	dma.local @!p0 [hbm:s6], $0xF7A  }
0x23: {  	s9 =	sor.u32 $0xD0000000, s2;
	s6 =	simm.s32 $0x108;
	_ =	swait.ge @!p0 [sflag:s8], $0x0  }
0x24: {  	s3 =	sadd.s32 $0x88, s3;
	s6 =	simm.s32 @!p1 $0x1082;
	[sflag:s4] =	ssyncset.s32 $0xFFFFF086  }
0x25: {  	[simem:s6], [sflag:s4] =	dma.local [hbm:s3], $0xF7A  }
0x26: {  	[smem:$0x3F9F] =	sst s1;
	(tag) =	ssettag s2;
	_ =	strace s9  }
0x27: {  	s1 =	sld [smem:$0x3FAF]  }
0x28: {  	s2 =	sld [smem:$0x3FB0]  }
0x29: {  	s4 =	sld [smem:$0x3FB2]  }
0x2a: {  	p0 =	seq.s32 s5, $0x0;
	s5 =	sld [smem:$0x3FB3]  }
0x2b: {  	s6 =	sld [smem:$0x3FB4]  }
0x2c: {  	s7 =	sld [smem:$0x3FB5]  }
0x2d: {  	s3 =	simm.s32 $0x108;
	s8 =	sld [smem:$0x3FB6]  }
0x2e: {  	s3 =	simm.s32 @!p0 $0x1082;
	s9 =	sld [smem:$0x3FB7]  }
0x2f: {  	lr =	sadd.s32 s0, s3;
	s0 =	sld [smem:$0x3FAE]  }
0x30: {  	s3 =	sld [smem:$0x3FB1]  }
0x31: {  	[smem:$0x3FBA] =	sst s10  }
0x32: {  	s10 =	sld [smem:$0x3FB8];
	_ =	sdelay $0x3  }
0x33: {  	p0 =	seq.s32 s10, $0x1;
	s10 =	sld [smem:$0x3FBA];
	_ =	sdelay $0x3  }
0x34: {  	[smem:$0x3FBA] =	sst s10  }
0x35: {  	s10 =	sld [smem:$0x3FB9];
	_ =	sdelay $0x3  }
0x36: {  	p1 =	seq.s32 s10, $0x1;
	s10 =	sld [smem:$0x3FBA];
	_ =	sdelay $0x3  }
0x37: {  	[smem:$0x3FBA] =	sst s10  }
0x38: {  	s10 =	sld [smem:$0x3FBB]  }
0x39: {  	_ = 	snop;
	(pc) =	sbr.ind lr, $3  }
0x3a: {  	_ = 	snop  }
0x3b: {  	_ = 	snop  }
0x3c: {  	p2 =	seq.s32 s10, $0x1;
	s10 =	sld [smem:$0x3FBA]  }
0x3d: {  	_ =	shalt  }
0x3e: {  	_ =	shalt  }
0x3f: {  	_ =	shalt  }
0x40: {  	_ =	shalt  }
0x41: {  	_ =	shalt  }
0x42: {  	_ =	shalt  }
0x43: {  	_ =	shalt  }
0x44: {  	_ =	shalt  }
0x45: {  	_ =	shalt  }
0x46: {  	_ =	shalt  }
0x47: {  	_ =	shalt  }
0x48: {  	_ =	shalt  }
0x49: {  	_ =	shalt  }
0x4a: {  	_ =	shalt  }
0x4b: {  	_ =	shalt  }
0x4c: {  	_ =	shalt  }
0x4d: {  	_ =	shalt  }
0x4e: {  	_ =	shalt  }
0x4f: {  	_ =	shalt  }
0x50: {  	_ =	shalt  }
0x51: {  	_ =	shalt  }
0x52: {  	_ =	shalt  }
0x53: {  	_ =	shalt  }
0x54: {  	_ =	shalt  }
0x55: {  	_ =	shalt  }
0x56: {  	_ =	shalt  }
0x57: {  	_ =	shalt  }
0x58: {  	_ =	shalt  }
0x59: {  	_ =	shalt  }
0x5a: {  	_ =	shalt  }
0x5b: {  	_ =	shalt  }
0x5c: {  	_ =	shalt  }
0x5d: {  	_ =	shalt  }
0x5e: {  	_ =	shalt  }
0x5f: {  	_ =	shalt  }
0x60: {  	_ =	shalt  }
0x61: {  	_ =	shalt  }
0x62: {  	_ =	shalt  }
0x63: {  	_ =	shalt  }
0x64: {  	_ =	shalt  }
0x65: {  	_ =	shalt  }
0x66: {  	_ =	shalt  }
0x67: {  	_ =	shalt  }
0x68: {  	_ =	shalt  }
0x69: {  	_ =	shalt  }
0x6a: {  	_ =	shalt  }
0x6b: {  	_ =	shalt  }
0x6c: {  	_ =	shalt  }
0x6d: {  	_ =	shalt  }
0x6e: {  	_ =	shalt  }
0x6f: {  	_ =	shalt  }
0x70: {  	_ =	shalt  }
0x71: {  	_ =	shalt  }
0x72: {  	_ =	shalt  }
0x73: {  	_ =	shalt  }
0x74: {  	_ =	shalt  }
0x75: {  	_ =	shalt  }
0x76: {  	_ =	shalt  }
0x77: {  	_ =	shalt  }
0x78: {  	_ =	shalt  }
0x79: {  	_ =	shalt  }
0x7a: {  	_ =	shalt  }
0x7b: {  	_ =	shalt  }
0x7c: {  	_ =	shalt  }
0x7d: {  	_ =	shalt  }
0x7e: {  	_ =	shalt  }
0x7f: {  	_ =	shalt  }
0x80: {  	_ =	shalt  }
0x81: {  	_ =	shalt  }
0x82: {  	_ =	shalt  }
0x83: {  	_ =	shalt  }
0x84: {  	_ =	shalt  }
0x85: {  	_ =	shalt  }
0x86: {  	_ =	shalt  }
0x87: {  	_ =	shalt  }
.Lfunc_end0:
.L_simem_size_0:
called_computation_lowered:
.L_overlay_start_0:
0x88: {  	s2 =	sld [smem:$0x3FD9]  }
0x89: {  	s3 =	sld [smem:$0x3FFE];
	_ =	sdelay $0x1  }
0x8a: {  	s1 =	srdreg.scid  }
0x8b: {  	s0 =	sand.u32 $0x1, s1  }
0x8c: {  	s17 =	sshll.u32 s0, $0xA;
	s2 =	sadd.s32 s3, s2  }
0x8d: {  	s2 =	sadd.s32 s2, s17  }
0x8e: {  	[smem:$0x3FC6] =	sst s2  }
0x8f: {  	_ = 	snop  }
0x90: {  	s2 =	sld [smem:$0x3FC9]  }
0x91: {  	s18 =	sld [smem:$0x3FD0];
	(tm) =	ssettm $0x1  }
0x92: {  	s4 =	sld [smem:$0x3FFB];
	_ =	sdelay $0x3  }
0x93: {  	_ =	strace s4  }
0x94: {  	s4 =	sld [smem:$0x3FFC];
	_ =	sdelay $0x3  }
0x95: {  	_ =	strace s4  }
0x96: {  	s4 =	sld [smem:$0x3FFD];
	_ =	sdelay $0x3  }
0x97: {  	_ =	strace s4  }
0x98: {  	_ =	strace $0x8FFFFFFF  }
0x99: {  	s19 =	sld [smem:$0x3FDB];
	_ =	sdelay $0x1  }
0x9a: {  	s5 =	simm.s32 $_scs_section_size  }
0x9b: {  	s6 =	simm.s32 $_size__tile_overlayer_lowered;
	s7 =	simm.s32 $_tile_overlayer_lowered  }
0x9c: {  	s22 =	simm.s32 $0x1BFF;
	s21 =	sshll.u32 s7, $0x1;
	s4 =	sadd.s32 s5, s19  }
0x9d: {  	s8 =	simm.s32 $0x0;
	s20 =	sshll.u32 s6, $0x1;
	s6 =	sadd.s32 s21, s4  }
0x9e: {  	[timem:s8], [sflag:s22] =	dma.local [hbm:s6], s20  }
0x9f: {  	_ =	swait.ge [sflag:s22], s20  }
0xa0: {  	s5 =	ssub.s32 $0x0, s20;
	[sflag:s22] =	ssyncset.done $0x0  }
0xa1: {  	[sflag:s22] =	ssyncadd.s32 s5;
	_ =	sdelay $0x1  }
0xa2: {  	s23 =	simm.s32 $0x1B8B  }
0xa3: {  	_ =	swait.ge [sflag:s23], $0x1  }
0xa4: {  	[sflag:s23] =	ssyncset.done $0x0  }
0xa5: {  	s25 =	simm.s32 $0x1B8E;
	s24 =	sld [smem:$0x3FFE];
	[sflag:s23] =	ssyncadd.s32 $0xFFFFFFFF  }
0xa6: {  	s26 =	simm.s32 $execute0_lowered;
	[smem:$0x3FD2] =	sst s25  }
0xa7: {  	s6 =	sshll.u32 s26, $0x1;
	_ =	strace $0x80000046;
	[dreg:$0x1] =	wrdreg $0xFFFFFFFF  }
0xa8: {  	s28 =	simm.s32 $_size_execute0_lowered;
	s4 =	sadd.s32 s4, s6;
	[dreg:$0x0] =	wrdreg $0x0  }
0xa9: {  	s6 =	sshll.u32 s28, $0x1;
	[dreg:$0x2] =	wrdreg s4  }
0xaa: {  	[dreg:$0x3] =	wrdreg s6  }
0xab: {  	[dreg:$0x4] =	wrdreg $0xC0  }
0xac: {  	_ =	task [dreg:s8], $0x5FFFF  }
0xad: {  	[dreg:$0x1] =	wrdreg $0xFFFFFFFF  }
0xae: {  	[dreg:$0x0] =	wrdreg $0x60  }
0xaf: {  	[dreg:$0x2] =	wrdreg s2  }
0xb0: {  	[dreg:$0x3] =	wrdreg s24  }
0xb1: {  	[dreg:$0x4] =	wrdreg s18  }
0xb2: {  	[dreg:$0x5] =	wrdreg $0x9  }
0xb3: {  	_ =	task.clear_ibuf [dreg:s8], $0x6FFFF;
	_ =	strace $0x90000046  }
0xb4: {  	s29 =	simm.s32 $0x9;
	_ =	strace $0x80000048  }
0xb5: {  	_ =	swait.ge [sflag:s29], $0x1  }
0xb6: {  	[sflag:s29] =	ssyncadd.s32 $0xFFFFFFFF  }
0xb7: {  	_ =	strace $0x90000048  }
0xb8: {  	_ =	sfence  }
0xb9: {  	s30 =	sld [smem:$0x0];
	_ =	sdelay $0x2  }
0xba: {  	s31 =	sshll.u32 s1, $0xD;
	s1 =	sshrl.u32 s1, $0x2  }
0xbb: {  	s3 =	sand.u32 $0x4000, s31;
	s1 =	sadd.s32 s1, s30  }
0xbc: {  	s0 =	sor.u32 s3, s0;
	s1 =	sshll.u32 s1, $0x11  }
0xbd: {  	s0 =	sor.u32 s1, s0  }
0xbe: {  	s0 =	sadd.s32 $0x8F2B, s0  }
0xbf: {  	[sflag:s0] =	ssyncadd.remote.s32 $0x1  }
0xc0: {  	_ =	sfence.sel $0xFFFF  }
0xc1: {  	[dreg:$0x0] =	wrdreg $0xFFFFFFFF;
	(pc) =	sbr.abs _section_cstart, $3  }
0xc2: {  	[dreg:$0x1] =	wrdreg $0xFFFFFFFF  }
0xc3: {  	_ =	task.clear_ibuf [dreg:s8], $0x2FFFF;
	_ =	strace $0x9FFFFFFF  }
0xc4: {  	(tm) =	ssettm $0x7FFFFFFF  }
0xc5: {  	_ =	shalt  }
tec
execute0_lowered:
.L_overlay_start_1:
0x0: {  	(tag) =	ssettag $0x1  }
0x1: {  	s4 =	rddreg [dreg:$0x0]  }
0x2: {  	s3 =	rddreg [dreg:$0x1]  }
0x3: {  	s5 =	rddreg [dreg:$0x2]  }
0x4: {  	s0 =	rddreg [dreg:$0x3]  }
0x5: {  	s2 =	simm.s32 $0x0;
	s6 =	srdreg.scid;
	s1 =	stileid.u32  }
0x6: {  	s10 =	simm.s32 $0x200;
	s11 =	simm.s32 $0xCA00;
	s12 =	simm.s32 $0x280  }
0x7: {  	s13 =	simm.s32 $0x10A00;
	s14 =	simm.s32 $0x1;
	s15 =	simm.s32 $0x20000  }
0x8: {  	s16 =	simm.s32 $0x14A00;
	s17 =	simm.s32 $0x2;
	s18 =	simm.s32 $0x16A00  }
0x9: {  	s19 =	simm.s32 $0x3;
	s20 =	simm.s32 $0x4;
	[smem:$0x7FF] =	sst s2  }
0xa: {  	s6 =	sand.u32 $0x1, s6;
	s8 =	sshll.u32 s1, $0xA;
	s3 =	sadd.s32 $0xF42800, s3  }
0xb: {  	_ =	strace $0x80000047;
	s7 =	ssub.s32 $0x2, s6;
	s6 =	sshll.u32 s6, $0x9  }
0xc: {  	s9 =	sshrl.u32 s7, $0x1;
	s6 =	sor.u32 s6, s8;
	s8 =	simm.s32 $0x400  }
0xd: {  	v0 =	vlaneseq.u32;
	s7 =	ssub.s32 s7, s9;
	s4 =	sadd.s32 s4, s6;
	s5 =	sadd.s32 s5, s6  }
0xe: {  	v0 =	vmul.u32 $0x80, v0;
	s9 =	simm.s32 $0x5;
	s6 =	smax.u32 s7, $0x1;
	s7 =	simm.s32 $0x80  }
.LBB2_1:
0xf: {  	s21 =	simm.s32 $0x6600;
	s22 =	simm.s32 $0x200;
	s23 =	simm.s32 $0x0  }
.LBB2_2:
0x10: {  	s24 =	sshll.u32 s23, $0xB;
	s25 =	sshll.u32 s23, $0x4  }
0x11: {  	s24 =	sand.u32 $0x1C000, s24;
	s25 =	sand.u32 $0x70, s25  }
0x12: {  	s24 =	sor.u32 s25, s24  }
0x13: {  	s31 =	simm.s32 $0x0;
	s24 =	sadd.s32 s24, s4  }
0x14: {  	[tilespmem:s31], [sflag:$0x5] =	stream.strided.gather [hbm4b:s24+s7], $0x200, s8, s7, $0x38;
	[tilespmem:$0x18A00] =	vst v63  }
0x15: {  	_ =	swait.ge [sflag:s9], $0x200  }
0x16: {  	[sflag:s9] =	ssyncset.done $0x0  }
0x17: {  	s24 =	simm.s32 $0x0;
	[sflag:s9] =	ssyncadd.s32 $0xFFFFFE00  }
0x18: {  	v2 =	vld [tilespmem:s24+$0x0];
	_ =	sdelay $0x2  }
0x19: {  	v1 =	vmov s22;
	_ =	sdelay $0x1  }
0x1a: {  	v3 =	vshrl.u32 v2, $0x1;
	v4 =	vshll.u32 v2, $0x6;
	v2 =	vmov s21;
	_ =	sdelay $0x2  }
0x1b: {  	s26 =	simm.s32 $0x80;
	s25 =	simm.s32 $0x40;
	[tilespmem:v1+s24+$0x0 ss:$0x1] =	vst.idx.msk $0xffff, v3;
	v3 =	vand.u32 $0x40, v4  }
.LBB2_3:
0x1c: {  	p0 =	sne.s32 s26, $0x7C0  }
0x1d: {  	[tilespmem:v2+s24+$0x0 ss:$0x1] =	vst.idx.msk $0xffff, v3;
	s24 =	sshra.s32 s25, $0x2;
	s25 =	smov.u32 s26;
	s26 =	sadd.s32 $0x40, s26  }
0x1e: {  	v3 =	vld [tilespmem:s24+$0x0];
	_ =	sdelay $0x1  }
.Ltmp0:
0x1f: {  	(pc) =	sbr.rel @p0 .LBB2_3-.Ltmp0, $3  }
0x20: {  	_ =	sdelay $0x1  }
0x21: {  	v4 =	vshrl.u32 v3, $0x1;
	v3 =	vshll.u32 v3, $0x6  }
0x22: {  	[tilespmem:v1+s24+$0x0 ss:$0x1] =	vst.idx.msk $0xffff, v4;
	v3 =	vand.u32 $0x40, v3  }
0x23: {  	_ =	sdelay $0x3  }
0x24: {  	s25 =	sshra.s32 s25, $0x2;
	[tilespmem:v2+s24+$0x0 ss:$0x1] =	vst.idx.msk $0xffff, v3  }
0x25: {  	v3 =	vld [tilespmem:s25+$0x0]  }
0x26: {  	s23 =	sadd.s32 $0x1, s23  }
0x27: {  	p0 =	sne.s32 s23, $0x32  }
.Ltmp1:
0x28: {  	_ = 	snop;
	(pc) =	sbr.rel @p0 .LBB2_2-.Ltmp1, $4  }
0x29: {  	_ = 	snop  }
0x2a: {  	v4 =	vshrl.u32 v3, $0x1;
	v3 =	vshll.u32 v3, $0x6  }
0x2b: {  	[tilespmem:v1+s25+$0x0 ss:$0x1] =	vst.idx.msk $0xffff, v4;
	v1 =	vand.u32 $0x40, v3  }
0x2c: {  	s22 =	sadd.s32 $0x200, s22;
	s21 =	sadd.s32 $0x200, s21;
	[tilespmem:v2+s25+$0x0 ss:$0x1] =	vst.idx.msk $0xffff, v1  }
0x2d: {  	[tilespmem:s11], [sflag:$0x1] =	stream.indirect.gather [hbm4b:s3+s7], $0x80, s10, s7, $0xb8;
	[tilespmem:$0x18A00] =	vst v63  }
0x2e: {  	s21 =	simm.s32 $0x0;
	s22 =	simm.s32 $0x6600;
	s23 =	simm.s32 $0x6680  }
0x2f: {  	[tilespmem:s13], [sflag:$0x2] =	stream.indirect.gather [hbm4b:s3+s7], $0x80, s12, s7, $0xb8;
	[tilespmem:$0x18A00] =	vst v63  }
.LBB2_6:
0x30: {  	p0 =	seq.s32 s21, $0x0  }
0x31: {  	s24 =	simm.s32 @!p0 $0x3  }
0x32: {  	_ =	swait.ge @!p0 [sflag:s24], $0x2000  }
0x33: {  	[sflag:s24] =	ssyncset.done @!p0 $0x0  }
0x34: {  	[sflag:s24] =	ssyncadd.s32 @!p0 $0xFFFFE000  }
0x35: {  	s25 =	sshll.u32 s21, $0xA;
	_ =	swait.ge [sflag:s14], $0x4000  }
0x36: {  	s26 =	simm.s32 $0x15A00;
	s28 =	smov.u32 s22;
	[sflag:s14] =	ssyncset.done $0x0  }
0x37: {  	s29 =	simm.s32 $0x0;
	s24 =	sshllo.u32 s21, $0x1;
	[sflag:s14] =	ssyncadd.s32 $0xFFFFC000  }
.LBB2_7:
0x38: {  	v2 =	vld [tilespmem:s28+$0x0];
	_ =	sdelay $0x2  }
0x39: {  	v1 =	vmov s29  }
0x3a: {  	v1 =	vshll.u32 v1, $0x7  }
0x3b: {  	v1 =	vor.u32 v0, v1;
	v3 =	vand.u32 $0xFFFFFF80, v2  }
0x3c: {  	v4 =	vand.u32 $0x7F, v2;
	v3 =	vadd.s32 v1, v3  }
0x3d: {  	v3 =	vor.u32 v4, v3;
	_ =	sdelay $0x2  }
0x3e: {  	v27 =	vadd.s32 $0x1, v2  }
0x3f: {  	v5 =	vand.u32 $0xFFFFFF80, v27  }
0x40: {  	v4 =	vand.u32 $0x7F, v27;
	v5 =	vadd.s32 v1, v5;
	v3 =	vld.idx.msk [tilespmem:v3+s11+$0x0], $0xffff  }
0x41: {  	v4 =	vor.u32 v4, v5;
	_ =	sdelay $0x2  }
0x42: {  	v28 =	vadd.s32 $0x2, v2  }
0x43: {  	[tilespmem:s26+$0xFFFFF000] =	vst v3;
	v3 =	vand.u32 $0xFFFFFF80, v28  }
0x44: {  	v5 =	vand.u32 $0x7F, v28;
	v4 =	vld.idx.msk [tilespmem:v4+s11+$0x0], $0xffff;
	v3 =	vadd.s32 v1, v3  }
0x45: {  	v3 =	vor.u32 v5, v3;
	_ =	sdelay $0x2  }
0x46: {  	v29 =	vadd.s32 $0x3, v2  }
0x47: {  	v30 =	vand.u32 $0xFFFFFF80, v29;
	[tilespmem:s26+$0xFFFFF080] =	vst v4  }
0x48: {  	v5 =	vand.u32 $0x7F, v29;
	v4 =	vadd.s32 v1, v30;
	v3 =	vld.idx.msk [tilespmem:v3+s11+$0x0], $0xffff  }
0x49: {  	v4 =	vor.u32 v5, v4;
	_ =	sdelay $0x2  }
0x4a: {  	v31 =	vadd.s32 $0x4, v2  }
0x4b: {  	[tilespmem:s26+$0xFFFFF100] =	vst v3;
	v3 =	vand.u32 $0xFFFFFF80, v31  }
0x4c: {  	v5 =	vand.u32 $0x7F, v31;
	v4 =	vld.idx.msk [tilespmem:v4+s11+$0x0], $0xffff;
	v3 =	vadd.s32 v1, v3  }
0x4d: {  	v3 =	vor.u32 v5, v3;
	_ =	sdelay $0x2  }
0x4e: {  	v32 =	vadd.s32 $0x5, v2  }
0x4f: {  	v33 =	vand.u32 $0xFFFFFF80, v32;
	[tilespmem:s26+$0xFFFFF180] =	vst v4  }
0x50: {  	v5 =	vand.u32 $0x7F, v32;
	v4 =	vadd.s32 v1, v33;
	v3 =	vld.idx.msk [tilespmem:v3+s11+$0x0], $0xffff  }
0x51: {  	v4 =	vor.u32 v5, v4;
	_ =	sdelay $0x2  }
0x52: {  	v34 =	vadd.s32 $0x6, v2  }
0x53: {  	[tilespmem:s26+$0xFFFFF200] =	vst v3;
	v3 =	vand.u32 $0xFFFFFF80, v34  }
0x54: {  	v5 =	vand.u32 $0x7F, v34;
	v4 =	vld.idx.msk [tilespmem:v4+s11+$0x0], $0xffff;
	v3 =	vadd.s32 v1, v3  }
0x55: {  	v3 =	vor.u32 v5, v3;
	_ =	sdelay $0x2  }
0x56: {  	v35 =	vadd.s32 $0x7, v2  }
0x57: {  	v36 =	vand.u32 $0xFFFFFF80, v35;
	[tilespmem:s26+$0xFFFFF280] =	vst v4  }
0x58: {  	v5 =	vand.u32 $0x7F, v35;
	v4 =	vadd.s32 v1, v36;
	v3 =	vld.idx.msk [tilespmem:v3+s11+$0x0], $0xffff  }
0x59: {  	v4 =	vor.u32 v5, v4;
	_ =	sdelay $0x2  }
0x5a: {  	v37 =	vadd.s32 $0x8, v2  }
0x5b: {  	[tilespmem:s26+$0xFFFFF300] =	vst v3;
	v3 =	vand.u32 $0xFFFFFF80, v37  }
0x5c: {  	v5 =	vand.u32 $0x7F, v37;
	v4 =	vld.idx.msk [tilespmem:v4+s11+$0x0], $0xffff;
	v3 =	vadd.s32 v1, v3  }
0x5d: {  	v3 =	vor.u32 v5, v3;
	_ =	sdelay $0x2  }
0x5e: {  	v38 =	vadd.s32 $0x9, v2  }
0x5f: {  	v39 =	vand.u32 $0xFFFFFF80, v38;
	[tilespmem:s26+$0xFFFFF380] =	vst v4  }
0x60: {  	v5 =	vand.u32 $0x7F, v38;
	v4 =	vadd.s32 v1, v39;
	v3 =	vld.idx.msk [tilespmem:v3+s11+$0x0], $0xffff  }
0x61: {  	v4 =	vor.u32 v5, v4;
	_ =	sdelay $0x2  }
0x62: {  	v40 =	vadd.s32 $0xA, v2  }
0x63: {  	[tilespmem:s26+$0xFFFFF400] =	vst v3;
	v3 =	vand.u32 $0xFFFFFF80, v40  }
0x64: {  	v5 =	vand.u32 $0x7F, v40;
	v4 =	vld.idx.msk [tilespmem:v4+s11+$0x0], $0xffff;
	v3 =	vadd.s32 v1, v3  }
0x65: {  	v3 =	vor.u32 v5, v3;
	_ =	sdelay $0x2  }
0x66: {  	v41 =	vadd.s32 $0xB, v2  }
0x67: {  	v42 =	vand.u32 $0xFFFFFF80, v41;
	[tilespmem:s26+$0xFFFFF480] =	vst v4  }
0x68: {  	v5 =	vand.u32 $0x7F, v41;
	v4 =	vadd.s32 v1, v42;
	v3 =	vld.idx.msk [tilespmem:v3+s11+$0x0], $0xffff  }
0x69: {  	v4 =	vor.u32 v5, v4;
	_ =	sdelay $0x2  }
0x6a: {  	v43 =	vadd.s32 $0xC, v2  }
0x6b: {  	[tilespmem:s26+$0xFFFFF500] =	vst v3;
	v3 =	vand.u32 $0xFFFFFF80, v43  }
0x6c: {  	v5 =	vand.u32 $0x7F, v43;
	v4 =	vld.idx.msk [tilespmem:v4+s11+$0x0], $0xffff;
	v3 =	vadd.s32 v1, v3  }
0x6d: {  	v3 =	vor.u32 v5, v3;
	_ =	sdelay $0x2  }
0x6e: {  	v44 =	vadd.s32 $0xD, v2  }
0x6f: {  	v45 =	vand.u32 $0xFFFFFF80, v44;
	[tilespmem:s26+$0xFFFFF580] =	vst v4  }
0x70: {  	v5 =	vand.u32 $0x7F, v44;
	v4 =	vadd.s32 v1, v45;
	v3 =	vld.idx.msk [tilespmem:v3+s11+$0x0], $0xffff  }
0x71: {  	v4 =	vor.u32 v5, v4;
	_ =	sdelay $0x2  }
0x72: {  	v46 =	vadd.s32 $0xE, v2  }
0x73: {  	[tilespmem:s26+$0xFFFFF600] =	vst v3;
	v3 =	vand.u32 $0xFFFFFF80, v46  }
0x74: {  	v5 =	vand.u32 $0x7F, v46;
	v4 =	vld.idx.msk [tilespmem:v4+s11+$0x0], $0xffff;
	v3 =	vadd.s32 v1, v3  }
0x75: {  	v3 =	vor.u32 v5, v3;
	_ =	sdelay $0x2  }
0x76: {  	v47 =	vadd.s32 $0xF, v2  }
0x77: {  	v48 =	vand.u32 $0xFFFFFF80, v47;
	[tilespmem:s26+$0xFFFFF680] =	vst v4  }
0x78: {  	v5 =	vand.u32 $0x7F, v47;
	v4 =	vadd.s32 v1, v48;
	v3 =	vld.idx.msk [tilespmem:v3+s11+$0x0], $0xffff  }
0x79: {  	v4 =	vor.u32 v5, v4;
	_ =	sdelay $0x2  }
0x7a: {  	v49 =	vadd.s32 $0x10, v2  }
0x7b: {  	[tilespmem:s26+$0xFFFFF700] =	vst v3;
	v3 =	vand.u32 $0xFFFFFF80, v49  }
0x7c: {  	v5 =	vand.u32 $0x7F, v49;
	v4 =	vld.idx.msk [tilespmem:v4+s11+$0x0], $0xffff;
	v3 =	vadd.s32 v1, v3  }
0x7d: {  	v3 =	vor.u32 v5, v3;
	_ =	sdelay $0x2  }
0x7e: {  	v50 =	vadd.s32 $0x11, v2  }
0x7f: {  	v51 =	vand.u32 $0xFFFFFF80, v50;
	[tilespmem:s26+$0xFFFFF780] =	vst v4  }
0x80: {  	v5 =	vand.u32 $0x7F, v50;
	v4 =	vadd.s32 v1, v51;
	v3 =	vld.idx.msk [tilespmem:v3+s11+$0x0], $0xffff  }
0x81: {  	v4 =	vor.u32 v5, v4;
	_ =	sdelay $0x2  }
0x82: {  	v52 =	vadd.s32 $0x12, v2  }
0x83: {  	[tilespmem:s26+$0xFFFFF800] =	vst v3;
	v3 =	vand.u32 $0xFFFFFF80, v52  }
0x84: {  	v5 =	vand.u32 $0x7F, v52;
	v4 =	vld.idx.msk [tilespmem:v4+s11+$0x0], $0xffff;
	v3 =	vadd.s32 v1, v3  }
0x85: {  	v3 =	vor.u32 v5, v3;
	_ =	sdelay $0x2  }
0x86: {  	v53 =	vadd.s32 $0x13, v2  }
0x87: {  	v54 =	vand.u32 $0xFFFFFF80, v53;
	[tilespmem:s26+$0xFFFFF880] =	vst v4  }
0x88: {  	v5 =	vand.u32 $0x7F, v53;
	v4 =	vadd.s32 v1, v54;
	v3 =	vld.idx.msk [tilespmem:v3+s11+$0x0], $0xffff  }
0x89: {  	v4 =	vor.u32 v5, v4;
	_ =	sdelay $0x2  }
0x8a: {  	v55 =	vadd.s32 $0x14, v2  }
0x8b: {  	[tilespmem:s26+$0xFFFFF900] =	vst v3;
	v3 =	vand.u32 $0xFFFFFF80, v55  }
0x8c: {  	v5 =	vand.u32 $0x7F, v55;
	v4 =	vld.idx.msk [tilespmem:v4+s11+$0x0], $0xffff;
	v3 =	vadd.s32 v1, v3  }
0x8d: {  	v3 =	vor.u32 v5, v3;
	_ =	sdelay $0x2  }
0x8e: {  	v56 =	vadd.s32 $0x15, v2  }
0x8f: {  	v57 =	vand.u32 $0xFFFFFF80, v56;
	[tilespmem:s26+$0xFFFFF980] =	vst v4  }
0x90: {  	v5 =	vand.u32 $0x7F, v56;
	v4 =	vadd.s32 v1, v57;
	v3 =	vld.idx.msk [tilespmem:v3+s11+$0x0], $0xffff  }
0x91: {  	v4 =	vor.u32 v5, v4;
	_ =	sdelay $0x2  }
0x92: {  	v58 =	vadd.s32 $0x16, v2  }
0x93: {  	[tilespmem:s26+$0xFFFFFA00] =	vst v3;
	v3 =	vand.u32 $0xFFFFFF80, v58  }
0x94: {  	v5 =	vand.u32 $0x7F, v58;
	v4 =	vld.idx.msk [tilespmem:v4+s11+$0x0], $0xffff;
	v3 =	vadd.s32 v1, v3  }
0x95: {  	v3 =	vor.u32 v5, v3;
	_ =	sdelay $0x2  }
0x96: {  	v59 =	vadd.s32 $0x17, v2  }
0x97: {  	v60 =	vand.u32 $0xFFFFFF80, v59;
	[tilespmem:s26+$0xFFFFFA80] =	vst v4  }
0x98: {  	v5 =	vand.u32 $0x7F, v59;
	v4 =	vadd.s32 v1, v60;
	v3 =	vld.idx.msk [tilespmem:v3+s11+$0x0], $0xffff  }
0x99: {  	v4 =	vor.u32 v5, v4;
	_ =	sdelay $0x2  }
0x9a: {  	v61 =	vadd.s32 $0x18, v2  }
0x9b: {  	[tilespmem:s26+$0xFFFFFB00] =	vst v3;
	v3 =	vand.u32 $0xFFFFFF80, v61  }
0x9c: {  	v5 =	vand.u32 $0x7F, v61;
	v4 =	vld.idx.msk [tilespmem:v4+s11+$0x0], $0xffff;
	v3 =	vadd.s32 v1, v3  }
0x9d: {  	v3 =	vor.u32 v5, v3;
	_ =	sdelay $0x2  }
0x9e: {  	v62 =	vadd.s32 $0x19, v2  }
0x9f: {  	v63 =	vand.u32 $0xFFFFFF80, v62;
	[tilespmem:s26+$0xFFFFFB80] =	vst v4  }
0xa0: {  	v5 =	vand.u32 $0x7F, v62;
	v4 =	vadd.s32 v1, v63;
	v3 =	vld.idx.msk [tilespmem:v3+s11+$0x0], $0xffff  }
0xa1: {  	v4 =	vor.u32 v5, v4;
	_ =	sdelay $0x2  }
0xa2: {  	v8 =	vadd.s32 $0x1A, v2  }
0xa3: {  	[tilespmem:s26+$0xFFFFFC00] =	vst v3;
	v3 =	vand.u32 $0xFFFFFF80, v8  }
0xa4: {  	v5 =	vand.u32 $0x7F, v8;
	v4 =	vld.idx.msk [tilespmem:v4+s11+$0x0], $0xffff;
	v3 =	vadd.s32 v1, v3  }
0xa5: {  	v3 =	vor.u32 v5, v3;
	_ =	sdelay $0x2  }
0xa6: {  	v9 =	vadd.s32 $0x1B, v2  }
0xa7: {  	v10 =	vand.u32 $0xFFFFFF80, v9;
	[tilespmem:s26+$0xFFFFFC80] =	vst v4  }
0xa8: {  	v5 =	vand.u32 $0x7F, v9;
	v4 =	vadd.s32 v1, v10;
	v3 =	vld.idx.msk [tilespmem:v3+s11+$0x0], $0xffff  }
0xa9: {  	v4 =	vor.u32 v5, v4;
	_ =	sdelay $0x2  }
0xaa: {  	v11 =	vadd.s32 $0x1C, v2  }
0xab: {  	[tilespmem:s26+$0xFFFFFD00] =	vst v3;
	v3 =	vand.u32 $0xFFFFFF80, v11  }
0xac: {  	v5 =	vand.u32 $0x7F, v11;
	v4 =	vld.idx.msk [tilespmem:v4+s11+$0x0], $0xffff;
	v3 =	vadd.s32 v1, v3  }
0xad: {  	v3 =	vor.u32 v5, v3;
	_ =	sdelay $0x2  }
0xae: {  	v12 =	vadd.s32 $0x1D, v2  }
0xaf: {  	v13 =	vand.u32 $0xFFFFFF80, v12;
	[tilespmem:s26+$0xFFFFFD80] =	vst v4  }
0xb0: {  	v5 =	vand.u32 $0x7F, v12;
	v4 =	vadd.s32 v1, v13;
	v3 =	vld.idx.msk [tilespmem:v3+s11+$0x0], $0xffff  }
0xb1: {  	v4 =	vor.u32 v5, v4;
	_ =	sdelay $0x2  }
0xb2: {  	v14 =	vadd.s32 $0x1E, v2  }
0xb3: {  	[tilespmem:s26+$0xFFFFFE00] =	vst v3;
	v3 =	vand.u32 $0xFFFFFF80, v14  }
0xb4: {  	v5 =	vand.u32 $0x7F, v14;
	v4 =	vld.idx.msk [tilespmem:v4+s11+$0x0], $0xffff;
	v3 =	vadd.s32 v1, v3  }
0xb5: {  	v3 =	vor.u32 v5, v3;
	_ =	sdelay $0x2  }
0xb6: {  	v15 =	vadd.s32 $0x1F, v2  }
0xb7: {  	v16 =	vand.u32 $0xFFFFFF80, v15;
	[tilespmem:s26+$0xFFFFFE80] =	vst v4  }
0xb8: {  	v5 =	vand.u32 $0x7F, v15;
	v4 =	vadd.s32 v1, v16;
	v3 =	vld.idx.msk [tilespmem:v3+s11+$0x0], $0xffff  }
0xb9: {  	v4 =	vor.u32 v5, v4;
	_ =	sdelay $0x2  }
0xba: {  	v17 =	vadd.s32 $0x20, v2  }
0xbb: {  	[tilespmem:s26+$0xFFFFFF00] =	vst v3;
	v3 =	vand.u32 $0xFFFFFF80, v17  }
0xbc: {  	v5 =	vand.u32 $0x7F, v17;
	v4 =	vld.idx.msk [tilespmem:v4+s11+$0x0], $0xffff;
	v3 =	vadd.s32 v1, v3  }
0xbd: {  	v3 =	vor.u32 v5, v3;
	_ =	sdelay $0x2  }
0xbe: {  	v18 =	vadd.s32 $0x21, v2  }
0xbf: {  	v19 =	vand.u32 $0xFFFFFF80, v18;
	[tilespmem:s26+$0xFFFFFF80] =	vst v4  }
0xc0: {  	v5 =	vand.u32 $0x7F, v18;
	v4 =	vadd.s32 v1, v19;
	v3 =	vld.idx.msk [tilespmem:v3+s11+$0x0], $0xffff  }
0xc1: {  	v4 =	vor.u32 v5, v4;
	_ =	sdelay $0x2  }
0xc2: {  	v20 =	vadd.s32 $0x22, v2  }
0xc3: {  	[tilespmem:s26+$0x0] =	vst v3;
	v3 =	vand.u32 $0xFFFFFF80, v20  }
0xc4: {  	v5 =	vand.u32 $0x7F, v20;
	v4 =	vld.idx.msk [tilespmem:v4+s11+$0x0], $0xffff;
	v3 =	vadd.s32 v1, v3  }
0xc5: {  	v3 =	vor.u32 v5, v3;
	_ =	sdelay $0x2  }
0xc6: {  	v21 =	vadd.s32 $0x23, v2  }
0xc7: {  	v22 =	vand.u32 $0xFFFFFF80, v21;
	[tilespmem:s26+$0x80] =	vst v4  }
0xc8: {  	v5 =	vand.u32 $0x7F, v21;
	v4 =	vadd.s32 v1, v22;
	v3 =	vld.idx.msk [tilespmem:v3+s11+$0x0], $0xffff  }
0xc9: {  	v4 =	vor.u32 v5, v4;
	_ =	sdelay $0x2  }
0xca: {  	v23 =	vadd.s32 $0x24, v2  }
0xcb: {  	[tilespmem:s26+$0x100] =	vst v3;
	v3 =	vand.u32 $0xFFFFFF80, v23  }
0xcc: {  	v5 =	vand.u32 $0x7F, v23;
	v4 =	vld.idx.msk [tilespmem:v4+s11+$0x0], $0xffff;
	v3 =	vadd.s32 v1, v3  }
0xcd: {  	v3 =	vor.u32 v5, v3;
	_ =	sdelay $0x2  }
0xce: {  	v24 =	vadd.s32 $0x25, v2  }
0xcf: {  	v25 =	vand.u32 $0xFFFFFF80, v24;
	[tilespmem:s26+$0x180] =	vst v4  }
0xd0: {  	v5 =	vand.u32 $0x7F, v24;
	v4 =	vadd.s32 v1, v25;
	v3 =	vld.idx.msk [tilespmem:v3+s11+$0x0], $0xffff  }
0xd1: {  	v4 =	vor.u32 v5, v4;
	_ =	sdelay $0x2  }
0xd2: {  	v26 =	vadd.s32 $0x26, v2  }
0xd3: {  	[tilespmem:s26+$0x200] =	vst v3;
	v3 =	vand.u32 $0xFFFFFF80, v26  }
0xd4: {  	v5 =	vand.u32 $0x7F, v26;
	v4 =	vld.idx.msk [tilespmem:v4+s11+$0x0], $0xffff;
	v3 =	vadd.s32 v1, v3  }
0xd5: {  	v3 =	vor.u32 v5, v3;
	_ =	sdelay $0x2  }
0xd6: {  	v27 =	vadd.s32 $0x27, v2  }
0xd7: {  	v28 =	vand.u32 $0xFFFFFF80, v27;
	[tilespmem:s26+$0x280] =	vst v4  }
0xd8: {  	v5 =	vand.u32 $0x7F, v27;
	v4 =	vadd.s32 v1, v28;
	v3 =	vld.idx.msk [tilespmem:v3+s11+$0x0], $0xffff  }
0xd9: {  	v4 =	vor.u32 v5, v4;
	_ =	sdelay $0x2  }
0xda: {  	v29 =	vadd.s32 $0x28, v2  }
0xdb: {  	[tilespmem:s26+$0x300] =	vst v3;
	v3 =	vand.u32 $0xFFFFFF80, v29  }
0xdc: {  	v5 =	vand.u32 $0x7F, v29;
	v4 =	vld.idx.msk [tilespmem:v4+s11+$0x0], $0xffff;
	v3 =	vadd.s32 v1, v3  }
0xdd: {  	v3 =	vor.u32 v5, v3;
	_ =	sdelay $0x2  }
0xde: {  	v30 =	vadd.s32 $0x29, v2  }
0xdf: {  	v31 =	vand.u32 $0xFFFFFF80, v30;
	[tilespmem:s26+$0x380] =	vst v4  }
0xe0: {  	v5 =	vand.u32 $0x7F, v30;
	v4 =	vadd.s32 v1, v31;
	v3 =	vld.idx.msk [tilespmem:v3+s11+$0x0], $0xffff  }
0xe1: {  	v4 =	vor.u32 v5, v4;
	_ =	sdelay $0x2  }
0xe2: {  	v32 =	vadd.s32 $0x2A, v2  }
0xe3: {  	[tilespmem:s26+$0x400] =	vst v3;
	v3 =	vand.u32 $0xFFFFFF80, v32  }
0xe4: {  	v5 =	vand.u32 $0x7F, v32;
	v4 =	vld.idx.msk [tilespmem:v4+s11+$0x0], $0xffff;
	v3 =	vadd.s32 v1, v3  }
0xe5: {  	v3 =	vor.u32 v5, v3;
	_ =	sdelay $0x2  }
0xe6: {  	v33 =	vadd.s32 $0x2B, v2  }
0xe7: {  	v34 =	vand.u32 $0xFFFFFF80, v33;
	[tilespmem:s26+$0x480] =	vst v4  }
0xe8: {  	v5 =	vand.u32 $0x7F, v33;
	v4 =	vadd.s32 v1, v34;
	v3 =	vld.idx.msk [tilespmem:v3+s11+$0x0], $0xffff  }
0xe9: {  	v4 =	vor.u32 v5, v4;
	_ =	sdelay $0x2  }
0xea: {  	v35 =	vadd.s32 $0x2C, v2  }
0xeb: {  	[tilespmem:s26+$0x500] =	vst v3;
	v3 =	vand.u32 $0xFFFFFF80, v35  }
0xec: {  	v5 =	vand.u32 $0x7F, v35;
	v4 =	vld.idx.msk [tilespmem:v4+s11+$0x0], $0xffff;
	v3 =	vadd.s32 v1, v3  }
0xed: {  	v3 =	vor.u32 v5, v3;
	_ =	sdelay $0x2  }
0xee: {  	v36 =	vadd.s32 $0x2D, v2  }
0xef: {  	v37 =	vand.u32 $0xFFFFFF80, v36;
	[tilespmem:s26+$0x580] =	vst v4  }
0xf0: {  	v5 =	vand.u32 $0x7F, v36;
	v4 =	vadd.s32 v1, v37;
	v3 =	vld.idx.msk [tilespmem:v3+s11+$0x0], $0xffff  }
0xf1: {  	v4 =	vor.u32 v5, v4;
	_ =	sdelay $0x2  }
0xf2: {  	v38 =	vadd.s32 $0x2E, v2  }
0xf3: {  	[tilespmem:s26+$0x600] =	vst v3;
	v3 =	vand.u32 $0xFFFFFF80, v38  }
0xf4: {  	v5 =	vand.u32 $0x7F, v38;
	v4 =	vld.idx.msk [tilespmem:v4+s11+$0x0], $0xffff;
	v3 =	vadd.s32 v1, v3  }
0xf5: {  	v3 =	vor.u32 v5, v3;
	_ =	sdelay $0x2  }
0xf6: {  	v39 =	vadd.s32 $0x2F, v2  }
0xf7: {  	v40 =	vand.u32 $0xFFFFFF80, v39;
	[tilespmem:s26+$0x680] =	vst v4  }
0xf8: {  	v5 =	vand.u32 $0x7F, v39;
	v4 =	vadd.s32 v1, v40;
	v3 =	vld.idx.msk [tilespmem:v3+s11+$0x0], $0xffff  }
0xf9: {  	v4 =	vor.u32 v5, v4;
	_ =	sdelay $0x2  }
0xfa: {  	v41 =	vadd.s32 $0x30, v2  }
0xfb: {  	[tilespmem:s26+$0x700] =	vst v3;
	v3 =	vand.u32 $0xFFFFFF80, v41  }
0xfc: {  	v5 =	vand.u32 $0x7F, v41;
	v4 =	vld.idx.msk [tilespmem:v4+s11+$0x0], $0xffff;
	v3 =	vadd.s32 v1, v3  }
0xfd: {  	v3 =	vor.u32 v5, v3;
	_ =	sdelay $0x2  }
0xfe: {  	v42 =	vadd.s32 $0x31, v2  }
0xff: {  	v43 =	vand.u32 $0xFFFFFF80, v42;
	[tilespmem:s26+$0x780] =	vst v4  }
0x100: {  	v5 =	vand.u32 $0x7F, v42;
	v4 =	vadd.s32 v1, v43;
	v3 =	vld.idx.msk [tilespmem:v3+s11+$0x0], $0xffff  }
0x101: {  	v4 =	vor.u32 v5, v4;
	_ =	sdelay $0x2  }
0x102: {  	v44 =	vadd.s32 $0x32, v2  }
0x103: {  	[tilespmem:s26+$0x800] =	vst v3;
	v3 =	vand.u32 $0xFFFFFF80, v44  }
0x104: {  	v5 =	vand.u32 $0x7F, v44;
	v4 =	vld.idx.msk [tilespmem:v4+s11+$0x0], $0xffff;
	v3 =	vadd.s32 v1, v3  }
0x105: {  	v3 =	vor.u32 v5, v3;
	_ =	sdelay $0x2  }
0x106: {  	v45 =	vadd.s32 $0x33, v2  }
0x107: {  	v46 =	vand.u32 $0xFFFFFF80, v45;
	[tilespmem:s26+$0x880] =	vst v4  }
0x108: {  	v5 =	vand.u32 $0x7F, v45;
	v4 =	vadd.s32 v1, v46;
	v3 =	vld.idx.msk [tilespmem:v3+s11+$0x0], $0xffff  }
0x109: {  	v4 =	vor.u32 v5, v4;
	_ =	sdelay $0x2  }
0x10a: {  	v47 =	vadd.s32 $0x34, v2  }
0x10b: {  	[tilespmem:s26+$0x900] =	vst v3;
	v3 =	vand.u32 $0xFFFFFF80, v47  }
0x10c: {  	v5 =	vand.u32 $0x7F, v47;
	v4 =	vld.idx.msk [tilespmem:v4+s11+$0x0], $0xffff;
	v3 =	vadd.s32 v1, v3  }
0x10d: {  	v3 =	vor.u32 v5, v3;
	_ =	sdelay $0x2  }
0x10e: {  	v48 =	vadd.s32 $0x35, v2  }
0x10f: {  	v49 =	vand.u32 $0xFFFFFF80, v48;
	[tilespmem:s26+$0x980] =	vst v4  }
0x110: {  	v5 =	vand.u32 $0x7F, v48;
	v4 =	vadd.s32 v1, v49;
	v3 =	vld.idx.msk [tilespmem:v3+s11+$0x0], $0xffff  }
0x111: {  	v4 =	vor.u32 v5, v4;
	_ =	sdelay $0x2  }
0x112: {  	v50 =	vadd.s32 $0x36, v2  }
0x113: {  	[tilespmem:s26+$0xA00] =	vst v3;
	v3 =	vand.u32 $0xFFFFFF80, v50  }
0x114: {  	v5 =	vand.u32 $0x7F, v50;
	v4 =	vld.idx.msk [tilespmem:v4+s11+$0x0], $0xffff;
	v3 =	vadd.s32 v1, v3  }
0x115: {  	v3 =	vor.u32 v5, v3;
	_ =	sdelay $0x2  }
0x116: {  	v51 =	vadd.s32 $0x37, v2  }
0x117: {  	v52 =	vand.u32 $0xFFFFFF80, v51;
	[tilespmem:s26+$0xA80] =	vst v4  }
0x118: {  	v5 =	vand.u32 $0x7F, v51;
	v4 =	vadd.s32 v1, v52;
	v3 =	vld.idx.msk [tilespmem:v3+s11+$0x0], $0xffff  }
0x119: {  	v4 =	vor.u32 v5, v4;
	_ =	sdelay $0x2  }
0x11a: {  	v53 =	vadd.s32 $0x38, v2  }
0x11b: {  	[tilespmem:s26+$0xB00] =	vst v3;
	v3 =	vand.u32 $0xFFFFFF80, v53  }
0x11c: {  	v5 =	vand.u32 $0x7F, v53;
	v4 =	vld.idx.msk [tilespmem:v4+s11+$0x0], $0xffff;
	v3 =	vadd.s32 v1, v3  }
0x11d: {  	v3 =	vor.u32 v5, v3;
	_ =	sdelay $0x2  }
0x11e: {  	v54 =	vadd.s32 $0x39, v2  }
0x11f: {  	v55 =	vand.u32 $0xFFFFFF80, v54;
	[tilespmem:s26+$0xB80] =	vst v4  }
0x120: {  	v5 =	vand.u32 $0x7F, v54;
	v4 =	vadd.s32 v1, v55;
	v3 =	vld.idx.msk [tilespmem:v3+s11+$0x0], $0xffff  }
0x121: {  	v4 =	vor.u32 v5, v4;
	_ =	sdelay $0x2  }
0x122: {  	v56 =	vadd.s32 $0x3A, v2  }
0x123: {  	[tilespmem:s26+$0xC00] =	vst v3;
	v3 =	vand.u32 $0xFFFFFF80, v56  }
0x124: {  	v5 =	vand.u32 $0x7F, v56;
	v4 =	vld.idx.msk [tilespmem:v4+s11+$0x0], $0xffff;
	v3 =	vadd.s32 v1, v3  }
0x125: {  	v3 =	vor.u32 v5, v3;
	_ =	sdelay $0x2  }
0x126: {  	v57 =	vadd.s32 $0x3B, v2  }
0x127: {  	v58 =	vand.u32 $0xFFFFFF80, v57;
	[tilespmem:s26+$0xC80] =	vst v4  }
0x128: {  	v5 =	vand.u32 $0x7F, v57;
	v4 =	vadd.s32 v1, v58;
	v3 =	vld.idx.msk [tilespmem:v3+s11+$0x0], $0xffff  }
0x129: {  	v4 =	vor.u32 v5, v4;
	_ =	sdelay $0x2  }
0x12a: {  	v59 =	vadd.s32 $0x3C, v2  }
0x12b: {  	[tilespmem:s26+$0xD00] =	vst v3;
	v3 =	vand.u32 $0xFFFFFF80, v59  }
0x12c: {  	v5 =	vand.u32 $0x7F, v59;
	v4 =	vld.idx.msk [tilespmem:v4+s11+$0x0], $0xffff;
	v3 =	vadd.s32 v1, v3  }
0x12d: {  	v3 =	vor.u32 v5, v3;
	_ =	sdelay $0x2  }
0x12e: {  	v60 =	vadd.s32 $0x3D, v2  }
0x12f: {  	v61 =	vand.u32 $0xFFFFFF80, v60;
	[tilespmem:s26+$0xD80] =	vst v4  }
0x130: {  	v5 =	vand.u32 $0x7F, v60;
	v4 =	vadd.s32 v1, v61;
	v3 =	vld.idx.msk [tilespmem:v3+s11+$0x0], $0xffff  }
0x131: {  	v4 =	vor.u32 v5, v4;
	_ =	sdelay $0x2  }
0x132: {  	v62 =	vadd.s32 $0x3E, v2  }
0x133: {  	[tilespmem:s26+$0xE00] =	vst v3;
	v3 =	vand.u32 $0xFFFFFF80, v62  }
0x134: {  	v5 =	vand.u32 $0x7F, v62;
	v4 =	vld.idx.msk [tilespmem:v4+s11+$0x0], $0xffff;
	v3 =	vadd.s32 v1, v3  }
0x135: {  	v3 =	vor.u32 v5, v3;
	_ =	sdelay $0x2  }
0x136: {  	v2 =	vadd.s32 $0x3F, v2  }
0x137: {  	v63 =	vand.u32 $0xFFFFFF80, v2;
	[tilespmem:s26+$0xE80] =	vst v4  }
0x138: {  	v2 =	vand.u32 $0x7F, v2;
	v1 =	vadd.s32 v1, v63;
	v3 =	vld.idx.msk [tilespmem:v3+s11+$0x0], $0xffff  }
0x139: {  	v1 =	vor.u32 v2, v1;
	_ =	sdelay $0x3  }
0x13a: {  	[tilespmem:s26+$0xF00] =	vst v3  }
0x13b: {  	p1 =	sne.s32 s29, $0x70;
	v1 =	vld.idx.msk [tilespmem:v1+s11+$0x0], $0xffff  }
.Ltmp2:
0x13c: {  	_ = 	snop;
	(pc) =	sbr.rel @p1 .LBB2_7-.Ltmp2, $2  }
0x13d: {  	_ =	sdelay $0x2  }
0x13e: {  	s28 =	sadd.s32 $0x10, s28;
	s29 =	sadd.s32 $0x10, s29;
	[tilespmem:s26+$0xF80] =	vst v1;
	s26 =	sadd.s32 $0x10, s26  }
0x13f: {  	p1 =	seq.s32 s21, $0x63  }
0x140: {  	s25 =	sshrl.u32 @!p1 s25, $0x2  }
0x141: {  	s28 =	simm.s32 @!p1 $0x80;
	s29 =	simm.s32 @!p1 $0xCA00;
	s26 =	sadd.s32 @!p1 $0x300, s25  }
0x142: {  	[tilespmem:s29], [sflag:$0x1] =	stream.indirect.gather @!p1 [hbm4b:s3+s28], $0x80, s26, s28, $0xb8;
	[tilespmem:$0x18A00] =	vst v63  }
0x143: {  	s31 =	sshll.u32 s21, $0x8;
	s28 =	sshll.u32 s21, $0x10  }
0x144: {  	s29 =	sand.u32 $0x100, s31;
	s26 =	sand.u32 $0x7E0000, s28  }
0x145: {  	s28 =	sor.u32 s26, s29  }
0x146: {  	s28 =	sadd.s32 s28, s5  }
0x147: {  	[hbm4b:s28+s8] =	stream.strided.scatter [tilespmem:s16], [sflag:$0x3], $0x2000, s15, s8, $0x38;
	[tilespmem:$0x18A00] =	vst v63  }
0x148: {  	s28 =	simm.s32 @!p0 $0x4  }
0x149: {  	_ =	swait.ge @!p0 [sflag:s28], $0x2000  }
0x14a: {  	[sflag:s28] =	ssyncset.done @!p0 $0x0  }
0x14b: {  	[sflag:s28] =	ssyncadd.s32 @!p0 $0xFFFFE000  }
0x14c: {  	_ =	swait.ge [sflag:s17], $0x4000  }
0x14d: {  	s30 =	smov.u32 s23;
	[sflag:s17] =	ssyncset.done $0x0  }
0x14e: {  	s29 =	simm.s32 $0x18980;
	s28 =	simm.s32 $0x0;
	[sflag:s17] =	ssyncadd.s32 $0xFFFFC000  }
.LBB2_9:
0x14f: {  	v2 =	vld [tilespmem:s30+$0x0];
	_ =	sdelay $0x2  }
0x150: {  	v1 =	vmov s28  }
0x151: {  	v1 =	vshll.u32 v1, $0x7  }
0x152: {  	v1 =	vor.u32 v0, v1;
	v3 =	vand.u32 $0xFFFFFF80, v2  }
0x153: {  	v4 =	vand.u32 $0x7F, v2;
	v3 =	vadd.s32 v1, v3  }
0x154: {  	v3 =	vor.u32 v4, v3;
	_ =	sdelay $0x2  }
0x155: {  	v27 =	vadd.s32 $0x1, v2  }
0x156: {  	v5 =	vand.u32 $0xFFFFFF80, v27  }
0x157: {  	v4 =	vand.u32 $0x7F, v27;
	v5 =	vadd.s32 v1, v5;
	v3 =	vld.idx.msk [tilespmem:v3+s13+$0x0], $0xffff  }
0x158: {  	v4 =	vor.u32 v4, v5;
	_ =	sdelay $0x2  }
0x159: {  	v28 =	vadd.s32 $0x2, v2  }
0x15a: {  	[tilespmem:s29+$0xFFFFE080] =	vst v3;
	v3 =	vand.u32 $0xFFFFFF80, v28  }
0x15b: {  	v5 =	vand.u32 $0x7F, v28;
	v4 =	vld.idx.msk [tilespmem:v4+s13+$0x0], $0xffff;
	v3 =	vadd.s32 v1, v3  }
0x15c: {  	v3 =	vor.u32 v5, v3;
	_ =	sdelay $0x2  }
0x15d: {  	v29 =	vadd.s32 $0x3, v2  }
0x15e: {  	v30 =	vand.u32 $0xFFFFFF80, v29;
	[tilespmem:s29+$0xFFFFE100] =	vst v4  }
0x15f: {  	v5 =	vand.u32 $0x7F, v29;
	v4 =	vadd.s32 v1, v30;
	v3 =	vld.idx.msk [tilespmem:v3+s13+$0x0], $0xffff  }
0x160: {  	v4 =	vor.u32 v5, v4;
	_ =	sdelay $0x2  }
0x161: {  	v31 =	vadd.s32 $0x4, v2  }
0x162: {  	[tilespmem:s29+$0xFFFFE180] =	vst v3;
	v3 =	vand.u32 $0xFFFFFF80, v31  }
0x163: {  	v5 =	vand.u32 $0x7F, v31;
	v4 =	vld.idx.msk [tilespmem:v4+s13+$0x0], $0xffff;
	v3 =	vadd.s32 v1, v3  }
0x164: {  	v3 =	vor.u32 v5, v3;
	_ =	sdelay $0x2  }
0x165: {  	v32 =	vadd.s32 $0x5, v2  }
0x166: {  	v33 =	vand.u32 $0xFFFFFF80, v32;
	[tilespmem:s29+$0xFFFFE200] =	vst v4  }
0x167: {  	v5 =	vand.u32 $0x7F, v32;
	v4 =	vadd.s32 v1, v33;
	v3 =	vld.idx.msk [tilespmem:v3+s13+$0x0], $0xffff  }
0x168: {  	v4 =	vor.u32 v5, v4;
	_ =	sdelay $0x2  }
0x169: {  	v34 =	vadd.s32 $0x6, v2  }
0x16a: {  	[tilespmem:s29+$0xFFFFE280] =	vst v3;
	v3 =	vand.u32 $0xFFFFFF80, v34  }
0x16b: {  	v5 =	vand.u32 $0x7F, v34;
	v4 =	vld.idx.msk [tilespmem:v4+s13+$0x0], $0xffff;
	v3 =	vadd.s32 v1, v3  }
0x16c: {  	v3 =	vor.u32 v5, v3;
	_ =	sdelay $0x2  }
0x16d: {  	v35 =	vadd.s32 $0x7, v2  }
0x16e: {  	v36 =	vand.u32 $0xFFFFFF80, v35;
	[tilespmem:s29+$0xFFFFE300] =	vst v4  }
0x16f: {  	v5 =	vand.u32 $0x7F, v35;
	v4 =	vadd.s32 v1, v36;
	v3 =	vld.idx.msk [tilespmem:v3+s13+$0x0], $0xffff  }
0x170: {  	v4 =	vor.u32 v5, v4;
	_ =	sdelay $0x2  }
0x171: {  	v37 =	vadd.s32 $0x8, v2  }
0x172: {  	[tilespmem:s29+$0xFFFFE380] =	vst v3;
	v3 =	vand.u32 $0xFFFFFF80, v37  }
0x173: {  	v5 =	vand.u32 $0x7F, v37;
	v4 =	vld.idx.msk [tilespmem:v4+s13+$0x0], $0xffff;
	v3 =	vadd.s32 v1, v3  }
0x174: {  	v3 =	vor.u32 v5, v3;
	_ =	sdelay $0x2  }
0x175: {  	v38 =	vadd.s32 $0x9, v2  }
0x176: {  	v39 =	vand.u32 $0xFFFFFF80, v38;
	[tilespmem:s29+$0xFFFFE400] =	vst v4  }
0x177: {  	v5 =	vand.u32 $0x7F, v38;
	v4 =	vadd.s32 v1, v39;
	v3 =	vld.idx.msk [tilespmem:v3+s13+$0x0], $0xffff  }
0x178: {  	v4 =	vor.u32 v5, v4;
	_ =	sdelay $0x2  }
0x179: {  	v40 =	vadd.s32 $0xA, v2  }
0x17a: {  	[tilespmem:s29+$0xFFFFE480] =	vst v3;
	v3 =	vand.u32 $0xFFFFFF80, v40  }
0x17b: {  	v5 =	vand.u32 $0x7F, v40;
	v4 =	vld.idx.msk [tilespmem:v4+s13+$0x0], $0xffff;
	v3 =	vadd.s32 v1, v3  }
0x17c: {  	v3 =	vor.u32 v5, v3;
	_ =	sdelay $0x2  }
0x17d: {  	v41 =	vadd.s32 $0xB, v2  }
0x17e: {  	v42 =	vand.u32 $0xFFFFFF80, v41;
	[tilespmem:s29+$0xFFFFE500] =	vst v4  }
0x17f: {  	v5 =	vand.u32 $0x7F, v41;
	v4 =	vadd.s32 v1, v42;
	v3 =	vld.idx.msk [tilespmem:v3+s13+$0x0], $0xffff  }
0x180: {  	v4 =	vor.u32 v5, v4;
	_ =	sdelay $0x2  }
0x181: {  	v43 =	vadd.s32 $0xC, v2  }
0x182: {  	[tilespmem:s29+$0xFFFFE580] =	vst v3;
	v3 =	vand.u32 $0xFFFFFF80, v43  }
0x183: {  	v5 =	vand.u32 $0x7F, v43;
	v4 =	vld.idx.msk [tilespmem:v4+s13+$0x0], $0xffff;
	v3 =	vadd.s32 v1, v3  }
0x184: {  	v3 =	vor.u32 v5, v3;
	_ =	sdelay $0x2  }
0x185: {  	v44 =	vadd.s32 $0xD, v2  }
0x186: {  	v45 =	vand.u32 $0xFFFFFF80, v44;
	[tilespmem:s29+$0xFFFFE600] =	vst v4  }
0x187: {  	v5 =	vand.u32 $0x7F, v44;
	v4 =	vadd.s32 v1, v45;
	v3 =	vld.idx.msk [tilespmem:v3+s13+$0x0], $0xffff  }
0x188: {  	v4 =	vor.u32 v5, v4;
	_ =	sdelay $0x2  }
0x189: {  	v46 =	vadd.s32 $0xE, v2  }
0x18a: {  	[tilespmem:s29+$0xFFFFE680] =	vst v3;
	v3 =	vand.u32 $0xFFFFFF80, v46  }
0x18b: {  	v5 =	vand.u32 $0x7F, v46;
	v4 =	vld.idx.msk [tilespmem:v4+s13+$0x0], $0xffff;
	v3 =	vadd.s32 v1, v3  }
0x18c: {  	v3 =	vor.u32 v5, v3;
	_ =	sdelay $0x2  }
0x18d: {  	v47 =	vadd.s32 $0xF, v2  }
0x18e: {  	v48 =	vand.u32 $0xFFFFFF80, v47;
	[tilespmem:s29+$0xFFFFE700] =	vst v4  }
0x18f: {  	v5 =	vand.u32 $0x7F, v47;
	v4 =	vadd.s32 v1, v48;
	v3 =	vld.idx.msk [tilespmem:v3+s13+$0x0], $0xffff  }
0x190: {  	v4 =	vor.u32 v5, v4;
	_ =	sdelay $0x2  }
0x191: {  	v49 =	vadd.s32 $0x10, v2  }
0x192: {  	[tilespmem:s29+$0xFFFFE780] =	vst v3;
	v3 =	vand.u32 $0xFFFFFF80, v49  }
0x193: {  	v5 =	vand.u32 $0x7F, v49;
	v4 =	vld.idx.msk [tilespmem:v4+s13+$0x0], $0xffff;
	v3 =	vadd.s32 v1, v3  }
0x194: {  	v3 =	vor.u32 v5, v3;
	_ =	sdelay $0x2  }
0x195: {  	v50 =	vadd.s32 $0x11, v2  }
0x196: {  	v51 =	vand.u32 $0xFFFFFF80, v50;
	[tilespmem:s29+$0xFFFFE800] =	vst v4  }
0x197: {  	v5 =	vand.u32 $0x7F, v50;
	v4 =	vadd.s32 v1, v51;
	v3 =	vld.idx.msk [tilespmem:v3+s13+$0x0], $0xffff  }
0x198: {  	v4 =	vor.u32 v5, v4;
	_ =	sdelay $0x2  }
0x199: {  	v52 =	vadd.s32 $0x12, v2  }
0x19a: {  	[tilespmem:s29+$0xFFFFE880] =	vst v3;
	v3 =	vand.u32 $0xFFFFFF80, v52  }
0x19b: {  	v5 =	vand.u32 $0x7F, v52;
	v4 =	vld.idx.msk [tilespmem:v4+s13+$0x0], $0xffff;
	v3 =	vadd.s32 v1, v3  }
0x19c: {  	v3 =	vor.u32 v5, v3;
	_ =	sdelay $0x2  }
0x19d: {  	v53 =	vadd.s32 $0x13, v2  }
0x19e: {  	v54 =	vand.u32 $0xFFFFFF80, v53;
	[tilespmem:s29+$0xFFFFE900] =	vst v4  }
0x19f: {  	v5 =	vand.u32 $0x7F, v53;
	v4 =	vadd.s32 v1, v54;
	v3 =	vld.idx.msk [tilespmem:v3+s13+$0x0], $0xffff  }
0x1a0: {  	v4 =	vor.u32 v5, v4;
	_ =	sdelay $0x2  }
0x1a1: {  	v55 =	vadd.s32 $0x14, v2  }
0x1a2: {  	[tilespmem:s29+$0xFFFFE980] =	vst v3;
	v3 =	vand.u32 $0xFFFFFF80, v55  }
0x1a3: {  	v5 =	vand.u32 $0x7F, v55;
	v4 =	vld.idx.msk [tilespmem:v4+s13+$0x0], $0xffff;
	v3 =	vadd.s32 v1, v3  }
0x1a4: {  	v3 =	vor.u32 v5, v3;
	_ =	sdelay $0x2  }
0x1a5: {  	v56 =	vadd.s32 $0x15, v2  }
0x1a6: {  	v57 =	vand.u32 $0xFFFFFF80, v56;
	[tilespmem:s29+$0xFFFFEA00] =	vst v4  }
0x1a7: {  	v5 =	vand.u32 $0x7F, v56;
	v4 =	vadd.s32 v1, v57;
	v3 =	vld.idx.msk [tilespmem:v3+s13+$0x0], $0xffff  }
0x1a8: {  	v4 =	vor.u32 v5, v4;
	_ =	sdelay $0x2  }
0x1a9: {  	v58 =	vadd.s32 $0x16, v2  }
0x1aa: {  	[tilespmem:s29+$0xFFFFEA80] =	vst v3;
	v3 =	vand.u32 $0xFFFFFF80, v58  }
0x1ab: {  	v5 =	vand.u32 $0x7F, v58;
	v4 =	vld.idx.msk [tilespmem:v4+s13+$0x0], $0xffff;
	v3 =	vadd.s32 v1, v3  }
0x1ac: {  	v3 =	vor.u32 v5, v3;
	_ =	sdelay $0x2  }
0x1ad: {  	v59 =	vadd.s32 $0x17, v2  }
0x1ae: {  	v60 =	vand.u32 $0xFFFFFF80, v59;
	[tilespmem:s29+$0xFFFFEB00] =	vst v4  }
0x1af: {  	v5 =	vand.u32 $0x7F, v59;
	v4 =	vadd.s32 v1, v60;
	v3 =	vld.idx.msk [tilespmem:v3+s13+$0x0], $0xffff  }
0x1b0: {  	v4 =	vor.u32 v5, v4;
	_ =	sdelay $0x2  }
0x1b1: {  	v61 =	vadd.s32 $0x18, v2  }
0x1b2: {  	[tilespmem:s29+$0xFFFFEB80] =	vst v3;
	v3 =	vand.u32 $0xFFFFFF80, v61  }
0x1b3: {  	v5 =	vand.u32 $0x7F, v61;
	v4 =	vld.idx.msk [tilespmem:v4+s13+$0x0], $0xffff;
	v3 =	vadd.s32 v1, v3  }
0x1b4: {  	v3 =	vor.u32 v5, v3;
	_ =	sdelay $0x2  }
0x1b5: {  	v62 =	vadd.s32 $0x19, v2  }
0x1b6: {  	v63 =	vand.u32 $0xFFFFFF80, v62;
	[tilespmem:s29+$0xFFFFEC00] =	vst v4  }
0x1b7: {  	v5 =	vand.u32 $0x7F, v62;
	v4 =	vadd.s32 v1, v63;
	v3 =	vld.idx.msk [tilespmem:v3+s13+$0x0], $0xffff  }
0x1b8: {  	v4 =	vor.u32 v5, v4;
	_ =	sdelay $0x2  }
0x1b9: {  	v8 =	vadd.s32 $0x1A, v2  }
0x1ba: {  	[tilespmem:s29+$0xFFFFEC80] =	vst v3;
	v3 =	vand.u32 $0xFFFFFF80, v8  }
0x1bb: {  	v5 =	vand.u32 $0x7F, v8;
	v4 =	vld.idx.msk [tilespmem:v4+s13+$0x0], $0xffff;
	v3 =	vadd.s32 v1, v3  }
0x1bc: {  	v3 =	vor.u32 v5, v3;
	_ =	sdelay $0x2  }
0x1bd: {  	v9 =	vadd.s32 $0x1B, v2  }
0x1be: {  	v10 =	vand.u32 $0xFFFFFF80, v9;
	[tilespmem:s29+$0xFFFFED00] =	vst v4  }
0x1bf: {  	v5 =	vand.u32 $0x7F, v9;
	v4 =	vadd.s32 v1, v10;
	v3 =	vld.idx.msk [tilespmem:v3+s13+$0x0], $0xffff  }
0x1c0: {  	v4 =	vor.u32 v5, v4;
	_ =	sdelay $0x2  }
0x1c1: {  	v11 =	vadd.s32 $0x1C, v2  }
0x1c2: {  	[tilespmem:s29+$0xFFFFED80] =	vst v3;
	v3 =	vand.u32 $0xFFFFFF80, v11  }
0x1c3: {  	v5 =	vand.u32 $0x7F, v11;
	v4 =	vld.idx.msk [tilespmem:v4+s13+$0x0], $0xffff;
	v3 =	vadd.s32 v1, v3  }
0x1c4: {  	v3 =	vor.u32 v5, v3;
	_ =	sdelay $0x2  }
0x1c5: {  	v12 =	vadd.s32 $0x1D, v2  }
0x1c6: {  	v13 =	vand.u32 $0xFFFFFF80, v12;
	[tilespmem:s29+$0xFFFFEE00] =	vst v4  }
0x1c7: {  	v5 =	vand.u32 $0x7F, v12;
	v4 =	vadd.s32 v1, v13;
	v3 =	vld.idx.msk [tilespmem:v3+s13+$0x0], $0xffff  }
0x1c8: {  	v4 =	vor.u32 v5, v4;
	_ =	sdelay $0x2  }
0x1c9: {  	v14 =	vadd.s32 $0x1E, v2  }
0x1ca: {  	[tilespmem:s29+$0xFFFFEE80] =	vst v3;
	v3 =	vand.u32 $0xFFFFFF80, v14  }
0x1cb: {  	v5 =	vand.u32 $0x7F, v14;
	v4 =	vld.idx.msk [tilespmem:v4+s13+$0x0], $0xffff;
	v3 =	vadd.s32 v1, v3  }
0x1cc: {  	v3 =	vor.u32 v5, v3;
	_ =	sdelay $0x2  }
0x1cd: {  	v15 =	vadd.s32 $0x1F, v2  }
0x1ce: {  	v16 =	vand.u32 $0xFFFFFF80, v15;
	[tilespmem:s29+$0xFFFFEF00] =	vst v4  }
0x1cf: {  	v5 =	vand.u32 $0x7F, v15;
	v4 =	vadd.s32 v1, v16;
	v3 =	vld.idx.msk [tilespmem:v3+s13+$0x0], $0xffff  }
0x1d0: {  	v4 =	vor.u32 v5, v4;
	_ =	sdelay $0x2  }
0x1d1: {  	v17 =	vadd.s32 $0x20, v2  }
0x1d2: {  	[tilespmem:s29+$0xFFFFEF80] =	vst v3;
	v3 =	vand.u32 $0xFFFFFF80, v17  }
0x1d3: {  	v5 =	vand.u32 $0x7F, v17;
	v4 =	vld.idx.msk [tilespmem:v4+s13+$0x0], $0xffff;
	v3 =	vadd.s32 v1, v3  }
0x1d4: {  	v3 =	vor.u32 v5, v3;
	_ =	sdelay $0x2  }
0x1d5: {  	v18 =	vadd.s32 $0x21, v2  }
0x1d6: {  	v19 =	vand.u32 $0xFFFFFF80, v18;
	[tilespmem:s29+$0xFFFFF000] =	vst v4  }
0x1d7: {  	v5 =	vand.u32 $0x7F, v18;
	v4 =	vadd.s32 v1, v19;
	v3 =	vld.idx.msk [tilespmem:v3+s13+$0x0], $0xffff  }
0x1d8: {  	v4 =	vor.u32 v5, v4;
	_ =	sdelay $0x2  }
0x1d9: {  	v20 =	vadd.s32 $0x22, v2  }
0x1da: {  	[tilespmem:s29+$0xFFFFF080] =	vst v3;
	v3 =	vand.u32 $0xFFFFFF80, v20  }
0x1db: {  	v5 =	vand.u32 $0x7F, v20;
	v4 =	vld.idx.msk [tilespmem:v4+s13+$0x0], $0xffff;
	v3 =	vadd.s32 v1, v3  }
0x1dc: {  	v3 =	vor.u32 v5, v3;
	_ =	sdelay $0x2  }
0x1dd: {  	v21 =	vadd.s32 $0x23, v2  }
0x1de: {  	v22 =	vand.u32 $0xFFFFFF80, v21;
	[tilespmem:s29+$0xFFFFF100] =	vst v4  }
0x1df: {  	v5 =	vand.u32 $0x7F, v21;
	v4 =	vadd.s32 v1, v22;
	v3 =	vld.idx.msk [tilespmem:v3+s13+$0x0], $0xffff  }
0x1e0: {  	v4 =	vor.u32 v5, v4;
	_ =	sdelay $0x2  }
0x1e1: {  	v23 =	vadd.s32 $0x24, v2  }
0x1e2: {  	[tilespmem:s29+$0xFFFFF180] =	vst v3;
	v3 =	vand.u32 $0xFFFFFF80, v23  }
0x1e3: {  	v5 =	vand.u32 $0x7F, v23;
	v4 =	vld.idx.msk [tilespmem:v4+s13+$0x0], $0xffff;
	v3 =	vadd.s32 v1, v3  }
0x1e4: {  	v3 =	vor.u32 v5, v3;
	_ =	sdelay $0x2  }
0x1e5: {  	v24 =	vadd.s32 $0x25, v2  }
0x1e6: {  	v25 =	vand.u32 $0xFFFFFF80, v24;
	[tilespmem:s29+$0xFFFFF200] =	vst v4  }
0x1e7: {  	v5 =	vand.u32 $0x7F, v24;
	v4 =	vadd.s32 v1, v25;
	v3 =	vld.idx.msk [tilespmem:v3+s13+$0x0], $0xffff  }
0x1e8: {  	v4 =	vor.u32 v5, v4;
	_ =	sdelay $0x2  }
0x1e9: {  	v26 =	vadd.s32 $0x26, v2  }
0x1ea: {  	[tilespmem:s29+$0xFFFFF280] =	vst v3;
	v3 =	vand.u32 $0xFFFFFF80, v26  }
0x1eb: {  	v5 =	vand.u32 $0x7F, v26;
	v4 =	vld.idx.msk [tilespmem:v4+s13+$0x0], $0xffff;
	v3 =	vadd.s32 v1, v3  }
0x1ec: {  	v3 =	vor.u32 v5, v3;
	_ =	sdelay $0x2  }
0x1ed: {  	v27 =	vadd.s32 $0x27, v2  }
0x1ee: {  	v28 =	vand.u32 $0xFFFFFF80, v27;
	[tilespmem:s29+$0xFFFFF300] =	vst v4  }
0x1ef: {  	v5 =	vand.u32 $0x7F, v27;
	v4 =	vadd.s32 v1, v28;
	v3 =	vld.idx.msk [tilespmem:v3+s13+$0x0], $0xffff  }
0x1f0: {  	v4 =	vor.u32 v5, v4;
	_ =	sdelay $0x2  }
0x1f1: {  	v29 =	vadd.s32 $0x28, v2  }
0x1f2: {  	[tilespmem:s29+$0xFFFFF380] =	vst v3;
	v3 =	vand.u32 $0xFFFFFF80, v29  }
0x1f3: {  	v5 =	vand.u32 $0x7F, v29;
	v4 =	vld.idx.msk [tilespmem:v4+s13+$0x0], $0xffff;
	v3 =	vadd.s32 v1, v3  }
0x1f4: {  	v3 =	vor.u32 v5, v3;
	_ =	sdelay $0x2  }
0x1f5: {  	v30 =	vadd.s32 $0x29, v2  }
0x1f6: {  	v31 =	vand.u32 $0xFFFFFF80, v30;
	[tilespmem:s29+$0xFFFFF400] =	vst v4  }
0x1f7: {  	v5 =	vand.u32 $0x7F, v30;
	v4 =	vadd.s32 v1, v31;
	v3 =	vld.idx.msk [tilespmem:v3+s13+$0x0], $0xffff  }
0x1f8: {  	v4 =	vor.u32 v5, v4;
	_ =	sdelay $0x2  }
0x1f9: {  	v32 =	vadd.s32 $0x2A, v2  }
0x1fa: {  	[tilespmem:s29+$0xFFFFF480] =	vst v3;
	v3 =	vand.u32 $0xFFFFFF80, v32  }
0x1fb: {  	v5 =	vand.u32 $0x7F, v32;
	v4 =	vld.idx.msk [tilespmem:v4+s13+$0x0], $0xffff;
	v3 =	vadd.s32 v1, v3  }
0x1fc: {  	v3 =	vor.u32 v5, v3;
	_ =	sdelay $0x2  }
0x1fd: {  	v33 =	vadd.s32 $0x2B, v2  }
0x1fe: {  	v34 =	vand.u32 $0xFFFFFF80, v33;
	[tilespmem:s29+$0xFFFFF500] =	vst v4  }
0x1ff: {  	v5 =	vand.u32 $0x7F, v33;
	v4 =	vadd.s32 v1, v34;
	v3 =	vld.idx.msk [tilespmem:v3+s13+$0x0], $0xffff  }
0x200: {  	v4 =	vor.u32 v5, v4;
	_ =	sdelay $0x2  }
0x201: {  	v35 =	vadd.s32 $0x2C, v2  }
0x202: {  	[tilespmem:s29+$0xFFFFF580] =	vst v3;
	v3 =	vand.u32 $0xFFFFFF80, v35  }
0x203: {  	v5 =	vand.u32 $0x7F, v35;
	v4 =	vld.idx.msk [tilespmem:v4+s13+$0x0], $0xffff;
	v3 =	vadd.s32 v1, v3  }
0x204: {  	v3 =	vor.u32 v5, v3;
	_ =	sdelay $0x2  }
0x205: {  	v36 =	vadd.s32 $0x2D, v2  }
0x206: {  	v37 =	vand.u32 $0xFFFFFF80, v36;
	[tilespmem:s29+$0xFFFFF600] =	vst v4  }
0x207: {  	v5 =	vand.u32 $0x7F, v36;
	v4 =	vadd.s32 v1, v37;
	v3 =	vld.idx.msk [tilespmem:v3+s13+$0x0], $0xffff  }
0x208: {  	v4 =	vor.u32 v5, v4;
	_ =	sdelay $0x2  }
0x209: {  	v38 =	vadd.s32 $0x2E, v2  }
0x20a: {  	[tilespmem:s29+$0xFFFFF680] =	vst v3;
	v3 =	vand.u32 $0xFFFFFF80, v38  }
0x20b: {  	v5 =	vand.u32 $0x7F, v38;
	v4 =	vld.idx.msk [tilespmem:v4+s13+$0x0], $0xffff;
	v3 =	vadd.s32 v1, v3  }
0x20c: {  	v3 =	vor.u32 v5, v3;
	_ =	sdelay $0x2  }
0x20d: {  	v39 =	vadd.s32 $0x2F, v2  }
0x20e: {  	v40 =	vand.u32 $0xFFFFFF80, v39;
	[tilespmem:s29+$0xFFFFF700] =	vst v4  }
0x20f: {  	v5 =	vand.u32 $0x7F, v39;
	v4 =	vadd.s32 v1, v40;
	v3 =	vld.idx.msk [tilespmem:v3+s13+$0x0], $0xffff  }
0x210: {  	v4 =	vor.u32 v5, v4;
	_ =	sdelay $0x2  }
0x211: {  	v41 =	vadd.s32 $0x30, v2  }
0x212: {  	[tilespmem:s29+$0xFFFFF780] =	vst v3;
	v3 =	vand.u32 $0xFFFFFF80, v41  }
0x213: {  	v5 =	vand.u32 $0x7F, v41;
	v4 =	vld.idx.msk [tilespmem:v4+s13+$0x0], $0xffff;
	v3 =	vadd.s32 v1, v3  }
0x214: {  	v3 =	vor.u32 v5, v3;
	_ =	sdelay $0x2  }
0x215: {  	v42 =	vadd.s32 $0x31, v2  }
0x216: {  	v43 =	vand.u32 $0xFFFFFF80, v42;
	[tilespmem:s29+$0xFFFFF800] =	vst v4  }
0x217: {  	v5 =	vand.u32 $0x7F, v42;
	v4 =	vadd.s32 v1, v43;
	v3 =	vld.idx.msk [tilespmem:v3+s13+$0x0], $0xffff  }
0x218: {  	v4 =	vor.u32 v5, v4;
	_ =	sdelay $0x2  }
0x219: {  	v44 =	vadd.s32 $0x32, v2  }
0x21a: {  	[tilespmem:s29+$0xFFFFF880] =	vst v3;
	v3 =	vand.u32 $0xFFFFFF80, v44  }
0x21b: {  	v5 =	vand.u32 $0x7F, v44;
	v4 =	vld.idx.msk [tilespmem:v4+s13+$0x0], $0xffff;
	v3 =	vadd.s32 v1, v3  }
0x21c: {  	v3 =	vor.u32 v5, v3;
	_ =	sdelay $0x2  }
0x21d: {  	v45 =	vadd.s32 $0x33, v2  }
0x21e: {  	v46 =	vand.u32 $0xFFFFFF80, v45;
	[tilespmem:s29+$0xFFFFF900] =	vst v4  }
0x21f: {  	v5 =	vand.u32 $0x7F, v45;
	v4 =	vadd.s32 v1, v46;
	v3 =	vld.idx.msk [tilespmem:v3+s13+$0x0], $0xffff  }
0x220: {  	v4 =	vor.u32 v5, v4;
	_ =	sdelay $0x2  }
0x221: {  	v47 =	vadd.s32 $0x34, v2  }
0x222: {  	[tilespmem:s29+$0xFFFFF980] =	vst v3;
	v3 =	vand.u32 $0xFFFFFF80, v47  }
0x223: {  	v5 =	vand.u32 $0x7F, v47;
	v4 =	vld.idx.msk [tilespmem:v4+s13+$0x0], $0xffff;
	v3 =	vadd.s32 v1, v3  }
0x224: {  	v3 =	vor.u32 v5, v3;
	_ =	sdelay $0x2  }
0x225: {  	v48 =	vadd.s32 $0x35, v2  }
0x226: {  	v49 =	vand.u32 $0xFFFFFF80, v48;
	[tilespmem:s29+$0xFFFFFA00] =	vst v4  }
0x227: {  	v5 =	vand.u32 $0x7F, v48;
	v4 =	vadd.s32 v1, v49;
	v3 =	vld.idx.msk [tilespmem:v3+s13+$0x0], $0xffff  }
0x228: {  	v4 =	vor.u32 v5, v4;
	_ =	sdelay $0x2  }
0x229: {  	v50 =	vadd.s32 $0x36, v2  }
0x22a: {  	[tilespmem:s29+$0xFFFFFA80] =	vst v3;
	v3 =	vand.u32 $0xFFFFFF80, v50  }
0x22b: {  	v5 =	vand.u32 $0x7F, v50;
	v4 =	vld.idx.msk [tilespmem:v4+s13+$0x0], $0xffff;
	v3 =	vadd.s32 v1, v3  }
0x22c: {  	v3 =	vor.u32 v5, v3;
	_ =	sdelay $0x2  }
0x22d: {  	v51 =	vadd.s32 $0x37, v2  }
0x22e: {  	v52 =	vand.u32 $0xFFFFFF80, v51;
	[tilespmem:s29+$0xFFFFFB00] =	vst v4  }
0x22f: {  	v5 =	vand.u32 $0x7F, v51;
	v4 =	vadd.s32 v1, v52;
	v3 =	vld.idx.msk [tilespmem:v3+s13+$0x0], $0xffff  }
0x230: {  	v4 =	vor.u32 v5, v4;
	_ =	sdelay $0x2  }
0x231: {  	v53 =	vadd.s32 $0x38, v2  }
0x232: {  	[tilespmem:s29+$0xFFFFFB80] =	vst v3;
	v3 =	vand.u32 $0xFFFFFF80, v53  }
0x233: {  	v5 =	vand.u32 $0x7F, v53;
	v4 =	vld.idx.msk [tilespmem:v4+s13+$0x0], $0xffff;
	v3 =	vadd.s32 v1, v3  }
0x234: {  	v3 =	vor.u32 v5, v3;
	_ =	sdelay $0x2  }
0x235: {  	v54 =	vadd.s32 $0x39, v2  }
0x236: {  	v55 =	vand.u32 $0xFFFFFF80, v54;
	[tilespmem:s29+$0xFFFFFC00] =	vst v4  }
0x237: {  	v5 =	vand.u32 $0x7F, v54;
	v4 =	vadd.s32 v1, v55;
	v3 =	vld.idx.msk [tilespmem:v3+s13+$0x0], $0xffff  }
0x238: {  	v4 =	vor.u32 v5, v4;
	_ =	sdelay $0x2  }
0x239: {  	v56 =	vadd.s32 $0x3A, v2  }
0x23a: {  	[tilespmem:s29+$0xFFFFFC80] =	vst v3;
	v3 =	vand.u32 $0xFFFFFF80, v56  }
0x23b: {  	v5 =	vand.u32 $0x7F, v56;
	v4 =	vld.idx.msk [tilespmem:v4+s13+$0x0], $0xffff;
	v3 =	vadd.s32 v1, v3  }
0x23c: {  	v3 =	vor.u32 v5, v3;
	_ =	sdelay $0x2  }
0x23d: {  	v57 =	vadd.s32 $0x3B, v2  }
0x23e: {  	v58 =	vand.u32 $0xFFFFFF80, v57;
	[tilespmem:s29+$0xFFFFFD00] =	vst v4  }
0x23f: {  	v5 =	vand.u32 $0x7F, v57;
	v4 =	vadd.s32 v1, v58;
	v3 =	vld.idx.msk [tilespmem:v3+s13+$0x0], $0xffff  }
0x240: {  	v4 =	vor.u32 v5, v4;
	_ =	sdelay $0x2  }
0x241: {  	v59 =	vadd.s32 $0x3C, v2  }
0x242: {  	[tilespmem:s29+$0xFFFFFD80] =	vst v3;
	v3 =	vand.u32 $0xFFFFFF80, v59  }
0x243: {  	v5 =	vand.u32 $0x7F, v59;
	v4 =	vld.idx.msk [tilespmem:v4+s13+$0x0], $0xffff;
	v3 =	vadd.s32 v1, v3  }
0x244: {  	v3 =	vor.u32 v5, v3;
	_ =	sdelay $0x2  }
0x245: {  	v60 =	vadd.s32 $0x3D, v2  }
0x246: {  	v61 =	vand.u32 $0xFFFFFF80, v60;
	[tilespmem:s29+$0xFFFFFE00] =	vst v4  }
0x247: {  	v5 =	vand.u32 $0x7F, v60;
	v4 =	vadd.s32 v1, v61;
	v3 =	vld.idx.msk [tilespmem:v3+s13+$0x0], $0xffff  }
0x248: {  	v4 =	vor.u32 v5, v4;
	_ =	sdelay $0x2  }
0x249: {  	v62 =	vadd.s32 $0x3E, v2  }
0x24a: {  	[tilespmem:s29+$0xFFFFFE80] =	vst v3;
	v3 =	vand.u32 $0xFFFFFF80, v62  }
0x24b: {  	v5 =	vand.u32 $0x7F, v62;
	v4 =	vld.idx.msk [tilespmem:v4+s13+$0x0], $0xffff;
	v3 =	vadd.s32 v1, v3  }
0x24c: {  	v3 =	vor.u32 v5, v3;
	_ =	sdelay $0x2  }
0x24d: {  	v2 =	vadd.s32 $0x3F, v2  }
0x24e: {  	v63 =	vand.u32 $0xFFFFFF80, v2;
	[tilespmem:s29+$0xFFFFFF00] =	vst v4  }
0x24f: {  	v2 =	vand.u32 $0x7F, v2;
	v1 =	vadd.s32 v1, v63;
	v3 =	vld.idx.msk [tilespmem:v3+s13+$0x0], $0xffff  }
0x250: {  	v1 =	vor.u32 v2, v1;
	_ =	sdelay $0x3  }
0x251: {  	[tilespmem:s29+$0xFFFFFF80] =	vst v3  }
0x252: {  	p0 =	sne.s32 s28, $0x70;
	v1 =	vld.idx.msk [tilespmem:v1+s13+$0x0], $0xffff  }
.Ltmp3:
0x253: {  	_ = 	snop;
	(pc) =	sbr.rel @p0 .LBB2_9-.Ltmp3, $2  }
0x254: {  	_ =	sdelay $0x2  }
0x255: {  	s30 =	sadd.s32 $0x10, s30;
	s28 =	sadd.s32 $0x10, s28;
	[tilespmem:s29+$0x0] =	vst v1;
	s29 =	sadd.s32 $0x10, s29  }
0x256: {  	s25 =	sadd.s32 @!p1 $0x380, s25  }
0x257: {  	s28 =	simm.s32 @!p1 $0x80;
	s29 =	simm.s32 @!p1 $0x10A00;
	s21 =	sadd.s32 $0x1, s21  }
0x258: {  	[tilespmem:s29], [sflag:$0x2] =	stream.indirect.gather @!p1 [hbm4b:s3+s28], $0x80, s25, s28, $0xb8;
	[tilespmem:$0x18A00] =	vst v63  }
0x259: {  	p0 =	sne.s32 s21, $0x64  }
.Ltmp4:
0x25a: {  	s24 =	sshll.u32 s24, $0x7;
	(pc) =	sbr.rel @p0 .LBB2_6-.Ltmp4, $4  }
0x25b: {  	s24 =	sand.u32 $0x180, s24  }
0x25c: {  	s24 =	sor.u32 s24, s26  }
0x25d: {  	s22 =	sadd.s32 $0x100, s22;
	s23 =	sadd.s32 $0x100, s23;
	s24 =	sadd.s32 s24, s5  }
0x25e: {  	[hbm4b:s24+s8] =	stream.strided.scatter [tilespmem:s18], [sflag:$0x4], $0x2000, s15, s8, $0x38;
	[tilespmem:$0x18A00] =	vst v63  }
0x25f: {  	s2 =	sadd.s32 $0x1, s2  }
0x260: {  	_ =	swait.ge [sflag:s19], $0x2000;
	p0 =	sne.s32 s2, s6  }
.Ltmp5:
0x261: {  	[sflag:s19] =	ssyncset.done $0x0;
	(pc) =	sbr.rel @p0 .LBB2_1-.Ltmp5, $4  }
0x262: {  	[sflag:s19] =	ssyncadd.s32 $0xFFFFE000  }
0x263: {  	_ =	swait.ge [sflag:s20], $0x2000  }
0x264: {  	[sflag:s20] =	ssyncset.done $0x0  }
0x265: {  	[sflag:s20] =	ssyncadd.s32 $0xFFFFE000  }
0x266: {  	_ =	sfence.sel $0x180000  }
0x267: {  	[bflag:$0x0] =	sbarrier.arrive $0xFFFF  }
0x268: {  	p0 =	sne.s32 s1, $0x0;
	_ =	strace $0x90000047  }
0x269: {  	s0 =	sadd.s32 @!p0 $0x100000, s0;
	[bflag:$0x2] =	sbarrier.arrive $0xFFFF  }
0x26a: {  	[sflag:s0] =	ssyncadd.tile.s32 @!p0 $0x1;
	_ =	shalt  }
.Lfunc_end2:
_tile_overlayer_lowered:
.L_overlay_start_2:
0x26b: {  	(tag) =	ssettag $0x2  }
0x26c: {  	s0 =	rddreg [dreg:$0x0];
	s2 =	stileid.u32  }
0x26d: {  	s1 =	rddreg [dreg:$0x1];
	p0 =	sne.s32 s2, $0x0  }
0x26e: {  	s3 =	rddreg [dreg:$0x2];
	[bflag:$0x3] =	sbarrier.arrive $0xFFFF;
	s2 =	simm.s32 @!p0 $0x1C05  }
0x26f: {  	[timem:s3], [sflag:s2] =	dma.local @!p0 [hbm:s0], s1  }
0x270: {  	s0 =	simm.s32 @!p0 $0x5  }
0x271: {  	_ =	swait.ge @!p0 [sflag:s0], s1  }
0x272: {  	s1 =	ssub.s32 @!p0 $0x0, s1;
	[sflag:s0] =	ssyncset.done @!p0 $0x0  }
0x273: {  	[sflag:s0] =	ssyncadd.s32 @!p0 s1  }
0x274: {  	[bflag:$0x3] =	sbarrier.arrive $0xFFFF  }
0x275: {  	_ =	shalt  }

</sc_bundles>
